<compile_context>
chip_gen: v7x
topology: tpu7x:2x2x1
jax: 0.10.2.dev20260603
libtpu: 0.0.44.dev20260713+nightly
codegen_flags: <defaults>
</compile_context>

<pallas_src>
import functools

import jax
import jax.numpy as jnp
from jax import lax
from jax.experimental import pallas as pl
from jax.experimental.pallas import tpu as pltpu
from jax.experimental.pallas import tpu_sc as plsc

B = 16384
POS_DIM = 42
SIDE_DIM = 22
TOTAL = 64
N_SIDE = 100
NC = 2
NS = 16
NW = NC * NS
BPW = B // NW
CH = 16
NCHUNK = BPW // CH
SPAD = 128


@jax.jit
def _sc_embed(item_idx, side_idx, pos_table, side_pad):
    mesh = plsc.VectorSubcoreMesh(core_axis_name="c", subcore_axis_name="s")

    @functools.partial(
        pl.kernel,
        out_type=jax.ShapeDtypeStruct((B, TOTAL), jnp.float32),
        mesh=mesh,
        compiler_params=pltpu.CompilerParams(use_tc_tiling_on_sc=True),
        scratch_types=[
            pltpu.VMEM((BPW,), jnp.int32),
            pltpu.VMEM((BPW,), jnp.int32),
            pltpu.VMEM((SPAD, SPAD), jnp.float32),
            pltpu.VMEM((CH, POS_DIM), jnp.float32),
            pltpu.VMEM((CH, POS_DIM), jnp.float32),
            pltpu.VMEM((BPW, TOTAL), jnp.float32),
            pltpu.SemaphoreType.DMA,
            pltpu.SemaphoreType.DMA,
        ],
    )
    def k(item_hbm, side_hbm, pos_hbm, sidet_hbm, out_hbm,
          iidx, sidx, side_v, pvA, pvB, comb, semA, semB):
        wid = lax.axis_index("s") * NC + lax.axis_index("c")
        base = wid * BPW
        pltpu.sync_copy(item_hbm.at[pl.ds(base, BPW)], iidx)
        pltpu.sync_copy(side_hbm.at[pl.ds(base, BPW)], sidx)
        pltpu.sync_copy(sidet_hbm, side_v)

        bufs = (pvA, pvB)
        sems = (semA, semB)

        def fire(c, buf, sem):
            ivec = iidx[pl.ds(c * CH, CH)]
            for u in range(CH):
                pltpu.async_copy(
                    pos_hbm.at[pl.ds(ivec[u], 1)], buf.at[pl.ds(u, 1)], sem)

        def drain(buf, sem):
            pltpu.make_async_copy(pos_hbm.at[pl.ds(0, CH)], buf, sem).wait()

        def assemble(c, buf):
            kbase = c * CH
            svec = sidx[pl.ds(kbase, CH)]
            for u in range(CH):
                kk = kbase + u
                s = svec[u]
                comb[kk, pl.ds(0, 16)] = buf[u, pl.ds(0, 16)]
                comb[kk, pl.ds(16, 16)] = buf[u, pl.ds(16, 16)]
                comb[kk, pl.ds(26, 16)] = buf[u, pl.ds(26, 16)]
                comb[kk, pl.ds(POS_DIM, 16)] = side_v[s, pl.ds(0, 16)]
                comb[kk, pl.ds(POS_DIM + 6, 16)] = side_v[s, pl.ds(6, 16)]

        fire(0, pvA, semA)
        fire(1, pvB, semB)

        def body(j, _):
            for p in range(2):
                c = j * 2 + p
                drain(bufs[p], sems[p])
                assemble(c, bufs[p])

                @pl.when(c + 2 < NCHUNK)
                def _():
                    fire(c + 2, bufs[p], sems[p])
            return ()

        lax.fori_loop(0, NCHUNK // 2, body, ())
        pltpu.sync_copy(comb, out_hbm.at[pl.ds(base, BPW)])

    return k(item_idx, side_idx, pos_table, side_pad)


def kernel(item_idx, side_idx, pos_table, side_table):
    side_pad = jnp.zeros((SPAD, SPAD), jnp.float32)
    side_pad = lax.dynamic_update_slice(side_pad, side_table, (0, 0))
    return _sc_embed(item_idx, side_idx, pos_table, side_pad)

# --- scband reference (transcript-rebuilt; emitter-appended) ---
"""Pipeline reference for scband-item-embeddings-31550829756890 (READ-ONLY COPY).

The authoritative reference and input builder live on the scoring server;
editing this copy changes nothing except your own understanding.
"""

import jax, jax.numpy as jnp
import numpy as np

N_ITEM = 1000000
EMBED_SIZE = 128
N_SIDE = 100
TOTAL = EMBED_SIZE // 2            # 64
POS_DIM = int(TOTAL / 1.5)         # 42
SIDE_DIM = TOTAL - POS_DIM         # 22
BATCH = 16384


def setup_inputs(seed: int = 0) -> dict:
    key = jax.random.key(seed)
    k1, k2, k3, k4 = jax.random.split(key, 4)
    item_idx = jax.random.randint(k1, (BATCH,), 0, N_ITEM, dtype=jnp.int32)
    side_idx = jax.random.randint(k2, (BATCH,), 0, N_SIDE, dtype=jnp.int32)
    # learned parameters: two embedding tables (as in nn.Embedding)
    pos_table = jax.random.normal(k3, (N_ITEM, POS_DIM), dtype=jnp.float32)
    side_table = jax.random.normal(k4, (N_SIDE, SIDE_DIM), dtype=jnp.float32)
    return {"item_idx": item_idx, "side_idx": side_idx,
            "pos_table": pos_table, "side_table": side_table}


def reference(item_idx, side_idx, pos_table, side_table):
    # Faithful translation of ItemEmbeddings.positional_embeddings():
    #   one_hot  = emb_layer(item)         -> gather from pos_table
    #   dim_info = emb_layer_side(side)    -> gather from side_table
    #   pos[item] = concat([one_hot, dim_info])
    one_hot = jnp.take(pos_table, item_idx, axis=0)     # [B, POS_DIM]
    dim_info = jnp.take(side_table, side_idx, axis=0)   # [B, SIDE_DIM]
    out = jnp.concatenate([one_hot, dim_info], axis=-1) # [B, TOTAL]
    return out

if __name__ == "__main__":
    import jax
    _d = setup_inputs()
    print(jax.jit(kernel)(*tuple(_d.values())))

</pallas_src>

<mosaic_0001>
#map = affine_map<(d0, d1) -> (0)>
#map1 = affine_map<(d0, d1) -> (0, 0)>
module attributes {stable_mosaic.version = 14 : i64} {
  func.func @k(%arg0: i32, %arg1: i32, %arg2: memref<16384xi32, #tpu.memory_space<hbm>>, %arg3: memref<16384xi32, #tpu.memory_space<hbm>>, %arg4: memref<1000000x42xf32, #tpu.memory_space<hbm>>, %arg5: memref<128x128xf32, #tpu.memory_space<hbm>>, %arg6: memref<16384x64xf32, #tpu.memory_space<hbm>>, %arg7: memref<512xi32, #tpu.memory_space<vmem>>, %arg8: memref<512xi32, #tpu.memory_space<vmem>>, %arg9: memref<128x128xf32, #tpu.memory_space<vmem>>, %arg10: memref<16x42xf32, #tpu.memory_space<vmem>>, %arg11: memref<16x42xf32, #tpu.memory_space<vmem>>, %arg12: memref<512x64xf32, #tpu.memory_space<vmem>>, %arg13: memref<!tpu.dma_semaphore, #tpu.memory_space<semaphore_mem>>, %arg14: memref<!tpu.dma_semaphore, #tpu.memory_space<semaphore_mem>>) attributes {dimension_semantics = [#tpu.dimension_semantics<core_parallel>, #tpu.dimension_semantics<subcore_parallel>], iteration_bounds = array<i64: 2, 16>, scalar_prefetch = 0 : i64, scratch_operands = 8 : i64, tpu.core_type = #tpu.core_type<sc_vector_subcore>, window_params = [{transform_indices = #map}, {transform_indices = #map}, {transform_indices = #map1}, {transform_indices = #map1}, {transform_indices = #map1}]} {
    %mul3A = arith.constant 2 : i32
    %mul3A_0 = arith.muli %arg1, %mul3A : i32
    %add3A = arith.addi %mul3A_0, %arg0 : i32
    %mul3A_1 = arith.constant 512 : i32
    %mul3A_2 = arith.muli %add3A, %mul3A_1 : i32
    "tpu.region"() ({
      %run_scoped3A = tpu.sem_alloc : memref<!tpu.dma_semaphore, #tpu.memory_space<semaphore_mem>>
      %dma_start3A_393 = tpu.memref_slice %arg2[%mul3A_2] : memref<16384xi32, #tpu.memory_space<hbm>> -> memref<512xi32, #tpu.memory_space<hbm>>
      %dma_start3A_394 = tpu.memref_slice %arg2[%mul3A_2] : memref<16384xi32, #tpu.memory_space<hbm>> -> memref<512xi32, #tpu.memory_space<hbm>>
      tpu.enqueue_dma source(%dma_start3A_394 : memref<512xi32, #tpu.memory_space<hbm>>) target(%arg7 : memref<512xi32, #tpu.memory_space<vmem>>) target_semaphore(%run_scoped3A : memref<!tpu.dma_semaphore, #tpu.memory_space<semaphore_mem>>)
      %dma_wait3A = tpu.memref_slice %arg2[%mul3A_2] : memref<16384xi32, #tpu.memory_space<hbm>> -> memref<512xi32, #tpu.memory_space<hbm>>
      %dma_wait3A_395 = tpu.memref_slice %arg2[%mul3A_2] : memref<16384xi32, #tpu.memory_space<hbm>> -> memref<512xi32, #tpu.memory_space<hbm>>
      tpu.wait_dma2 semaphore(%run_scoped3A : memref<!tpu.dma_semaphore, #tpu.memory_space<semaphore_mem>>) src(%dma_wait3A_395 : memref<512xi32, #tpu.memory_space<hbm>>) dst(%arg7 : memref<512xi32, #tpu.memory_space<vmem>>)
      tpu.yield
    }) : () -> ()
    "tpu.region"() ({
      %run_scoped3A = tpu.sem_alloc : memref<!tpu.dma_semaphore, #tpu.memory_space<semaphore_mem>>
      %dma_start3A_393 = tpu.memref_slice %arg3[%mul3A_2] : memref<16384xi32, #tpu.memory_space<hbm>> -> memref<512xi32, #tpu.memory_space<hbm>>
      %dma_start3A_394 = tpu.memref_slice %arg3[%mul3A_2] : memref<16384xi32, #tpu.memory_space<hbm>> -> memref<512xi32, #tpu.memory_space<hbm>>
      tpu.enqueue_dma source(%dma_start3A_394 : memref<512xi32, #tpu.memory_space<hbm>>) target(%arg8 : memref<512xi32, #tpu.memory_space<vmem>>) target_semaphore(%run_scoped3A : memref<!tpu.dma_semaphore, #tpu.memory_space<semaphore_mem>>)
      %dma_wait3A = tpu.memref_slice %arg3[%mul3A_2] : memref<16384xi32, #tpu.memory_space<hbm>> -> memref<512xi32, #tpu.memory_space<hbm>>
      %dma_wait3A_395 = tpu.memref_slice %arg3[%mul3A_2] : memref<16384xi32, #tpu.memory_space<hbm>> -> memref<512xi32, #tpu.memory_space<hbm>>
      tpu.wait_dma2 semaphore(%run_scoped3A : memref<!tpu.dma_semaphore, #tpu.memory_space<semaphore_mem>>) src(%dma_wait3A_395 : memref<512xi32, #tpu.memory_space<hbm>>) dst(%arg8 : memref<512xi32, #tpu.memory_space<vmem>>)
      tpu.yield
    }) : () -> ()
    "tpu.region"() ({
      %run_scoped3A = tpu.sem_alloc : memref<!tpu.dma_semaphore, #tpu.memory_space<semaphore_mem>>
      tpu.enqueue_dma source(%arg5 : memref<128x128xf32, #tpu.memory_space<hbm>>) target(%arg9 : memref<128x128xf32, #tpu.memory_space<vmem>>) target_semaphore(%run_scoped3A : memref<!tpu.dma_semaphore, #tpu.memory_space<semaphore_mem>>)
      tpu.wait_dma2 semaphore(%run_scoped3A : memref<!tpu.dma_semaphore, #tpu.memory_space<semaphore_mem>>) src(%arg5 : memref<128x128xf32, #tpu.memory_space<hbm>>) dst(%arg9 : memref<128x128xf32, #tpu.memory_space<vmem>>)
      tpu.yield
    }) : () -> ()
    %get3A = arith.constant 0 : index
    %get3A_3 = tpu.vector_load %arg7[%get3A] {strides = array<i32>} : memref<512xi32, #tpu.memory_space<vmem>>, vector<16xi32>,
    %get3A_4 = vector.shape_cast %get3A_3 : vector<16xi32> to vector<16xi32>
    %slice3A = vector.extract_strided_slice %get3A_4 {offsets = [0], sizes = [1], strides = [1]} : vector<16xi32> to vector<1xi32>
    %squeeze3A = vector.extract %slice3A[0] : i32 from vector<1xi32>
    %dma_start3A = arith.constant 0 : i32
    %dma_start3A_5 = arith.constant 0 : i32
    %dma_start3A_6 = tpu.memref_slice %arg10[%dma_start3A, %dma_start3A_5] : memref<16x42xf32, #tpu.memory_space<vmem>> -> memref<1x42xf32, #tpu.memory_space<vmem>>
    %dma_start3A_7 = arith.constant 0 : i32
    %dma_start3A_8 = tpu.memref_slice %arg4[%squeeze3A, %dma_start3A_7] : memref<1000000x42xf32, #tpu.memory_space<hbm>> -> memref<1x42xf32, #tpu.memory_space<hbm>>
    %dma_start3A_9 = arith.constant 0 : i32
    %dma_start3A_10 = arith.constant 0 : i32
    %dma_start3A_11 = tpu.memref_slice %arg10[%dma_start3A_9, %dma_start3A_10] : memref<16x42xf32, #tpu.memory_space<vmem>> -> memref<1x42xf32, #tpu.memory_space<vmem>>
    %dma_start3A_12 = arith.constant 0 : i32
    %dma_start3A_13 = tpu.memref_slice %arg4[%squeeze3A, %dma_start3A_12] : memref<1000000x42xf32, #tpu.memory_space<hbm>> -> memref<1x42xf32, #tpu.memory_space<hbm>>
    tpu.enqueue_dma source(%dma_start3A_13 : memref<1x42xf32, #tpu.memory_space<hbm>>) target(%dma_start3A_11 : memref<1x42xf32, #tpu.memory_space<vmem>>) target_semaphore(%arg13 : memref<!tpu.dma_semaphore, #tpu.memory_space<semaphore_mem>>)
    %slice3A_14 = vector.extract_strided_slice %get3A_4 {offsets = [1], sizes = [1], strides = [1]} : vector<16xi32> to vector<1xi32>
    %squeeze3A_15 = vector.extract %slice3A_14[0] : i32 from vector<1xi32>
    %dma_start3A_16 = arith.constant 1 : i32
    %dma_start3A_17 = arith.constant 0 : i32
    %dma_start3A_18 = tpu.memref_slice %arg10[%dma_start3A_16, %dma_start3A_17] : memref<16x42xf32, #tpu.memory_space<vmem>> -> memref<1x42xf32, #tpu.memory_space<vmem>>
    %dma_start3A_19 = arith.constant 0 : i32
    %dma_start3A_20 = tpu.memref_slice %arg4[%squeeze3A_15, %dma_start3A_19] : memref<1000000x42xf32, #tpu.memory_space<hbm>> -> memref<1x42xf32, #tpu.memory_space<hbm>>
    %dma_start3A_21 = arith.constant 1 : i32
    %dma_start3A_22 = arith.constant 0 : i32
    %dma_start3A_23 = tpu.memref_slice %arg10[%dma_start3A_21, %dma_start3A_22] : memref<16x42xf32, #tpu.memory_space<vmem>> -> memref<1x42xf32, #tpu.memory_space<vmem>>
    %dma_start3A_24 = arith.constant 0 : i32
    %dma_start3A_25 = tpu.memref_slice %arg4[%squeeze3A_15, %dma_start3A_24] : memref<1000000x42xf32, #tpu.memory_space<hbm>> -> memref<1x42xf32, #tpu.memory_space<hbm>>
    tpu.enqueue_dma source(%dma_start3A_25 : memref<1x42xf32, #tpu.memory_space<hbm>>) target(%dma_start3A_23 : memref<1x42xf32, #tpu.memory_space<vmem>>) target_semaphore(%arg13 : memref<!tpu.dma_semaphore, #tpu.memory_space<semaphore_mem>>)
    %slice3A_26 = vector.extract_strided_slice %get3A_4 {offsets = [2], sizes = [1], strides = [1]} : vector<16xi32> to vector<1xi32>
    %squeeze3A_27 = vector.extract %slice3A_26[0] : i32 from vector<1xi32>
    %dma_start3A_28 = arith.constant 2 : i32
    %dma_start3A_29 = arith.constant 0 : i32
    %dma_start3A_30 = tpu.memref_slice %arg10[%dma_start3A_28, %dma_start3A_29] : memref<16x42xf32, #tpu.memory_space<vmem>> -> memref<1x42xf32, #tpu.memory_space<vmem>>
    %dma_start3A_31 = arith.constant 0 : i32
    %dma_start3A_32 = tpu.memref_slice %arg4[%squeeze3A_27, %dma_start3A_31] : memref<1000000x42xf32, #tpu.memory_space<hbm>> -> memref<1x42xf32, #tpu.memory_space<hbm>>
    %dma_start3A_33 = arith.constant 2 : i32
    %dma_start3A_34 = arith.constant 0 : i32
    %dma_start3A_35 = tpu.memref_slice %arg10[%dma_start3A_33, %dma_start3A_34] : memref<16x42xf32, #tpu.memory_space<vmem>> -> memref<1x42xf32, #tpu.memory_space<vmem>>
    %dma_start3A_36 = arith.constant 0 : i32
    %dma_start3A_37 = tpu.memref_slice %arg4[%squeeze3A_27, %dma_start3A_36] : memref<1000000x42xf32, #tpu.memory_space<hbm>> -> memref<1x42xf32, #tpu.memory_space<hbm>>
    tpu.enqueue_dma source(%dma_start3A_37 : memref<1x42xf32, #tpu.memory_space<hbm>>) target(%dma_start3A_35 : memref<1x42xf32, #tpu.memory_space<vmem>>) target_semaphore(%arg13 : memref<!tpu.dma_semaphore, #tpu.memory_space<semaphore_mem>>)
    %slice3A_38 = vector.extract_strided_slice %get3A_4 {offsets = [3], sizes = [1], strides = [1]} : vector<16xi32> to vector<1xi32>
    %squeeze3A_39 = vector.extract %slice3A_38[0] : i32 from vector<1xi32>
    %dma_start3A_40 = arith.constant 3 : i32
    %dma_start3A_41 = arith.constant 0 : i32
    %dma_start3A_42 = tpu.memref_slice %arg10[%dma_start3A_40, %dma_start3A_41] : memref<16x42xf32, #tpu.memory_space<vmem>> -> memref<1x42xf32, #tpu.memory_space<vmem>>
    %dma_start3A_43 = arith.constant 0 : i32
    %dma_start3A_44 = tpu.memref_slice %arg4[%squeeze3A_39, %dma_start3A_43] : memref<1000000x42xf32, #tpu.memory_space<hbm>> -> memref<1x42xf32, #tpu.memory_space<hbm>>
    %dma_start3A_45 = arith.constant 3 : i32
    %dma_start3A_46 = arith.constant 0 : i32
    %dma_start3A_47 = tpu.memref_slice %arg10[%dma_start3A_45, %dma_start3A_46] : memref<16x42xf32, #tpu.memory_space<vmem>> -> memref<1x42xf32, #tpu.memory_space<vmem>>
    %dma_start3A_48 = arith.constant 0 : i32
    %dma_start3A_49 = tpu.memref_slice %arg4[%squeeze3A_39, %dma_start3A_48] : memref<1000000x42xf32, #tpu.memory_space<hbm>> -> memref<1x42xf32, #tpu.memory_space<hbm>>
    tpu.enqueue_dma source(%dma_start3A_49 : memref<1x42xf32, #tpu.memory_space<hbm>>) target(%dma_start3A_47 : memref<1x42xf32, #tpu.memory_space<vmem>>) target_semaphore(%arg13 : memref<!tpu.dma_semaphore, #tpu.memory_space<semaphore_mem>>)
    %slice3A_50 = vector.extract_strided_slice %get3A_4 {offsets = [4], sizes = [1], strides = [1]} : vector<16xi32> to vector<1xi32>
    %squeeze3A_51 = vector.extract %slice3A_50[0] : i32 from vector<1xi32>
    %dma_start3A_52 = arith.constant 4 : i32
    %dma_start3A_53 = arith.constant 0 : i32
    %dma_start3A_54 = tpu.memref_slice %arg10[%dma_start3A_52, %dma_start3A_53] : memref<16x42xf32, #tpu.memory_space<vmem>> -> memref<1x42xf32, #tpu.memory_space<vmem>>
    %dma_start3A_55 = arith.constant 0 : i32
    %dma_start3A_56 = tpu.memref_slice %arg4[%squeeze3A_51, %dma_start3A_55] : memref<1000000x42xf32, #tpu.memory_space<hbm>> -> memref<1x42xf32, #tpu.memory_space<hbm>>
    %dma_start3A_57 = arith.constant 4 : i32
    %dma_start3A_58 = arith.constant 0 : i32
    %dma_start3A_59 = tpu.memref_slice %arg10[%dma_start3A_57, %dma_start3A_58] : memref<16x42xf32, #tpu.memory_space<vmem>> -> memref<1x42xf32, #tpu.memory_space<vmem>>
    %dma_start3A_60 = arith.constant 0 : i32
    %dma_start3A_61 = tpu.memref_slice %arg4[%squeeze3A_51, %dma_start3A_60] : memref<1000000x42xf32, #tpu.memory_space<hbm>> -> memref<1x42xf32, #tpu.memory_space<hbm>>
    tpu.enqueue_dma source(%dma_start3A_61 : memref<1x42xf32, #tpu.memory_space<hbm>>) target(%dma_start3A_59 : memref<1x42xf32, #tpu.memory_space<vmem>>) target_semaphore(%arg13 : memref<!tpu.dma_semaphore, #tpu.memory_space<semaphore_mem>>)
    %slice3A_62 = vector.extract_strided_slice %get3A_4 {offsets = [5], sizes = [1], strides = [1]} : vector<16xi32> to vector<1xi32>
    %squeeze3A_63 = vector.extract %slice3A_62[0] : i32 from vector<1xi32>
    %dma_start3A_64 = arith.constant 5 : i32
    %dma_start3A_65 = arith.constant 0 : i32
    %dma_start3A_66 = tpu.memref_slice %arg10[%dma_start3A_64, %dma_start3A_65] : memref<16x42xf32, #tpu.memory_space<vmem>> -> memref<1x42xf32, #tpu.memory_space<vmem>>
    %dma_start3A_67 = arith.constant 0 : i32
    %dma_start3A_68 = tpu.memref_slice %arg4[%squeeze3A_63, %dma_start3A_67] : memref<1000000x42xf32, #tpu.memory_space<hbm>> -> memref<1x42xf32, #tpu.memory_space<hbm>>
    %dma_start3A_69 = arith.constant 5 : i32
    %dma_start3A_70 = arith.constant 0 : i32
    %dma_start3A_71 = tpu.memref_slice %arg10[%dma_start3A_69, %dma_start3A_70] : memref<16x42xf32, #tpu.memory_space<vmem>> -> memref<1x42xf32, #tpu.memory_space<vmem>>
    %dma_start3A_72 = arith.constant 0 : i32
    %dma_start3A_73 = tpu.memref_slice %arg4[%squeeze3A_63, %dma_start3A_72] : memref<1000000x42xf32, #tpu.memory_space<hbm>> -> memref<1x42xf32, #tpu.memory_space<hbm>>
    tpu.enqueue_dma source(%dma_start3A_73 : memref<1x42xf32, #tpu.memory_space<hbm>>) target(%dma_start3A_71 : memref<1x42xf32, #tpu.memory_space<vmem>>) target_semaphore(%arg13 : memref<!tpu.dma_semaphore, #tpu.memory_space<semaphore_mem>>)
    %slice3A_74 = vector.extract_strided_slice %get3A_4 {offsets = [6], sizes = [1], strides = [1]} : vector<16xi32> to vector<1xi32>
    %squeeze3A_75 = vector.extract %slice3A_74[0] : i32 from vector<1xi32>
    %dma_start3A_76 = arith.constant 6 : i32
    %dma_start3A_77 = arith.constant 0 : i32
    %dma_start3A_78 = tpu.memref_slice %arg10[%dma_start3A_76, %dma_start3A_77] : memref<16x42xf32, #tpu.memory_space<vmem>> -> memref<1x42xf32, #tpu.memory_space<vmem>>
    %dma_start3A_79 = arith.constant 0 : i32
    %dma_start3A_80 = tpu.memref_slice %arg4[%squeeze3A_75, %dma_start3A_79] : memref<1000000x42xf32, #tpu.memory_space<hbm>> -> memref<1x42xf32, #tpu.memory_space<hbm>>
    %dma_start3A_81 = arith.constant 6 : i32
    %dma_start3A_82 = arith.constant 0 : i32
    %dma_start3A_83 = tpu.memref_slice %arg10[%dma_start3A_81, %dma_start3A_82] : memref<16x42xf32, #tpu.memory_space<vmem>> -> memref<1x42xf32, #tpu.memory_space<vmem>>
    %dma_start3A_84 = arith.constant 0 : i32
    %dma_start3A_85 = tpu.memref_slice %arg4[%squeeze3A_75, %dma_start3A_84] : memref<1000000x42xf32, #tpu.memory_space<hbm>> -> memref<1x42xf32, #tpu.memory_space<hbm>>
    tpu.enqueue_dma source(%dma_start3A_85 : memref<1x42xf32, #tpu.memory_space<hbm>>) target(%dma_start3A_83 : memref<1x42xf32, #tpu.memory_space<vmem>>) target_semaphore(%arg13 : memref<!tpu.dma_semaphore, #tpu.memory_space<semaphore_mem>>)
    %slice3A_86 = vector.extract_strided_slice %get3A_4 {offsets = [7], sizes = [1], strides = [1]} : vector<16xi32> to vector<1xi32>
    %squeeze3A_87 = vector.extract %slice3A_86[0] : i32 from vector<1xi32>
    %dma_start3A_88 = arith.constant 7 : i32
    %dma_start3A_89 = arith.constant 0 : i32
    %dma_start3A_90 = tpu.memref_slice %arg10[%dma_start3A_88, %dma_start3A_89] : memref<16x42xf32, #tpu.memory_space<vmem>> -> memref<1x42xf32, #tpu.memory_space<vmem>>
    %dma_start3A_91 = arith.constant 0 : i32
    %dma_start3A_92 = tpu.memref_slice %arg4[%squeeze3A_87, %dma_start3A_91] : memref<1000000x42xf32, #tpu.memory_space<hbm>> -> memref<1x42xf32, #tpu.memory_space<hbm>>
    %dma_start3A_93 = arith.constant 7 : i32
    %dma_start3A_94 = arith.constant 0 : i32
    %dma_start3A_95 = tpu.memref_slice %arg10[%dma_start3A_93, %dma_start3A_94] : memref<16x42xf32, #tpu.memory_space<vmem>> -> memref<1x42xf32, #tpu.memory_space<vmem>>
    %dma_start3A_96 = arith.constant 0 : i32
    %dma_start3A_97 = tpu.memref_slice %arg4[%squeeze3A_87, %dma_start3A_96] : memref<1000000x42xf32, #tpu.memory_space<hbm>> -> memref<1x42xf32, #tpu.memory_space<hbm>>
    tpu.enqueue_dma source(%dma_start3A_97 : memref<1x42xf32, #tpu.memory_space<hbm>>) target(%dma_start3A_95 : memref<1x42xf32, #tpu.memory_space<vmem>>) target_semaphore(%arg13 : memref<!tpu.dma_semaphore, #tpu.memory_space<semaphore_mem>>)
    %slice3A_98 = vector.extract_strided_slice %get3A_4 {offsets = [8], sizes = [1], strides = [1]} : vector<16xi32> to vector<1xi32>
    %squeeze3A_99 = vector.extract %slice3A_98[0] : i32 from vector<1xi32>
    %dma_start3A_100 = arith.constant 8 : i32
    %dma_start3A_101 = arith.constant 0 : i32
    %dma_start3A_102 = tpu.memref_slice %arg10[%dma_start3A_100, %dma_start3A_101] : memref<16x42xf32, #tpu.memory_space<vmem>> -> memref<1x42xf32, #tpu.memory_space<vmem>>
    %dma_start3A_103 = arith.constant 0 : i32
    %dma_start3A_104 = tpu.memref_slice %arg4[%squeeze3A_99, %dma_start3A_103] : memref<1000000x42xf32, #tpu.memory_space<hbm>> -> memref<1x42xf32, #tpu.memory_space<hbm>>
    %dma_start3A_105 = arith.constant 8 : i32
    %dma_start3A_106 = arith.constant 0 : i32
    %dma_start3A_107 = tpu.memref_slice %arg10[%dma_start3A_105, %dma_start3A_106] : memref<16x42xf32, #tpu.memory_space<vmem>> -> memref<1x42xf32, #tpu.memory_space<vmem>>
    %dma_start3A_108 = arith.constant 0 : i32
    %dma_start3A_109 = tpu.memref_slice %arg4[%squeeze3A_99, %dma_start3A_108] : memref<1000000x42xf32, #tpu.memory_space<hbm>> -> memref<1x42xf32, #tpu.memory_space<hbm>>
    tpu.enqueue_dma source(%dma_start3A_109 : memref<1x42xf32, #tpu.memory_space<hbm>>) target(%dma_start3A_107 : memref<1x42xf32, #tpu.memory_space<vmem>>) target_semaphore(%arg13 : memref<!tpu.dma_semaphore, #tpu.memory_space<semaphore_mem>>)
    %slice3A_110 = vector.extract_strided_slice %get3A_4 {offsets = [9], sizes = [1], strides = [1]} : vector<16xi32> to vector<1xi32>
    %squeeze3A_111 = vector.extract %slice3A_110[0] : i32 from vector<1xi32>
    %dma_start3A_112 = arith.constant 9 : i32
    %dma_start3A_113 = arith.constant 0 : i32
    %dma_start3A_114 = tpu.memref_slice %arg10[%dma_start3A_112, %dma_start3A_113] : memref<16x42xf32, #tpu.memory_space<vmem>> -> memref<1x42xf32, #tpu.memory_space<vmem>>
    %dma_start3A_115 = arith.constant 0 : i32
    %dma_start3A_116 = tpu.memref_slice %arg4[%squeeze3A_111, %dma_start3A_115] : memref<1000000x42xf32, #tpu.memory_space<hbm>> -> memref<1x42xf32, #tpu.memory_space<hbm>>
    %dma_start3A_117 = arith.constant 9 : i32
    %dma_start3A_118 = arith.constant 0 : i32
    %dma_start3A_119 = tpu.memref_slice %arg10[%dma_start3A_117, %dma_start3A_118] : memref<16x42xf32, #tpu.memory_space<vmem>> -> memref<1x42xf32, #tpu.memory_space<vmem>>
    %dma_start3A_120 = arith.constant 0 : i32
    %dma_start3A_121 = tpu.memref_slice %arg4[%squeeze3A_111, %dma_start3A_120] : memref<1000000x42xf32, #tpu.memory_space<hbm>> -> memref<1x42xf32, #tpu.memory_space<hbm>>
    tpu.enqueue_dma source(%dma_start3A_121 : memref<1x42xf32, #tpu.memory_space<hbm>>) target(%dma_start3A_119 : memref<1x42xf32, #tpu.memory_space<vmem>>) target_semaphore(%arg13 : memref<!tpu.dma_semaphore, #tpu.memory_space<semaphore_mem>>)
    %slice3A_122 = vector.extract_strided_slice %get3A_4 {offsets = [10], sizes = [1], strides = [1]} : vector<16xi32> to vector<1xi32>
    %squeeze3A_123 = vector.extract %slice3A_122[0] : i32 from vector<1xi32>
    %dma_start3A_124 = arith.constant 10 : i32
    %dma_start3A_125 = arith.constant 0 : i32
    %dma_start3A_126 = tpu.memref_slice %arg10[%dma_start3A_124, %dma_start3A_125] : memref<16x42xf32, #tpu.memory_space<vmem>> -> memref<1x42xf32, #tpu.memory_space<vmem>>
    %dma_start3A_127 = arith.constant 0 : i32
    %dma_start3A_128 = tpu.memref_slice %arg4[%squeeze3A_123, %dma_start3A_127] : memref<1000000x42xf32, #tpu.memory_space<hbm>> -> memref<1x42xf32, #tpu.memory_space<hbm>>
    %dma_start3A_129 = arith.constant 10 : i32
    %dma_start3A_130 = arith.constant 0 : i32
    %dma_start3A_131 = tpu.memref_slice %arg10[%dma_start3A_129, %dma_start3A_130] : memref<16x42xf32, #tpu.memory_space<vmem>> -> memref<1x42xf32, #tpu.memory_space<vmem>>
    %dma_start3A_132 = arith.constant 0 : i32
    %dma_start3A_133 = tpu.memref_slice %arg4[%squeeze3A_123, %dma_start3A_132] : memref<1000000x42xf32, #tpu.memory_space<hbm>> -> memref<1x42xf32, #tpu.memory_space<hbm>>
    tpu.enqueue_dma source(%dma_start3A_133 : memref<1x42xf32, #tpu.memory_space<hbm>>) target(%dma_start3A_131 : memref<1x42xf32, #tpu.memory_space<vmem>>) target_semaphore(%arg13 : memref<!tpu.dma_semaphore, #tpu.memory_space<semaphore_mem>>)
    %slice3A_134 = vector.extract_strided_slice %get3A_4 {offsets = [11], sizes = [1], strides = [1]} : vector<16xi32> to vector<1xi32>
    %squeeze3A_135 = vector.extract %slice3A_134[0] : i32 from vector<1xi32>
    %dma_start3A_136 = arith.constant 11 : i32
    %dma_start3A_137 = arith.constant 0 : i32
    %dma_start3A_138 = tpu.memref_slice %arg10[%dma_start3A_136, %dma_start3A_137] : memref<16x42xf32, #tpu.memory_space<vmem>> -> memref<1x42xf32, #tpu.memory_space<vmem>>
    %dma_start3A_139 = arith.constant 0 : i32
    %dma_start3A_140 = tpu.memref_slice %arg4[%squeeze3A_135, %dma_start3A_139] : memref<1000000x42xf32, #tpu.memory_space<hbm>> -> memref<1x42xf32, #tpu.memory_space<hbm>>
    %dma_start3A_141 = arith.constant 11 : i32
    %dma_start3A_142 = arith.constant 0 : i32
    %dma_start3A_143 = tpu.memref_slice %arg10[%dma_start3A_141, %dma_start3A_142] : memref<16x42xf32, #tpu.memory_space<vmem>> -> memref<1x42xf32, #tpu.memory_space<vmem>>
    %dma_start3A_144 = arith.constant 0 : i32
    %dma_start3A_145 = tpu.memref_slice %arg4[%squeeze3A_135, %dma_start3A_144] : memref<1000000x42xf32, #tpu.memory_space<hbm>> -> memref<1x42xf32, #tpu.memory_space<hbm>>
    tpu.enqueue_dma source(%dma_start3A_145 : memref<1x42xf32, #tpu.memory_space<hbm>>) target(%dma_start3A_143 : memref<1x42xf32, #tpu.memory_space<vmem>>) target_semaphore(%arg13 : memref<!tpu.dma_semaphore, #tpu.memory_space<semaphore_mem>>)
    %slice3A_146 = vector.extract_strided_slice %get3A_4 {offsets = [12], sizes = [1], strides = [1]} : vector<16xi32> to vector<1xi32>
    %squeeze3A_147 = vector.extract %slice3A_146[0] : i32 from vector<1xi32>
    %dma_start3A_148 = arith.constant 12 : i32
    %dma_start3A_149 = arith.constant 0 : i32
    %dma_start3A_150 = tpu.memref_slice %arg10[%dma_start3A_148, %dma_start3A_149] : memref<16x42xf32, #tpu.memory_space<vmem>> -> memref<1x42xf32, #tpu.memory_space<vmem>>
    %dma_start3A_151 = arith.constant 0 : i32
    %dma_start3A_152 = tpu.memref_slice %arg4[%squeeze3A_147, %dma_start3A_151] : memref<1000000x42xf32, #tpu.memory_space<hbm>> -> memref<1x42xf32, #tpu.memory_space<hbm>>
    %dma_start3A_153 = arith.constant 12 : i32
    %dma_start3A_154 = arith.constant 0 : i32
    %dma_start3A_155 = tpu.memref_slice %arg10[%dma_start3A_153, %dma_start3A_154] : memref<16x42xf32, #tpu.memory_space<vmem>> -> memref<1x42xf32, #tpu.memory_space<vmem>>
    %dma_start3A_156 = arith.constant 0 : i32
    %dma_start3A_157 = tpu.memref_slice %arg4[%squeeze3A_147, %dma_start3A_156] : memref<1000000x42xf32, #tpu.memory_space<hbm>> -> memref<1x42xf32, #tpu.memory_space<hbm>>
    tpu.enqueue_dma source(%dma_start3A_157 : memref<1x42xf32, #tpu.memory_space<hbm>>) target(%dma_start3A_155 : memref<1x42xf32, #tpu.memory_space<vmem>>) target_semaphore(%arg13 : memref<!tpu.dma_semaphore, #tpu.memory_space<semaphore_mem>>)
    %slice3A_158 = vector.extract_strided_slice %get3A_4 {offsets = [13], sizes = [1], strides = [1]} : vector<16xi32> to vector<1xi32>
    %squeeze3A_159 = vector.extract %slice3A_158[0] : i32 from vector<1xi32>
    %dma_start3A_160 = arith.constant 13 : i32
    %dma_start3A_161 = arith.constant 0 : i32
    %dma_start3A_162 = tpu.memref_slice %arg10[%dma_start3A_160, %dma_start3A_161] : memref<16x42xf32, #tpu.memory_space<vmem>> -> memref<1x42xf32, #tpu.memory_space<vmem>>
    %dma_start3A_163 = arith.constant 0 : i32
    %dma_start3A_164 = tpu.memref_slice %arg4[%squeeze3A_159, %dma_start3A_163] : memref<1000000x42xf32, #tpu.memory_space<hbm>> -> memref<1x42xf32, #tpu.memory_space<hbm>>
    %dma_start3A_165 = arith.constant 13 : i32
    %dma_start3A_166 = arith.constant 0 : i32
    %dma_start3A_167 = tpu.memref_slice %arg10[%dma_start3A_165, %dma_start3A_166] : memref<16x42xf32, #tpu.memory_space<vmem>> -> memref<1x42xf32, #tpu.memory_space<vmem>>
    %dma_start3A_168 = arith.constant 0 : i32
    %dma_start3A_169 = tpu.memref_slice %arg4[%squeeze3A_159, %dma_start3A_168] : memref<1000000x42xf32, #tpu.memory_space<hbm>> -> memref<1x42xf32, #tpu.memory_space<hbm>>
    tpu.enqueue_dma source(%dma_start3A_169 : memref<1x42xf32, #tpu.memory_space<hbm>>) target(%dma_start3A_167 : memref<1x42xf32, #tpu.memory_space<vmem>>) target_semaphore(%arg13 : memref<!tpu.dma_semaphore, #tpu.memory_space<semaphore_mem>>)
    %slice3A_170 = vector.extract_strided_slice %get3A_4 {offsets = [14], sizes = [1], strides = [1]} : vector<16xi32> to vector<1xi32>
    %squeeze3A_171 = vector.extract %slice3A_170[0] : i32 from vector<1xi32>
    %dma_start3A_172 = arith.constant 14 : i32
    %dma_start3A_173 = arith.constant 0 : i32
    %dma_start3A_174 = tpu.memref_slice %arg10[%dma_start3A_172, %dma_start3A_173] : memref<16x42xf32, #tpu.memory_space<vmem>> -> memref<1x42xf32, #tpu.memory_space<vmem>>
    %dma_start3A_175 = arith.constant 0 : i32
    %dma_start3A_176 = tpu.memref_slice %arg4[%squeeze3A_171, %dma_start3A_175] : memref<1000000x42xf32, #tpu.memory_space<hbm>> -> memref<1x42xf32, #tpu.memory_space<hbm>>
    %dma_start3A_177 = arith.constant 14 : i32
    %dma_start3A_178 = arith.constant 0 : i32
    %dma_start3A_179 = tpu.memref_slice %arg10[%dma_start3A_177, %dma_start3A_178] : memref<16x42xf32, #tpu.memory_space<vmem>> -> memref<1x42xf32, #tpu.memory_space<vmem>>
    %dma_start3A_180 = arith.constant 0 : i32
    %dma_start3A_181 = tpu.memref_slice %arg4[%squeeze3A_171, %dma_start3A_180] : memref<1000000x42xf32, #tpu.memory_space<hbm>> -> memref<1x42xf32, #tpu.memory_space<hbm>>
    tpu.enqueue_dma source(%dma_start3A_181 : memref<1x42xf32, #tpu.memory_space<hbm>>) target(%dma_start3A_179 : memref<1x42xf32, #tpu.memory_space<vmem>>) target_semaphore(%arg13 : memref<!tpu.dma_semaphore, #tpu.memory_space<semaphore_mem>>)
    %slice3A_182 = vector.extract_strided_slice %get3A_4 {offsets = [15], sizes = [1], strides = [1]} : vector<16xi32> to vector<1xi32>
    %squeeze3A_183 = vector.extract %slice3A_182[0] : i32 from vector<1xi32>
    %dma_start3A_184 = arith.constant 15 : i32
    %dma_start3A_185 = arith.constant 0 : i32
    %dma_start3A_186 = tpu.memref_slice %arg10[%dma_start3A_184, %dma_start3A_185] : memref<16x42xf32, #tpu.memory_space<vmem>> -> memref<1x42xf32, #tpu.memory_space<vmem>>
    %dma_start3A_187 = arith.constant 0 : i32
    %dma_start3A_188 = tpu.memref_slice %arg4[%squeeze3A_183, %dma_start3A_187] : memref<1000000x42xf32, #tpu.memory_space<hbm>> -> memref<1x42xf32, #tpu.memory_space<hbm>>
    %dma_start3A_189 = arith.constant 15 : i32
    %dma_start3A_190 = arith.constant 0 : i32
    %dma_start3A_191 = tpu.memref_slice %arg10[%dma_start3A_189, %dma_start3A_190] : memref<16x42xf32, #tpu.memory_space<vmem>> -> memref<1x42xf32, #tpu.memory_space<vmem>>
    %dma_start3A_192 = arith.constant 0 : i32
    %dma_start3A_193 = tpu.memref_slice %arg4[%squeeze3A_183, %dma_start3A_192] : memref<1000000x42xf32, #tpu.memory_space<hbm>> -> memref<1x42xf32, #tpu.memory_space<hbm>>
    tpu.enqueue_dma source(%dma_start3A_193 : memref<1x42xf32, #tpu.memory_space<hbm>>) target(%dma_start3A_191 : memref<1x42xf32, #tpu.memory_space<vmem>>) target_semaphore(%arg13 : memref<!tpu.dma_semaphore, #tpu.memory_space<semaphore_mem>>)
    %get3A_194 = arith.constant 16 : index
    %get3A_195 = tpu.vector_load %arg7[%get3A_194] {strides = array<i32>} : memref<512xi32, #tpu.memory_space<vmem>>, vector<16xi32>,
    %get3A_196 = vector.shape_cast %get3A_195 : vector<16xi32> to vector<16xi32>
    %slice3A_197 = vector.extract_strided_slice %get3A_196 {offsets = [0], sizes = [1], strides = [1]} : vector<16xi32> to vector<1xi32>
    %squeeze3A_198 = vector.extract %slice3A_197[0] : i32 from vector<1xi32>
    %dma_start3A_199 = arith.constant 0 : i32
    %dma_start3A_200 = arith.constant 0 : i32
    %dma_start3A_201 = tpu.memref_slice %arg11[%dma_start3A_199, %dma_start3A_200] : memref<16x42xf32, #tpu.memory_space<vmem>> -> memref<1x42xf32, #tpu.memory_space<vmem>>
    %dma_start3A_202 = arith.constant 0 : i32
    %dma_start3A_203 = tpu.memref_slice %arg4[%squeeze3A_198, %dma_start3A_202] : memref<1000000x42xf32, #tpu.memory_space<hbm>> -> memref<1x42xf32, #tpu.memory_space<hbm>>
    %dma_start3A_204 = arith.constant 0 : i32
    %dma_start3A_205 = arith.constant 0 : i32
    %dma_start3A_206 = tpu.memref_slice %arg11[%dma_start3A_204, %dma_start3A_205] : memref<16x42xf32, #tpu.memory_space<vmem>> -> memref<1x42xf32, #tpu.memory_space<vmem>>
    %dma_start3A_207 = arith.constant 0 : i32
    %dma_start3A_208 = tpu.memref_slice %arg4[%squeeze3A_198, %dma_start3A_207] : memref<1000000x42xf32, #tpu.memory_space<hbm>> -> memref<1x42xf32, #tpu.memory_space<hbm>>
    tpu.enqueue_dma source(%dma_start3A_208 : memref<1x42xf32, #tpu.memory_space<hbm>>) target(%dma_start3A_206 : memref<1x42xf32, #tpu.memory_space<vmem>>) target_semaphore(%arg14 : memref<!tpu.dma_semaphore, #tpu.memory_space<semaphore_mem>>)
    %slice3A_209 = vector.extract_strided_slice %get3A_196 {offsets = [1], sizes = [1], strides = [1]} : vector<16xi32> to vector<1xi32>
    %squeeze3A_210 = vector.extract %slice3A_209[0] : i32 from vector<1xi32>
    %dma_start3A_211 = arith.constant 1 : i32
    %dma_start3A_212 = arith.constant 0 : i32
    %dma_start3A_213 = tpu.memref_slice %arg11[%dma_start3A_211, %dma_start3A_212] : memref<16x42xf32, #tpu.memory_space<vmem>> -> memref<1x42xf32, #tpu.memory_space<vmem>>
    %dma_start3A_214 = arith.constant 0 : i32
    %dma_start3A_215 = tpu.memref_slice %arg4[%squeeze3A_210, %dma_start3A_214] : memref<1000000x42xf32, #tpu.memory_space<hbm>> -> memref<1x42xf32, #tpu.memory_space<hbm>>
    %dma_start3A_216 = arith.constant 1 : i32
    %dma_start3A_217 = arith.constant 0 : i32
    %dma_start3A_218 = tpu.memref_slice %arg11[%dma_start3A_216, %dma_start3A_217] : memref<16x42xf32, #tpu.memory_space<vmem>> -> memref<1x42xf32, #tpu.memory_space<vmem>>
    %dma_start3A_219 = arith.constant 0 : i32
    %dma_start3A_220 = tpu.memref_slice %arg4[%squeeze3A_210, %dma_start3A_219] : memref<1000000x42xf32, #tpu.memory_space<hbm>> -> memref<1x42xf32, #tpu.memory_space<hbm>>
    tpu.enqueue_dma source(%dma_start3A_220 : memref<1x42xf32, #tpu.memory_space<hbm>>) target(%dma_start3A_218 : memref<1x42xf32, #tpu.memory_space<vmem>>) target_semaphore(%arg14 : memref<!tpu.dma_semaphore, #tpu.memory_space<semaphore_mem>>)
    %slice3A_221 = vector.extract_strided_slice %get3A_196 {offsets = [2], sizes = [1], strides = [1]} : vector<16xi32> to vector<1xi32>
    %squeeze3A_222 = vector.extract %slice3A_221[0] : i32 from vector<1xi32>
    %dma_start3A_223 = arith.constant 2 : i32
    %dma_start3A_224 = arith.constant 0 : i32
    %dma_start3A_225 = tpu.memref_slice %arg11[%dma_start3A_223, %dma_start3A_224] : memref<16x42xf32, #tpu.memory_space<vmem>> -> memref<1x42xf32, #tpu.memory_space<vmem>>
    %dma_start3A_226 = arith.constant 0 : i32
    %dma_start3A_227 = tpu.memref_slice %arg4[%squeeze3A_222, %dma_start3A_226] : memref<1000000x42xf32, #tpu.memory_space<hbm>> -> memref<1x42xf32, #tpu.memory_space<hbm>>
    %dma_start3A_228 = arith.constant 2 : i32
    %dma_start3A_229 = arith.constant 0 : i32
    %dma_start3A_230 = tpu.memref_slice %arg11[%dma_start3A_228, %dma_start3A_229] : memref<16x42xf32, #tpu.memory_space<vmem>> -> memref<1x42xf32, #tpu.memory_space<vmem>>
    %dma_start3A_231 = arith.constant 0 : i32
    %dma_start3A_232 = tpu.memref_slice %arg4[%squeeze3A_222, %dma_start3A_231] : memref<1000000x42xf32, #tpu.memory_space<hbm>> -> memref<1x42xf32, #tpu.memory_space<hbm>>
    tpu.enqueue_dma source(%dma_start3A_232 : memref<1x42xf32, #tpu.memory_space<hbm>>) target(%dma_start3A_230 : memref<1x42xf32, #tpu.memory_space<vmem>>) target_semaphore(%arg14 : memref<!tpu.dma_semaphore, #tpu.memory_space<semaphore_mem>>)
    %slice3A_233 = vector.extract_strided_slice %get3A_196 {offsets = [3], sizes = [1], strides = [1]} : vector<16xi32> to vector<1xi32>
    %squeeze3A_234 = vector.extract %slice3A_233[0] : i32 from vector<1xi32>
    %dma_start3A_235 = arith.constant 3 : i32
    %dma_start3A_236 = arith.constant 0 : i32
    %dma_start3A_237 = tpu.memref_slice %arg11[%dma_start3A_235, %dma_start3A_236] : memref<16x42xf32, #tpu.memory_space<vmem>> -> memref<1x42xf32, #tpu.memory_space<vmem>>
    %dma_start3A_238 = arith.constant 0 : i32
    %dma_start3A_239 = tpu.memref_slice %arg4[%squeeze3A_234, %dma_start3A_238] : memref<1000000x42xf32, #tpu.memory_space<hbm>> -> memref<1x42xf32, #tpu.memory_space<hbm>>
    %dma_start3A_240 = arith.constant 3 : i32
    %dma_start3A_241 = arith.constant 0 : i32
    %dma_start3A_242 = tpu.memref_slice %arg11[%dma_start3A_240, %dma_start3A_241] : memref<16x42xf32, #tpu.memory_space<vmem>> -> memref<1x42xf32, #tpu.memory_space<vmem>>
    %dma_start3A_243 = arith.constant 0 : i32
    %dma_start3A_244 = tpu.memref_slice %arg4[%squeeze3A_234, %dma_start3A_243] : memref<1000000x42xf32, #tpu.memory_space<hbm>> -> memref<1x42xf32, #tpu.memory_space<hbm>>
    tpu.enqueue_dma source(%dma_start3A_244 : memref<1x42xf32, #tpu.memory_space<hbm>>) target(%dma_start3A_242 : memref<1x42xf32, #tpu.memory_space<vmem>>) target_semaphore(%arg14 : memref<!tpu.dma_semaphore, #tpu.memory_space<semaphore_mem>>)
    %slice3A_245 = vector.extract_strided_slice %get3A_196 {offsets = [4], sizes = [1], strides = [1]} : vector<16xi32> to vector<1xi32>
    %squeeze3A_246 = vector.extract %slice3A_245[0] : i32 from vector<1xi32>
    %dma_start3A_247 = arith.constant 4 : i32
    %dma_start3A_248 = arith.constant 0 : i32
    %dma_start3A_249 = tpu.memref_slice %arg11[%dma_start3A_247, %dma_start3A_248] : memref<16x42xf32, #tpu.memory_space<vmem>> -> memref<1x42xf32, #tpu.memory_space<vmem>>
    %dma_start3A_250 = arith.constant 0 : i32
    %dma_start3A_251 = tpu.memref_slice %arg4[%squeeze3A_246, %dma_start3A_250] : memref<1000000x42xf32, #tpu.memory_space<hbm>> -> memref<1x42xf32, #tpu.memory_space<hbm>>
    %dma_start3A_252 = arith.constant 4 : i32
    %dma_start3A_253 = arith.constant 0 : i32
    %dma_start3A_254 = tpu.memref_slice %arg11[%dma_start3A_252, %dma_start3A_253] : memref<16x42xf32, #tpu.memory_space<vmem>> -> memref<1x42xf32, #tpu.memory_space<vmem>>
    %dma_start3A_255 = arith.constant 0 : i32
    %dma_start3A_256 = tpu.memref_slice %arg4[%squeeze3A_246, %dma_start3A_255] : memref<1000000x42xf32, #tpu.memory_space<hbm>> -> memref<1x42xf32, #tpu.memory_space<hbm>>
    tpu.enqueue_dma source(%dma_start3A_256 : memref<1x42xf32, #tpu.memory_space<hbm>>) target(%dma_start3A_254 : memref<1x42xf32, #tpu.memory_space<vmem>>) target_semaphore(%arg14 : memref<!tpu.dma_semaphore, #tpu.memory_space<semaphore_mem>>)
    %slice3A_257 = vector.extract_strided_slice %get3A_196 {offsets = [5], sizes = [1], strides = [1]} : vector<16xi32> to vector<1xi32>
    %squeeze3A_258 = vector.extract %slice3A_257[0] : i32 from vector<1xi32>
    %dma_start3A_259 = arith.constant 5 : i32
    %dma_start3A_260 = arith.constant 0 : i32
    %dma_start3A_261 = tpu.memref_slice %arg11[%dma_start3A_259, %dma_start3A_260] : memref<16x42xf32, #tpu.memory_space<vmem>> -> memref<1x42xf32, #tpu.memory_space<vmem>>
    %dma_start3A_262 = arith.constant 0 : i32
    %dma_start3A_263 = tpu.memref_slice %arg4[%squeeze3A_258, %dma_start3A_262] : memref<1000000x42xf32, #tpu.memory_space<hbm>> -> memref<1x42xf32, #tpu.memory_space<hbm>>
    %dma_start3A_264 = arith.constant 5 : i32
    %dma_start3A_265 = arith.constant 0 : i32
    %dma_start3A_266 = tpu.memref_slice %arg11[%dma_start3A_264, %dma_start3A_265] : memref<16x42xf32, #tpu.memory_space<vmem>> -> memref<1x42xf32, #tpu.memory_space<vmem>>
    %dma_start3A_267 = arith.constant 0 : i32
    %dma_start3A_268 = tpu.memref_slice %arg4[%squeeze3A_258, %dma_start3A_267] : memref<1000000x42xf32, #tpu.memory_space<hbm>> -> memref<1x42xf32, #tpu.memory_space<hbm>>
    tpu.enqueue_dma source(%dma_start3A_268 : memref<1x42xf32, #tpu.memory_space<hbm>>) target(%dma_start3A_266 : memref<1x42xf32, #tpu.memory_space<vmem>>) target_semaphore(%arg14 : memref<!tpu.dma_semaphore, #tpu.memory_space<semaphore_mem>>)
    %slice3A_269 = vector.extract_strided_slice %get3A_196 {offsets = [6], sizes = [1], strides = [1]} : vector<16xi32> to vector<1xi32>
    %squeeze3A_270 = vector.extract %slice3A_269[0] : i32 from vector<1xi32>
    %dma_start3A_271 = arith.constant 6 : i32
    %dma_start3A_272 = arith.constant 0 : i32
    %dma_start3A_273 = tpu.memref_slice %arg11[%dma_start3A_271, %dma_start3A_272] : memref<16x42xf32, #tpu.memory_space<vmem>> -> memref<1x42xf32, #tpu.memory_space<vmem>>
    %dma_start3A_274 = arith.constant 0 : i32
    %dma_start3A_275 = tpu.memref_slice %arg4[%squeeze3A_270, %dma_start3A_274] : memref<1000000x42xf32, #tpu.memory_space<hbm>> -> memref<1x42xf32, #tpu.memory_space<hbm>>
    %dma_start3A_276 = arith.constant 6 : i32
    %dma_start3A_277 = arith.constant 0 : i32
    %dma_start3A_278 = tpu.memref_slice %arg11[%dma_start3A_276, %dma_start3A_277] : memref<16x42xf32, #tpu.memory_space<vmem>> -> memref<1x42xf32, #tpu.memory_space<vmem>>
    %dma_start3A_279 = arith.constant 0 : i32
    %dma_start3A_280 = tpu.memref_slice %arg4[%squeeze3A_270, %dma_start3A_279] : memref<1000000x42xf32, #tpu.memory_space<hbm>> -> memref<1x42xf32, #tpu.memory_space<hbm>>
    tpu.enqueue_dma source(%dma_start3A_280 : memref<1x42xf32, #tpu.memory_space<hbm>>) target(%dma_start3A_278 : memref<1x42xf32, #tpu.memory_space<vmem>>) target_semaphore(%arg14 : memref<!tpu.dma_semaphore, #tpu.memory_space<semaphore_mem>>)
    %slice3A_281 = vector.extract_strided_slice %get3A_196 {offsets = [7], sizes = [1], strides = [1]} : vector<16xi32> to vector<1xi32>
    %squeeze3A_282 = vector.extract %slice3A_281[0] : i32 from vector<1xi32>
    %dma_start3A_283 = arith.constant 7 : i32
    %dma_start3A_284 = arith.constant 0 : i32
    %dma_start3A_285 = tpu.memref_slice %arg11[%dma_start3A_283, %dma_start3A_284] : memref<16x42xf32, #tpu.memory_space<vmem>> -> memref<1x42xf32, #tpu.memory_space<vmem>>
    %dma_start3A_286 = arith.constant 0 : i32
    %dma_start3A_287 = tpu.memref_slice %arg4[%squeeze3A_282, %dma_start3A_286] : memref<1000000x42xf32, #tpu.memory_space<hbm>> -> memref<1x42xf32, #tpu.memory_space<hbm>>
    %dma_start3A_288 = arith.constant 7 : i32
    %dma_start3A_289 = arith.constant 0 : i32
    %dma_start3A_290 = tpu.memref_slice %arg11[%dma_start3A_288, %dma_start3A_289] : memref<16x42xf32, #tpu.memory_space<vmem>> -> memref<1x42xf32, #tpu.memory_space<vmem>>
    %dma_start3A_291 = arith.constant 0 : i32
    %dma_start3A_292 = tpu.memref_slice %arg4[%squeeze3A_282, %dma_start3A_291] : memref<1000000x42xf32, #tpu.memory_space<hbm>> -> memref<1x42xf32, #tpu.memory_space<hbm>>
    tpu.enqueue_dma source(%dma_start3A_292 : memref<1x42xf32, #tpu.memory_space<hbm>>) target(%dma_start3A_290 : memref<1x42xf32, #tpu.memory_space<vmem>>) target_semaphore(%arg14 : memref<!tpu.dma_semaphore, #tpu.memory_space<semaphore_mem>>)
    %slice3A_293 = vector.extract_strided_slice %get3A_196 {offsets = [8], sizes = [1], strides = [1]} : vector<16xi32> to vector<1xi32>
    %squeeze3A_294 = vector.extract %slice3A_293[0] : i32 from vector<1xi32>
    %dma_start3A_295 = arith.constant 8 : i32
    %dma_start3A_296 = arith.constant 0 : i32
    %dma_start3A_297 = tpu.memref_slice %arg11[%dma_start3A_295, %dma_start3A_296] : memref<16x42xf32, #tpu.memory_space<vmem>> -> memref<1x42xf32, #tpu.memory_space<vmem>>
    %dma_start3A_298 = arith.constant 0 : i32
    %dma_start3A_299 = tpu.memref_slice %arg4[%squeeze3A_294, %dma_start3A_298] : memref<1000000x42xf32, #tpu.memory_space<hbm>> -> memref<1x42xf32, #tpu.memory_space<hbm>>
    %dma_start3A_300 = arith.constant 8 : i32
    %dma_start3A_301 = arith.constant 0 : i32
    %dma_start3A_302 = tpu.memref_slice %arg11[%dma_start3A_300, %dma_start3A_301] : memref<16x42xf32, #tpu.memory_space<vmem>> -> memref<1x42xf32, #tpu.memory_space<vmem>>
    %dma_start3A_303 = arith.constant 0 : i32
    %dma_start3A_304 = tpu.memref_slice %arg4[%squeeze3A_294, %dma_start3A_303] : memref<1000000x42xf32, #tpu.memory_space<hbm>> -> memref<1x42xf32, #tpu.memory_space<hbm>>
    tpu.enqueue_dma source(%dma_start3A_304 : memref<1x42xf32, #tpu.memory_space<hbm>>) target(%dma_start3A_302 : memref<1x42xf32, #tpu.memory_space<vmem>>) target_semaphore(%arg14 : memref<!tpu.dma_semaphore, #tpu.memory_space<semaphore_mem>>)
    %slice3A_305 = vector.extract_strided_slice %get3A_196 {offsets = [9], sizes = [1], strides = [1]} : vector<16xi32> to vector<1xi32>
    %squeeze3A_306 = vector.extract %slice3A_305[0] : i32 from vector<1xi32>
    %dma_start3A_307 = arith.constant 9 : i32
    %dma_start3A_308 = arith.constant 0 : i32
    %dma_start3A_309 = tpu.memref_slice %arg11[%dma_start3A_307, %dma_start3A_308] : memref<16x42xf32, #tpu.memory_space<vmem>> -> memref<1x42xf32, #tpu.memory_space<vmem>>
    %dma_start3A_310 = arith.constant 0 : i32
    %dma_start3A_311 = tpu.memref_slice %arg4[%squeeze3A_306, %dma_start3A_310] : memref<1000000x42xf32, #tpu.memory_space<hbm>> -> memref<1x42xf32, #tpu.memory_space<hbm>>
    %dma_start3A_312 = arith.constant 9 : i32
    %dma_start3A_313 = arith.constant 0 : i32
    %dma_start3A_314 = tpu.memref_slice %arg11[%dma_start3A_312, %dma_start3A_313] : memref<16x42xf32, #tpu.memory_space<vmem>> -> memref<1x42xf32, #tpu.memory_space<vmem>>
    %dma_start3A_315 = arith.constant 0 : i32
    %dma_start3A_316 = tpu.memref_slice %arg4[%squeeze3A_306, %dma_start3A_315] : memref<1000000x42xf32, #tpu.memory_space<hbm>> -> memref<1x42xf32, #tpu.memory_space<hbm>>
    tpu.enqueue_dma source(%dma_start3A_316 : memref<1x42xf32, #tpu.memory_space<hbm>>) target(%dma_start3A_314 : memref<1x42xf32, #tpu.memory_space<vmem>>) target_semaphore(%arg14 : memref<!tpu.dma_semaphore, #tpu.memory_space<semaphore_mem>>)
    %slice3A_317 = vector.extract_strided_slice %get3A_196 {offsets = [10], sizes = [1], strides = [1]} : vector<16xi32> to vector<1xi32>
    %squeeze3A_318 = vector.extract %slice3A_317[0] : i32 from vector<1xi32>
    %dma_start3A_319 = arith.constant 10 : i32
    %dma_start3A_320 = arith.constant 0 : i32
    %dma_start3A_321 = tpu.memref_slice %arg11[%dma_start3A_319, %dma_start3A_320] : memref<16x42xf32, #tpu.memory_space<vmem>> -> memref<1x42xf32, #tpu.memory_space<vmem>>
    %dma_start3A_322 = arith.constant 0 : i32
    %dma_start3A_323 = tpu.memref_slice %arg4[%squeeze3A_318, %dma_start3A_322] : memref<1000000x42xf32, #tpu.memory_space<hbm>> -> memref<1x42xf32, #tpu.memory_space<hbm>>
    %dma_start3A_324 = arith.constant 10 : i32
    %dma_start3A_325 = arith.constant 0 : i32
    %dma_start3A_326 = tpu.memref_slice %arg11[%dma_start3A_324, %dma_start3A_325] : memref<16x42xf32, #tpu.memory_space<vmem>> -> memref<1x42xf32, #tpu.memory_space<vmem>>
    %dma_start3A_327 = arith.constant 0 : i32
    %dma_start3A_328 = tpu.memref_slice %arg4[%squeeze3A_318, %dma_start3A_327] : memref<1000000x42xf32, #tpu.memory_space<hbm>> -> memref<1x42xf32, #tpu.memory_space<hbm>>
    tpu.enqueue_dma source(%dma_start3A_328 : memref<1x42xf32, #tpu.memory_space<hbm>>) target(%dma_start3A_326 : memref<1x42xf32, #tpu.memory_space<vmem>>) target_semaphore(%arg14 : memref<!tpu.dma_semaphore, #tpu.memory_space<semaphore_mem>>)
    %slice3A_329 = vector.extract_strided_slice %get3A_196 {offsets = [11], sizes = [1], strides = [1]} : vector<16xi32> to vector<1xi32>
    %squeeze3A_330 = vector.extract %slice3A_329[0] : i32 from vector<1xi32>
    %dma_start3A_331 = arith.constant 11 : i32
    %dma_start3A_332 = arith.constant 0 : i32
    %dma_start3A_333 = tpu.memref_slice %arg11[%dma_start3A_331, %dma_start3A_332] : memref<16x42xf32, #tpu.memory_space<vmem>> -> memref<1x42xf32, #tpu.memory_space<vmem>>
    %dma_start3A_334 = arith.constant 0 : i32
    %dma_start3A_335 = tpu.memref_slice %arg4[%squeeze3A_330, %dma_start3A_334] : memref<1000000x42xf32, #tpu.memory_space<hbm>> -> memref<1x42xf32, #tpu.memory_space<hbm>>
    %dma_start3A_336 = arith.constant 11 : i32
    %dma_start3A_337 = arith.constant 0 : i32
    %dma_start3A_338 = tpu.memref_slice %arg11[%dma_start3A_336, %dma_start3A_337] : memref<16x42xf32, #tpu.memory_space<vmem>> -> memref<1x42xf32, #tpu.memory_space<vmem>>
    %dma_start3A_339 = arith.constant 0 : i32
    %dma_start3A_340 = tpu.memref_slice %arg4[%squeeze3A_330, %dma_start3A_339] : memref<1000000x42xf32, #tpu.memory_space<hbm>> -> memref<1x42xf32, #tpu.memory_space<hbm>>
    tpu.enqueue_dma source(%dma_start3A_340 : memref<1x42xf32, #tpu.memory_space<hbm>>) target(%dma_start3A_338 : memref<1x42xf32, #tpu.memory_space<vmem>>) target_semaphore(%arg14 : memref<!tpu.dma_semaphore, #tpu.memory_space<semaphore_mem>>)
    %slice3A_341 = vector.extract_strided_slice %get3A_196 {offsets = [12], sizes = [1], strides = [1]} : vector<16xi32> to vector<1xi32>
    %squeeze3A_342 = vector.extract %slice3A_341[0] : i32 from vector<1xi32>
    %dma_start3A_343 = arith.constant 12 : i32
    %dma_start3A_344 = arith.constant 0 : i32
    %dma_start3A_345 = tpu.memref_slice %arg11[%dma_start3A_343, %dma_start3A_344] : memref<16x42xf32, #tpu.memory_space<vmem>> -> memref<1x42xf32, #tpu.memory_space<vmem>>
    %dma_start3A_346 = arith.constant 0 : i32
    %dma_start3A_347 = tpu.memref_slice %arg4[%squeeze3A_342, %dma_start3A_346] : memref<1000000x42xf32, #tpu.memory_space<hbm>> -> memref<1x42xf32, #tpu.memory_space<hbm>>
    %dma_start3A_348 = arith.constant 12 : i32
    %dma_start3A_349 = arith.constant 0 : i32
    %dma_start3A_350 = tpu.memref_slice %arg11[%dma_start3A_348, %dma_start3A_349] : memref<16x42xf32, #tpu.memory_space<vmem>> -> memref<1x42xf32, #tpu.memory_space<vmem>>
    %dma_start3A_351 = arith.constant 0 : i32
    %dma_start3A_352 = tpu.memref_slice %arg4[%squeeze3A_342, %dma_start3A_351] : memref<1000000x42xf32, #tpu.memory_space<hbm>> -> memref<1x42xf32, #tpu.memory_space<hbm>>
    tpu.enqueue_dma source(%dma_start3A_352 : memref<1x42xf32, #tpu.memory_space<hbm>>) target(%dma_start3A_350 : memref<1x42xf32, #tpu.memory_space<vmem>>) target_semaphore(%arg14 : memref<!tpu.dma_semaphore, #tpu.memory_space<semaphore_mem>>)
    %slice3A_353 = vector.extract_strided_slice %get3A_196 {offsets = [13], sizes = [1], strides = [1]} : vector<16xi32> to vector<1xi32>
    %squeeze3A_354 = vector.extract %slice3A_353[0] : i32 from vector<1xi32>
    %dma_start3A_355 = arith.constant 13 : i32
    %dma_start3A_356 = arith.constant 0 : i32
    %dma_start3A_357 = tpu.memref_slice %arg11[%dma_start3A_355, %dma_start3A_356] : memref<16x42xf32, #tpu.memory_space<vmem>> -> memref<1x42xf32, #tpu.memory_space<vmem>>
    %dma_start3A_358 = arith.constant 0 : i32
    %dma_start3A_359 = tpu.memref_slice %arg4[%squeeze3A_354, %dma_start3A_358] : memref<1000000x42xf32, #tpu.memory_space<hbm>> -> memref<1x42xf32, #tpu.memory_space<hbm>>
    %dma_start3A_360 = arith.constant 13 : i32
    %dma_start3A_361 = arith.constant 0 : i32
    %dma_start3A_362 = tpu.memref_slice %arg11[%dma_start3A_360, %dma_start3A_361] : memref<16x42xf32, #tpu.memory_space<vmem>> -> memref<1x42xf32, #tpu.memory_space<vmem>>
    %dma_start3A_363 = arith.constant 0 : i32
    %dma_start3A_364 = tpu.memref_slice %arg4[%squeeze3A_354, %dma_start3A_363] : memref<1000000x42xf32, #tpu.memory_space<hbm>> -> memref<1x42xf32, #tpu.memory_space<hbm>>
    tpu.enqueue_dma source(%dma_start3A_364 : memref<1x42xf32, #tpu.memory_space<hbm>>) target(%dma_start3A_362 : memref<1x42xf32, #tpu.memory_space<vmem>>) target_semaphore(%arg14 : memref<!tpu.dma_semaphore, #tpu.memory_space<semaphore_mem>>)
    %slice3A_365 = vector.extract_strided_slice %get3A_196 {offsets = [14], sizes = [1], strides = [1]} : vector<16xi32> to vector<1xi32>
    %squeeze3A_366 = vector.extract %slice3A_365[0] : i32 from vector<1xi32>
    %dma_start3A_367 = arith.constant 14 : i32
    %dma_start3A_368 = arith.constant 0 : i32
    %dma_start3A_369 = tpu.memref_slice %arg11[%dma_start3A_367, %dma_start3A_368] : memref<16x42xf32, #tpu.memory_space<vmem>> -> memref<1x42xf32, #tpu.memory_space<vmem>>
    %dma_start3A_370 = arith.constant 0 : i32
    %dma_start3A_371 = tpu.memref_slice %arg4[%squeeze3A_366, %dma_start3A_370] : memref<1000000x42xf32, #tpu.memory_space<hbm>> -> memref<1x42xf32, #tpu.memory_space<hbm>>
    %dma_start3A_372 = arith.constant 14 : i32
    %dma_start3A_373 = arith.constant 0 : i32
    %dma_start3A_374 = tpu.memref_slice %arg11[%dma_start3A_372, %dma_start3A_373] : memref<16x42xf32, #tpu.memory_space<vmem>> -> memref<1x42xf32, #tpu.memory_space<vmem>>
    %dma_start3A_375 = arith.constant 0 : i32
    %dma_start3A_376 = tpu.memref_slice %arg4[%squeeze3A_366, %dma_start3A_375] : memref<1000000x42xf32, #tpu.memory_space<hbm>> -> memref<1x42xf32, #tpu.memory_space<hbm>>
    tpu.enqueue_dma source(%dma_start3A_376 : memref<1x42xf32, #tpu.memory_space<hbm>>) target(%dma_start3A_374 : memref<1x42xf32, #tpu.memory_space<vmem>>) target_semaphore(%arg14 : memref<!tpu.dma_semaphore, #tpu.memory_space<semaphore_mem>>)
    %slice3A_377 = vector.extract_strided_slice %get3A_196 {offsets = [15], sizes = [1], strides = [1]} : vector<16xi32> to vector<1xi32>
    %squeeze3A_378 = vector.extract %slice3A_377[0] : i32 from vector<1xi32>
    %dma_start3A_379 = arith.constant 15 : i32
    %dma_start3A_380 = arith.constant 0 : i32
    %dma_start3A_381 = tpu.memref_slice %arg11[%dma_start3A_379, %dma_start3A_380] : memref<16x42xf32, #tpu.memory_space<vmem>> -> memref<1x42xf32, #tpu.memory_space<vmem>>
    %dma_start3A_382 = arith.constant 0 : i32
    %dma_start3A_383 = tpu.memref_slice %arg4[%squeeze3A_378, %dma_start3A_382] : memref<1000000x42xf32, #tpu.memory_space<hbm>> -> memref<1x42xf32, #tpu.memory_space<hbm>>
    %dma_start3A_384 = arith.constant 15 : i32
    %dma_start3A_385 = arith.constant 0 : i32
    %dma_start3A_386 = tpu.memref_slice %arg11[%dma_start3A_384, %dma_start3A_385] : memref<16x42xf32, #tpu.memory_space<vmem>> -> memref<1x42xf32, #tpu.memory_space<vmem>>
    %dma_start3A_387 = arith.constant 0 : i32
    %dma_start3A_388 = tpu.memref_slice %arg4[%squeeze3A_378, %dma_start3A_387] : memref<1000000x42xf32, #tpu.memory_space<hbm>> -> memref<1x42xf32, #tpu.memory_space<hbm>>
    tpu.enqueue_dma source(%dma_start3A_388 : memref<1x42xf32, #tpu.memory_space<hbm>>) target(%dma_start3A_386 : memref<1x42xf32, #tpu.memory_space<vmem>>) target_semaphore(%arg14 : memref<!tpu.dma_semaphore, #tpu.memory_space<semaphore_mem>>)
    %scan3A = arith.constant 0 : i32
    %scan3A_389 = arith.constant 16 : i32
    %scan3A_390 = arith.addi %scan3A, %scan3A_389 : i32
    %scan3A_391 = arith.constant 1 : i32
    scf.for %scan3A_393 = %scan3A to %scan3A_390 step %scan3A_391  : i32 {
      %mul3A_394 = arith.constant 2 : i32
      %mul3A_395 = arith.muli %scan3A_393, %mul3A_394 : i32
      %add3A_396 = arith.constant 0 : i32
      %add3A_397 = arith.addi %mul3A_395, %add3A_396 : i32
      %dma_wait3A = arith.constant 0 : i32
      %dma_wait3A_398 = arith.constant 0 : i32
      %dma_wait3A_399 = tpu.memref_slice %arg4[%dma_wait3A, %dma_wait3A_398] : memref<1000000x42xf32, #tpu.memory_space<hbm>> -> memref<16x42xf32, #tpu.memory_space<hbm>>
      %dma_wait3A_400 = arith.constant 0 : i32
      %dma_wait3A_401 = arith.constant 0 : i32
      %dma_wait3A_402 = tpu.memref_slice %arg4[%dma_wait3A_400, %dma_wait3A_401] : memref<1000000x42xf32, #tpu.memory_space<hbm>> -> memref<16x42xf32, #tpu.memory_space<hbm>>
      tpu.wait_dma2 semaphore(%arg13 : memref<!tpu.dma_semaphore, #tpu.memory_space<semaphore_mem>>) src(%dma_wait3A_402 : memref<16x42xf32, #tpu.memory_space<hbm>>) dst(%arg10 : memref<16x42xf32, #tpu.memory_space<vmem>>)
      %mul3A_403 = arith.constant 16 : i32
      %mul3A_404 = arith.muli %add3A_397, %mul3A_403 : i32
      %get3A_405 = arith.index_cast %mul3A_404 : i32 to index
      %get3A_406 = tpu.vector_load %arg8[%get3A_405] {strides = array<i32>} : memref<512xi32, #tpu.memory_space<vmem>>, vector<16xi32>,
      %get3A_407 = vector.shape_cast %get3A_406 : vector<16xi32> to vector<16xi32>
      %add3A_408 = arith.constant 0 : i32
      %add3A_409 = arith.addi %mul3A_404, %add3A_408 : i32
      %slice3A_410 = vector.extract_strided_slice %get3A_407 {offsets = [0], sizes = [1], strides = [1]} : vector<16xi32> to vector<1xi32>
      %squeeze3A_411 = vector.extract %slice3A_410[0] : i32 from vector<1xi32>
      %get3A_412 = arith.constant 0 : i32
      %get3A_413 = arith.index_cast %get3A_412 : i32 to index
      %get3A_414 = arith.constant 0 : index
      %get3A_415 = tpu.vector_load %arg10[%get3A_413, %get3A_414] {strides = array<i32>} : memref<16x42xf32, #tpu.memory_space<vmem>>, vector<1x16xf32>,
      %get3A_416 = vector.shape_cast %get3A_415 : vector<1x16xf32> to vector<16xf32>
      %swap3A = arith.index_cast %add3A_409 : i32 to index
      %swap3A_417 = arith.constant 0 : index
      %swap3A_418 = tpu.vector_load %arg12[%swap3A, %swap3A_417] {strides = array<i32>} : memref<512x64xf32, #tpu.memory_space<vmem>>, vector<1x16xf32>,
      %swap3A_419 = vector.shape_cast %swap3A_418 : vector<1x16xf32> to vector<16xf32>
      %swap3A_420 = vector.shape_cast %get3A_416 : vector<16xf32> to vector<1x16xf32>
      tpu.vector_store %arg12[%swap3A, %swap3A_417], %swap3A_420 {strides = array<i32>} : memref<512x64xf32, #tpu.memory_space<vmem>>, vector<1x16xf32>,
      %get3A_421 = arith.constant 0 : i32
      %get3A_422 = arith.index_cast %get3A_421 : i32 to index
      %get3A_423 = arith.constant 16 : index
      %get3A_424 = tpu.vector_load %arg10[%get3A_422, %get3A_423] {strides = array<i32>} : memref<16x42xf32, #tpu.memory_space<vmem>>, vector<1x16xf32>,
      %get3A_425 = vector.shape_cast %get3A_424 : vector<1x16xf32> to vector<16xf32>
      %swap3A_426 = arith.index_cast %add3A_409 : i32 to index
      %swap3A_427 = arith.constant 16 : index
      %swap3A_428 = tpu.vector_load %arg12[%swap3A_426, %swap3A_427] {strides = array<i32>} : memref<512x64xf32, #tpu.memory_space<vmem>>, vector<1x16xf32>,
      %swap3A_429 = vector.shape_cast %swap3A_428 : vector<1x16xf32> to vector<16xf32>
      %swap3A_430 = vector.shape_cast %get3A_425 : vector<16xf32> to vector<1x16xf32>
      tpu.vector_store %arg12[%swap3A_426, %swap3A_427], %swap3A_430 {strides = array<i32>} : memref<512x64xf32, #tpu.memory_space<vmem>>, vector<1x16xf32>,
      %get3A_431 = arith.constant 0 : i32
      %get3A_432 = arith.index_cast %get3A_431 : i32 to index
      %get3A_433 = arith.constant 26 : index
      %get3A_434 = tpu.vector_load %arg10[%get3A_432, %get3A_433] {strides = array<i32>} : memref<16x42xf32, #tpu.memory_space<vmem>>, vector<1x16xf32>,
      %get3A_435 = vector.shape_cast %get3A_434 : vector<1x16xf32> to vector<16xf32>
      %swap3A_436 = arith.index_cast %add3A_409 : i32 to index
      %swap3A_437 = arith.constant 26 : index
      %swap3A_438 = tpu.vector_load %arg12[%swap3A_436, %swap3A_437] {strides = array<i32>} : memref<512x64xf32, #tpu.memory_space<vmem>>, vector<1x16xf32>,
      %swap3A_439 = vector.shape_cast %swap3A_438 : vector<1x16xf32> to vector<16xf32>
      %swap3A_440 = vector.shape_cast %get3A_435 : vector<16xf32> to vector<1x16xf32>
      tpu.vector_store %arg12[%swap3A_436, %swap3A_437], %swap3A_440 {strides = array<i32>} : memref<512x64xf32, #tpu.memory_space<vmem>>, vector<1x16xf32>,
      %get3A_441 = arith.index_cast %squeeze3A_411 : i32 to index
      %get3A_442 = arith.constant 0 : index
      %get3A_443 = tpu.vector_load %arg9[%get3A_441, %get3A_442] {strides = array<i32>} : memref<128x128xf32, #tpu.memory_space<vmem>>, vector<1x16xf32>,
      %get3A_444 = vector.shape_cast %get3A_443 : vector<1x16xf32> to vector<16xf32>
      %swap3A_445 = arith.index_cast %add3A_409 : i32 to index
      %swap3A_446 = arith.constant 42 : index
      %swap3A_447 = tpu.vector_load %arg12[%swap3A_445, %swap3A_446] {strides = array<i32>} : memref<512x64xf32, #tpu.memory_space<vmem>>, vector<1x16xf32>,
      %swap3A_448 = vector.shape_cast %swap3A_447 : vector<1x16xf32> to vector<16xf32>
      %swap3A_449 = vector.shape_cast %get3A_444 : vector<16xf32> to vector<1x16xf32>
      tpu.vector_store %arg12[%swap3A_445, %swap3A_446], %swap3A_449 {strides = array<i32>} : memref<512x64xf32, #tpu.memory_space<vmem>>, vector<1x16xf32>,
      %get3A_450 = arith.index_cast %squeeze3A_411 : i32 to index
      %get3A_451 = arith.constant 6 : index
      %get3A_452 = tpu.vector_load %arg9[%get3A_450, %get3A_451] {strides = array<i32>} : memref<128x128xf32, #tpu.memory_space<vmem>>, vector<1x16xf32>,
      %get3A_453 = vector.shape_cast %get3A_452 : vector<1x16xf32> to vector<16xf32>
      %swap3A_454 = arith.index_cast %add3A_409 : i32 to index
      %swap3A_455 = arith.constant 48 : index
      %swap3A_456 = tpu.vector_load %arg12[%swap3A_454, %swap3A_455] {strides = array<i32>} : memref<512x64xf32, #tpu.memory_space<vmem>>, vector<1x16xf32>,
      %swap3A_457 = vector.shape_cast %swap3A_456 : vector<1x16xf32> to vector<16xf32>
      %swap3A_458 = vector.shape_cast %get3A_453 : vector<16xf32> to vector<1x16xf32>
      tpu.vector_store %arg12[%swap3A_454, %swap3A_455], %swap3A_458 {strides = array<i32>} : memref<512x64xf32, #tpu.memory_space<vmem>>, vector<1x16xf32>,
      %add3A_459 = arith.constant 1 : i32
      %add3A_460 = arith.addi %mul3A_404, %add3A_459 : i32
      %slice3A_461 = vector.extract_strided_slice %get3A_407 {offsets = [1], sizes = [1], strides = [1]} : vector<16xi32> to vector<1xi32>
      %squeeze3A_462 = vector.extract %slice3A_461[0] : i32 from vector<1xi32>
      %get3A_463 = arith.constant 1 : i32
      %get3A_464 = arith.index_cast %get3A_463 : i32 to index
      %get3A_465 = arith.constant 0 : index
      %get3A_466 = tpu.vector_load %arg10[%get3A_464, %get3A_465] {strides = array<i32>} : memref<16x42xf32, #tpu.memory_space<vmem>>, vector<1x16xf32>,
      %get3A_467 = vector.shape_cast %get3A_466 : vector<1x16xf32> to vector<16xf32>
      %swap3A_468 = arith.index_cast %add3A_460 : i32 to index
      %swap3A_469 = arith.constant 0 : index
      %swap3A_470 = tpu.vector_load %arg12[%swap3A_468, %swap3A_469] {strides = array<i32>} : memref<512x64xf32, #tpu.memory_space<vmem>>, vector<1x16xf32>,
      %swap3A_471 = vector.shape_cast %swap3A_470 : vector<1x16xf32> to vector<16xf32>
      %swap3A_472 = vector.shape_cast %get3A_467 : vector<16xf32> to vector<1x16xf32>
      tpu.vector_store %arg12[%swap3A_468, %swap3A_469], %swap3A_472 {strides = array<i32>} : memref<512x64xf32, #tpu.memory_space<vmem>>, vector<1x16xf32>,
      %get3A_473 = arith.constant 1 : i32
      %get3A_474 = arith.index_cast %get3A_473 : i32 to index
      %get3A_475 = arith.constant 16 : index
      %get3A_476 = tpu.vector_load %arg10[%get3A_474, %get3A_475] {strides = array<i32>} : memref<16x42xf32, #tpu.memory_space<vmem>>, vector<1x16xf32>,
      %get3A_477 = vector.shape_cast %get3A_476 : vector<1x16xf32> to vector<16xf32>
      %swap3A_478 = arith.index_cast %add3A_460 : i32 to index
      %swap3A_479 = arith.constant 16 : index
      %swap3A_480 = tpu.vector_load %arg12[%swap3A_478, %swap3A_479] {strides = array<i32>} : memref<512x64xf32, #tpu.memory_space<vmem>>, vector<1x16xf32>,
      %swap3A_481 = vector.shape_cast %swap3A_480 : vector<1x16xf32> to vector<16xf32>
      %swap3A_482 = vector.shape_cast %get3A_477 : vector<16xf32> to vector<1x16xf32>
      tpu.vector_store %arg12[%swap3A_478, %swap3A_479], %swap3A_482 {strides = array<i32>} : memref<512x64xf32, #tpu.memory_space<vmem>>, vector<1x16xf32>,
      %get3A_483 = arith.constant 1 : i32
      %get3A_484 = arith.index_cast %get3A_483 : i32 to index
      %get3A_485 = arith.constant 26 : index
      %get3A_486 = tpu.vector_load %arg10[%get3A_484, %get3A_485] {strides = array<i32>} : memref<16x42xf32, #tpu.memory_space<vmem>>, vector<1x16xf32>,
      %get3A_487 = vector.shape_cast %get3A_486 : vector<1x16xf32> to vector<16xf32>
      %swap3A_488 = arith.index_cast %add3A_460 : i32 to index
      %swap3A_489 = arith.constant 26 : index
      %swap3A_490 = tpu.vector_load %arg12[%swap3A_488, %swap3A_489] {strides = array<i32>} : memref<512x64xf32, #tpu.memory_space<vmem>>, vector<1x16xf32>,
      %swap3A_491 = vector.shape_cast %swap3A_490 : vector<1x16xf32> to vector<16xf32>
      %swap3A_492 = vector.shape_cast %get3A_487 : vector<16xf32> to vector<1x16xf32>
      tpu.vector_store %arg12[%swap3A_488, %swap3A_489], %swap3A_492 {strides = array<i32>} : memref<512x64xf32, #tpu.memory_space<vmem>>, vector<1x16xf32>,
      %get3A_493 = arith.index_cast %squeeze3A_462 : i32 to index
      %get3A_494 = arith.constant 0 : index
      %get3A_495 = tpu.vector_load %arg9[%get3A_493, %get3A_494] {strides = array<i32>} : memref<128x128xf32, #tpu.memory_space<vmem>>, vector<1x16xf32>,
      %get3A_496 = vector.shape_cast %get3A_495 : vector<1x16xf32> to vector<16xf32>
      %swap3A_497 = arith.index_cast %add3A_460 : i32 to index
      %swap3A_498 = arith.constant 42 : index
      %swap3A_499 = tpu.vector_load %arg12[%swap3A_497, %swap3A_498] {strides = array<i32>} : memref<512x64xf32, #tpu.memory_space<vmem>>, vector<1x16xf32>,
      %swap3A_500 = vector.shape_cast %swap3A_499 : vector<1x16xf32> to vector<16xf32>
      %swap3A_501 = vector.shape_cast %get3A_496 : vector<16xf32> to vector<1x16xf32>
      tpu.vector_store %arg12[%swap3A_497, %swap3A_498], %swap3A_501 {strides = array<i32>} : memref<512x64xf32, #tpu.memory_space<vmem>>, vector<1x16xf32>,
      %get3A_502 = arith.index_cast %squeeze3A_462 : i32 to index
      %get3A_503 = arith.constant 6 : index
      %get3A_504 = tpu.vector_load %arg9[%get3A_502, %get3A_503] {strides = array<i32>} : memref<128x128xf32, #tpu.memory_space<vmem>>, vector<1x16xf32>,
      %get3A_505 = vector.shape_cast %get3A_504 : vector<1x16xf32> to vector<16xf32>
      %swap3A_506 = arith.index_cast %add3A_460 : i32 to index
      %swap3A_507 = arith.constant 48 : index
      %swap3A_508 = tpu.vector_load %arg12[%swap3A_506, %swap3A_507] {strides = array<i32>} : memref<512x64xf32, #tpu.memory_space<vmem>>, vector<1x16xf32>,
      %swap3A_509 = vector.shape_cast %swap3A_508 : vector<1x16xf32> to vector<16xf32>
      %swap3A_510 = vector.shape_cast %get3A_505 : vector<16xf32> to vector<1x16xf32>
      tpu.vector_store %arg12[%swap3A_506, %swap3A_507], %swap3A_510 {strides = array<i32>} : memref<512x64xf32, #tpu.memory_space<vmem>>, vector<1x16xf32>,
      %add3A_511 = arith.constant 2 : i32
      %add3A_512 = arith.addi %mul3A_404, %add3A_511 : i32
      %slice3A_513 = vector.extract_strided_slice %get3A_407 {offsets = [2], sizes = [1], strides = [1]} : vector<16xi32> to vector<1xi32>
      %squeeze3A_514 = vector.extract %slice3A_513[0] : i32 from vector<1xi32>
      %get3A_515 = arith.constant 2 : i32
      %get3A_516 = arith.index_cast %get3A_515 : i32 to index
      %get3A_517 = arith.constant 0 : index
      %get3A_518 = tpu.vector_load %arg10[%get3A_516, %get3A_517] {strides = array<i32>} : memref<16x42xf32, #tpu.memory_space<vmem>>, vector<1x16xf32>,
      %get3A_519 = vector.shape_cast %get3A_518 : vector<1x16xf32> to vector<16xf32>
      %swap3A_520 = arith.index_cast %add3A_512 : i32 to index
      %swap3A_521 = arith.constant 0 : index
      %swap3A_522 = tpu.vector_load %arg12[%swap3A_520, %swap3A_521] {strides = array<i32>} : memref<512x64xf32, #tpu.memory_space<vmem>>, vector<1x16xf32>,
      %swap3A_523 = vector.shape_cast %swap3A_522 : vector<1x16xf32> to vector<16xf32>
      %swap3A_524 = vector.shape_cast %get3A_519 : vector<16xf32> to vector<1x16xf32>
      tpu.vector_store %arg12[%swap3A_520, %swap3A_521], %swap3A_524 {strides = array<i32>} : memref<512x64xf32, #tpu.memory_space<vmem>>, vector<1x16xf32>,
      %get3A_525 = arith.constant 2 : i32
      %get3A_526 = arith.index_cast %get3A_525 : i32 to index
      %get3A_527 = arith.constant 16 : index
      %get3A_528 = tpu.vector_load %arg10[%get3A_526, %get3A_527] {strides = array<i32>} : memref<16x42xf32, #tpu.memory_space<vmem>>, vector<1x16xf32>,
      %get3A_529 = vector.shape_cast %get3A_528 : vector<1x16xf32> to vector<16xf32>
      %swap3A_530 = arith.index_cast %add3A_512 : i32 to index
      %swap3A_531 = arith.constant 16 : index
      %swap3A_532 = tpu.vector_load %arg12[%swap3A_530, %swap3A_531] {strides = array<i32>} : memref<512x64xf32, #tpu.memory_space<vmem>>, vector<1x16xf32>,
      %swap3A_533 = vector.shape_cast %swap3A_532 : vector<1x16xf32> to vector<16xf32>
      %swap3A_534 = vector.shape_cast %get3A_529 : vector<16xf32> to vector<1x16xf32>
      tpu.vector_store %arg12[%swap3A_530, %swap3A_531], %swap3A_534 {strides = array<i32>} : memref<512x64xf32, #tpu.memory_space<vmem>>, vector<1x16xf32>,
      %get3A_535 = arith.constant 2 : i32
      %get3A_536 = arith.index_cast %get3A_535 : i32 to index
      %get3A_537 = arith.constant 26 : index
      %get3A_538 = tpu.vector_load %arg10[%get3A_536, %get3A_537] {strides = array<i32>} : memref<16x42xf32, #tpu.memory_space<vmem>>, vector<1x16xf32>,
      %get3A_539 = vector.shape_cast %get3A_538 : vector<1x16xf32> to vector<16xf32>
      %swap3A_540 = arith.index_cast %add3A_512 : i32 to index
      %swap3A_541 = arith.constant 26 : index
      %swap3A_542 = tpu.vector_load %arg12[%swap3A_540, %swap3A_541] {strides = array<i32>} : memref<512x64xf32, #tpu.memory_space<vmem>>, vector<1x16xf32>,
      %swap3A_543 = vector.shape_cast %swap3A_542 : vector<1x16xf32> to vector<16xf32>
      %swap3A_544 = vector.shape_cast %get3A_539 : vector<16xf32> to vector<1x16xf32>
      tpu.vector_store %arg12[%swap3A_540, %swap3A_541], %swap3A_544 {strides = array<i32>} : memref<512x64xf32, #tpu.memory_space<vmem>>, vector<1x16xf32>,
      %get3A_545 = arith.index_cast %squeeze3A_514 : i32 to index
      %get3A_546 = arith.constant 0 : index
      %get3A_547 = tpu.vector_load %arg9[%get3A_545, %get3A_546] {strides = array<i32>} : memref<128x128xf32, #tpu.memory_space<vmem>>, vector<1x16xf32>,
      %get3A_548 = vector.shape_cast %get3A_547 : vector<1x16xf32> to vector<16xf32>
      %swap3A_549 = arith.index_cast %add3A_512 : i32 to index
      %swap3A_550 = arith.constant 42 : index
      %swap3A_551 = tpu.vector_load %arg12[%swap3A_549, %swap3A_550] {strides = array<i32>} : memref<512x64xf32, #tpu.memory_space<vmem>>, vector<1x16xf32>,
      %swap3A_552 = vector.shape_cast %swap3A_551 : vector<1x16xf32> to vector<16xf32>
      %swap3A_553 = vector.shape_cast %get3A_548 : vector<16xf32> to vector<1x16xf32>
      tpu.vector_store %arg12[%swap3A_549, %swap3A_550], %swap3A_553 {strides = array<i32>} : memref<512x64xf32, #tpu.memory_space<vmem>>, vector<1x16xf32>,
      %get3A_554 = arith.index_cast %squeeze3A_514 : i32 to index
      %get3A_555 = arith.constant 6 : index
      %get3A_556 = tpu.vector_load %arg9[%get3A_554, %get3A_555] {strides = array<i32>} : memref<128x128xf32, #tpu.memory_space<vmem>>, vector<1x16xf32>,
      %get3A_557 = vector.shape_cast %get3A_556 : vector<1x16xf32> to vector<16xf32>
      %swap3A_558 = arith.index_cast %add3A_512 : i32 to index
      %swap3A_559 = arith.constant 48 : index
      %swap3A_560 = tpu.vector_load %arg12[%swap3A_558, %swap3A_559] {strides = array<i32>} : memref<512x64xf32, #tpu.memory_space<vmem>>, vector<1x16xf32>,
      %swap3A_561 = vector.shape_cast %swap3A_560 : vector<1x16xf32> to vector<16xf32>
      %swap3A_562 = vector.shape_cast %get3A_557 : vector<16xf32> to vector<1x16xf32>
      tpu.vector_store %arg12[%swap3A_558, %swap3A_559], %swap3A_562 {strides = array<i32>} : memref<512x64xf32, #tpu.memory_space<vmem>>, vector<1x16xf32>,
      %add3A_563 = arith.constant 3 : i32
      %add3A_564 = arith.addi %mul3A_404, %add3A_563 : i32
      %slice3A_565 = vector.extract_strided_slice %get3A_407 {offsets = [3], sizes = [1], strides = [1]} : vector<16xi32> to vector<1xi32>
      %squeeze3A_566 = vector.extract %slice3A_565[0] : i32 from vector<1xi32>
      %get3A_567 = arith.constant 3 : i32
      %get3A_568 = arith.index_cast %get3A_567 : i32 to index
      %get3A_569 = arith.constant 0 : index
      %get3A_570 = tpu.vector_load %arg10[%get3A_568, %get3A_569] {strides = array<i32>} : memref<16x42xf32, #tpu.memory_space<vmem>>, vector<1x16xf32>,
      %get3A_571 = vector.shape_cast %get3A_570 : vector<1x16xf32> to vector<16xf32>
      %swap3A_572 = arith.index_cast %add3A_564 : i32 to index
      %swap3A_573 = arith.constant 0 : index
      %swap3A_574 = tpu.vector_load %arg12[%swap3A_572, %swap3A_573] {strides = array<i32>} : memref<512x64xf32, #tpu.memory_space<vmem>>, vector<1x16xf32>,
      %swap3A_575 = vector.shape_cast %swap3A_574 : vector<1x16xf32> to vector<16xf32>
      %swap3A_576 = vector.shape_cast %get3A_571 : vector<16xf32> to vector<1x16xf32>
      tpu.vector_store %arg12[%swap3A_572, %swap3A_573], %swap3A_576 {strides = array<i32>} : memref<512x64xf32, #tpu.memory_space<vmem>>, vector<1x16xf32>,
      %get3A_577 = arith.constant 3 : i32
      %get3A_578 = arith.index_cast %get3A_577 : i32 to index
      %get3A_579 = arith.constant 16 : index
      %get3A_580 = tpu.vector_load %arg10[%get3A_578, %get3A_579] {strides = array<i32>} : memref<16x42xf32, #tpu.memory_space<vmem>>, vector<1x16xf32>,
      %get3A_581 = vector.shape_cast %get3A_580 : vector<1x16xf32> to vector<16xf32>
      %swap3A_582 = arith.index_cast %add3A_564 : i32 to index
      %swap3A_583 = arith.constant 16 : index
      %swap3A_584 = tpu.vector_load %arg12[%swap3A_582, %swap3A_583] {strides = array<i32>} : memref<512x64xf32, #tpu.memory_space<vmem>>, vector<1x16xf32>,
      %swap3A_585 = vector.shape_cast %swap3A_584 : vector<1x16xf32> to vector<16xf32>
      %swap3A_586 = vector.shape_cast %get3A_581 : vector<16xf32> to vector<1x16xf32>
      tpu.vector_store %arg12[%swap3A_582, %swap3A_583], %swap3A_586 {strides = array<i32>} : memref<512x64xf32, #tpu.memory_space<vmem>>, vector<1x16xf32>,
      %get3A_587 = arith.constant 3 : i32
      %get3A_588 = arith.index_cast %get3A_587 : i32 to index
      %get3A_589 = arith.constant 26 : index
      %get3A_590 = tpu.vector_load %arg10[%get3A_588, %get3A_589] {strides = array<i32>} : memref<16x42xf32, #tpu.memory_space<vmem>>, vector<1x16xf32>,
      %get3A_591 = vector.shape_cast %get3A_590 : vector<1x16xf32> to vector<16xf32>
      %swap3A_592 = arith.index_cast %add3A_564 : i32 to index
      %swap3A_593 = arith.constant 26 : index
      %swap3A_594 = tpu.vector_load %arg12[%swap3A_592, %swap3A_593] {strides = array<i32>} : memref<512x64xf32, #tpu.memory_space<vmem>>, vector<1x16xf32>,
      %swap3A_595 = vector.shape_cast %swap3A_594 : vector<1x16xf32> to vector<16xf32>
      %swap3A_596 = vector.shape_cast %get3A_591 : vector<16xf32> to vector<1x16xf32>
      tpu.vector_store %arg12[%swap3A_592, %swap3A_593], %swap3A_596 {strides = array<i32>} : memref<512x64xf32, #tpu.memory_space<vmem>>, vector<1x16xf32>,
      %get3A_597 = arith.index_cast %squeeze3A_566 : i32 to index
      %get3A_598 = arith.constant 0 : index
      %get3A_599 = tpu.vector_load %arg9[%get3A_597, %get3A_598] {strides = array<i32>} : memref<128x128xf32, #tpu.memory_space<vmem>>, vector<1x16xf32>,
      %get3A_600 = vector.shape_cast %get3A_599 : vector<1x16xf32> to vector<16xf32>
      %swap3A_601 = arith.index_cast %add3A_564 : i32 to index
      %swap3A_602 = arith.constant 42 : index
      %swap3A_603 = tpu.vector_load %arg12[%swap3A_601, %swap3A_602] {strides = array<i32>} : memref<512x64xf32, #tpu.memory_space<vmem>>, vector<1x16xf32>,
      %swap3A_604 = vector.shape_cast %swap3A_603 : vector<1x16xf32> to vector<16xf32>
      %swap3A_605 = vector.shape_cast %get3A_600 : vector<16xf32> to vector<1x16xf32>
      tpu.vector_store %arg12[%swap3A_601, %swap3A_602], %swap3A_605 {strides = array<i32>} : memref<512x64xf32, #tpu.memory_space<vmem>>, vector<1x16xf32>,
      %get3A_606 = arith.index_cast %squeeze3A_566 : i32 to index
      %get3A_607 = arith.constant 6 : index
      %get3A_608 = tpu.vector_load %arg9[%get3A_606, %get3A_607] {strides = array<i32>} : memref<128x128xf32, #tpu.memory_space<vmem>>, vector<1x16xf32>,
      %get3A_609 = vector.shape_cast %get3A_608 : vector<1x16xf32> to vector<16xf32>
      %swap3A_610 = arith.index_cast %add3A_564 : i32 to index
      %swap3A_611 = arith.constant 48 : index
      %swap3A_612 = tpu.vector_load %arg12[%swap3A_610, %swap3A_611] {strides = array<i32>} : memref<512x64xf32, #tpu.memory_space<vmem>>, vector<1x16xf32>,
      %swap3A_613 = vector.shape_cast %swap3A_612 : vector<1x16xf32> to vector<16xf32>
      %swap3A_614 = vector.shape_cast %get3A_609 : vector<16xf32> to vector<1x16xf32>
      tpu.vector_store %arg12[%swap3A_610, %swap3A_611], %swap3A_614 {strides = array<i32>} : memref<512x64xf32, #tpu.memory_space<vmem>>, vector<1x16xf32>,
      %add3A_615 = arith.constant 4 : i32
      %add3A_616 = arith.addi %mul3A_404, %add3A_615 : i32
      %slice3A_617 = vector.extract_strided_slice %get3A_407 {offsets = [4], sizes = [1], strides = [1]} : vector<16xi32> to vector<1xi32>
      %squeeze3A_618 = vector.extract %slice3A_617[0] : i32 from vector<1xi32>
      %get3A_619 = arith.constant 4 : i32
      %get3A_620 = arith.index_cast %get3A_619 : i32 to index
      %get3A_621 = arith.constant 0 : index
      %get3A_622 = tpu.vector_load %arg10[%get3A_620, %get3A_621] {strides = array<i32>} : memref<16x42xf32, #tpu.memory_space<vmem>>, vector<1x16xf32>,
      %get3A_623 = vector.shape_cast %get3A_622 : vector<1x16xf32> to vector<16xf32>
      %swap3A_624 = arith.index_cast %add3A_616 : i32 to index
      %swap3A_625 = arith.constant 0 : index
      %swap3A_626 = tpu.vector_load %arg12[%swap3A_624, %swap3A_625] {strides = array<i32>} : memref<512x64xf32, #tpu.memory_space<vmem>>, vector<1x16xf32>,
      %swap3A_627 = vector.shape_cast %swap3A_626 : vector<1x16xf32> to vector<16xf32>
      %swap3A_628 = vector.shape_cast %get3A_623 : vector<16xf32> to vector<1x16xf32>
      tpu.vector_store %arg12[%swap3A_624, %swap3A_625], %swap3A_628 {strides = array<i32>} : memref<512x64xf32, #tpu.memory_space<vmem>>, vector<1x16xf32>,
      %get3A_629 = arith.constant 4 : i32
      %get3A_630 = arith.index_cast %get3A_629 : i32 to index
      %get3A_631 = arith.constant 16 : index
      %get3A_632 = tpu.vector_load %arg10[%get3A_630, %get3A_631] {strides = array<i32>} : memref<16x42xf32, #tpu.memory_space<vmem>>, vector<1x16xf32>,
      %get3A_633 = vector.shape_cast %get3A_632 : vector<1x16xf32> to vector<16xf32>
      %swap3A_634 = arith.index_cast %add3A_616 : i32 to index
      %swap3A_635 = arith.constant 16 : index
      %swap3A_636 = tpu.vector_load %arg12[%swap3A_634, %swap3A_635] {strides = array<i32>} : memref<512x64xf32, #tpu.memory_space<vmem>>, vector<1x16xf32>,
      %swap3A_637 = vector.shape_cast %swap3A_636 : vector<1x16xf32> to vector<16xf32>
      %swap3A_638 = vector.shape_cast %get3A_633 : vector<16xf32> to vector<1x16xf32>
      tpu.vector_store %arg12[%swap3A_634, %swap3A_635], %swap3A_638 {strides = array<i32>} : memref<512x64xf32, #tpu.memory_space<vmem>>, vector<1x16xf32>,
      %get3A_639 = arith.constant 4 : i32
      %get3A_640 = arith.index_cast %get3A_639 : i32 to index
      %get3A_641 = arith.constant 26 : index
      %get3A_642 = tpu.vector_load %arg10[%get3A_640, %get3A_641] {strides = array<i32>} : memref<16x42xf32, #tpu.memory_space<vmem>>, vector<1x16xf32>,
      %get3A_643 = vector.shape_cast %get3A_642 : vector<1x16xf32> to vector<16xf32>
      %swap3A_644 = arith.index_cast %add3A_616 : i32 to index
      %swap3A_645 = arith.constant 26 : index
      %swap3A_646 = tpu.vector_load %arg12[%swap3A_644, %swap3A_645] {strides = array<i32>} : memref<512x64xf32, #tpu.memory_space<vmem>>, vector<1x16xf32>,
      %swap3A_647 = vector.shape_cast %swap3A_646 : vector<1x16xf32> to vector<16xf32>
      %swap3A_648 = vector.shape_cast %get3A_643 : vector<16xf32> to vector<1x16xf32>
      tpu.vector_store %arg12[%swap3A_644, %swap3A_645], %swap3A_648 {strides = array<i32>} : memref<512x64xf32, #tpu.memory_space<vmem>>, vector<1x16xf32>,
      %get3A_649 = arith.index_cast %squeeze3A_618 : i32 to index
      %get3A_650 = arith.constant 0 : index
      %get3A_651 = tpu.vector_load %arg9[%get3A_649, %get3A_650] {strides = array<i32>} : memref<128x128xf32, #tpu.memory_space<vmem>>, vector<1x16xf32>,
      %get3A_652 = vector.shape_cast %get3A_651 : vector<1x16xf32> to vector<16xf32>
      %swap3A_653 = arith.index_cast %add3A_616 : i32 to index
      %swap3A_654 = arith.constant 42 : index
      %swap3A_655 = tpu.vector_load %arg12[%swap3A_653, %swap3A_654] {strides = array<i32>} : memref<512x64xf32, #tpu.memory_space<vmem>>, vector<1x16xf32>,
      %swap3A_656 = vector.shape_cast %swap3A_655 : vector<1x16xf32> to vector<16xf32>
      %swap3A_657 = vector.shape_cast %get3A_652 : vector<16xf32> to vector<1x16xf32>
      tpu.vector_store %arg12[%swap3A_653, %swap3A_654], %swap3A_657 {strides = array<i32>} : memref<512x64xf32, #tpu.memory_space<vmem>>, vector<1x16xf32>,
      %get3A_658 = arith.index_cast %squeeze3A_618 : i32 to index
      %get3A_659 = arith.constant 6 : index
      %get3A_660 = tpu.vector_load %arg9[%get3A_658, %get3A_659] {strides = array<i32>} : memref<128x128xf32, #tpu.memory_space<vmem>>, vector<1x16xf32>,
      %get3A_661 = vector.shape_cast %get3A_660 : vector<1x16xf32> to vector<16xf32>
      %swap3A_662 = arith.index_cast %add3A_616 : i32 to index
      %swap3A_663 = arith.constant 48 : index
      %swap3A_664 = tpu.vector_load %arg12[%swap3A_662, %swap3A_663] {strides = array<i32>} : memref<512x64xf32, #tpu.memory_space<vmem>>, vector<1x16xf32>,
      %swap3A_665 = vector.shape_cast %swap3A_664 : vector<1x16xf32> to vector<16xf32>
      %swap3A_666 = vector.shape_cast %get3A_661 : vector<16xf32> to vector<1x16xf32>
      tpu.vector_store %arg12[%swap3A_662, %swap3A_663], %swap3A_666 {strides = array<i32>} : memref<512x64xf32, #tpu.memory_space<vmem>>, vector<1x16xf32>,
      %add3A_667 = arith.constant 5 : i32
      %add3A_668 = arith.addi %mul3A_404, %add3A_667 : i32
      %slice3A_669 = vector.extract_strided_slice %get3A_407 {offsets = [5], sizes = [1], strides = [1]} : vector<16xi32> to vector<1xi32>
      %squeeze3A_670 = vector.extract %slice3A_669[0] : i32 from vector<1xi32>
      %get3A_671 = arith.constant 5 : i32
      %get3A_672 = arith.index_cast %get3A_671 : i32 to index
      %get3A_673 = arith.constant 0 : index
      %get3A_674 = tpu.vector_load %arg10[%get3A_672, %get3A_673] {strides = array<i32>} : memref<16x42xf32, #tpu.memory_space<vmem>>, vector<1x16xf32>,
      %get3A_675 = vector.shape_cast %get3A_674 : vector<1x16xf32> to vector<16xf32>
      %swap3A_676 = arith.index_cast %add3A_668 : i32 to index
      %swap3A_677 = arith.constant 0 : index
      %swap3A_678 = tpu.vector_load %arg12[%swap3A_676, %swap3A_677] {strides = array<i32>} : memref<512x64xf32, #tpu.memory_space<vmem>>, vector<1x16xf32>,
      %swap3A_679 = vector.shape_cast %swap3A_678 : vector<1x16xf32> to vector<16xf32>
      %swap3A_680 = vector.shape_cast %get3A_675 : vector<16xf32> to vector<1x16xf32>
      tpu.vector_store %arg12[%swap3A_676, %swap3A_677], %swap3A_680 {strides = array<i32>} : memref<512x64xf32, #tpu.memory_space<vmem>>, vector<1x16xf32>,
      %get3A_681 = arith.constant 5 : i32
      %get3A_682 = arith.index_cast %get3A_681 : i32 to index
      %get3A_683 = arith.constant 16 : index
      %get3A_684 = tpu.vector_load %arg10[%get3A_682, %get3A_683] {strides = array<i32>} : memref<16x42xf32, #tpu.memory_space<vmem>>, vector<1x16xf32>,
      %get3A_685 = vector.shape_cast %get3A_684 : vector<1x16xf32> to vector<16xf32>
      %swap3A_686 = arith.index_cast %add3A_668 : i32 to index
      %swap3A_687 = arith.constant 16 : index
      %swap3A_688 = tpu.vector_load %arg12[%swap3A_686, %swap3A_687] {strides = array<i32>} : memref<512x64xf32, #tpu.memory_space<vmem>>, vector<1x16xf32>,
      %swap3A_689 = vector.shape_cast %swap3A_688 : vector<1x16xf32> to vector<16xf32>
      %swap3A_690 = vector.shape_cast %get3A_685 : vector<16xf32> to vector<1x16xf32>
      tpu.vector_store %arg12[%swap3A_686, %swap3A_687], %swap3A_690 {strides = array<i32>} : memref<512x64xf32, #tpu.memory_space<vmem>>, vector<1x16xf32>,
      %get3A_691 = arith.constant 5 : i32
      %get3A_692 = arith.index_cast %get3A_691 : i32 to index
      %get3A_693 = arith.constant 26 : index
      %get3A_694 = tpu.vector_load %arg10[%get3A_692, %get3A_693] {strides = array<i32>} : memref<16x42xf32, #tpu.memory_space<vmem>>, vector<1x16xf32>,
      %get3A_695 = vector.shape_cast %get3A_694 : vector<1x16xf32> to vector<16xf32>
      %swap3A_696 = arith.index_cast %add3A_668 : i32 to index
      %swap3A_697 = arith.constant 26 : index
      %swap3A_698 = tpu.vector_load %arg12[%swap3A_696, %swap3A_697] {strides = array<i32>} : memref<512x64xf32, #tpu.memory_space<vmem>>, vector<1x16xf32>,
      %swap3A_699 = vector.shape_cast %swap3A_698 : vector<1x16xf32> to vector<16xf32>
      %swap3A_700 = vector.shape_cast %get3A_695 : vector<16xf32> to vector<1x16xf32>
      tpu.vector_store %arg12[%swap3A_696, %swap3A_697], %swap3A_700 {strides = array<i32>} : memref<512x64xf32, #tpu.memory_space<vmem>>, vector<1x16xf32>,
      %get3A_701 = arith.index_cast %squeeze3A_670 : i32 to index
      %get3A_702 = arith.constant 0 : index
      %get3A_703 = tpu.vector_load %arg9[%get3A_701, %get3A_702] {strides = array<i32>} : memref<128x128xf32, #tpu.memory_space<vmem>>, vector<1x16xf32>,
      %get3A_704 = vector.shape_cast %get3A_703 : vector<1x16xf32> to vector<16xf32>
      %swap3A_705 = arith.index_cast %add3A_668 : i32 to index
      %swap3A_706 = arith.constant 42 : index
      %swap3A_707 = tpu.vector_load %arg12[%swap3A_705, %swap3A_706] {strides = array<i32>} : memref<512x64xf32, #tpu.memory_space<vmem>>, vector<1x16xf32>,
      %swap3A_708 = vector.shape_cast %swap3A_707 : vector<1x16xf32> to vector<16xf32>
      %swap3A_709 = vector.shape_cast %get3A_704 : vector<16xf32> to vector<1x16xf32>
      tpu.vector_store %arg12[%swap3A_705, %swap3A_706], %swap3A_709 {strides = array<i32>} : memref<512x64xf32, #tpu.memory_space<vmem>>, vector<1x16xf32>,
      %get3A_710 = arith.index_cast %squeeze3A_670 : i32 to index
      %get3A_711 = arith.constant 6 : index
      %get3A_712 = tpu.vector_load %arg9[%get3A_710, %get3A_711] {strides = array<i32>} : memref<128x128xf32, #tpu.memory_space<vmem>>, vector<1x16xf32>,
      %get3A_713 = vector.shape_cast %get3A_712 : vector<1x16xf32> to vector<16xf32>
      %swap3A_714 = arith.index_cast %add3A_668 : i32 to index
      %swap3A_715 = arith.constant 48 : index
      %swap3A_716 = tpu.vector_load %arg12[%swap3A_714, %swap3A_715] {strides = array<i32>} : memref<512x64xf32, #tpu.memory_space<vmem>>, vector<1x16xf32>,
      %swap3A_717 = vector.shape_cast %swap3A_716 : vector<1x16xf32> to vector<16xf32>
      %swap3A_718 = vector.shape_cast %get3A_713 : vector<16xf32> to vector<1x16xf32>
      tpu.vector_store %arg12[%swap3A_714, %swap3A_715], %swap3A_718 {strides = array<i32>} : memref<512x64xf32, #tpu.memory_space<vmem>>, vector<1x16xf32>,
      %add3A_719 = arith.constant 6 : i32
      %add3A_720 = arith.addi %mul3A_404, %add3A_719 : i32
      %slice3A_721 = vector.extract_strided_slice %get3A_407 {offsets = [6], sizes = [1], strides = [1]} : vector<16xi32> to vector<1xi32>
      %squeeze3A_722 = vector.extract %slice3A_721[0] : i32 from vector<1xi32>
      %get3A_723 = arith.constant 6 : i32
      %get3A_724 = arith.index_cast %get3A_723 : i32 to index
      %get3A_725 = arith.constant 0 : index
      %get3A_726 = tpu.vector_load %arg10[%get3A_724, %get3A_725] {strides = array<i32>} : memref<16x42xf32, #tpu.memory_space<vmem>>, vector<1x16xf32>,
      %get3A_727 = vector.shape_cast %get3A_726 : vector<1x16xf32> to vector<16xf32>
      %swap3A_728 = arith.index_cast %add3A_720 : i32 to index
      %swap3A_729 = arith.constant 0 : index
      %swap3A_730 = tpu.vector_load %arg12[%swap3A_728, %swap3A_729] {strides = array<i32>} : memref<512x64xf32, #tpu.memory_space<vmem>>, vector<1x16xf32>,
      %swap3A_731 = vector.shape_cast %swap3A_730 : vector<1x16xf32> to vector<16xf32>
      %swap3A_732 = vector.shape_cast %get3A_727 : vector<16xf32> to vector<1x16xf32>
      tpu.vector_store %arg12[%swap3A_728, %swap3A_729], %swap3A_732 {strides = array<i32>} : memref<512x64xf32, #tpu.memory_space<vmem>>, vector<1x16xf32>,
      %get3A_733 = arith.constant 6 : i32
      %get3A_734 = arith.index_cast %get3A_733 : i32 to index
      %get3A_735 = arith.constant 16 : index
      %get3A_736 = tpu.vector_load %arg10[%get3A_734, %get3A_735] {strides = array<i32>} : memref<16x42xf32, #tpu.memory_space<vmem>>, vector<1x16xf32>,
      %get3A_737 = vector.shape_cast %get3A_736 : vector<1x16xf32> to vector<16xf32>
      %swap3A_738 = arith.index_cast %add3A_720 : i32 to index
      %swap3A_739 = arith.constant 16 : index
      %swap3A_740 = tpu.vector_load %arg12[%swap3A_738, %swap3A_739] {strides = array<i32>} : memref<512x64xf32, #tpu.memory_space<vmem>>, vector<1x16xf32>,
      %swap3A_741 = vector.shape_cast %swap3A_740 : vector<1x16xf32> to vector<16xf32>
      %swap3A_742 = vector.shape_cast %get3A_737 : vector<16xf32> to vector<1x16xf32>
      tpu.vector_store %arg12[%swap3A_738, %swap3A_739], %swap3A_742 {strides = array<i32>} : memref<512x64xf32, #tpu.memory_space<vmem>>, vector<1x16xf32>,
      %get3A_743 = arith.constant 6 : i32
      %get3A_744 = arith.index_cast %get3A_743 : i32 to index
      %get3A_745 = arith.constant 26 : index
      %get3A_746 = tpu.vector_load %arg10[%get3A_744, %get3A_745] {strides = array<i32>} : memref<16x42xf32, #tpu.memory_space<vmem>>, vector<1x16xf32>,
      %get3A_747 = vector.shape_cast %get3A_746 : vector<1x16xf32> to vector<16xf32>
      %swap3A_748 = arith.index_cast %add3A_720 : i32 to index
      %swap3A_749 = arith.constant 26 : index
      %swap3A_750 = tpu.vector_load %arg12[%swap3A_748, %swap3A_749] {strides = array<i32>} : memref<512x64xf32, #tpu.memory_space<vmem>>, vector<1x16xf32>,
      %swap3A_751 = vector.shape_cast %swap3A_750 : vector<1x16xf32> to vector<16xf32>
      %swap3A_752 = vector.shape_cast %get3A_747 : vector<16xf32> to vector<1x16xf32>
      tpu.vector_store %arg12[%swap3A_748, %swap3A_749], %swap3A_752 {strides = array<i32>} : memref<512x64xf32, #tpu.memory_space<vmem>>, vector<1x16xf32>,
      %get3A_753 = arith.index_cast %squeeze3A_722 : i32 to index
      %get3A_754 = arith.constant 0 : index
      %get3A_755 = tpu.vector_load %arg9[%get3A_753, %get3A_754] {strides = array<i32>} : memref<128x128xf32, #tpu.memory_space<vmem>>, vector<1x16xf32>,
      %get3A_756 = vector.shape_cast %get3A_755 : vector<1x16xf32> to vector<16xf32>
      %swap3A_757 = arith.index_cast %add3A_720 : i32 to index
      %swap3A_758 = arith.constant 42 : index
      %swap3A_759 = tpu.vector_load %arg12[%swap3A_757, %swap3A_758] {strides = array<i32>} : memref<512x64xf32, #tpu.memory_space<vmem>>, vector<1x16xf32>,
      %swap3A_760 = vector.shape_cast %swap3A_759 : vector<1x16xf32> to vector<16xf32>
      %swap3A_761 = vector.shape_cast %get3A_756 : vector<16xf32> to vector<1x16xf32>
      tpu.vector_store %arg12[%swap3A_757, %swap3A_758], %swap3A_761 {strides = array<i32>} : memref<512x64xf32, #tpu.memory_space<vmem>>, vector<1x16xf32>,
      %get3A_762 = arith.index_cast %squeeze3A_722 : i32 to index
      %get3A_763 = arith.constant 6 : index
      %get3A_764 = tpu.vector_load %arg9[%get3A_762, %get3A_763] {strides = array<i32>} : memref<128x128xf32, #tpu.memory_space<vmem>>, vector<1x16xf32>,
      %get3A_765 = vector.shape_cast %get3A_764 : vector<1x16xf32> to vector<16xf32>
      %swap3A_766 = arith.index_cast %add3A_720 : i32 to index
      %swap3A_767 = arith.constant 48 : index
      %swap3A_768 = tpu.vector_load %arg12[%swap3A_766, %swap3A_767] {strides = array<i32>} : memref<512x64xf32, #tpu.memory_space<vmem>>, vector<1x16xf32>,
      %swap3A_769 = vector.shape_cast %swap3A_768 : vector<1x16xf32> to vector<16xf32>
      %swap3A_770 = vector.shape_cast %get3A_765 : vector<16xf32> to vector<1x16xf32>
      tpu.vector_store %arg12[%swap3A_766, %swap3A_767], %swap3A_770 {strides = array<i32>} : memref<512x64xf32, #tpu.memory_space<vmem>>, vector<1x16xf32>,
      %add3A_771 = arith.constant 7 : i32
      %add3A_772 = arith.addi %mul3A_404, %add3A_771 : i32
      %slice3A_773 = vector.extract_strided_slice %get3A_407 {offsets = [7], sizes = [1], strides = [1]} : vector<16xi32> to vector<1xi32>
      %squeeze3A_774 = vector.extract %slice3A_773[0] : i32 from vector<1xi32>
      %get3A_775 = arith.constant 7 : i32
      %get3A_776 = arith.index_cast %get3A_775 : i32 to index
      %get3A_777 = arith.constant 0 : index
      %get3A_778 = tpu.vector_load %arg10[%get3A_776, %get3A_777] {strides = array<i32>} : memref<16x42xf32, #tpu.memory_space<vmem>>, vector<1x16xf32>,
      %get3A_779 = vector.shape_cast %get3A_778 : vector<1x16xf32> to vector<16xf32>
      %swap3A_780 = arith.index_cast %add3A_772 : i32 to index
      %swap3A_781 = arith.constant 0 : index
      %swap3A_782 = tpu.vector_load %arg12[%swap3A_780, %swap3A_781] {strides = array<i32>} : memref<512x64xf32, #tpu.memory_space<vmem>>, vector<1x16xf32>,
      %swap3A_783 = vector.shape_cast %swap3A_782 : vector<1x16xf32> to vector<16xf32>
      %swap3A_784 = vector.shape_cast %get3A_779 : vector<16xf32> to vector<1x16xf32>
      tpu.vector_store %arg12[%swap3A_780, %swap3A_781], %swap3A_784 {strides = array<i32>} : memref<512x64xf32, #tpu.memory_space<vmem>>, vector<1x16xf32>,
      %get3A_785 = arith.constant 7 : i32
      %get3A_786 = arith.index_cast %get3A_785 : i32 to index
      %get3A_787 = arith.constant 16 : index
      %get3A_788 = tpu.vector_load %arg10[%get3A_786, %get3A_787] {strides = array<i32>} : memref<16x42xf32, #tpu.memory_space<vmem>>, vector<1x16xf32>,
      %get3A_789 = vector.shape_cast %get3A_788 : vector<1x16xf32> to vector<16xf32>
      %swap3A_790 = arith.index_cast %add3A_772 : i32 to index
      %swap3A_791 = arith.constant 16 : index
      %swap3A_792 = tpu.vector_load %arg12[%swap3A_790, %swap3A_791] {strides = array<i32>} : memref<512x64xf32, #tpu.memory_space<vmem>>, vector<1x16xf32>,
      %swap3A_793 = vector.shape_cast %swap3A_792 : vector<1x16xf32> to vector<16xf32>
      %swap3A_794 = vector.shape_cast %get3A_789 : vector<16xf32> to vector<1x16xf32>
      tpu.vector_store %arg12[%swap3A_790, %swap3A_791], %swap3A_794 {strides = array<i32>} : memref<512x64xf32, #tpu.memory_space<vmem>>, vector<1x16xf32>,
      %get3A_795 = arith.constant 7 : i32
      %get3A_796 = arith.index_cast %get3A_795 : i32 to index
      %get3A_797 = arith.constant 26 : index
      %get3A_798 = tpu.vector_load %arg10[%get3A_796, %get3A_797] {strides = array<i32>} : memref<16x42xf32, #tpu.memory_space<vmem>>, vector<1x16xf32>,
      %get3A_799 = vector.shape_cast %get3A_798 : vector<1x16xf32> to vector<16xf32>
      %swap3A_800 = arith.index_cast %add3A_772 : i32 to index
      %swap3A_801 = arith.constant 26 : index
      %swap3A_802 = tpu.vector_load %arg12[%swap3A_800, %swap3A_801] {strides = array<i32>} : memref<512x64xf32, #tpu.memory_space<vmem>>, vector<1x16xf32>,
      %swap3A_803 = vector.shape_cast %swap3A_802 : vector<1x16xf32> to vector<16xf32>
      %swap3A_804 = vector.shape_cast %get3A_799 : vector<16xf32> to vector<1x16xf32>
      tpu.vector_store %arg12[%swap3A_800, %swap3A_801], %swap3A_804 {strides = array<i32>} : memref<512x64xf32, #tpu.memory_space<vmem>>, vector<1x16xf32>,
      %get3A_805 = arith.index_cast %squeeze3A_774 : i32 to index
      %get3A_806 = arith.constant 0 : index
      %get3A_807 = tpu.vector_load %arg9[%get3A_805, %get3A_806] {strides = array<i32>} : memref<128x128xf32, #tpu.memory_space<vmem>>, vector<1x16xf32>,
      %get3A_808 = vector.shape_cast %get3A_807 : vector<1x16xf32> to vector<16xf32>
      %swap3A_809 = arith.index_cast %add3A_772 : i32 to index
      %swap3A_810 = arith.constant 42 : index
      %swap3A_811 = tpu.vector_load %arg12[%swap3A_809, %swap3A_810] {strides = array<i32>} : memref<512x64xf32, #tpu.memory_space<vmem>>, vector<1x16xf32>,
      %swap3A_812 = vector.shape_cast %swap3A_811 : vector<1x16xf32> to vector<16xf32>
      %swap3A_813 = vector.shape_cast %get3A_808 : vector<16xf32> to vector<1x16xf32>
      tpu.vector_store %arg12[%swap3A_809, %swap3A_810], %swap3A_813 {strides = array<i32>} : memref<512x64xf32, #tpu.memory_space<vmem>>, vector<1x16xf32>,
      %get3A_814 = arith.index_cast %squeeze3A_774 : i32 to index
      %get3A_815 = arith.constant 6 : index
      %get3A_816 = tpu.vector_load %arg9[%get3A_814, %get3A_815] {strides = array<i32>} : memref<128x128xf32, #tpu.memory_space<vmem>>, vector<1x16xf32>,
      %get3A_817 = vector.shape_cast %get3A_816 : vector<1x16xf32> to vector<16xf32>
      %swap3A_818 = arith.index_cast %add3A_772 : i32 to index
      %swap3A_819 = arith.constant 48 : index
      %swap3A_820 = tpu.vector_load %arg12[%swap3A_818, %swap3A_819] {strides = array<i32>} : memref<512x64xf32, #tpu.memory_space<vmem>>, vector<1x16xf32>,
      %swap3A_821 = vector.shape_cast %swap3A_820 : vector<1x16xf32> to vector<16xf32>
      %swap3A_822 = vector.shape_cast %get3A_817 : vector<16xf32> to vector<1x16xf32>
      tpu.vector_store %arg12[%swap3A_818, %swap3A_819], %swap3A_822 {strides = array<i32>} : memref<512x64xf32, #tpu.memory_space<vmem>>, vector<1x16xf32>,
      %add3A_823 = arith.constant 8 : i32
      %add3A_824 = arith.addi %mul3A_404, %add3A_823 : i32
      %slice3A_825 = vector.extract_strided_slice %get3A_407 {offsets = [8], sizes = [1], strides = [1]} : vector<16xi32> to vector<1xi32>
      %squeeze3A_826 = vector.extract %slice3A_825[0] : i32 from vector<1xi32>
      %get3A_827 = arith.constant 8 : i32
      %get3A_828 = arith.index_cast %get3A_827 : i32 to index
      %get3A_829 = arith.constant 0 : index
      %get3A_830 = tpu.vector_load %arg10[%get3A_828, %get3A_829] {strides = array<i32>} : memref<16x42xf32, #tpu.memory_space<vmem>>, vector<1x16xf32>,
      %get3A_831 = vector.shape_cast %get3A_830 : vector<1x16xf32> to vector<16xf32>
      %swap3A_832 = arith.index_cast %add3A_824 : i32 to index
      %swap3A_833 = arith.constant 0 : index
      %swap3A_834 = tpu.vector_load %arg12[%swap3A_832, %swap3A_833] {strides = array<i32>} : memref<512x64xf32, #tpu.memory_space<vmem>>, vector<1x16xf32>,
      %swap3A_835 = vector.shape_cast %swap3A_834 : vector<1x16xf32> to vector<16xf32>
      %swap3A_836 = vector.shape_cast %get3A_831 : vector<16xf32> to vector<1x16xf32>
      tpu.vector_store %arg12[%swap3A_832, %swap3A_833], %swap3A_836 {strides = array<i32>} : memref<512x64xf32, #tpu.memory_space<vmem>>, vector<1x16xf32>,
      %get3A_837 = arith.constant 8 : i32
      %get3A_838 = arith.index_cast %get3A_837 : i32 to index
      %get3A_839 = arith.constant 16 : index
      %get3A_840 = tpu.vector_load %arg10[%get3A_838, %get3A_839] {strides = array<i32>} : memref<16x42xf32, #tpu.memory_space<vmem>>, vector<1x16xf32>,
      %get3A_841 = vector.shape_cast %get3A_840 : vector<1x16xf32> to vector<16xf32>
      %swap3A_842 = arith.index_cast %add3A_824 : i32 to index
      %swap3A_843 = arith.constant 16 : index
      %swap3A_844 = tpu.vector_load %arg12[%swap3A_842, %swap3A_843] {strides = array<i32>} : memref<512x64xf32, #tpu.memory_space<vmem>>, vector<1x16xf32>,
      %swap3A_845 = vector.shape_cast %swap3A_844 : vector<1x16xf32> to vector<16xf32>
      %swap3A_846 = vector.shape_cast %get3A_841 : vector<16xf32> to vector<1x16xf32>
      tpu.vector_store %arg12[%swap3A_842, %swap3A_843], %swap3A_846 {strides = array<i32>} : memref<512x64xf32, #tpu.memory_space<vmem>>, vector<1x16xf32>,
      %get3A_847 = arith.constant 8 : i32
      %get3A_848 = arith.index_cast %get3A_847 : i32 to index
      %get3A_849 = arith.constant 26 : index
      %get3A_850 = tpu.vector_load %arg10[%get3A_848, %get3A_849] {strides = array<i32>} : memref<16x42xf32, #tpu.memory_space<vmem>>, vector<1x16xf32>,
      %get3A_851 = vector.shape_cast %get3A_850 : vector<1x16xf32> to vector<16xf32>
      %swap3A_852 = arith.index_cast %add3A_824 : i32 to index
      %swap3A_853 = arith.constant 26 : index
      %swap3A_854 = tpu.vector_load %arg12[%swap3A_852, %swap3A_853] {strides = array<i32>} : memref<512x64xf32, #tpu.memory_space<vmem>>, vector<1x16xf32>,
      %swap3A_855 = vector.shape_cast %swap3A_854 : vector<1x16xf32> to vector<16xf32>
      %swap3A_856 = vector.shape_cast %get3A_851 : vector<16xf32> to vector<1x16xf32>
      tpu.vector_store %arg12[%swap3A_852, %swap3A_853], %swap3A_856 {strides = array<i32>} : memref<512x64xf32, #tpu.memory_space<vmem>>, vector<1x16xf32>,
      %get3A_857 = arith.index_cast %squeeze3A_826 : i32 to index
      %get3A_858 = arith.constant 0 : index
      %get3A_859 = tpu.vector_load %arg9[%get3A_857, %get3A_858] {strides = array<i32>} : memref<128x128xf32, #tpu.memory_space<vmem>>, vector<1x16xf32>,
      %get3A_860 = vector.shape_cast %get3A_859 : vector<1x16xf32> to vector<16xf32>
      %swap3A_861 = arith.index_cast %add3A_824 : i32 to index
      %swap3A_862 = arith.constant 42 : index
      %swap3A_863 = tpu.vector_load %arg12[%swap3A_861, %swap3A_862] {strides = array<i32>} : memref<512x64xf32, #tpu.memory_space<vmem>>, vector<1x16xf32>,
      %swap3A_864 = vector.shape_cast %swap3A_863 : vector<1x16xf32> to vector<16xf32>
      %swap3A_865 = vector.shape_cast %get3A_860 : vector<16xf32> to vector<1x16xf32>
      tpu.vector_store %arg12[%swap3A_861, %swap3A_862], %swap3A_865 {strides = array<i32>} : memref<512x64xf32, #tpu.memory_space<vmem>>, vector<1x16xf32>,
      %get3A_866 = arith.index_cast %squeeze3A_826 : i32 to index
      %get3A_867 = arith.constant 6 : index
      %get3A_868 = tpu.vector_load %arg9[%get3A_866, %get3A_867] {strides = array<i32>} : memref<128x128xf32, #tpu.memory_space<vmem>>, vector<1x16xf32>,
      %get3A_869 = vector.shape_cast %get3A_868 : vector<1x16xf32> to vector<16xf32>
      %swap3A_870 = arith.index_cast %add3A_824 : i32 to index
      %swap3A_871 = arith.constant 48 : index
      %swap3A_872 = tpu.vector_load %arg12[%swap3A_870, %swap3A_871] {strides = array<i32>} : memref<512x64xf32, #tpu.memory_space<vmem>>, vector<1x16xf32>,
      %swap3A_873 = vector.shape_cast %swap3A_872 : vector<1x16xf32> to vector<16xf32>
      %swap3A_874 = vector.shape_cast %get3A_869 : vector<16xf32> to vector<1x16xf32>
      tpu.vector_store %arg12[%swap3A_870, %swap3A_871], %swap3A_874 {strides = array<i32>} : memref<512x64xf32, #tpu.memory_space<vmem>>, vector<1x16xf32>,
      %add3A_875 = arith.constant 9 : i32
      %add3A_876 = arith.addi %mul3A_404, %add3A_875 : i32
      %slice3A_877 = vector.extract_strided_slice %get3A_407 {offsets = [9], sizes = [1], strides = [1]} : vector<16xi32> to vector<1xi32>
      %squeeze3A_878 = vector.extract %slice3A_877[0] : i32 from vector<1xi32>
      %get3A_879 = arith.constant 9 : i32
      %get3A_880 = arith.index_cast %get3A_879 : i32 to index
      %get3A_881 = arith.constant 0 : index
      %get3A_882 = tpu.vector_load %arg10[%get3A_880, %get3A_881] {strides = array<i32>} : memref<16x42xf32, #tpu.memory_space<vmem>>, vector<1x16xf32>,
      %get3A_883 = vector.shape_cast %get3A_882 : vector<1x16xf32> to vector<16xf32>
      %swap3A_884 = arith.index_cast %add3A_876 : i32 to index
      %swap3A_885 = arith.constant 0 : index
      %swap3A_886 = tpu.vector_load %arg12[%swap3A_884, %swap3A_885] {strides = array<i32>} : memref<512x64xf32, #tpu.memory_space<vmem>>, vector<1x16xf32>,
      %swap3A_887 = vector.shape_cast %swap3A_886 : vector<1x16xf32> to vector<16xf32>
      %swap3A_888 = vector.shape_cast %get3A_883 : vector<16xf32> to vector<1x16xf32>
      tpu.vector_store %arg12[%swap3A_884, %swap3A_885], %swap3A_888 {strides = array<i32>} : memref<512x64xf32, #tpu.memory_space<vmem>>, vector<1x16xf32>,
      %get3A_889 = arith.constant 9 : i32
      %get3A_890 = arith.index_cast %get3A_889 : i32 to index
      %get3A_891 = arith.constant 16 : index
      %get3A_892 = tpu.vector_load %arg10[%get3A_890, %get3A_891] {strides = array<i32>} : memref<16x42xf32, #tpu.memory_space<vmem>>, vector<1x16xf32>,
      %get3A_893 = vector.shape_cast %get3A_892 : vector<1x16xf32> to vector<16xf32>
      %swap3A_894 = arith.index_cast %add3A_876 : i32 to index
      %swap3A_895 = arith.constant 16 : index
      %swap3A_896 = tpu.vector_load %arg12[%swap3A_894, %swap3A_895] {strides = array<i32>} : memref<512x64xf32, #tpu.memory_space<vmem>>, vector<1x16xf32>,
      %swap3A_897 = vector.shape_cast %swap3A_896 : vector<1x16xf32> to vector<16xf32>
      %swap3A_898 = vector.shape_cast %get3A_893 : vector<16xf32> to vector<1x16xf32>
      tpu.vector_store %arg12[%swap3A_894, %swap3A_895], %swap3A_898 {strides = array<i32>} : memref<512x64xf32, #tpu.memory_space<vmem>>, vector<1x16xf32>,
      %get3A_899 = arith.constant 9 : i32
      %get3A_900 = arith.index_cast %get3A_899 : i32 to index
      %get3A_901 = arith.constant 26 : index
      %get3A_902 = tpu.vector_load %arg10[%get3A_900, %get3A_901] {strides = array<i32>} : memref<16x42xf32, #tpu.memory_space<vmem>>, vector<1x16xf32>,
      %get3A_903 = vector.shape_cast %get3A_902 : vector<1x16xf32> to vector<16xf32>
      %swap3A_904 = arith.index_cast %add3A_876 : i32 to index
      %swap3A_905 = arith.constant 26 : index
      %swap3A_906 = tpu.vector_load %arg12[%swap3A_904, %swap3A_905] {strides = array<i32>} : memref<512x64xf32, #tpu.memory_space<vmem>>, vector<1x16xf32>,
      %swap3A_907 = vector.shape_cast %swap3A_906 : vector<1x16xf32> to vector<16xf32>
      %swap3A_908 = vector.shape_cast %get3A_903 : vector<16xf32> to vector<1x16xf32>
      tpu.vector_store %arg12[%swap3A_904, %swap3A_905], %swap3A_908 {strides = array<i32>} : memref<512x64xf32, #tpu.memory_space<vmem>>, vector<1x16xf32>,
      %get3A_909 = arith.index_cast %squeeze3A_878 : i32 to index
      %get3A_910 = arith.constant 0 : index
      %get3A_911 = tpu.vector_load %arg9[%get3A_909, %get3A_910] {strides = array<i32>} : memref<128x128xf32, #tpu.memory_space<vmem>>, vector<1x16xf32>,
      %get3A_912 = vector.shape_cast %get3A_911 : vector<1x16xf32> to vector<16xf32>
      %swap3A_913 = arith.index_cast %add3A_876 : i32 to index
      %swap3A_914 = arith.constant 42 : index
      %swap3A_915 = tpu.vector_load %arg12[%swap3A_913, %swap3A_914] {strides = array<i32>} : memref<512x64xf32, #tpu.memory_space<vmem>>, vector<1x16xf32>,
      %swap3A_916 = vector.shape_cast %swap3A_915 : vector<1x16xf32> to vector<16xf32>
      %swap3A_917 = vector.shape_cast %get3A_912 : vector<16xf32> to vector<1x16xf32>
      tpu.vector_store %arg12[%swap3A_913, %swap3A_914], %swap3A_917 {strides = array<i32>} : memref<512x64xf32, #tpu.memory_space<vmem>>, vector<1x16xf32>,
      %get3A_918 = arith.index_cast %squeeze3A_878 : i32 to index
      %get3A_919 = arith.constant 6 : index
      %get3A_920 = tpu.vector_load %arg9[%get3A_918, %get3A_919] {strides = array<i32>} : memref<128x128xf32, #tpu.memory_space<vmem>>, vector<1x16xf32>,
      %get3A_921 = vector.shape_cast %get3A_920 : vector<1x16xf32> to vector<16xf32>
      %swap3A_922 = arith.index_cast %add3A_876 : i32 to index
      %swap3A_923 = arith.constant 48 : index
      %swap3A_924 = tpu.vector_load %arg12[%swap3A_922, %swap3A_923] {strides = array<i32>} : memref<512x64xf32, #tpu.memory_space<vmem>>, vector<1x16xf32>,
      %swap3A_925 = vector.shape_cast %swap3A_924 : vector<1x16xf32> to vector<16xf32>
      %swap3A_926 = vector.shape_cast %get3A_921 : vector<16xf32> to vector<1x16xf32>
      tpu.vector_store %arg12[%swap3A_922, %swap3A_923], %swap3A_926 {strides = array<i32>} : memref<512x64xf32, #tpu.memory_space<vmem>>, vector<1x16xf32>,
      %add3A_927 = arith.constant 10 : i32
      %add3A_928 = arith.addi %mul3A_404, %add3A_927 : i32
      %slice3A_929 = vector.extract_strided_slice %get3A_407 {offsets = [10], sizes = [1], strides = [1]} : vector<16xi32> to vector<1xi32>
      %squeeze3A_930 = vector.extract %slice3A_929[0] : i32 from vector<1xi32>
      %get3A_931 = arith.constant 10 : i32
      %get3A_932 = arith.index_cast %get3A_931 : i32 to index
      %get3A_933 = arith.constant 0 : index
      %get3A_934 = tpu.vector_load %arg10[%get3A_932, %get3A_933] {strides = array<i32>} : memref<16x42xf32, #tpu.memory_space<vmem>>, vector<1x16xf32>,
      %get3A_935 = vector.shape_cast %get3A_934 : vector<1x16xf32> to vector<16xf32>
      %swap3A_936 = arith.index_cast %add3A_928 : i32 to index
      %swap3A_937 = arith.constant 0 : index
      %swap3A_938 = tpu.vector_load %arg12[%swap3A_936, %swap3A_937] {strides = array<i32>} : memref<512x64xf32, #tpu.memory_space<vmem>>, vector<1x16xf32>,
      %swap3A_939 = vector.shape_cast %swap3A_938 : vector<1x16xf32> to vector<16xf32>
      %swap3A_940 = vector.shape_cast %get3A_935 : vector<16xf32> to vector<1x16xf32>
      tpu.vector_store %arg12[%swap3A_936, %swap3A_937], %swap3A_940 {strides = array<i32>} : memref<512x64xf32, #tpu.memory_space<vmem>>, vector<1x16xf32>,
      %get3A_941 = arith.constant 10 : i32
      %get3A_942 = arith.index_cast %get3A_941 : i32 to index
      %get3A_943 = arith.constant 16 : index
      %get3A_944 = tpu.vector_load %arg10[%get3A_942, %get3A_943] {strides = array<i32>} : memref<16x42xf32, #tpu.memory_space<vmem>>, vector<1x16xf32>,
      %get3A_945 = vector.shape_cast %get3A_944 : vector<1x16xf32> to vector<16xf32>
      %swap3A_946 = arith.index_cast %add3A_928 : i32 to index
      %swap3A_947 = arith.constant 16 : index
      %swap3A_948 = tpu.vector_load %arg12[%swap3A_946, %swap3A_947] {strides = array<i32>} : memref<512x64xf32, #tpu.memory_space<vmem>>, vector<1x16xf32>,
      %swap3A_949 = vector.shape_cast %swap3A_948 : vector<1x16xf32> to vector<16xf32>
      %swap3A_950 = vector.shape_cast %get3A_945 : vector<16xf32> to vector<1x16xf32>
      tpu.vector_store %arg12[%swap3A_946, %swap3A_947], %swap3A_950 {strides = array<i32>} : memref<512x64xf32, #tpu.memory_space<vmem>>, vector<1x16xf32>,
      %get3A_951 = arith.constant 10 : i32
      %get3A_952 = arith.index_cast %get3A_951 : i32 to index
      %get3A_953 = arith.constant 26 : index
      %get3A_954 = tpu.vector_load %arg10[%get3A_952, %get3A_953] {strides = array<i32>} : memref<16x42xf32, #tpu.memory_space<vmem>>, vector<1x16xf32>,
      %get3A_955 = vector.shape_cast %get3A_954 : vector<1x16xf32> to vector<16xf32>
      %swap3A_956 = arith.index_cast %add3A_928 : i32 to index
      %swap3A_957 = arith.constant 26 : index
      %swap3A_958 = tpu.vector_load %arg12[%swap3A_956, %swap3A_957] {strides = array<i32>} : memref<512x64xf32, #tpu.memory_space<vmem>>, vector<1x16xf32>,
      %swap3A_959 = vector.shape_cast %swap3A_958 : vector<1x16xf32> to vector<16xf32>
      %swap3A_960 = vector.shape_cast %get3A_955 : vector<16xf32> to vector<1x16xf32>
      tpu.vector_store %arg12[%swap3A_956, %swap3A_957], %swap3A_960 {strides = array<i32>} : memref<512x64xf32, #tpu.memory_space<vmem>>, vector<1x16xf32>,
      %get3A_961 = arith.index_cast %squeeze3A_930 : i32 to index
      %get3A_962 = arith.constant 0 : index
      %get3A_963 = tpu.vector_load %arg9[%get3A_961, %get3A_962] {strides = array<i32>} : memref<128x128xf32, #tpu.memory_space<vmem>>, vector<1x16xf32>,
      %get3A_964 = vector.shape_cast %get3A_963 : vector<1x16xf32> to vector<16xf32>
      %swap3A_965 = arith.index_cast %add3A_928 : i32 to index
      %swap3A_966 = arith.constant 42 : index
      %swap3A_967 = tpu.vector_load %arg12[%swap3A_965, %swap3A_966] {strides = array<i32>} : memref<512x64xf32, #tpu.memory_space<vmem>>, vector<1x16xf32>,
      %swap3A_968 = vector.shape_cast %swap3A_967 : vector<1x16xf32> to vector<16xf32>
      %swap3A_969 = vector.shape_cast %get3A_964 : vector<16xf32> to vector<1x16xf32>
      tpu.vector_store %arg12[%swap3A_965, %swap3A_966], %swap3A_969 {strides = array<i32>} : memref<512x64xf32, #tpu.memory_space<vmem>>, vector<1x16xf32>,
      %get3A_970 = arith.index_cast %squeeze3A_930 : i32 to index
      %get3A_971 = arith.constant 6 : index
      %get3A_972 = tpu.vector_load %arg9[%get3A_970, %get3A_971] {strides = array<i32>} : memref<128x128xf32, #tpu.memory_space<vmem>>, vector<1x16xf32>,
      %get3A_973 = vector.shape_cast %get3A_972 : vector<1x16xf32> to vector<16xf32>
      %swap3A_974 = arith.index_cast %add3A_928 : i32 to index
      %swap3A_975 = arith.constant 48 : index
      %swap3A_976 = tpu.vector_load %arg12[%swap3A_974, %swap3A_975] {strides = array<i32>} : memref<512x64xf32, #tpu.memory_space<vmem>>, vector<1x16xf32>,
      %swap3A_977 = vector.shape_cast %swap3A_976 : vector<1x16xf32> to vector<16xf32>
      %swap3A_978 = vector.shape_cast %get3A_973 : vector<16xf32> to vector<1x16xf32>
      tpu.vector_store %arg12[%swap3A_974, %swap3A_975], %swap3A_978 {strides = array<i32>} : memref<512x64xf32, #tpu.memory_space<vmem>>, vector<1x16xf32>,
      %add3A_979 = arith.constant 11 : i32
      %add3A_980 = arith.addi %mul3A_404, %add3A_979 : i32
      %slice3A_981 = vector.extract_strided_slice %get3A_407 {offsets = [11], sizes = [1], strides = [1]} : vector<16xi32> to vector<1xi32>
      %squeeze3A_982 = vector.extract %slice3A_981[0] : i32 from vector<1xi32>
      %get3A_983 = arith.constant 11 : i32
      %get3A_984 = arith.index_cast %get3A_983 : i32 to index
      %get3A_985 = arith.constant 0 : index
      %get3A_986 = tpu.vector_load %arg10[%get3A_984, %get3A_985] {strides = array<i32>} : memref<16x42xf32, #tpu.memory_space<vmem>>, vector<1x16xf32>,
      %get3A_987 = vector.shape_cast %get3A_986 : vector<1x16xf32> to vector<16xf32>
      %swap3A_988 = arith.index_cast %add3A_980 : i32 to index
      %swap3A_989 = arith.constant 0 : index
      %swap3A_990 = tpu.vector_load %arg12[%swap3A_988, %swap3A_989] {strides = array<i32>} : memref<512x64xf32, #tpu.memory_space<vmem>>, vector<1x16xf32>,
      %swap3A_991 = vector.shape_cast %swap3A_990 : vector<1x16xf32> to vector<16xf32>
      %swap3A_992 = vector.shape_cast %get3A_987 : vector<16xf32> to vector<1x16xf32>
      tpu.vector_store %arg12[%swap3A_988, %swap3A_989], %swap3A_992 {strides = array<i32>} : memref<512x64xf32, #tpu.memory_space<vmem>>, vector<1x16xf32>,
      %get3A_993 = arith.constant 11 : i32
      %get3A_994 = arith.index_cast %get3A_993 : i32 to index
      %get3A_995 = arith.constant 16 : index
      %get3A_996 = tpu.vector_load %arg10[%get3A_994, %get3A_995] {strides = array<i32>} : memref<16x42xf32, #tpu.memory_space<vmem>>, vector<1x16xf32>,
      %get3A_997 = vector.shape_cast %get3A_996 : vector<1x16xf32> to vector<16xf32>
      %swap3A_998 = arith.index_cast %add3A_980 : i32 to index
      %swap3A_999 = arith.constant 16 : index
      %swap3A_1000 = tpu.vector_load %arg12[%swap3A_998, %swap3A_999] {strides = array<i32>} : memref<512x64xf32, #tpu.memory_space<vmem>>, vector<1x16xf32>,
      %swap3A_1001 = vector.shape_cast %swap3A_1000 : vector<1x16xf32> to vector<16xf32>
      %swap3A_1002 = vector.shape_cast %get3A_997 : vector<16xf32> to vector<1x16xf32>
      tpu.vector_store %arg12[%swap3A_998, %swap3A_999], %swap3A_1002 {strides = array<i32>} : memref<512x64xf32, #tpu.memory_space<vmem>>, vector<1x16xf32>,
      %get3A_1003 = arith.constant 11 : i32
      %get3A_1004 = arith.index_cast %get3A_1003 : i32 to index
      %get3A_1005 = arith.constant 26 : index
      %get3A_1006 = tpu.vector_load %arg10[%get3A_1004, %get3A_1005] {strides = array<i32>} : memref<16x42xf32, #tpu.memory_space<vmem>>, vector<1x16xf32>,
      %get3A_1007 = vector.shape_cast %get3A_1006 : vector<1x16xf32> to vector<16xf32>
      %swap3A_1008 = arith.index_cast %add3A_980 : i32 to index
      %swap3A_1009 = arith.constant 26 : index
      %swap3A_1010 = tpu.vector_load %arg12[%swap3A_1008, %swap3A_1009] {strides = array<i32>} : memref<512x64xf32, #tpu.memory_space<vmem>>, vector<1x16xf32>,
      %swap3A_1011 = vector.shape_cast %swap3A_1010 : vector<1x16xf32> to vector<16xf32>
      %swap3A_1012 = vector.shape_cast %get3A_1007 : vector<16xf32> to vector<1x16xf32>
      tpu.vector_store %arg12[%swap3A_1008, %swap3A_1009], %swap3A_1012 {strides = array<i32>} : memref<512x64xf32, #tpu.memory_space<vmem>>, vector<1x16xf32>,
      %get3A_1013 = arith.index_cast %squeeze3A_982 : i32 to index
      %get3A_1014 = arith.constant 0 : index
      %get3A_1015 = tpu.vector_load %arg9[%get3A_1013, %get3A_1014] {strides = array<i32>} : memref<128x128xf32, #tpu.memory_space<vmem>>, vector<1x16xf32>,
      %get3A_1016 = vector.shape_cast %get3A_1015 : vector<1x16xf32> to vector<16xf32>
      %swap3A_1017 = arith.index_cast %add3A_980 : i32 to index
      %swap3A_1018 = arith.constant 42 : index
      %swap3A_1019 = tpu.vector_load %arg12[%swap3A_1017, %swap3A_1018] {strides = array<i32>} : memref<512x64xf32, #tpu.memory_space<vmem>>, vector<1x16xf32>,
      %swap3A_1020 = vector.shape_cast %swap3A_1019 : vector<1x16xf32> to vector<16xf32>
      %swap3A_1021 = vector.shape_cast %get3A_1016 : vector<16xf32> to vector<1x16xf32>
      tpu.vector_store %arg12[%swap3A_1017, %swap3A_1018], %swap3A_1021 {strides = array<i32>} : memref<512x64xf32, #tpu.memory_space<vmem>>, vector<1x16xf32>,
      %get3A_1022 = arith.index_cast %squeeze3A_982 : i32 to index
      %get3A_1023 = arith.constant 6 : index
      %get3A_1024 = tpu.vector_load %arg9[%get3A_1022, %get3A_1023] {strides = array<i32>} : memref<128x128xf32, #tpu.memory_space<vmem>>, vector<1x16xf32>,
      %get3A_1025 = vector.shape_cast %get3A_1024 : vector<1x16xf32> to vector<16xf32>
      %swap3A_1026 = arith.index_cast %add3A_980 : i32 to index
      %swap3A_1027 = arith.constant 48 : index
      %swap3A_1028 = tpu.vector_load %arg12[%swap3A_1026, %swap3A_1027] {strides = array<i32>} : memref<512x64xf32, #tpu.memory_space<vmem>>, vector<1x16xf32>,
      %swap3A_1029 = vector.shape_cast %swap3A_1028 : vector<1x16xf32> to vector<16xf32>
      %swap3A_1030 = vector.shape_cast %get3A_1025 : vector<16xf32> to vector<1x16xf32>
      tpu.vector_store %arg12[%swap3A_1026, %swap3A_1027], %swap3A_1030 {strides = array<i32>} : memref<512x64xf32, #tpu.memory_space<vmem>>, vector<1x16xf32>,
      %add3A_1031 = arith.constant 12 : i32
      %add3A_1032 = arith.addi %mul3A_404, %add3A_1031 : i32
      %slice3A_1033 = vector.extract_strided_slice %get3A_407 {offsets = [12], sizes = [1], strides = [1]} : vector<16xi32> to vector<1xi32>
      %squeeze3A_1034 = vector.extract %slice3A_1033[0] : i32 from vector<1xi32>
      %get3A_1035 = arith.constant 12 : i32
      %get3A_1036 = arith.index_cast %get3A_1035 : i32 to index
      %get3A_1037 = arith.constant 0 : index
      %get3A_1038 = tpu.vector_load %arg10[%get3A_1036, %get3A_1037] {strides = array<i32>} : memref<16x42xf32, #tpu.memory_space<vmem>>, vector<1x16xf32>,
      %get3A_1039 = vector.shape_cast %get3A_1038 : vector<1x16xf32> to vector<16xf32>
      %swap3A_1040 = arith.index_cast %add3A_1032 : i32 to index
      %swap3A_1041 = arith.constant 0 : index
      %swap3A_1042 = tpu.vector_load %arg12[%swap3A_1040, %swap3A_1041] {strides = array<i32>} : memref<512x64xf32, #tpu.memory_space<vmem>>, vector<1x16xf32>,
      %swap3A_1043 = vector.shape_cast %swap3A_1042 : vector<1x16xf32> to vector<16xf32>
      %swap3A_1044 = vector.shape_cast %get3A_1039 : vector<16xf32> to vector<1x16xf32>
      tpu.vector_store %arg12[%swap3A_1040, %swap3A_1041], %swap3A_1044 {strides = array<i32>} : memref<512x64xf32, #tpu.memory_space<vmem>>, vector<1x16xf32>,
      %get3A_1045 = arith.constant 12 : i32
      %get3A_1046 = arith.index_cast %get3A_1045 : i32 to index
      %get3A_1047 = arith.constant 16 : index
      %get3A_1048 = tpu.vector_load %arg10[%get3A_1046, %get3A_1047] {strides = array<i32>} : memref<16x42xf32, #tpu.memory_space<vmem>>, vector<1x16xf32>,
      %get3A_1049 = vector.shape_cast %get3A_1048 : vector<1x16xf32> to vector<16xf32>
      %swap3A_1050 = arith.index_cast %add3A_1032 : i32 to index
      %swap3A_1051 = arith.constant 16 : index
      %swap3A_1052 = tpu.vector_load %arg12[%swap3A_1050, %swap3A_1051] {strides = array<i32>} : memref<512x64xf32, #tpu.memory_space<vmem>>, vector<1x16xf32>,
      %swap3A_1053 = vector.shape_cast %swap3A_1052 : vector<1x16xf32> to vector<16xf32>
      %swap3A_1054 = vector.shape_cast %get3A_1049 : vector<16xf32> to vector<1x16xf32>
      tpu.vector_store %arg12[%swap3A_1050, %swap3A_1051], %swap3A_1054 {strides = array<i32>} : memref<512x64xf32, #tpu.memory_space<vmem>>, vector<1x16xf32>,
      %get3A_1055 = arith.constant 12 : i32
      %get3A_1056 = arith.index_cast %get3A_1055 : i32 to index
      %get3A_1057 = arith.constant 26 : index
      %get3A_1058 = tpu.vector_load %arg10[%get3A_1056, %get3A_1057] {strides = array<i32>} : memref<16x42xf32, #tpu.memory_space<vmem>>, vector<1x16xf32>,
      %get3A_1059 = vector.shape_cast %get3A_1058 : vector<1x16xf32> to vector<16xf32>
      %swap3A_1060 = arith.index_cast %add3A_1032 : i32 to index
      %swap3A_1061 = arith.constant 26 : index
      %swap3A_1062 = tpu.vector_load %arg12[%swap3A_1060, %swap3A_1061] {strides = array<i32>} : memref<512x64xf32, #tpu.memory_space<vmem>>, vector<1x16xf32>,
      %swap3A_1063 = vector.shape_cast %swap3A_1062 : vector<1x16xf32> to vector<16xf32>
      %swap3A_1064 = vector.shape_cast %get3A_1059 : vector<16xf32> to vector<1x16xf32>
      tpu.vector_store %arg12[%swap3A_1060, %swap3A_1061], %swap3A_1064 {strides = array<i32>} : memref<512x64xf32, #tpu.memory_space<vmem>>, vector<1x16xf32>,
      %get3A_1065 = arith.index_cast %squeeze3A_1034 : i32 to index
      %get3A_1066 = arith.constant 0 : index
      %get3A_1067 = tpu.vector_load %arg9[%get3A_1065, %get3A_1066] {strides = array<i32>} : memref<128x128xf32, #tpu.memory_space<vmem>>, vector<1x16xf32>,
      %get3A_1068 = vector.shape_cast %get3A_1067 : vector<1x16xf32> to vector<16xf32>
      %swap3A_1069 = arith.index_cast %add3A_1032 : i32 to index
      %swap3A_1070 = arith.constant 42 : index
      %swap3A_1071 = tpu.vector_load %arg12[%swap3A_1069, %swap3A_1070] {strides = array<i32>} : memref<512x64xf32, #tpu.memory_space<vmem>>, vector<1x16xf32>,
      %swap3A_1072 = vector.shape_cast %swap3A_1071 : vector<1x16xf32> to vector<16xf32>
      %swap3A_1073 = vector.shape_cast %get3A_1068 : vector<16xf32> to vector<1x16xf32>
      tpu.vector_store %arg12[%swap3A_1069, %swap3A_1070], %swap3A_1073 {strides = array<i32>} : memref<512x64xf32, #tpu.memory_space<vmem>>, vector<1x16xf32>,
      %get3A_1074 = arith.index_cast %squeeze3A_1034 : i32 to index
      %get3A_1075 = arith.constant 6 : index
      %get3A_1076 = tpu.vector_load %arg9[%get3A_1074, %get3A_1075] {strides = array<i32>} : memref<128x128xf32, #tpu.memory_space<vmem>>, vector<1x16xf32>,
      %get3A_1077 = vector.shape_cast %get3A_1076 : vector<1x16xf32> to vector<16xf32>
      %swap3A_1078 = arith.index_cast %add3A_1032 : i32 to index
      %swap3A_1079 = arith.constant 48 : index
      %swap3A_1080 = tpu.vector_load %arg12[%swap3A_1078, %swap3A_1079] {strides = array<i32>} : memref<512x64xf32, #tpu.memory_space<vmem>>, vector<1x16xf32>,
      %swap3A_1081 = vector.shape_cast %swap3A_1080 : vector<1x16xf32> to vector<16xf32>
      %swap3A_1082 = vector.shape_cast %get3A_1077 : vector<16xf32> to vector<1x16xf32>
      tpu.vector_store %arg12[%swap3A_1078, %swap3A_1079], %swap3A_1082 {strides = array<i32>} : memref<512x64xf32, #tpu.memory_space<vmem>>, vector<1x16xf32>,
      %add3A_1083 = arith.constant 13 : i32
      %add3A_1084 = arith.addi %mul3A_404, %add3A_1083 : i32
      %slice3A_1085 = vector.extract_strided_slice %get3A_407 {offsets = [13], sizes = [1], strides = [1]} : vector<16xi32> to vector<1xi32>
      %squeeze3A_1086 = vector.extract %slice3A_1085[0] : i32 from vector<1xi32>
      %get3A_1087 = arith.constant 13 : i32
      %get3A_1088 = arith.index_cast %get3A_1087 : i32 to index
      %get3A_1089 = arith.constant 0 : index
      %get3A_1090 = tpu.vector_load %arg10[%get3A_1088, %get3A_1089] {strides = array<i32>} : memref<16x42xf32, #tpu.memory_space<vmem>>, vector<1x16xf32>,
      %get3A_1091 = vector.shape_cast %get3A_1090 : vector<1x16xf32> to vector<16xf32>
      %swap3A_1092 = arith.index_cast %add3A_1084 : i32 to index
      %swap3A_1093 = arith.constant 0 : index
      %swap3A_1094 = tpu.vector_load %arg12[%swap3A_1092, %swap3A_1093] {strides = array<i32>} : memref<512x64xf32, #tpu.memory_space<vmem>>, vector<1x16xf32>,
      %swap3A_1095 = vector.shape_cast %swap3A_1094 : vector<1x16xf32> to vector<16xf32>
      %swap3A_1096 = vector.shape_cast %get3A_1091 : vector<16xf32> to vector<1x16xf32>
      tpu.vector_store %arg12[%swap3A_1092, %swap3A_1093], %swap3A_1096 {strides = array<i32>} : memref<512x64xf32, #tpu.memory_space<vmem>>, vector<1x16xf32>,
      %get3A_1097 = arith.constant 13 : i32
      %get3A_1098 = arith.index_cast %get3A_1097 : i32 to index
      %get3A_1099 = arith.constant 16 : index
      %get3A_1100 = tpu.vector_load %arg10[%get3A_1098, %get3A_1099] {strides = array<i32>} : memref<16x42xf32, #tpu.memory_space<vmem>>, vector<1x16xf32>,
      %get3A_1101 = vector.shape_cast %get3A_1100 : vector<1x16xf32> to vector<16xf32>
      %swap3A_1102 = arith.index_cast %add3A_1084 : i32 to index
      %swap3A_1103 = arith.constant 16 : index
      %swap3A_1104 = tpu.vector_load %arg12[%swap3A_1102, %swap3A_1103] {strides = array<i32>} : memref<512x64xf32, #tpu.memory_space<vmem>>, vector<1x16xf32>,
      %swap3A_1105 = vector.shape_cast %swap3A_1104 : vector<1x16xf32> to vector<16xf32>
      %swap3A_1106 = vector.shape_cast %get3A_1101 : vector<16xf32> to vector<1x16xf32>
      tpu.vector_store %arg12[%swap3A_1102, %swap3A_1103], %swap3A_1106 {strides = array<i32>} : memref<512x64xf32, #tpu.memory_space<vmem>>, vector<1x16xf32>,
      %get3A_1107 = arith.constant 13 : i32
      %get3A_1108 = arith.index_cast %get3A_1107 : i32 to index
      %get3A_1109 = arith.constant 26 : index
      %get3A_1110 = tpu.vector_load %arg10[%get3A_1108, %get3A_1109] {strides = array<i32>} : memref<16x42xf32, #tpu.memory_space<vmem>>, vector<1x16xf32>,
      %get3A_1111 = vector.shape_cast %get3A_1110 : vector<1x16xf32> to vector<16xf32>
      %swap3A_1112 = arith.index_cast %add3A_1084 : i32 to index
      %swap3A_1113 = arith.constant 26 : index
      %swap3A_1114 = tpu.vector_load %arg12[%swap3A_1112, %swap3A_1113] {strides = array<i32>} : memref<512x64xf32, #tpu.memory_space<vmem>>, vector<1x16xf32>,
      %swap3A_1115 = vector.shape_cast %swap3A_1114 : vector<1x16xf32> to vector<16xf32>
      %swap3A_1116 = vector.shape_cast %get3A_1111 : vector<16xf32> to vector<1x16xf32>
      tpu.vector_store %arg12[%swap3A_1112, %swap3A_1113], %swap3A_1116 {strides = array<i32>} : memref<512x64xf32, #tpu.memory_space<vmem>>, vector<1x16xf32>,
      %get3A_1117 = arith.index_cast %squeeze3A_1086 : i32 to index
      %get3A_1118 = arith.constant 0 : index
      %get3A_1119 = tpu.vector_load %arg9[%get3A_1117, %get3A_1118] {strides = array<i32>} : memref<128x128xf32, #tpu.memory_space<vmem>>, vector<1x16xf32>,
      %get3A_1120 = vector.shape_cast %get3A_1119 : vector<1x16xf32> to vector<16xf32>
      %swap3A_1121 = arith.index_cast %add3A_1084 : i32 to index
      %swap3A_1122 = arith.constant 42 : index
      %swap3A_1123 = tpu.vector_load %arg12[%swap3A_1121, %swap3A_1122] {strides = array<i32>} : memref<512x64xf32, #tpu.memory_space<vmem>>, vector<1x16xf32>,
      %swap3A_1124 = vector.shape_cast %swap3A_1123 : vector<1x16xf32> to vector<16xf32>
      %swap3A_1125 = vector.shape_cast %get3A_1120 : vector<16xf32> to vector<1x16xf32>
      tpu.vector_store %arg12[%swap3A_1121, %swap3A_1122], %swap3A_1125 {strides = array<i32>} : memref<512x64xf32, #tpu.memory_space<vmem>>, vector<1x16xf32>,
      %get3A_1126 = arith.index_cast %squeeze3A_1086 : i32 to index
      %get3A_1127 = arith.constant 6 : index
      %get3A_1128 = tpu.vector_load %arg9[%get3A_1126, %get3A_1127] {strides = array<i32>} : memref<128x128xf32, #tpu.memory_space<vmem>>, vector<1x16xf32>,
      %get3A_1129 = vector.shape_cast %get3A_1128 : vector<1x16xf32> to vector<16xf32>
      %swap3A_1130 = arith.index_cast %add3A_1084 : i32 to index
      %swap3A_1131 = arith.constant 48 : index
      %swap3A_1132 = tpu.vector_load %arg12[%swap3A_1130, %swap3A_1131] {strides = array<i32>} : memref<512x64xf32, #tpu.memory_space<vmem>>, vector<1x16xf32>,
      %swap3A_1133 = vector.shape_cast %swap3A_1132 : vector<1x16xf32> to vector<16xf32>
      %swap3A_1134 = vector.shape_cast %get3A_1129 : vector<16xf32> to vector<1x16xf32>
      tpu.vector_store %arg12[%swap3A_1130, %swap3A_1131], %swap3A_1134 {strides = array<i32>} : memref<512x64xf32, #tpu.memory_space<vmem>>, vector<1x16xf32>,
      %add3A_1135 = arith.constant 14 : i32
      %add3A_1136 = arith.addi %mul3A_404, %add3A_1135 : i32
      %slice3A_1137 = vector.extract_strided_slice %get3A_407 {offsets = [14], sizes = [1], strides = [1]} : vector<16xi32> to vector<1xi32>
      %squeeze3A_1138 = vector.extract %slice3A_1137[0] : i32 from vector<1xi32>
      %get3A_1139 = arith.constant 14 : i32
      %get3A_1140 = arith.index_cast %get3A_1139 : i32 to index
      %get3A_1141 = arith.constant 0 : index
      %get3A_1142 = tpu.vector_load %arg10[%get3A_1140, %get3A_1141] {strides = array<i32>} : memref<16x42xf32, #tpu.memory_space<vmem>>, vector<1x16xf32>,
      %get3A_1143 = vector.shape_cast %get3A_1142 : vector<1x16xf32> to vector<16xf32>
      %swap3A_1144 = arith.index_cast %add3A_1136 : i32 to index
      %swap3A_1145 = arith.constant 0 : index
      %swap3A_1146 = tpu.vector_load %arg12[%swap3A_1144, %swap3A_1145] {strides = array<i32>} : memref<512x64xf32, #tpu.memory_space<vmem>>, vector<1x16xf32>,
      %swap3A_1147 = vector.shape_cast %swap3A_1146 : vector<1x16xf32> to vector<16xf32>
      %swap3A_1148 = vector.shape_cast %get3A_1143 : vector<16xf32> to vector<1x16xf32>
      tpu.vector_store %arg12[%swap3A_1144, %swap3A_1145], %swap3A_1148 {strides = array<i32>} : memref<512x64xf32, #tpu.memory_space<vmem>>, vector<1x16xf32>,
      %get3A_1149 = arith.constant 14 : i32
      %get3A_1150 = arith.index_cast %get3A_1149 : i32 to index
      %get3A_1151 = arith.constant 16 : index
      %get3A_1152 = tpu.vector_load %arg10[%get3A_1150, %get3A_1151] {strides = array<i32>} : memref<16x42xf32, #tpu.memory_space<vmem>>, vector<1x16xf32>,
      %get3A_1153 = vector.shape_cast %get3A_1152 : vector<1x16xf32> to vector<16xf32>
      %swap3A_1154 = arith.index_cast %add3A_1136 : i32 to index
      %swap3A_1155 = arith.constant 16 : index
      %swap3A_1156 = tpu.vector_load %arg12[%swap3A_1154, %swap3A_1155] {strides = array<i32>} : memref<512x64xf32, #tpu.memory_space<vmem>>, vector<1x16xf32>,
      %swap3A_1157 = vector.shape_cast %swap3A_1156 : vector<1x16xf32> to vector<16xf32>
      %swap3A_1158 = vector.shape_cast %get3A_1153 : vector<16xf32> to vector<1x16xf32>
      tpu.vector_store %arg12[%swap3A_1154, %swap3A_1155], %swap3A_1158 {strides = array<i32>} : memref<512x64xf32, #tpu.memory_space<vmem>>, vector<1x16xf32>,
      %get3A_1159 = arith.constant 14 : i32
      %get3A_1160 = arith.index_cast %get3A_1159 : i32 to index
      %get3A_1161 = arith.constant 26 : index
      %get3A_1162 = tpu.vector_load %arg10[%get3A_1160, %get3A_1161] {strides = array<i32>} : memref<16x42xf32, #tpu.memory_space<vmem>>, vector<1x16xf32>,
      %get3A_1163 = vector.shape_cast %get3A_1162 : vector<1x16xf32> to vector<16xf32>
      %swap3A_1164 = arith.index_cast %add3A_1136 : i32 to index
      %swap3A_1165 = arith.constant 26 : index
      %swap3A_1166 = tpu.vector_load %arg12[%swap3A_1164, %swap3A_1165] {strides = array<i32>} : memref<512x64xf32, #tpu.memory_space<vmem>>, vector<1x16xf32>,
      %swap3A_1167 = vector.shape_cast %swap3A_1166 : vector<1x16xf32> to vector<16xf32>
      %swap3A_1168 = vector.shape_cast %get3A_1163 : vector<16xf32> to vector<1x16xf32>
      tpu.vector_store %arg12[%swap3A_1164, %swap3A_1165], %swap3A_1168 {strides = array<i32>} : memref<512x64xf32, #tpu.memory_space<vmem>>, vector<1x16xf32>,
      %get3A_1169 = arith.index_cast %squeeze3A_1138 : i32 to index
      %get3A_1170 = arith.constant 0 : index
      %get3A_1171 = tpu.vector_load %arg9[%get3A_1169, %get3A_1170] {strides = array<i32>} : memref<128x128xf32, #tpu.memory_space<vmem>>, vector<1x16xf32>,
      %get3A_1172 = vector.shape_cast %get3A_1171 : vector<1x16xf32> to vector<16xf32>
      %swap3A_1173 = arith.index_cast %add3A_1136 : i32 to index
      %swap3A_1174 = arith.constant 42 : index
      %swap3A_1175 = tpu.vector_load %arg12[%swap3A_1173, %swap3A_1174] {strides = array<i32>} : memref<512x64xf32, #tpu.memory_space<vmem>>, vector<1x16xf32>,
      %swap3A_1176 = vector.shape_cast %swap3A_1175 : vector<1x16xf32> to vector<16xf32>
      %swap3A_1177 = vector.shape_cast %get3A_1172 : vector<16xf32> to vector<1x16xf32>
      tpu.vector_store %arg12[%swap3A_1173, %swap3A_1174], %swap3A_1177 {strides = array<i32>} : memref<512x64xf32, #tpu.memory_space<vmem>>, vector<1x16xf32>,
      %get3A_1178 = arith.index_cast %squeeze3A_1138 : i32 to index
      %get3A_1179 = arith.constant 6 : index
      %get3A_1180 = tpu.vector_load %arg9[%get3A_1178, %get3A_1179] {strides = array<i32>} : memref<128x128xf32, #tpu.memory_space<vmem>>, vector<1x16xf32>,
      %get3A_1181 = vector.shape_cast %get3A_1180 : vector<1x16xf32> to vector<16xf32>
      %swap3A_1182 = arith.index_cast %add3A_1136 : i32 to index
      %swap3A_1183 = arith.constant 48 : index
      %swap3A_1184 = tpu.vector_load %arg12[%swap3A_1182, %swap3A_1183] {strides = array<i32>} : memref<512x64xf32, #tpu.memory_space<vmem>>, vector<1x16xf32>,
      %swap3A_1185 = vector.shape_cast %swap3A_1184 : vector<1x16xf32> to vector<16xf32>
      %swap3A_1186 = vector.shape_cast %get3A_1181 : vector<16xf32> to vector<1x16xf32>
      tpu.vector_store %arg12[%swap3A_1182, %swap3A_1183], %swap3A_1186 {strides = array<i32>} : memref<512x64xf32, #tpu.memory_space<vmem>>, vector<1x16xf32>,
      %add3A_1187 = arith.constant 15 : i32
      %add3A_1188 = arith.addi %mul3A_404, %add3A_1187 : i32
      %slice3A_1189 = vector.extract_strided_slice %get3A_407 {offsets = [15], sizes = [1], strides = [1]} : vector<16xi32> to vector<1xi32>
      %squeeze3A_1190 = vector.extract %slice3A_1189[0] : i32 from vector<1xi32>
      %get3A_1191 = arith.constant 15 : i32
      %get3A_1192 = arith.index_cast %get3A_1191 : i32 to index
      %get3A_1193 = arith.constant 0 : index
      %get3A_1194 = tpu.vector_load %arg10[%get3A_1192, %get3A_1193] {strides = array<i32>} : memref<16x42xf32, #tpu.memory_space<vmem>>, vector<1x16xf32>,
      %get3A_1195 = vector.shape_cast %get3A_1194 : vector<1x16xf32> to vector<16xf32>
      %swap3A_1196 = arith.index_cast %add3A_1188 : i32 to index
      %swap3A_1197 = arith.constant 0 : index
      %swap3A_1198 = tpu.vector_load %arg12[%swap3A_1196, %swap3A_1197] {strides = array<i32>} : memref<512x64xf32, #tpu.memory_space<vmem>>, vector<1x16xf32>,
      %swap3A_1199 = vector.shape_cast %swap3A_1198 : vector<1x16xf32> to vector<16xf32>
      %swap3A_1200 = vector.shape_cast %get3A_1195 : vector<16xf32> to vector<1x16xf32>
      tpu.vector_store %arg12[%swap3A_1196, %swap3A_1197], %swap3A_1200 {strides = array<i32>} : memref<512x64xf32, #tpu.memory_space<vmem>>, vector<1x16xf32>,
      %get3A_1201 = arith.constant 15 : i32
      %get3A_1202 = arith.index_cast %get3A_1201 : i32 to index
      %get3A_1203 = arith.constant 16 : index
      %get3A_1204 = tpu.vector_load %arg10[%get3A_1202, %get3A_1203] {strides = array<i32>} : memref<16x42xf32, #tpu.memory_space<vmem>>, vector<1x16xf32>,
      %get3A_1205 = vector.shape_cast %get3A_1204 : vector<1x16xf32> to vector<16xf32>
      %swap3A_1206 = arith.index_cast %add3A_1188 : i32 to index
      %swap3A_1207 = arith.constant 16 : index
      %swap3A_1208 = tpu.vector_load %arg12[%swap3A_1206, %swap3A_1207] {strides = array<i32>} : memref<512x64xf32, #tpu.memory_space<vmem>>, vector<1x16xf32>,
      %swap3A_1209 = vector.shape_cast %swap3A_1208 : vector<1x16xf32> to vector<16xf32>
      %swap3A_1210 = vector.shape_cast %get3A_1205 : vector<16xf32> to vector<1x16xf32>
      tpu.vector_store %arg12[%swap3A_1206, %swap3A_1207], %swap3A_1210 {strides = array<i32>} : memref<512x64xf32, #tpu.memory_space<vmem>>, vector<1x16xf32>,
      %get3A_1211 = arith.constant 15 : i32
      %get3A_1212 = arith.index_cast %get3A_1211 : i32 to index
      %get3A_1213 = arith.constant 26 : index
      %get3A_1214 = tpu.vector_load %arg10[%get3A_1212, %get3A_1213] {strides = array<i32>} : memref<16x42xf32, #tpu.memory_space<vmem>>, vector<1x16xf32>,
      %get3A_1215 = vector.shape_cast %get3A_1214 : vector<1x16xf32> to vector<16xf32>
      %swap3A_1216 = arith.index_cast %add3A_1188 : i32 to index
      %swap3A_1217 = arith.constant 26 : index
      %swap3A_1218 = tpu.vector_load %arg12[%swap3A_1216, %swap3A_1217] {strides = array<i32>} : memref<512x64xf32, #tpu.memory_space<vmem>>, vector<1x16xf32>,
      %swap3A_1219 = vector.shape_cast %swap3A_1218 : vector<1x16xf32> to vector<16xf32>
      %swap3A_1220 = vector.shape_cast %get3A_1215 : vector<16xf32> to vector<1x16xf32>
      tpu.vector_store %arg12[%swap3A_1216, %swap3A_1217], %swap3A_1220 {strides = array<i32>} : memref<512x64xf32, #tpu.memory_space<vmem>>, vector<1x16xf32>,
      %get3A_1221 = arith.index_cast %squeeze3A_1190 : i32 to index
      %get3A_1222 = arith.constant 0 : index
      %get3A_1223 = tpu.vector_load %arg9[%get3A_1221, %get3A_1222] {strides = array<i32>} : memref<128x128xf32, #tpu.memory_space<vmem>>, vector<1x16xf32>,
      %get3A_1224 = vector.shape_cast %get3A_1223 : vector<1x16xf32> to vector<16xf32>
      %swap3A_1225 = arith.index_cast %add3A_1188 : i32 to index
      %swap3A_1226 = arith.constant 42 : index
      %swap3A_1227 = tpu.vector_load %arg12[%swap3A_1225, %swap3A_1226] {strides = array<i32>} : memref<512x64xf32, #tpu.memory_space<vmem>>, vector<1x16xf32>,
      %swap3A_1228 = vector.shape_cast %swap3A_1227 : vector<1x16xf32> to vector<16xf32>
      %swap3A_1229 = vector.shape_cast %get3A_1224 : vector<16xf32> to vector<1x16xf32>
      tpu.vector_store %arg12[%swap3A_1225, %swap3A_1226], %swap3A_1229 {strides = array<i32>} : memref<512x64xf32, #tpu.memory_space<vmem>>, vector<1x16xf32>,
      %get3A_1230 = arith.index_cast %squeeze3A_1190 : i32 to index
      %get3A_1231 = arith.constant 6 : index
      %get3A_1232 = tpu.vector_load %arg9[%get3A_1230, %get3A_1231] {strides = array<i32>} : memref<128x128xf32, #tpu.memory_space<vmem>>, vector<1x16xf32>,
      %get3A_1233 = vector.shape_cast %get3A_1232 : vector<1x16xf32> to vector<16xf32>
      %swap3A_1234 = arith.index_cast %add3A_1188 : i32 to index
      %swap3A_1235 = arith.constant 48 : index
      %swap3A_1236 = tpu.vector_load %arg12[%swap3A_1234, %swap3A_1235] {strides = array<i32>} : memref<512x64xf32, #tpu.memory_space<vmem>>, vector<1x16xf32>,
      %swap3A_1237 = vector.shape_cast %swap3A_1236 : vector<1x16xf32> to vector<16xf32>
      %swap3A_1238 = vector.shape_cast %get3A_1233 : vector<16xf32> to vector<1x16xf32>
      tpu.vector_store %arg12[%swap3A_1234, %swap3A_1235], %swap3A_1238 {strides = array<i32>} : memref<512x64xf32, #tpu.memory_space<vmem>>, vector<1x16xf32>,
      %add3A_1239 = arith.constant 2 : i32
      %add3A_1240 = arith.addi %add3A_397, %add3A_1239 : i32
      %lt3A = arith.constant 32 : i32
      %lt3A_1241 = arith.cmpi slt, %add3A_1240, %lt3A : i32
      %convert_element_type3A = arith.extui %lt3A_1241 : i1 to i32
      %cond3A = arith.constant 0 : i32
      %cond3A_1242 = arith.cmpi ne, %convert_element_type3A, %cond3A : i32
      scf.if %cond3A_1242 {
        %add3A_2097 = arith.constant 2 : i32
        %add3A_2098 = arith.addi %add3A_397, %add3A_2097 : i32
        %mul3A_2099 = arith.constant 16 : i32
        %mul3A_2100 = arith.muli %add3A_2098, %mul3A_2099 : i32
        %get3A_2101 = arith.index_cast %mul3A_2100 : i32 to index
        %get3A_2102 = tpu.vector_load %arg7[%get3A_2101] {strides = array<i32>} : memref<512xi32, #tpu.memory_space<vmem>>, vector<16xi32>,
        %get3A_2103 = vector.shape_cast %get3A_2102 : vector<16xi32> to vector<16xi32>
        %slice3A_2104 = vector.extract_strided_slice %get3A_2103 {offsets = [0], sizes = [1], strides = [1]} : vector<16xi32> to vector<1xi32>
        %squeeze3A_2105 = vector.extract %slice3A_2104[0] : i32 from vector<1xi32>
        %dma_start3A_2106 = arith.constant 0 : i32
        %dma_start3A_2107 = arith.constant 0 : i32
        %dma_start3A_2108 = tpu.memref_slice %arg10[%dma_start3A_2106, %dma_start3A_2107] : memref<16x42xf32, #tpu.memory_space<vmem>> -> memref<1x42xf32, #tpu.memory_space<vmem>>
        %dma_start3A_2109 = arith.constant 0 : i32
        %dma_start3A_2110 = tpu.memref_slice %arg4[%squeeze3A_2105, %dma_start3A_2109] : memref<1000000x42xf32, #tpu.memory_space<hbm>> -> memref<1x42xf32, #tpu.memory_space<hbm>>
        %dma_start3A_2111 = arith.constant 0 : i32
        %dma_start3A_2112 = arith.constant 0 : i32
        %dma_start3A_2113 = tpu.memref_slice %arg10[%dma_start3A_2111, %dma_start3A_2112] : memref<16x42xf32, #tpu.memory_space<vmem>> -> memref<1x42xf32, #tpu.memory_space<vmem>>
        %dma_start3A_2114 = arith.constant 0 : i32
        %dma_start3A_2115 = tpu.memref_slice %arg4[%squeeze3A_2105, %dma_start3A_2114] : memref<1000000x42xf32, #tpu.memory_space<hbm>> -> memref<1x42xf32, #tpu.memory_space<hbm>>
        tpu.enqueue_dma source(%dma_start3A_2115 : memref<1x42xf32, #tpu.memory_space<hbm>>) target(%dma_start3A_2113 : memref<1x42xf32, #tpu.memory_space<vmem>>) target_semaphore(%arg13 : memref<!tpu.dma_semaphore, #tpu.memory_space<semaphore_mem>>)
        %slice3A_2116 = vector.extract_strided_slice %get3A_2103 {offsets = [1], sizes = [1], strides = [1]} : vector<16xi32> to vector<1xi32>
        %squeeze3A_2117 = vector.extract %slice3A_2116[0] : i32 from vector<1xi32>
        %dma_start3A_2118 = arith.constant 1 : i32
        %dma_start3A_2119 = arith.constant 0 : i32
        %dma_start3A_2120 = tpu.memref_slice %arg10[%dma_start3A_2118, %dma_start3A_2119] : memref<16x42xf32, #tpu.memory_space<vmem>> -> memref<1x42xf32, #tpu.memory_space<vmem>>
        %dma_start3A_2121 = arith.constant 0 : i32
        %dma_start3A_2122 = tpu.memref_slice %arg4[%squeeze3A_2117, %dma_start3A_2121] : memref<1000000x42xf32, #tpu.memory_space<hbm>> -> memref<1x42xf32, #tpu.memory_space<hbm>>
        %dma_start3A_2123 = arith.constant 1 : i32
        %dma_start3A_2124 = arith.constant 0 : i32
        %dma_start3A_2125 = tpu.memref_slice %arg10[%dma_start3A_2123, %dma_start3A_2124] : memref<16x42xf32, #tpu.memory_space<vmem>> -> memref<1x42xf32, #tpu.memory_space<vmem>>
        %dma_start3A_2126 = arith.constant 0 : i32
        %dma_start3A_2127 = tpu.memref_slice %arg4[%squeeze3A_2117, %dma_start3A_2126] : memref<1000000x42xf32, #tpu.memory_space<hbm>> -> memref<1x42xf32, #tpu.memory_space<hbm>>
        tpu.enqueue_dma source(%dma_start3A_2127 : memref<1x42xf32, #tpu.memory_space<hbm>>) target(%dma_start3A_2125 : memref<1x42xf32, #tpu.memory_space<vmem>>) target_semaphore(%arg13 : memref<!tpu.dma_semaphore, #tpu.memory_space<semaphore_mem>>)
        %slice3A_2128 = vector.extract_strided_slice %get3A_2103 {offsets = [2], sizes = [1], strides = [1]} : vector<16xi32> to vector<1xi32>
        %squeeze3A_2129 = vector.extract %slice3A_2128[0] : i32 from vector<1xi32>
        %dma_start3A_2130 = arith.constant 2 : i32
        %dma_start3A_2131 = arith.constant 0 : i32
        %dma_start3A_2132 = tpu.memref_slice %arg10[%dma_start3A_2130, %dma_start3A_2131] : memref<16x42xf32, #tpu.memory_space<vmem>> -> memref<1x42xf32, #tpu.memory_space<vmem>>
        %dma_start3A_2133 = arith.constant 0 : i32
        %dma_start3A_2134 = tpu.memref_slice %arg4[%squeeze3A_2129, %dma_start3A_2133] : memref<1000000x42xf32, #tpu.memory_space<hbm>> -> memref<1x42xf32, #tpu.memory_space<hbm>>
        %dma_start3A_2135 = arith.constant 2 : i32
        %dma_start3A_2136 = arith.constant 0 : i32
        %dma_start3A_2137 = tpu.memref_slice %arg10[%dma_start3A_2135, %dma_start3A_2136] : memref<16x42xf32, #tpu.memory_space<vmem>> -> memref<1x42xf32, #tpu.memory_space<vmem>>
        %dma_start3A_2138 = arith.constant 0 : i32
        %dma_start3A_2139 = tpu.memref_slice %arg4[%squeeze3A_2129, %dma_start3A_2138] : memref<1000000x42xf32, #tpu.memory_space<hbm>> -> memref<1x42xf32, #tpu.memory_space<hbm>>
        tpu.enqueue_dma source(%dma_start3A_2139 : memref<1x42xf32, #tpu.memory_space<hbm>>) target(%dma_start3A_2137 : memref<1x42xf32, #tpu.memory_space<vmem>>) target_semaphore(%arg13 : memref<!tpu.dma_semaphore, #tpu.memory_space<semaphore_mem>>)
        %slice3A_2140 = vector.extract_strided_slice %get3A_2103 {offsets = [3], sizes = [1], strides = [1]} : vector<16xi32> to vector<1xi32>
        %squeeze3A_2141 = vector.extract %slice3A_2140[0] : i32 from vector<1xi32>
        %dma_start3A_2142 = arith.constant 3 : i32
        %dma_start3A_2143 = arith.constant 0 : i32
        %dma_start3A_2144 = tpu.memref_slice %arg10[%dma_start3A_2142, %dma_start3A_2143] : memref<16x42xf32, #tpu.memory_space<vmem>> -> memref<1x42xf32, #tpu.memory_space<vmem>>
        %dma_start3A_2145 = arith.constant 0 : i32
        %dma_start3A_2146 = tpu.memref_slice %arg4[%squeeze3A_2141, %dma_start3A_2145] : memref<1000000x42xf32, #tpu.memory_space<hbm>> -> memref<1x42xf32, #tpu.memory_space<hbm>>
        %dma_start3A_2147 = arith.constant 3 : i32
        %dma_start3A_2148 = arith.constant 0 : i32
        %dma_start3A_2149 = tpu.memref_slice %arg10[%dma_start3A_2147, %dma_start3A_2148] : memref<16x42xf32, #tpu.memory_space<vmem>> -> memref<1x42xf32, #tpu.memory_space<vmem>>
        %dma_start3A_2150 = arith.constant 0 : i32
        %dma_start3A_2151 = tpu.memref_slice %arg4[%squeeze3A_2141, %dma_start3A_2150] : memref<1000000x42xf32, #tpu.memory_space<hbm>> -> memref<1x42xf32, #tpu.memory_space<hbm>>
        tpu.enqueue_dma source(%dma_start3A_2151 : memref<1x42xf32, #tpu.memory_space<hbm>>) target(%dma_start3A_2149 : memref<1x42xf32, #tpu.memory_space<vmem>>) target_semaphore(%arg13 : memref<!tpu.dma_semaphore, #tpu.memory_space<semaphore_mem>>)
        %slice3A_2152 = vector.extract_strided_slice %get3A_2103 {offsets = [4], sizes = [1], strides = [1]} : vector<16xi32> to vector<1xi32>
        %squeeze3A_2153 = vector.extract %slice3A_2152[0] : i32 from vector<1xi32>
        %dma_start3A_2154 = arith.constant 4 : i32
        %dma_start3A_2155 = arith.constant 0 : i32
        %dma_start3A_2156 = tpu.memref_slice %arg10[%dma_start3A_2154, %dma_start3A_2155] : memref<16x42xf32, #tpu.memory_space<vmem>> -> memref<1x42xf32, #tpu.memory_space<vmem>>
        %dma_start3A_2157 = arith.constant 0 : i32
        %dma_start3A_2158 = tpu.memref_slice %arg4[%squeeze3A_2153, %dma_start3A_2157] : memref<1000000x42xf32, #tpu.memory_space<hbm>> -> memref<1x42xf32, #tpu.memory_space<hbm>>
        %dma_start3A_2159 = arith.constant 4 : i32
        %dma_start3A_2160 = arith.constant 0 : i32
        %dma_start3A_2161 = tpu.memref_slice %arg10[%dma_start3A_2159, %dma_start3A_2160] : memref<16x42xf32, #tpu.memory_space<vmem>> -> memref<1x42xf32, #tpu.memory_space<vmem>>
        %dma_start3A_2162 = arith.constant 0 : i32
        %dma_start3A_2163 = tpu.memref_slice %arg4[%squeeze3A_2153, %dma_start3A_2162] : memref<1000000x42xf32, #tpu.memory_space<hbm>> -> memref<1x42xf32, #tpu.memory_space<hbm>>
        tpu.enqueue_dma source(%dma_start3A_2163 : memref<1x42xf32, #tpu.memory_space<hbm>>) target(%dma_start3A_2161 : memref<1x42xf32, #tpu.memory_space<vmem>>) target_semaphore(%arg13 : memref<!tpu.dma_semaphore, #tpu.memory_space<semaphore_mem>>)
        %slice3A_2164 = vector.extract_strided_slice %get3A_2103 {offsets = [5], sizes = [1], strides = [1]} : vector<16xi32> to vector<1xi32>
        %squeeze3A_2165 = vector.extract %slice3A_2164[0] : i32 from vector<1xi32>
        %dma_start3A_2166 = arith.constant 5 : i32
        %dma_start3A_2167 = arith.constant 0 : i32
        %dma_start3A_2168 = tpu.memref_slice %arg10[%dma_start3A_2166, %dma_start3A_2167] : memref<16x42xf32, #tpu.memory_space<vmem>> -> memref<1x42xf32, #tpu.memory_space<vmem>>
        %dma_start3A_2169 = arith.constant 0 : i32
        %dma_start3A_2170 = tpu.memref_slice %arg4[%squeeze3A_2165, %dma_start3A_2169] : memref<1000000x42xf32, #tpu.memory_space<hbm>> -> memref<1x42xf32, #tpu.memory_space<hbm>>
        %dma_start3A_2171 = arith.constant 5 : i32
        %dma_start3A_2172 = arith.constant 0 : i32
        %dma_start3A_2173 = tpu.memref_slice %arg10[%dma_start3A_2171, %dma_start3A_2172] : memref<16x42xf32, #tpu.memory_space<vmem>> -> memref<1x42xf32, #tpu.memory_space<vmem>>
        %dma_start3A_2174 = arith.constant 0 : i32
        %dma_start3A_2175 = tpu.memref_slice %arg4[%squeeze3A_2165, %dma_start3A_2174] : memref<1000000x42xf32, #tpu.memory_space<hbm>> -> memref<1x42xf32, #tpu.memory_space<hbm>>
        tpu.enqueue_dma source(%dma_start3A_2175 : memref<1x42xf32, #tpu.memory_space<hbm>>) target(%dma_start3A_2173 : memref<1x42xf32, #tpu.memory_space<vmem>>) target_semaphore(%arg13 : memref<!tpu.dma_semaphore, #tpu.memory_space<semaphore_mem>>)
        %slice3A_2176 = vector.extract_strided_slice %get3A_2103 {offsets = [6], sizes = [1], strides = [1]} : vector<16xi32> to vector<1xi32>
        %squeeze3A_2177 = vector.extract %slice3A_2176[0] : i32 from vector<1xi32>
        %dma_start3A_2178 = arith.constant 6 : i32
        %dma_start3A_2179 = arith.constant 0 : i32
        %dma_start3A_2180 = tpu.memref_slice %arg10[%dma_start3A_2178, %dma_start3A_2179] : memref<16x42xf32, #tpu.memory_space<vmem>> -> memref<1x42xf32, #tpu.memory_space<vmem>>
        %dma_start3A_2181 = arith.constant 0 : i32
        %dma_start3A_2182 = tpu.memref_slice %arg4[%squeeze3A_2177, %dma_start3A_2181] : memref<1000000x42xf32, #tpu.memory_space<hbm>> -> memref<1x42xf32, #tpu.memory_space<hbm>>
        %dma_start3A_2183 = arith.constant 6 : i32
        %dma_start3A_2184 = arith.constant 0 : i32
        %dma_start3A_2185 = tpu.memref_slice %arg10[%dma_start3A_2183, %dma_start3A_2184] : memref<16x42xf32, #tpu.memory_space<vmem>> -> memref<1x42xf32, #tpu.memory_space<vmem>>
        %dma_start3A_2186 = arith.constant 0 : i32
        %dma_start3A_2187 = tpu.memref_slice %arg4[%squeeze3A_2177, %dma_start3A_2186] : memref<1000000x42xf32, #tpu.memory_space<hbm>> -> memref<1x42xf32, #tpu.memory_space<hbm>>
        tpu.enqueue_dma source(%dma_start3A_2187 : memref<1x42xf32, #tpu.memory_space<hbm>>) target(%dma_start3A_2185 : memref<1x42xf32, #tpu.memory_space<vmem>>) target_semaphore(%arg13 : memref<!tpu.dma_semaphore, #tpu.memory_space<semaphore_mem>>)
        %slice3A_2188 = vector.extract_strided_slice %get3A_2103 {offsets = [7], sizes = [1], strides = [1]} : vector<16xi32> to vector<1xi32>
        %squeeze3A_2189 = vector.extract %slice3A_2188[0] : i32 from vector<1xi32>
        %dma_start3A_2190 = arith.constant 7 : i32
        %dma_start3A_2191 = arith.constant 0 : i32
        %dma_start3A_2192 = tpu.memref_slice %arg10[%dma_start3A_2190, %dma_start3A_2191] : memref<16x42xf32, #tpu.memory_space<vmem>> -> memref<1x42xf32, #tpu.memory_space<vmem>>
        %dma_start3A_2193 = arith.constant 0 : i32
        %dma_start3A_2194 = tpu.memref_slice %arg4[%squeeze3A_2189, %dma_start3A_2193] : memref<1000000x42xf32, #tpu.memory_space<hbm>> -> memref<1x42xf32, #tpu.memory_space<hbm>>
        %dma_start3A_2195 = arith.constant 7 : i32
        %dma_start3A_2196 = arith.constant 0 : i32
        %dma_start3A_2197 = tpu.memref_slice %arg10[%dma_start3A_2195, %dma_start3A_2196] : memref<16x42xf32, #tpu.memory_space<vmem>> -> memref<1x42xf32, #tpu.memory_space<vmem>>
        %dma_start3A_2198 = arith.constant 0 : i32
        %dma_start3A_2199 = tpu.memref_slice %arg4[%squeeze3A_2189, %dma_start3A_2198] : memref<1000000x42xf32, #tpu.memory_space<hbm>> -> memref<1x42xf32, #tpu.memory_space<hbm>>
        tpu.enqueue_dma source(%dma_start3A_2199 : memref<1x42xf32, #tpu.memory_space<hbm>>) target(%dma_start3A_2197 : memref<1x42xf32, #tpu.memory_space<vmem>>) target_semaphore(%arg13 : memref<!tpu.dma_semaphore, #tpu.memory_space<semaphore_mem>>)
        %slice3A_2200 = vector.extract_strided_slice %get3A_2103 {offsets = [8], sizes = [1], strides = [1]} : vector<16xi32> to vector<1xi32>
        %squeeze3A_2201 = vector.extract %slice3A_2200[0] : i32 from vector<1xi32>
        %dma_start3A_2202 = arith.constant 8 : i32
        %dma_start3A_2203 = arith.constant 0 : i32
        %dma_start3A_2204 = tpu.memref_slice %arg10[%dma_start3A_2202, %dma_start3A_2203] : memref<16x42xf32, #tpu.memory_space<vmem>> -> memref<1x42xf32, #tpu.memory_space<vmem>>
        %dma_start3A_2205 = arith.constant 0 : i32
        %dma_start3A_2206 = tpu.memref_slice %arg4[%squeeze3A_2201, %dma_start3A_2205] : memref<1000000x42xf32, #tpu.memory_space<hbm>> -> memref<1x42xf32, #tpu.memory_space<hbm>>
        %dma_start3A_2207 = arith.constant 8 : i32
        %dma_start3A_2208 = arith.constant 0 : i32
        %dma_start3A_2209 = tpu.memref_slice %arg10[%dma_start3A_2207, %dma_start3A_2208] : memref<16x42xf32, #tpu.memory_space<vmem>> -> memref<1x42xf32, #tpu.memory_space<vmem>>
        %dma_start3A_2210 = arith.constant 0 : i32
        %dma_start3A_2211 = tpu.memref_slice %arg4[%squeeze3A_2201, %dma_start3A_2210] : memref<1000000x42xf32, #tpu.memory_space<hbm>> -> memref<1x42xf32, #tpu.memory_space<hbm>>
        tpu.enqueue_dma source(%dma_start3A_2211 : memref<1x42xf32, #tpu.memory_space<hbm>>) target(%dma_start3A_2209 : memref<1x42xf32, #tpu.memory_space<vmem>>) target_semaphore(%arg13 : memref<!tpu.dma_semaphore, #tpu.memory_space<semaphore_mem>>)
        %slice3A_2212 = vector.extract_strided_slice %get3A_2103 {offsets = [9], sizes = [1], strides = [1]} : vector<16xi32> to vector<1xi32>
        %squeeze3A_2213 = vector.extract %slice3A_2212[0] : i32 from vector<1xi32>
        %dma_start3A_2214 = arith.constant 9 : i32
        %dma_start3A_2215 = arith.constant 0 : i32
        %dma_start3A_2216 = tpu.memref_slice %arg10[%dma_start3A_2214, %dma_start3A_2215] : memref<16x42xf32, #tpu.memory_space<vmem>> -> memref<1x42xf32, #tpu.memory_space<vmem>>
        %dma_start3A_2217 = arith.constant 0 : i32
        %dma_start3A_2218 = tpu.memref_slice %arg4[%squeeze3A_2213, %dma_start3A_2217] : memref<1000000x42xf32, #tpu.memory_space<hbm>> -> memref<1x42xf32, #tpu.memory_space<hbm>>
        %dma_start3A_2219 = arith.constant 9 : i32
        %dma_start3A_2220 = arith.constant 0 : i32
        %dma_start3A_2221 = tpu.memref_slice %arg10[%dma_start3A_2219, %dma_start3A_2220] : memref<16x42xf32, #tpu.memory_space<vmem>> -> memref<1x42xf32, #tpu.memory_space<vmem>>
        %dma_start3A_2222 = arith.constant 0 : i32
        %dma_start3A_2223 = tpu.memref_slice %arg4[%squeeze3A_2213, %dma_start3A_2222] : memref<1000000x42xf32, #tpu.memory_space<hbm>> -> memref<1x42xf32, #tpu.memory_space<hbm>>
        tpu.enqueue_dma source(%dma_start3A_2223 : memref<1x42xf32, #tpu.memory_space<hbm>>) target(%dma_start3A_2221 : memref<1x42xf32, #tpu.memory_space<vmem>>) target_semaphore(%arg13 : memref<!tpu.dma_semaphore, #tpu.memory_space<semaphore_mem>>)
        %slice3A_2224 = vector.extract_strided_slice %get3A_2103 {offsets = [10], sizes = [1], strides = [1]} : vector<16xi32> to vector<1xi32>
        %squeeze3A_2225 = vector.extract %slice3A_2224[0] : i32 from vector<1xi32>
        %dma_start3A_2226 = arith.constant 10 : i32
        %dma_start3A_2227 = arith.constant 0 : i32
        %dma_start3A_2228 = tpu.memref_slice %arg10[%dma_start3A_2226, %dma_start3A_2227] : memref<16x42xf32, #tpu.memory_space<vmem>> -> memref<1x42xf32, #tpu.memory_space<vmem>>
        %dma_start3A_2229 = arith.constant 0 : i32
        %dma_start3A_2230 = tpu.memref_slice %arg4[%squeeze3A_2225, %dma_start3A_2229] : memref<1000000x42xf32, #tpu.memory_space<hbm>> -> memref<1x42xf32, #tpu.memory_space<hbm>>
        %dma_start3A_2231 = arith.constant 10 : i32
        %dma_start3A_2232 = arith.constant 0 : i32
        %dma_start3A_2233 = tpu.memref_slice %arg10[%dma_start3A_2231, %dma_start3A_2232] : memref<16x42xf32, #tpu.memory_space<vmem>> -> memref<1x42xf32, #tpu.memory_space<vmem>>
        %dma_start3A_2234 = arith.constant 0 : i32
        %dma_start3A_2235 = tpu.memref_slice %arg4[%squeeze3A_2225, %dma_start3A_2234] : memref<1000000x42xf32, #tpu.memory_space<hbm>> -> memref<1x42xf32, #tpu.memory_space<hbm>>
        tpu.enqueue_dma source(%dma_start3A_2235 : memref<1x42xf32, #tpu.memory_space<hbm>>) target(%dma_start3A_2233 : memref<1x42xf32, #tpu.memory_space<vmem>>) target_semaphore(%arg13 : memref<!tpu.dma_semaphore, #tpu.memory_space<semaphore_mem>>)
        %slice3A_2236 = vector.extract_strided_slice %get3A_2103 {offsets = [11], sizes = [1], strides = [1]} : vector<16xi32> to vector<1xi32>
        %squeeze3A_2237 = vector.extract %slice3A_2236[0] : i32 from vector<1xi32>
        %dma_start3A_2238 = arith.constant 11 : i32
        %dma_start3A_2239 = arith.constant 0 : i32
        %dma_start3A_2240 = tpu.memref_slice %arg10[%dma_start3A_2238, %dma_start3A_2239] : memref<16x42xf32, #tpu.memory_space<vmem>> -> memref<1x42xf32, #tpu.memory_space<vmem>>
        %dma_start3A_2241 = arith.constant 0 : i32
        %dma_start3A_2242 = tpu.memref_slice %arg4[%squeeze3A_2237, %dma_start3A_2241] : memref<1000000x42xf32, #tpu.memory_space<hbm>> -> memref<1x42xf32, #tpu.memory_space<hbm>>
        %dma_start3A_2243 = arith.constant 11 : i32
        %dma_start3A_2244 = arith.constant 0 : i32
        %dma_start3A_2245 = tpu.memref_slice %arg10[%dma_start3A_2243, %dma_start3A_2244] : memref<16x42xf32, #tpu.memory_space<vmem>> -> memref<1x42xf32, #tpu.memory_space<vmem>>
        %dma_start3A_2246 = arith.constant 0 : i32
        %dma_start3A_2247 = tpu.memref_slice %arg4[%squeeze3A_2237, %dma_start3A_2246] : memref<1000000x42xf32, #tpu.memory_space<hbm>> -> memref<1x42xf32, #tpu.memory_space<hbm>>
        tpu.enqueue_dma source(%dma_start3A_2247 : memref<1x42xf32, #tpu.memory_space<hbm>>) target(%dma_start3A_2245 : memref<1x42xf32, #tpu.memory_space<vmem>>) target_semaphore(%arg13 : memref<!tpu.dma_semaphore, #tpu.memory_space<semaphore_mem>>)
        %slice3A_2248 = vector.extract_strided_slice %get3A_2103 {offsets = [12], sizes = [1], strides = [1]} : vector<16xi32> to vector<1xi32>
        %squeeze3A_2249 = vector.extract %slice3A_2248[0] : i32 from vector<1xi32>
        %dma_start3A_2250 = arith.constant 12 : i32
        %dma_start3A_2251 = arith.constant 0 : i32
        %dma_start3A_2252 = tpu.memref_slice %arg10[%dma_start3A_2250, %dma_start3A_2251] : memref<16x42xf32, #tpu.memory_space<vmem>> -> memref<1x42xf32, #tpu.memory_space<vmem>>
        %dma_start3A_2253 = arith.constant 0 : i32
        %dma_start3A_2254 = tpu.memref_slice %arg4[%squeeze3A_2249, %dma_start3A_2253] : memref<1000000x42xf32, #tpu.memory_space<hbm>> -> memref<1x42xf32, #tpu.memory_space<hbm>>
        %dma_start3A_2255 = arith.constant 12 : i32
        %dma_start3A_2256 = arith.constant 0 : i32
        %dma_start3A_2257 = tpu.memref_slice %arg10[%dma_start3A_2255, %dma_start3A_2256] : memref<16x42xf32, #tpu.memory_space<vmem>> -> memref<1x42xf32, #tpu.memory_space<vmem>>
        %dma_start3A_2258 = arith.constant 0 : i32
        %dma_start3A_2259 = tpu.memref_slice %arg4[%squeeze3A_2249, %dma_start3A_2258] : memref<1000000x42xf32, #tpu.memory_space<hbm>> -> memref<1x42xf32, #tpu.memory_space<hbm>>
        tpu.enqueue_dma source(%dma_start3A_2259 : memref<1x42xf32, #tpu.memory_space<hbm>>) target(%dma_start3A_2257 : memref<1x42xf32, #tpu.memory_space<vmem>>) target_semaphore(%arg13 : memref<!tpu.dma_semaphore, #tpu.memory_space<semaphore_mem>>)
        %slice3A_2260 = vector.extract_strided_slice %get3A_2103 {offsets = [13], sizes = [1], strides = [1]} : vector<16xi32> to vector<1xi32>
        %squeeze3A_2261 = vector.extract %slice3A_2260[0] : i32 from vector<1xi32>
        %dma_start3A_2262 = arith.constant 13 : i32
        %dma_start3A_2263 = arith.constant 0 : i32
        %dma_start3A_2264 = tpu.memref_slice %arg10[%dma_start3A_2262, %dma_start3A_2263] : memref<16x42xf32, #tpu.memory_space<vmem>> -> memref<1x42xf32, #tpu.memory_space<vmem>>
        %dma_start3A_2265 = arith.constant 0 : i32
        %dma_start3A_2266 = tpu.memref_slice %arg4[%squeeze3A_2261, %dma_start3A_2265] : memref<1000000x42xf32, #tpu.memory_space<hbm>> -> memref<1x42xf32, #tpu.memory_space<hbm>>
        %dma_start3A_2267 = arith.constant 13 : i32
        %dma_start3A_2268 = arith.constant 0 : i32
        %dma_start3A_2269 = tpu.memref_slice %arg10[%dma_start3A_2267, %dma_start3A_2268] : memref<16x42xf32, #tpu.memory_space<vmem>> -> memref<1x42xf32, #tpu.memory_space<vmem>>
        %dma_start3A_2270 = arith.constant 0 : i32
        %dma_start3A_2271 = tpu.memref_slice %arg4[%squeeze3A_2261, %dma_start3A_2270] : memref<1000000x42xf32, #tpu.memory_space<hbm>> -> memref<1x42xf32, #tpu.memory_space<hbm>>
        tpu.enqueue_dma source(%dma_start3A_2271 : memref<1x42xf32, #tpu.memory_space<hbm>>) target(%dma_start3A_2269 : memref<1x42xf32, #tpu.memory_space<vmem>>) target_semaphore(%arg13 : memref<!tpu.dma_semaphore, #tpu.memory_space<semaphore_mem>>)
        %slice3A_2272 = vector.extract_strided_slice %get3A_2103 {offsets = [14], sizes = [1], strides = [1]} : vector<16xi32> to vector<1xi32>
        %squeeze3A_2273 = vector.extract %slice3A_2272[0] : i32 from vector<1xi32>
        %dma_start3A_2274 = arith.constant 14 : i32
        %dma_start3A_2275 = arith.constant 0 : i32
        %dma_start3A_2276 = tpu.memref_slice %arg10[%dma_start3A_2274, %dma_start3A_2275] : memref<16x42xf32, #tpu.memory_space<vmem>> -> memref<1x42xf32, #tpu.memory_space<vmem>>
        %dma_start3A_2277 = arith.constant 0 : i32
        %dma_start3A_2278 = tpu.memref_slice %arg4[%squeeze3A_2273, %dma_start3A_2277] : memref<1000000x42xf32, #tpu.memory_space<hbm>> -> memref<1x42xf32, #tpu.memory_space<hbm>>
        %dma_start3A_2279 = arith.constant 14 : i32
        %dma_start3A_2280 = arith.constant 0 : i32
        %dma_start3A_2281 = tpu.memref_slice %arg10[%dma_start3A_2279, %dma_start3A_2280] : memref<16x42xf32, #tpu.memory_space<vmem>> -> memref<1x42xf32, #tpu.memory_space<vmem>>
        %dma_start3A_2282 = arith.constant 0 : i32
        %dma_start3A_2283 = tpu.memref_slice %arg4[%squeeze3A_2273, %dma_start3A_2282] : memref<1000000x42xf32, #tpu.memory_space<hbm>> -> memref<1x42xf32, #tpu.memory_space<hbm>>
        tpu.enqueue_dma source(%dma_start3A_2283 : memref<1x42xf32, #tpu.memory_space<hbm>>) target(%dma_start3A_2281 : memref<1x42xf32, #tpu.memory_space<vmem>>) target_semaphore(%arg13 : memref<!tpu.dma_semaphore, #tpu.memory_space<semaphore_mem>>)
        %slice3A_2284 = vector.extract_strided_slice %get3A_2103 {offsets = [15], sizes = [1], strides = [1]} : vector<16xi32> to vector<1xi32>
        %squeeze3A_2285 = vector.extract %slice3A_2284[0] : i32 from vector<1xi32>
        %dma_start3A_2286 = arith.constant 15 : i32
        %dma_start3A_2287 = arith.constant 0 : i32
        %dma_start3A_2288 = tpu.memref_slice %arg10[%dma_start3A_2286, %dma_start3A_2287] : memref<16x42xf32, #tpu.memory_space<vmem>> -> memref<1x42xf32, #tpu.memory_space<vmem>>
        %dma_start3A_2289 = arith.constant 0 : i32
        %dma_start3A_2290 = tpu.memref_slice %arg4[%squeeze3A_2285, %dma_start3A_2289] : memref<1000000x42xf32, #tpu.memory_space<hbm>> -> memref<1x42xf32, #tpu.memory_space<hbm>>
        %dma_start3A_2291 = arith.constant 15 : i32
        %dma_start3A_2292 = arith.constant 0 : i32
        %dma_start3A_2293 = tpu.memref_slice %arg10[%dma_start3A_2291, %dma_start3A_2292] : memref<16x42xf32, #tpu.memory_space<vmem>> -> memref<1x42xf32, #tpu.memory_space<vmem>>
        %dma_start3A_2294 = arith.constant 0 : i32
        %dma_start3A_2295 = tpu.memref_slice %arg4[%squeeze3A_2285, %dma_start3A_2294] : memref<1000000x42xf32, #tpu.memory_space<hbm>> -> memref<1x42xf32, #tpu.memory_space<hbm>>
        tpu.enqueue_dma source(%dma_start3A_2295 : memref<1x42xf32, #tpu.memory_space<hbm>>) target(%dma_start3A_2293 : memref<1x42xf32, #tpu.memory_space<vmem>>) target_semaphore(%arg13 : memref<!tpu.dma_semaphore, #tpu.memory_space<semaphore_mem>>)
      } else {
      }
      %mul3A_1243 = arith.constant 2 : i32
      %mul3A_1244 = arith.muli %scan3A_393, %mul3A_1243 : i32
      %add3A_1245 = arith.constant 1 : i32
      %add3A_1246 = arith.addi %mul3A_1244, %add3A_1245 : i32
      %dma_wait3A_1247 = arith.constant 0 : i32
      %dma_wait3A_1248 = arith.constant 0 : i32
      %dma_wait3A_1249 = tpu.memref_slice %arg4[%dma_wait3A_1247, %dma_wait3A_1248] : memref<1000000x42xf32, #tpu.memory_space<hbm>> -> memref<16x42xf32, #tpu.memory_space<hbm>>
      %dma_wait3A_1250 = arith.constant 0 : i32
      %dma_wait3A_1251 = arith.constant 0 : i32
      %dma_wait3A_1252 = tpu.memref_slice %arg4[%dma_wait3A_1250, %dma_wait3A_1251] : memref<1000000x42xf32, #tpu.memory_space<hbm>> -> memref<16x42xf32, #tpu.memory_space<hbm>>
      tpu.wait_dma2 semaphore(%arg14 : memref<!tpu.dma_semaphore, #tpu.memory_space<semaphore_mem>>) src(%dma_wait3A_1252 : memref<16x42xf32, #tpu.memory_space<hbm>>) dst(%arg11 : memref<16x42xf32, #tpu.memory_space<vmem>>)
      %mul3A_1253 = arith.constant 16 : i32
      %mul3A_1254 = arith.muli %add3A_1246, %mul3A_1253 : i32
      %get3A_1255 = arith.index_cast %mul3A_1254 : i32 to index
      %get3A_1256 = tpu.vector_load %arg8[%get3A_1255] {strides = array<i32>} : memref<512xi32, #tpu.memory_space<vmem>>, vector<16xi32>,
      %get3A_1257 = vector.shape_cast %get3A_1256 : vector<16xi32> to vector<16xi32>
      %add3A_1258 = arith.constant 0 : i32
      %add3A_1259 = arith.addi %mul3A_1254, %add3A_1258 : i32
      %slice3A_1260 = vector.extract_strided_slice %get3A_1257 {offsets = [0], sizes = [1], strides = [1]} : vector<16xi32> to vector<1xi32>
      %squeeze3A_1261 = vector.extract %slice3A_1260[0] : i32 from vector<1xi32>
      %get3A_1262 = arith.constant 0 : i32
      %get3A_1263 = arith.index_cast %get3A_1262 : i32 to index
      %get3A_1264 = arith.constant 0 : index
      %get3A_1265 = tpu.vector_load %arg11[%get3A_1263, %get3A_1264] {strides = array<i32>} : memref<16x42xf32, #tpu.memory_space<vmem>>, vector<1x16xf32>,
      %get3A_1266 = vector.shape_cast %get3A_1265 : vector<1x16xf32> to vector<16xf32>
      %swap3A_1267 = arith.index_cast %add3A_1259 : i32 to index
      %swap3A_1268 = arith.constant 0 : index
      %swap3A_1269 = tpu.vector_load %arg12[%swap3A_1267, %swap3A_1268] {strides = array<i32>} : memref<512x64xf32, #tpu.memory_space<vmem>>, vector<1x16xf32>,
      %swap3A_1270 = vector.shape_cast %swap3A_1269 : vector<1x16xf32> to vector<16xf32>
      %swap3A_1271 = vector.shape_cast %get3A_1266 : vector<16xf32> to vector<1x16xf32>
      tpu.vector_store %arg12[%swap3A_1267, %swap3A_1268], %swap3A_1271 {strides = array<i32>} : memref<512x64xf32, #tpu.memory_space<vmem>>, vector<1x16xf32>,
      %get3A_1272 = arith.constant 0 : i32
      %get3A_1273 = arith.index_cast %get3A_1272 : i32 to index
      %get3A_1274 = arith.constant 16 : index
      %get3A_1275 = tpu.vector_load %arg11[%get3A_1273, %get3A_1274] {strides = array<i32>} : memref<16x42xf32, #tpu.memory_space<vmem>>, vector<1x16xf32>,
      %get3A_1276 = vector.shape_cast %get3A_1275 : vector<1x16xf32> to vector<16xf32>
      %swap3A_1277 = arith.index_cast %add3A_1259 : i32 to index
      %swap3A_1278 = arith.constant 16 : index
      %swap3A_1279 = tpu.vector_load %arg12[%swap3A_1277, %swap3A_1278] {strides = array<i32>} : memref<512x64xf32, #tpu.memory_space<vmem>>, vector<1x16xf32>,
      %swap3A_1280 = vector.shape_cast %swap3A_1279 : vector<1x16xf32> to vector<16xf32>
      %swap3A_1281 = vector.shape_cast %get3A_1276 : vector<16xf32> to vector<1x16xf32>
      tpu.vector_store %arg12[%swap3A_1277, %swap3A_1278], %swap3A_1281 {strides = array<i32>} : memref<512x64xf32, #tpu.memory_space<vmem>>, vector<1x16xf32>,
      %get3A_1282 = arith.constant 0 : i32
      %get3A_1283 = arith.index_cast %get3A_1282 : i32 to index
      %get3A_1284 = arith.constant 26 : index
      %get3A_1285 = tpu.vector_load %arg11[%get3A_1283, %get3A_1284] {strides = array<i32>} : memref<16x42xf32, #tpu.memory_space<vmem>>, vector<1x16xf32>,
      %get3A_1286 = vector.shape_cast %get3A_1285 : vector<1x16xf32> to vector<16xf32>
      %swap3A_1287 = arith.index_cast %add3A_1259 : i32 to index
      %swap3A_1288 = arith.constant 26 : index
      %swap3A_1289 = tpu.vector_load %arg12[%swap3A_1287, %swap3A_1288] {strides = array<i32>} : memref<512x64xf32, #tpu.memory_space<vmem>>, vector<1x16xf32>,
      %swap3A_1290 = vector.shape_cast %swap3A_1289 : vector<1x16xf32> to vector<16xf32>
      %swap3A_1291 = vector.shape_cast %get3A_1286 : vector<16xf32> to vector<1x16xf32>
      tpu.vector_store %arg12[%swap3A_1287, %swap3A_1288], %swap3A_1291 {strides = array<i32>} : memref<512x64xf32, #tpu.memory_space<vmem>>, vector<1x16xf32>,
      %get3A_1292 = arith.index_cast %squeeze3A_1261 : i32 to index
      %get3A_1293 = arith.constant 0 : index
      %get3A_1294 = tpu.vector_load %arg9[%get3A_1292, %get3A_1293] {strides = array<i32>} : memref<128x128xf32, #tpu.memory_space<vmem>>, vector<1x16xf32>,
      %get3A_1295 = vector.shape_cast %get3A_1294 : vector<1x16xf32> to vector<16xf32>
      %swap3A_1296 = arith.index_cast %add3A_1259 : i32 to index
      %swap3A_1297 = arith.constant 42 : index
      %swap3A_1298 = tpu.vector_load %arg12[%swap3A_1296, %swap3A_1297] {strides = array<i32>} : memref<512x64xf32, #tpu.memory_space<vmem>>, vector<1x16xf32>,
      %swap3A_1299 = vector.shape_cast %swap3A_1298 : vector<1x16xf32> to vector<16xf32>
      %swap3A_1300 = vector.shape_cast %get3A_1295 : vector<16xf32> to vector<1x16xf32>
      tpu.vector_store %arg12[%swap3A_1296, %swap3A_1297], %swap3A_1300 {strides = array<i32>} : memref<512x64xf32, #tpu.memory_space<vmem>>, vector<1x16xf32>,
      %get3A_1301 = arith.index_cast %squeeze3A_1261 : i32 to index
      %get3A_1302 = arith.constant 6 : index
      %get3A_1303 = tpu.vector_load %arg9[%get3A_1301, %get3A_1302] {strides = array<i32>} : memref<128x128xf32, #tpu.memory_space<vmem>>, vector<1x16xf32>,
      %get3A_1304 = vector.shape_cast %get3A_1303 : vector<1x16xf32> to vector<16xf32>
      %swap3A_1305 = arith.index_cast %add3A_1259 : i32 to index
      %swap3A_1306 = arith.constant 48 : index
      %swap3A_1307 = tpu.vector_load %arg12[%swap3A_1305, %swap3A_1306] {strides = array<i32>} : memref<512x64xf32, #tpu.memory_space<vmem>>, vector<1x16xf32>,
      %swap3A_1308 = vector.shape_cast %swap3A_1307 : vector<1x16xf32> to vector<16xf32>
      %swap3A_1309 = vector.shape_cast %get3A_1304 : vector<16xf32> to vector<1x16xf32>
      tpu.vector_store %arg12[%swap3A_1305, %swap3A_1306], %swap3A_1309 {strides = array<i32>} : memref<512x64xf32, #tpu.memory_space<vmem>>, vector<1x16xf32>,
      %add3A_1310 = arith.constant 1 : i32
      %add3A_1311 = arith.addi %mul3A_1254, %add3A_1310 : i32
      %slice3A_1312 = vector.extract_strided_slice %get3A_1257 {offsets = [1], sizes = [1], strides = [1]} : vector<16xi32> to vector<1xi32>
      %squeeze3A_1313 = vector.extract %slice3A_1312[0] : i32 from vector<1xi32>
      %get3A_1314 = arith.constant 1 : i32
      %get3A_1315 = arith.index_cast %get3A_1314 : i32 to index
      %get3A_1316 = arith.constant 0 : index
      %get3A_1317 = tpu.vector_load %arg11[%get3A_1315, %get3A_1316] {strides = array<i32>} : memref<16x42xf32, #tpu.memory_space<vmem>>, vector<1x16xf32>,
      %get3A_1318 = vector.shape_cast %get3A_1317 : vector<1x16xf32> to vector<16xf32>
      %swap3A_1319 = arith.index_cast %add3A_1311 : i32 to index
      %swap3A_1320 = arith.constant 0 : index
      %swap3A_1321 = tpu.vector_load %arg12[%swap3A_1319, %swap3A_1320] {strides = array<i32>} : memref<512x64xf32, #tpu.memory_space<vmem>>, vector<1x16xf32>,
      %swap3A_1322 = vector.shape_cast %swap3A_1321 : vector<1x16xf32> to vector<16xf32>
      %swap3A_1323 = vector.shape_cast %get3A_1318 : vector<16xf32> to vector<1x16xf32>
      tpu.vector_store %arg12[%swap3A_1319, %swap3A_1320], %swap3A_1323 {strides = array<i32>} : memref<512x64xf32, #tpu.memory_space<vmem>>, vector<1x16xf32>,
      %get3A_1324 = arith.constant 1 : i32
      %get3A_1325 = arith.index_cast %get3A_1324 : i32 to index
      %get3A_1326 = arith.constant 16 : index
      %get3A_1327 = tpu.vector_load %arg11[%get3A_1325, %get3A_1326] {strides = array<i32>} : memref<16x42xf32, #tpu.memory_space<vmem>>, vector<1x16xf32>,
      %get3A_1328 = vector.shape_cast %get3A_1327 : vector<1x16xf32> to vector<16xf32>
      %swap3A_1329 = arith.index_cast %add3A_1311 : i32 to index
      %swap3A_1330 = arith.constant 16 : index
      %swap3A_1331 = tpu.vector_load %arg12[%swap3A_1329, %swap3A_1330] {strides = array<i32>} : memref<512x64xf32, #tpu.memory_space<vmem>>, vector<1x16xf32>,
      %swap3A_1332 = vector.shape_cast %swap3A_1331 : vector<1x16xf32> to vector<16xf32>
      %swap3A_1333 = vector.shape_cast %get3A_1328 : vector<16xf32> to vector<1x16xf32>
      tpu.vector_store %arg12[%swap3A_1329, %swap3A_1330], %swap3A_1333 {strides = array<i32>} : memref<512x64xf32, #tpu.memory_space<vmem>>, vector<1x16xf32>,
      %get3A_1334 = arith.constant 1 : i32
      %get3A_1335 = arith.index_cast %get3A_1334 : i32 to index
      %get3A_1336 = arith.constant 26 : index
      %get3A_1337 = tpu.vector_load %arg11[%get3A_1335, %get3A_1336] {strides = array<i32>} : memref<16x42xf32, #tpu.memory_space<vmem>>, vector<1x16xf32>,
      %get3A_1338 = vector.shape_cast %get3A_1337 : vector<1x16xf32> to vector<16xf32>
      %swap3A_1339 = arith.index_cast %add3A_1311 : i32 to index
      %swap3A_1340 = arith.constant 26 : index
      %swap3A_1341 = tpu.vector_load %arg12[%swap3A_1339, %swap3A_1340] {strides = array<i32>} : memref<512x64xf32, #tpu.memory_space<vmem>>, vector<1x16xf32>,
      %swap3A_1342 = vector.shape_cast %swap3A_1341 : vector<1x16xf32> to vector<16xf32>
      %swap3A_1343 = vector.shape_cast %get3A_1338 : vector<16xf32> to vector<1x16xf32>
      tpu.vector_store %arg12[%swap3A_1339, %swap3A_1340], %swap3A_1343 {strides = array<i32>} : memref<512x64xf32, #tpu.memory_space<vmem>>, vector<1x16xf32>,
      %get3A_1344 = arith.index_cast %squeeze3A_1313 : i32 to index
      %get3A_1345 = arith.constant 0 : index
      %get3A_1346 = tpu.vector_load %arg9[%get3A_1344, %get3A_1345] {strides = array<i32>} : memref<128x128xf32, #tpu.memory_space<vmem>>, vector<1x16xf32>,
      %get3A_1347 = vector.shape_cast %get3A_1346 : vector<1x16xf32> to vector<16xf32>
      %swap3A_1348 = arith.index_cast %add3A_1311 : i32 to index
      %swap3A_1349 = arith.constant 42 : index
      %swap3A_1350 = tpu.vector_load %arg12[%swap3A_1348, %swap3A_1349] {strides = array<i32>} : memref<512x64xf32, #tpu.memory_space<vmem>>, vector<1x16xf32>,
      %swap3A_1351 = vector.shape_cast %swap3A_1350 : vector<1x16xf32> to vector<16xf32>
      %swap3A_1352 = vector.shape_cast %get3A_1347 : vector<16xf32> to vector<1x16xf32>
      tpu.vector_store %arg12[%swap3A_1348, %swap3A_1349], %swap3A_1352 {strides = array<i32>} : memref<512x64xf32, #tpu.memory_space<vmem>>, vector<1x16xf32>,
      %get3A_1353 = arith.index_cast %squeeze3A_1313 : i32 to index
      %get3A_1354 = arith.constant 6 : index
      %get3A_1355 = tpu.vector_load %arg9[%get3A_1353, %get3A_1354] {strides = array<i32>} : memref<128x128xf32, #tpu.memory_space<vmem>>, vector<1x16xf32>,
      %get3A_1356 = vector.shape_cast %get3A_1355 : vector<1x16xf32> to vector<16xf32>
      %swap3A_1357 = arith.index_cast %add3A_1311 : i32 to index
      %swap3A_1358 = arith.constant 48 : index
      %swap3A_1359 = tpu.vector_load %arg12[%swap3A_1357, %swap3A_1358] {strides = array<i32>} : memref<512x64xf32, #tpu.memory_space<vmem>>, vector<1x16xf32>,
      %swap3A_1360 = vector.shape_cast %swap3A_1359 : vector<1x16xf32> to vector<16xf32>
      %swap3A_1361 = vector.shape_cast %get3A_1356 : vector<16xf32> to vector<1x16xf32>
      tpu.vector_store %arg12[%swap3A_1357, %swap3A_1358], %swap3A_1361 {strides = array<i32>} : memref<512x64xf32, #tpu.memory_space<vmem>>, vector<1x16xf32>,
      %add3A_1362 = arith.constant 2 : i32
      %add3A_1363 = arith.addi %mul3A_1254, %add3A_1362 : i32
      %slice3A_1364 = vector.extract_strided_slice %get3A_1257 {offsets = [2], sizes = [1], strides = [1]} : vector<16xi32> to vector<1xi32>
      %squeeze3A_1365 = vector.extract %slice3A_1364[0] : i32 from vector<1xi32>
      %get3A_1366 = arith.constant 2 : i32
      %get3A_1367 = arith.index_cast %get3A_1366 : i32 to index
      %get3A_1368 = arith.constant 0 : index
      %get3A_1369 = tpu.vector_load %arg11[%get3A_1367, %get3A_1368] {strides = array<i32>} : memref<16x42xf32, #tpu.memory_space<vmem>>, vector<1x16xf32>,
      %get3A_1370 = vector.shape_cast %get3A_1369 : vector<1x16xf32> to vector<16xf32>
      %swap3A_1371 = arith.index_cast %add3A_1363 : i32 to index
      %swap3A_1372 = arith.constant 0 : index
      %swap3A_1373 = tpu.vector_load %arg12[%swap3A_1371, %swap3A_1372] {strides = array<i32>} : memref<512x64xf32, #tpu.memory_space<vmem>>, vector<1x16xf32>,
      %swap3A_1374 = vector.shape_cast %swap3A_1373 : vector<1x16xf32> to vector<16xf32>
      %swap3A_1375 = vector.shape_cast %get3A_1370 : vector<16xf32> to vector<1x16xf32>
      tpu.vector_store %arg12[%swap3A_1371, %swap3A_1372], %swap3A_1375 {strides = array<i32>} : memref<512x64xf32, #tpu.memory_space<vmem>>, vector<1x16xf32>,
      %get3A_1376 = arith.constant 2 : i32
      %get3A_1377 = arith.index_cast %get3A_1376 : i32 to index
      %get3A_1378 = arith.constant 16 : index
      %get3A_1379 = tpu.vector_load %arg11[%get3A_1377, %get3A_1378] {strides = array<i32>} : memref<16x42xf32, #tpu.memory_space<vmem>>, vector<1x16xf32>,
      %get3A_1380 = vector.shape_cast %get3A_1379 : vector<1x16xf32> to vector<16xf32>
      %swap3A_1381 = arith.index_cast %add3A_1363 : i32 to index
      %swap3A_1382 = arith.constant 16 : index
      %swap3A_1383 = tpu.vector_load %arg12[%swap3A_1381, %swap3A_1382] {strides = array<i32>} : memref<512x64xf32, #tpu.memory_space<vmem>>, vector<1x16xf32>,
      %swap3A_1384 = vector.shape_cast %swap3A_1383 : vector<1x16xf32> to vector<16xf32>
      %swap3A_1385 = vector.shape_cast %get3A_1380 : vector<16xf32> to vector<1x16xf32>
      tpu.vector_store %arg12[%swap3A_1381, %swap3A_1382], %swap3A_1385 {strides = array<i32>} : memref<512x64xf32, #tpu.memory_space<vmem>>, vector<1x16xf32>,
      %get3A_1386 = arith.constant 2 : i32
      %get3A_1387 = arith.index_cast %get3A_1386 : i32 to index
      %get3A_1388 = arith.constant 26 : index
      %get3A_1389 = tpu.vector_load %arg11[%get3A_1387, %get3A_1388] {strides = array<i32>} : memref<16x42xf32, #tpu.memory_space<vmem>>, vector<1x16xf32>,
      %get3A_1390 = vector.shape_cast %get3A_1389 : vector<1x16xf32> to vector<16xf32>
      %swap3A_1391 = arith.index_cast %add3A_1363 : i32 to index
      %swap3A_1392 = arith.constant 26 : index
      %swap3A_1393 = tpu.vector_load %arg12[%swap3A_1391, %swap3A_1392] {strides = array<i32>} : memref<512x64xf32, #tpu.memory_space<vmem>>, vector<1x16xf32>,
      %swap3A_1394 = vector.shape_cast %swap3A_1393 : vector<1x16xf32> to vector<16xf32>
      %swap3A_1395 = vector.shape_cast %get3A_1390 : vector<16xf32> to vector<1x16xf32>
      tpu.vector_store %arg12[%swap3A_1391, %swap3A_1392], %swap3A_1395 {strides = array<i32>} : memref<512x64xf32, #tpu.memory_space<vmem>>, vector<1x16xf32>,
      %get3A_1396 = arith.index_cast %squeeze3A_1365 : i32 to index
      %get3A_1397 = arith.constant 0 : index
      %get3A_1398 = tpu.vector_load %arg9[%get3A_1396, %get3A_1397] {strides = array<i32>} : memref<128x128xf32, #tpu.memory_space<vmem>>, vector<1x16xf32>,
      %get3A_1399 = vector.shape_cast %get3A_1398 : vector<1x16xf32> to vector<16xf32>
      %swap3A_1400 = arith.index_cast %add3A_1363 : i32 to index
      %swap3A_1401 = arith.constant 42 : index
      %swap3A_1402 = tpu.vector_load %arg12[%swap3A_1400, %swap3A_1401] {strides = array<i32>} : memref<512x64xf32, #tpu.memory_space<vmem>>, vector<1x16xf32>,
      %swap3A_1403 = vector.shape_cast %swap3A_1402 : vector<1x16xf32> to vector<16xf32>
      %swap3A_1404 = vector.shape_cast %get3A_1399 : vector<16xf32> to vector<1x16xf32>
      tpu.vector_store %arg12[%swap3A_1400, %swap3A_1401], %swap3A_1404 {strides = array<i32>} : memref<512x64xf32, #tpu.memory_space<vmem>>, vector<1x16xf32>,
      %get3A_1405 = arith.index_cast %squeeze3A_1365 : i32 to index
      %get3A_1406 = arith.constant 6 : index
      %get3A_1407 = tpu.vector_load %arg9[%get3A_1405, %get3A_1406] {strides = array<i32>} : memref<128x128xf32, #tpu.memory_space<vmem>>, vector<1x16xf32>,
      %get3A_1408 = vector.shape_cast %get3A_1407 : vector<1x16xf32> to vector<16xf32>
      %swap3A_1409 = arith.index_cast %add3A_1363 : i32 to index
      %swap3A_1410 = arith.constant 48 : index
      %swap3A_1411 = tpu.vector_load %arg12[%swap3A_1409, %swap3A_1410] {strides = array<i32>} : memref<512x64xf32, #tpu.memory_space<vmem>>, vector<1x16xf32>,
      %swap3A_1412 = vector.shape_cast %swap3A_1411 : vector<1x16xf32> to vector<16xf32>
      %swap3A_1413 = vector.shape_cast %get3A_1408 : vector<16xf32> to vector<1x16xf32>
      tpu.vector_store %arg12[%swap3A_1409, %swap3A_1410], %swap3A_1413 {strides = array<i32>} : memref<512x64xf32, #tpu.memory_space<vmem>>, vector<1x16xf32>,
      %add3A_1414 = arith.constant 3 : i32
      %add3A_1415 = arith.addi %mul3A_1254, %add3A_1414 : i32
      %slice3A_1416 = vector.extract_strided_slice %get3A_1257 {offsets = [3], sizes = [1], strides = [1]} : vector<16xi32> to vector<1xi32>
      %squeeze3A_1417 = vector.extract %slice3A_1416[0] : i32 from vector<1xi32>
      %get3A_1418 = arith.constant 3 : i32
      %get3A_1419 = arith.index_cast %get3A_1418 : i32 to index
      %get3A_1420 = arith.constant 0 : index
      %get3A_1421 = tpu.vector_load %arg11[%get3A_1419, %get3A_1420] {strides = array<i32>} : memref<16x42xf32, #tpu.memory_space<vmem>>, vector<1x16xf32>,
      %get3A_1422 = vector.shape_cast %get3A_1421 : vector<1x16xf32> to vector<16xf32>
      %swap3A_1423 = arith.index_cast %add3A_1415 : i32 to index
      %swap3A_1424 = arith.constant 0 : index
      %swap3A_1425 = tpu.vector_load %arg12[%swap3A_1423, %swap3A_1424] {strides = array<i32>} : memref<512x64xf32, #tpu.memory_space<vmem>>, vector<1x16xf32>,
      %swap3A_1426 = vector.shape_cast %swap3A_1425 : vector<1x16xf32> to vector<16xf32>
      %swap3A_1427 = vector.shape_cast %get3A_1422 : vector<16xf32> to vector<1x16xf32>
      tpu.vector_store %arg12[%swap3A_1423, %swap3A_1424], %swap3A_1427 {strides = array<i32>} : memref<512x64xf32, #tpu.memory_space<vmem>>, vector<1x16xf32>,
      %get3A_1428 = arith.constant 3 : i32
      %get3A_1429 = arith.index_cast %get3A_1428 : i32 to index
      %get3A_1430 = arith.constant 16 : index
      %get3A_1431 = tpu.vector_load %arg11[%get3A_1429, %get3A_1430] {strides = array<i32>} : memref<16x42xf32, #tpu.memory_space<vmem>>, vector<1x16xf32>,
      %get3A_1432 = vector.shape_cast %get3A_1431 : vector<1x16xf32> to vector<16xf32>
      %swap3A_1433 = arith.index_cast %add3A_1415 : i32 to index
      %swap3A_1434 = arith.constant 16 : index
      %swap3A_1435 = tpu.vector_load %arg12[%swap3A_1433, %swap3A_1434] {strides = array<i32>} : memref<512x64xf32, #tpu.memory_space<vmem>>, vector<1x16xf32>,
      %swap3A_1436 = vector.shape_cast %swap3A_1435 : vector<1x16xf32> to vector<16xf32>
      %swap3A_1437 = vector.shape_cast %get3A_1432 : vector<16xf32> to vector<1x16xf32>
      tpu.vector_store %arg12[%swap3A_1433, %swap3A_1434], %swap3A_1437 {strides = array<i32>} : memref<512x64xf32, #tpu.memory_space<vmem>>, vector<1x16xf32>,
      %get3A_1438 = arith.constant 3 : i32
      %get3A_1439 = arith.index_cast %get3A_1438 : i32 to index
      %get3A_1440 = arith.constant 26 : index
      %get3A_1441 = tpu.vector_load %arg11[%get3A_1439, %get3A_1440] {strides = array<i32>} : memref<16x42xf32, #tpu.memory_space<vmem>>, vector<1x16xf32>,
      %get3A_1442 = vector.shape_cast %get3A_1441 : vector<1x16xf32> to vector<16xf32>
      %swap3A_1443 = arith.index_cast %add3A_1415 : i32 to index
      %swap3A_1444 = arith.constant 26 : index
      %swap3A_1445 = tpu.vector_load %arg12[%swap3A_1443, %swap3A_1444] {strides = array<i32>} : memref<512x64xf32, #tpu.memory_space<vmem>>, vector<1x16xf32>,
      %swap3A_1446 = vector.shape_cast %swap3A_1445 : vector<1x16xf32> to vector<16xf32>
      %swap3A_1447 = vector.shape_cast %get3A_1442 : vector<16xf32> to vector<1x16xf32>
      tpu.vector_store %arg12[%swap3A_1443, %swap3A_1444], %swap3A_1447 {strides = array<i32>} : memref<512x64xf32, #tpu.memory_space<vmem>>, vector<1x16xf32>,
      %get3A_1448 = arith.index_cast %squeeze3A_1417 : i32 to index
      %get3A_1449 = arith.constant 0 : index
      %get3A_1450 = tpu.vector_load %arg9[%get3A_1448, %get3A_1449] {strides = array<i32>} : memref<128x128xf32, #tpu.memory_space<vmem>>, vector<1x16xf32>,
      %get3A_1451 = vector.shape_cast %get3A_1450 : vector<1x16xf32> to vector<16xf32>
      %swap3A_1452 = arith.index_cast %add3A_1415 : i32 to index
      %swap3A_1453 = arith.constant 42 : index
      %swap3A_1454 = tpu.vector_load %arg12[%swap3A_1452, %swap3A_1453] {strides = array<i32>} : memref<512x64xf32, #tpu.memory_space<vmem>>, vector<1x16xf32>,
      %swap3A_1455 = vector.shape_cast %swap3A_1454 : vector<1x16xf32> to vector<16xf32>
      %swap3A_1456 = vector.shape_cast %get3A_1451 : vector<16xf32> to vector<1x16xf32>
      tpu.vector_store %arg12[%swap3A_1452, %swap3A_1453], %swap3A_1456 {strides = array<i32>} : memref<512x64xf32, #tpu.memory_space<vmem>>, vector<1x16xf32>,
      %get3A_1457 = arith.index_cast %squeeze3A_1417 : i32 to index
      %get3A_1458 = arith.constant 6 : index
      %get3A_1459 = tpu.vector_load %arg9[%get3A_1457, %get3A_1458] {strides = array<i32>} : memref<128x128xf32, #tpu.memory_space<vmem>>, vector<1x16xf32>,
      %get3A_1460 = vector.shape_cast %get3A_1459 : vector<1x16xf32> to vector<16xf32>
      %swap3A_1461 = arith.index_cast %add3A_1415 : i32 to index
      %swap3A_1462 = arith.constant 48 : index
      %swap3A_1463 = tpu.vector_load %arg12[%swap3A_1461, %swap3A_1462] {strides = array<i32>} : memref<512x64xf32, #tpu.memory_space<vmem>>, vector<1x16xf32>,
      %swap3A_1464 = vector.shape_cast %swap3A_1463 : vector<1x16xf32> to vector<16xf32>
      %swap3A_1465 = vector.shape_cast %get3A_1460 : vector<16xf32> to vector<1x16xf32>
      tpu.vector_store %arg12[%swap3A_1461, %swap3A_1462], %swap3A_1465 {strides = array<i32>} : memref<512x64xf32, #tpu.memory_space<vmem>>, vector<1x16xf32>,
      %add3A_1466 = arith.constant 4 : i32
      %add3A_1467 = arith.addi %mul3A_1254, %add3A_1466 : i32
      %slice3A_1468 = vector.extract_strided_slice %get3A_1257 {offsets = [4], sizes = [1], strides = [1]} : vector<16xi32> to vector<1xi32>
      %squeeze3A_1469 = vector.extract %slice3A_1468[0] : i32 from vector<1xi32>
      %get3A_1470 = arith.constant 4 : i32
      %get3A_1471 = arith.index_cast %get3A_1470 : i32 to index
      %get3A_1472 = arith.constant 0 : index
      %get3A_1473 = tpu.vector_load %arg11[%get3A_1471, %get3A_1472] {strides = array<i32>} : memref<16x42xf32, #tpu.memory_space<vmem>>, vector<1x16xf32>,
      %get3A_1474 = vector.shape_cast %get3A_1473 : vector<1x16xf32> to vector<16xf32>
      %swap3A_1475 = arith.index_cast %add3A_1467 : i32 to index
      %swap3A_1476 = arith.constant 0 : index
      %swap3A_1477 = tpu.vector_load %arg12[%swap3A_1475, %swap3A_1476] {strides = array<i32>} : memref<512x64xf32, #tpu.memory_space<vmem>>, vector<1x16xf32>,
      %swap3A_1478 = vector.shape_cast %swap3A_1477 : vector<1x16xf32> to vector<16xf32>
      %swap3A_1479 = vector.shape_cast %get3A_1474 : vector<16xf32> to vector<1x16xf32>
      tpu.vector_store %arg12[%swap3A_1475, %swap3A_1476], %swap3A_1479 {strides = array<i32>} : memref<512x64xf32, #tpu.memory_space<vmem>>, vector<1x16xf32>,
      %get3A_1480 = arith.constant 4 : i32
      %get3A_1481 = arith.index_cast %get3A_1480 : i32 to index
      %get3A_1482 = arith.constant 16 : index
      %get3A_1483 = tpu.vector_load %arg11[%get3A_1481, %get3A_1482] {strides = array<i32>} : memref<16x42xf32, #tpu.memory_space<vmem>>, vector<1x16xf32>,
      %get3A_1484 = vector.shape_cast %get3A_1483 : vector<1x16xf32> to vector<16xf32>
      %swap3A_1485 = arith.index_cast %add3A_1467 : i32 to index
      %swap3A_1486 = arith.constant 16 : index
      %swap3A_1487 = tpu.vector_load %arg12[%swap3A_1485, %swap3A_1486] {strides = array<i32>} : memref<512x64xf32, #tpu.memory_space<vmem>>, vector<1x16xf32>,
      %swap3A_1488 = vector.shape_cast %swap3A_1487 : vector<1x16xf32> to vector<16xf32>
      %swap3A_1489 = vector.shape_cast %get3A_1484 : vector<16xf32> to vector<1x16xf32>
      tpu.vector_store %arg12[%swap3A_1485, %swap3A_1486], %swap3A_1489 {strides = array<i32>} : memref<512x64xf32, #tpu.memory_space<vmem>>, vector<1x16xf32>,
      %get3A_1490 = arith.constant 4 : i32
      %get3A_1491 = arith.index_cast %get3A_1490 : i32 to index
      %get3A_1492 = arith.constant 26 : index
      %get3A_1493 = tpu.vector_load %arg11[%get3A_1491, %get3A_1492] {strides = array<i32>} : memref<16x42xf32, #tpu.memory_space<vmem>>, vector<1x16xf32>,
      %get3A_1494 = vector.shape_cast %get3A_1493 : vector<1x16xf32> to vector<16xf32>
      %swap3A_1495 = arith.index_cast %add3A_1467 : i32 to index
      %swap3A_1496 = arith.constant 26 : index
      %swap3A_1497 = tpu.vector_load %arg12[%swap3A_1495, %swap3A_1496] {strides = array<i32>} : memref<512x64xf32, #tpu.memory_space<vmem>>, vector<1x16xf32>,
      %swap3A_1498 = vector.shape_cast %swap3A_1497 : vector<1x16xf32> to vector<16xf32>
      %swap3A_1499 = vector.shape_cast %get3A_1494 : vector<16xf32> to vector<1x16xf32>
      tpu.vector_store %arg12[%swap3A_1495, %swap3A_1496], %swap3A_1499 {strides = array<i32>} : memref<512x64xf32, #tpu.memory_space<vmem>>, vector<1x16xf32>,
      %get3A_1500 = arith.index_cast %squeeze3A_1469 : i32 to index
      %get3A_1501 = arith.constant 0 : index
      %get3A_1502 = tpu.vector_load %arg9[%get3A_1500, %get3A_1501] {strides = array<i32>} : memref<128x128xf32, #tpu.memory_space<vmem>>, vector<1x16xf32>,
      %get3A_1503 = vector.shape_cast %get3A_1502 : vector<1x16xf32> to vector<16xf32>
      %swap3A_1504 = arith.index_cast %add3A_1467 : i32 to index
      %swap3A_1505 = arith.constant 42 : index
      %swap3A_1506 = tpu.vector_load %arg12[%swap3A_1504, %swap3A_1505] {strides = array<i32>} : memref<512x64xf32, #tpu.memory_space<vmem>>, vector<1x16xf32>,
      %swap3A_1507 = vector.shape_cast %swap3A_1506 : vector<1x16xf32> to vector<16xf32>
      %swap3A_1508 = vector.shape_cast %get3A_1503 : vector<16xf32> to vector<1x16xf32>
      tpu.vector_store %arg12[%swap3A_1504, %swap3A_1505], %swap3A_1508 {strides = array<i32>} : memref<512x64xf32, #tpu.memory_space<vmem>>, vector<1x16xf32>,
      %get3A_1509 = arith.index_cast %squeeze3A_1469 : i32 to index
      %get3A_1510 = arith.constant 6 : index
      %get3A_1511 = tpu.vector_load %arg9[%get3A_1509, %get3A_1510] {strides = array<i32>} : memref<128x128xf32, #tpu.memory_space<vmem>>, vector<1x16xf32>,
      %get3A_1512 = vector.shape_cast %get3A_1511 : vector<1x16xf32> to vector<16xf32>
      %swap3A_1513 = arith.index_cast %add3A_1467 : i32 to index
      %swap3A_1514 = arith.constant 48 : index
      %swap3A_1515 = tpu.vector_load %arg12[%swap3A_1513, %swap3A_1514] {strides = array<i32>} : memref<512x64xf32, #tpu.memory_space<vmem>>, vector<1x16xf32>,
      %swap3A_1516 = vector.shape_cast %swap3A_1515 : vector<1x16xf32> to vector<16xf32>
      %swap3A_1517 = vector.shape_cast %get3A_1512 : vector<16xf32> to vector<1x16xf32>
      tpu.vector_store %arg12[%swap3A_1513, %swap3A_1514], %swap3A_1517 {strides = array<i32>} : memref<512x64xf32, #tpu.memory_space<vmem>>, vector<1x16xf32>,
      %add3A_1518 = arith.constant 5 : i32
      %add3A_1519 = arith.addi %mul3A_1254, %add3A_1518 : i32
      %slice3A_1520 = vector.extract_strided_slice %get3A_1257 {offsets = [5], sizes = [1], strides = [1]} : vector<16xi32> to vector<1xi32>
      %squeeze3A_1521 = vector.extract %slice3A_1520[0] : i32 from vector<1xi32>
      %get3A_1522 = arith.constant 5 : i32
      %get3A_1523 = arith.index_cast %get3A_1522 : i32 to index
      %get3A_1524 = arith.constant 0 : index
      %get3A_1525 = tpu.vector_load %arg11[%get3A_1523, %get3A_1524] {strides = array<i32>} : memref<16x42xf32, #tpu.memory_space<vmem>>, vector<1x16xf32>,
      %get3A_1526 = vector.shape_cast %get3A_1525 : vector<1x16xf32> to vector<16xf32>
      %swap3A_1527 = arith.index_cast %add3A_1519 : i32 to index
      %swap3A_1528 = arith.constant 0 : index
      %swap3A_1529 = tpu.vector_load %arg12[%swap3A_1527, %swap3A_1528] {strides = array<i32>} : memref<512x64xf32, #tpu.memory_space<vmem>>, vector<1x16xf32>,
      %swap3A_1530 = vector.shape_cast %swap3A_1529 : vector<1x16xf32> to vector<16xf32>
      %swap3A_1531 = vector.shape_cast %get3A_1526 : vector<16xf32> to vector<1x16xf32>
      tpu.vector_store %arg12[%swap3A_1527, %swap3A_1528], %swap3A_1531 {strides = array<i32>} : memref<512x64xf32, #tpu.memory_space<vmem>>, vector<1x16xf32>,
      %get3A_1532 = arith.constant 5 : i32
      %get3A_1533 = arith.index_cast %get3A_1532 : i32 to index
      %get3A_1534 = arith.constant 16 : index
      %get3A_1535 = tpu.vector_load %arg11[%get3A_1533, %get3A_1534] {strides = array<i32>} : memref<16x42xf32, #tpu.memory_space<vmem>>, vector<1x16xf32>,
      %get3A_1536 = vector.shape_cast %get3A_1535 : vector<1x16xf32> to vector<16xf32>
      %swap3A_1537 = arith.index_cast %add3A_1519 : i32 to index
      %swap3A_1538 = arith.constant 16 : index
      %swap3A_1539 = tpu.vector_load %arg12[%swap3A_1537, %swap3A_1538] {strides = array<i32>} : memref<512x64xf32, #tpu.memory_space<vmem>>, vector<1x16xf32>,
      %swap3A_1540 = vector.shape_cast %swap3A_1539 : vector<1x16xf32> to vector<16xf32>
      %swap3A_1541 = vector.shape_cast %get3A_1536 : vector<16xf32> to vector<1x16xf32>
      tpu.vector_store %arg12[%swap3A_1537, %swap3A_1538], %swap3A_1541 {strides = array<i32>} : memref<512x64xf32, #tpu.memory_space<vmem>>, vector<1x16xf32>,
      %get3A_1542 = arith.constant 5 : i32
      %get3A_1543 = arith.index_cast %get3A_1542 : i32 to index
      %get3A_1544 = arith.constant 26 : index
      %get3A_1545 = tpu.vector_load %arg11[%get3A_1543, %get3A_1544] {strides = array<i32>} : memref<16x42xf32, #tpu.memory_space<vmem>>, vector<1x16xf32>,
      %get3A_1546 = vector.shape_cast %get3A_1545 : vector<1x16xf32> to vector<16xf32>
      %swap3A_1547 = arith.index_cast %add3A_1519 : i32 to index
      %swap3A_1548 = arith.constant 26 : index
      %swap3A_1549 = tpu.vector_load %arg12[%swap3A_1547, %swap3A_1548] {strides = array<i32>} : memref<512x64xf32, #tpu.memory_space<vmem>>, vector<1x16xf32>,
      %swap3A_1550 = vector.shape_cast %swap3A_1549 : vector<1x16xf32> to vector<16xf32>
      %swap3A_1551 = vector.shape_cast %get3A_1546 : vector<16xf32> to vector<1x16xf32>
      tpu.vector_store %arg12[%swap3A_1547, %swap3A_1548], %swap3A_1551 {strides = array<i32>} : memref<512x64xf32, #tpu.memory_space<vmem>>, vector<1x16xf32>,
      %get3A_1552 = arith.index_cast %squeeze3A_1521 : i32 to index
      %get3A_1553 = arith.constant 0 : index
      %get3A_1554 = tpu.vector_load %arg9[%get3A_1552, %get3A_1553] {strides = array<i32>} : memref<128x128xf32, #tpu.memory_space<vmem>>, vector<1x16xf32>,
      %get3A_1555 = vector.shape_cast %get3A_1554 : vector<1x16xf32> to vector<16xf32>
      %swap3A_1556 = arith.index_cast %add3A_1519 : i32 to index
      %swap3A_1557 = arith.constant 42 : index
      %swap3A_1558 = tpu.vector_load %arg12[%swap3A_1556, %swap3A_1557] {strides = array<i32>} : memref<512x64xf32, #tpu.memory_space<vmem>>, vector<1x16xf32>,
      %swap3A_1559 = vector.shape_cast %swap3A_1558 : vector<1x16xf32> to vector<16xf32>
      %swap3A_1560 = vector.shape_cast %get3A_1555 : vector<16xf32> to vector<1x16xf32>
      tpu.vector_store %arg12[%swap3A_1556, %swap3A_1557], %swap3A_1560 {strides = array<i32>} : memref<512x64xf32, #tpu.memory_space<vmem>>, vector<1x16xf32>,
      %get3A_1561 = arith.index_cast %squeeze3A_1521 : i32 to index
      %get3A_1562 = arith.constant 6 : index
      %get3A_1563 = tpu.vector_load %arg9[%get3A_1561, %get3A_1562] {strides = array<i32>} : memref<128x128xf32, #tpu.memory_space<vmem>>, vector<1x16xf32>,
      %get3A_1564 = vector.shape_cast %get3A_1563 : vector<1x16xf32> to vector<16xf32>
      %swap3A_1565 = arith.index_cast %add3A_1519 : i32 to index
      %swap3A_1566 = arith.constant 48 : index
      %swap3A_1567 = tpu.vector_load %arg12[%swap3A_1565, %swap3A_1566] {strides = array<i32>} : memref<512x64xf32, #tpu.memory_space<vmem>>, vector<1x16xf32>,
      %swap3A_1568 = vector.shape_cast %swap3A_1567 : vector<1x16xf32> to vector<16xf32>
      %swap3A_1569 = vector.shape_cast %get3A_1564 : vector<16xf32> to vector<1x16xf32>
      tpu.vector_store %arg12[%swap3A_1565, %swap3A_1566], %swap3A_1569 {strides = array<i32>} : memref<512x64xf32, #tpu.memory_space<vmem>>, vector<1x16xf32>,
      %add3A_1570 = arith.constant 6 : i32
      %add3A_1571 = arith.addi %mul3A_1254, %add3A_1570 : i32
      %slice3A_1572 = vector.extract_strided_slice %get3A_1257 {offsets = [6], sizes = [1], strides = [1]} : vector<16xi32> to vector<1xi32>
      %squeeze3A_1573 = vector.extract %slice3A_1572[0] : i32 from vector<1xi32>
      %get3A_1574 = arith.constant 6 : i32
      %get3A_1575 = arith.index_cast %get3A_1574 : i32 to index
      %get3A_1576 = arith.constant 0 : index
      %get3A_1577 = tpu.vector_load %arg11[%get3A_1575, %get3A_1576] {strides = array<i32>} : memref<16x42xf32, #tpu.memory_space<vmem>>, vector<1x16xf32>,
      %get3A_1578 = vector.shape_cast %get3A_1577 : vector<1x16xf32> to vector<16xf32>
      %swap3A_1579 = arith.index_cast %add3A_1571 : i32 to index
      %swap3A_1580 = arith.constant 0 : index
      %swap3A_1581 = tpu.vector_load %arg12[%swap3A_1579, %swap3A_1580] {strides = array<i32>} : memref<512x64xf32, #tpu.memory_space<vmem>>, vector<1x16xf32>,
      %swap3A_1582 = vector.shape_cast %swap3A_1581 : vector<1x16xf32> to vector<16xf32>
      %swap3A_1583 = vector.shape_cast %get3A_1578 : vector<16xf32> to vector<1x16xf32>
      tpu.vector_store %arg12[%swap3A_1579, %swap3A_1580], %swap3A_1583 {strides = array<i32>} : memref<512x64xf32, #tpu.memory_space<vmem>>, vector<1x16xf32>,
      %get3A_1584 = arith.constant 6 : i32
      %get3A_1585 = arith.index_cast %get3A_1584 : i32 to index
      %get3A_1586 = arith.constant 16 : index
      %get3A_1587 = tpu.vector_load %arg11[%get3A_1585, %get3A_1586] {strides = array<i32>} : memref<16x42xf32, #tpu.memory_space<vmem>>, vector<1x16xf32>,
      %get3A_1588 = vector.shape_cast %get3A_1587 : vector<1x16xf32> to vector<16xf32>
      %swap3A_1589 = arith.index_cast %add3A_1571 : i32 to index
      %swap3A_1590 = arith.constant 16 : index
      %swap3A_1591 = tpu.vector_load %arg12[%swap3A_1589, %swap3A_1590] {strides = array<i32>} : memref<512x64xf32, #tpu.memory_space<vmem>>, vector<1x16xf32>,
      %swap3A_1592 = vector.shape_cast %swap3A_1591 : vector<1x16xf32> to vector<16xf32>
      %swap3A_1593 = vector.shape_cast %get3A_1588 : vector<16xf32> to vector<1x16xf32>
      tpu.vector_store %arg12[%swap3A_1589, %swap3A_1590], %swap3A_1593 {strides = array<i32>} : memref<512x64xf32, #tpu.memory_space<vmem>>, vector<1x16xf32>,
      %get3A_1594 = arith.constant 6 : i32
      %get3A_1595 = arith.index_cast %get3A_1594 : i32 to index
      %get3A_1596 = arith.constant 26 : index
      %get3A_1597 = tpu.vector_load %arg11[%get3A_1595, %get3A_1596] {strides = array<i32>} : memref<16x42xf32, #tpu.memory_space<vmem>>, vector<1x16xf32>,
      %get3A_1598 = vector.shape_cast %get3A_1597 : vector<1x16xf32> to vector<16xf32>
      %swap3A_1599 = arith.index_cast %add3A_1571 : i32 to index
      %swap3A_1600 = arith.constant 26 : index
      %swap3A_1601 = tpu.vector_load %arg12[%swap3A_1599, %swap3A_1600] {strides = array<i32>} : memref<512x64xf32, #tpu.memory_space<vmem>>, vector<1x16xf32>,
      %swap3A_1602 = vector.shape_cast %swap3A_1601 : vector<1x16xf32> to vector<16xf32>
      %swap3A_1603 = vector.shape_cast %get3A_1598 : vector<16xf32> to vector<1x16xf32>
      tpu.vector_store %arg12[%swap3A_1599, %swap3A_1600], %swap3A_1603 {strides = array<i32>} : memref<512x64xf32, #tpu.memory_space<vmem>>, vector<1x16xf32>,
      %get3A_1604 = arith.index_cast %squeeze3A_1573 : i32 to index
      %get3A_1605 = arith.constant 0 : index
      %get3A_1606 = tpu.vector_load %arg9[%get3A_1604, %get3A_1605] {strides = array<i32>} : memref<128x128xf32, #tpu.memory_space<vmem>>, vector<1x16xf32>,
      %get3A_1607 = vector.shape_cast %get3A_1606 : vector<1x16xf32> to vector<16xf32>
      %swap3A_1608 = arith.index_cast %add3A_1571 : i32 to index
      %swap3A_1609 = arith.constant 42 : index
      %swap3A_1610 = tpu.vector_load %arg12[%swap3A_1608, %swap3A_1609] {strides = array<i32>} : memref<512x64xf32, #tpu.memory_space<vmem>>, vector<1x16xf32>,
      %swap3A_1611 = vector.shape_cast %swap3A_1610 : vector<1x16xf32> to vector<16xf32>
      %swap3A_1612 = vector.shape_cast %get3A_1607 : vector<16xf32> to vector<1x16xf32>
      tpu.vector_store %arg12[%swap3A_1608, %swap3A_1609], %swap3A_1612 {strides = array<i32>} : memref<512x64xf32, #tpu.memory_space<vmem>>, vector<1x16xf32>,
      %get3A_1613 = arith.index_cast %squeeze3A_1573 : i32 to index
      %get3A_1614 = arith.constant 6 : index
      %get3A_1615 = tpu.vector_load %arg9[%get3A_1613, %get3A_1614] {strides = array<i32>} : memref<128x128xf32, #tpu.memory_space<vmem>>, vector<1x16xf32>,
      %get3A_1616 = vector.shape_cast %get3A_1615 : vector<1x16xf32> to vector<16xf32>
      %swap3A_1617 = arith.index_cast %add3A_1571 : i32 to index
      %swap3A_1618 = arith.constant 48 : index
      %swap3A_1619 = tpu.vector_load %arg12[%swap3A_1617, %swap3A_1618] {strides = array<i32>} : memref<512x64xf32, #tpu.memory_space<vmem>>, vector<1x16xf32>,
      %swap3A_1620 = vector.shape_cast %swap3A_1619 : vector<1x16xf32> to vector<16xf32>
      %swap3A_1621 = vector.shape_cast %get3A_1616 : vector<16xf32> to vector<1x16xf32>
      tpu.vector_store %arg12[%swap3A_1617, %swap3A_1618], %swap3A_1621 {strides = array<i32>} : memref<512x64xf32, #tpu.memory_space<vmem>>, vector<1x16xf32>,
      %add3A_1622 = arith.constant 7 : i32
      %add3A_1623 = arith.addi %mul3A_1254, %add3A_1622 : i32
      %slice3A_1624 = vector.extract_strided_slice %get3A_1257 {offsets = [7], sizes = [1], strides = [1]} : vector<16xi32> to vector<1xi32>
      %squeeze3A_1625 = vector.extract %slice3A_1624[0] : i32 from vector<1xi32>
      %get3A_1626 = arith.constant 7 : i32
      %get3A_1627 = arith.index_cast %get3A_1626 : i32 to index
      %get3A_1628 = arith.constant 0 : index
      %get3A_1629 = tpu.vector_load %arg11[%get3A_1627, %get3A_1628] {strides = array<i32>} : memref<16x42xf32, #tpu.memory_space<vmem>>, vector<1x16xf32>,
      %get3A_1630 = vector.shape_cast %get3A_1629 : vector<1x16xf32> to vector<16xf32>
      %swap3A_1631 = arith.index_cast %add3A_1623 : i32 to index
      %swap3A_1632 = arith.constant 0 : index
      %swap3A_1633 = tpu.vector_load %arg12[%swap3A_1631, %swap3A_1632] {strides = array<i32>} : memref<512x64xf32, #tpu.memory_space<vmem>>, vector<1x16xf32>,
      %swap3A_1634 = vector.shape_cast %swap3A_1633 : vector<1x16xf32> to vector<16xf32>
      %swap3A_1635 = vector.shape_cast %get3A_1630 : vector<16xf32> to vector<1x16xf32>
      tpu.vector_store %arg12[%swap3A_1631, %swap3A_1632], %swap3A_1635 {strides = array<i32>} : memref<512x64xf32, #tpu.memory_space<vmem>>, vector<1x16xf32>,
      %get3A_1636 = arith.constant 7 : i32
      %get3A_1637 = arith.index_cast %get3A_1636 : i32 to index
      %get3A_1638 = arith.constant 16 : index
      %get3A_1639 = tpu.vector_load %arg11[%get3A_1637, %get3A_1638] {strides = array<i32>} : memref<16x42xf32, #tpu.memory_space<vmem>>, vector<1x16xf32>,
      %get3A_1640 = vector.shape_cast %get3A_1639 : vector<1x16xf32> to vector<16xf32>
      %swap3A_1641 = arith.index_cast %add3A_1623 : i32 to index
      %swap3A_1642 = arith.constant 16 : index
      %swap3A_1643 = tpu.vector_load %arg12[%swap3A_1641, %swap3A_1642] {strides = array<i32>} : memref<512x64xf32, #tpu.memory_space<vmem>>, vector<1x16xf32>,
      %swap3A_1644 = vector.shape_cast %swap3A_1643 : vector<1x16xf32> to vector<16xf32>
      %swap3A_1645 = vector.shape_cast %get3A_1640 : vector<16xf32> to vector<1x16xf32>
      tpu.vector_store %arg12[%swap3A_1641, %swap3A_1642], %swap3A_1645 {strides = array<i32>} : memref<512x64xf32, #tpu.memory_space<vmem>>, vector<1x16xf32>,
      %get3A_1646 = arith.constant 7 : i32
      %get3A_1647 = arith.index_cast %get3A_1646 : i32 to index
      %get3A_1648 = arith.constant 26 : index
      %get3A_1649 = tpu.vector_load %arg11[%get3A_1647, %get3A_1648] {strides = array<i32>} : memref<16x42xf32, #tpu.memory_space<vmem>>, vector<1x16xf32>,
      %get3A_1650 = vector.shape_cast %get3A_1649 : vector<1x16xf32> to vector<16xf32>
      %swap3A_1651 = arith.index_cast %add3A_1623 : i32 to index
      %swap3A_1652 = arith.constant 26 : index
      %swap3A_1653 = tpu.vector_load %arg12[%swap3A_1651, %swap3A_1652] {strides = array<i32>} : memref<512x64xf32, #tpu.memory_space<vmem>>, vector<1x16xf32>,
      %swap3A_1654 = vector.shape_cast %swap3A_1653 : vector<1x16xf32> to vector<16xf32>
      %swap3A_1655 = vector.shape_cast %get3A_1650 : vector<16xf32> to vector<1x16xf32>
      tpu.vector_store %arg12[%swap3A_1651, %swap3A_1652], %swap3A_1655 {strides = array<i32>} : memref<512x64xf32, #tpu.memory_space<vmem>>, vector<1x16xf32>,
      %get3A_1656 = arith.index_cast %squeeze3A_1625 : i32 to index
      %get3A_1657 = arith.constant 0 : index
      %get3A_1658 = tpu.vector_load %arg9[%get3A_1656, %get3A_1657] {strides = array<i32>} : memref<128x128xf32, #tpu.memory_space<vmem>>, vector<1x16xf32>,
      %get3A_1659 = vector.shape_cast %get3A_1658 : vector<1x16xf32> to vector<16xf32>
      %swap3A_1660 = arith.index_cast %add3A_1623 : i32 to index
      %swap3A_1661 = arith.constant 42 : index
      %swap3A_1662 = tpu.vector_load %arg12[%swap3A_1660, %swap3A_1661] {strides = array<i32>} : memref<512x64xf32, #tpu.memory_space<vmem>>, vector<1x16xf32>,
      %swap3A_1663 = vector.shape_cast %swap3A_1662 : vector<1x16xf32> to vector<16xf32>
      %swap3A_1664 = vector.shape_cast %get3A_1659 : vector<16xf32> to vector<1x16xf32>
      tpu.vector_store %arg12[%swap3A_1660, %swap3A_1661], %swap3A_1664 {strides = array<i32>} : memref<512x64xf32, #tpu.memory_space<vmem>>, vector<1x16xf32>,
      %get3A_1665 = arith.index_cast %squeeze3A_1625 : i32 to index
      %get3A_1666 = arith.constant 6 : index
      %get3A_1667 = tpu.vector_load %arg9[%get3A_1665, %get3A_1666] {strides = array<i32>} : memref<128x128xf32, #tpu.memory_space<vmem>>, vector<1x16xf32>,
      %get3A_1668 = vector.shape_cast %get3A_1667 : vector<1x16xf32> to vector<16xf32>
      %swap3A_1669 = arith.index_cast %add3A_1623 : i32 to index
      %swap3A_1670 = arith.constant 48 : index
      %swap3A_1671 = tpu.vector_load %arg12[%swap3A_1669, %swap3A_1670] {strides = array<i32>} : memref<512x64xf32, #tpu.memory_space<vmem>>, vector<1x16xf32>,
      %swap3A_1672 = vector.shape_cast %swap3A_1671 : vector<1x16xf32> to vector<16xf32>
      %swap3A_1673 = vector.shape_cast %get3A_1668 : vector<16xf32> to vector<1x16xf32>
      tpu.vector_store %arg12[%swap3A_1669, %swap3A_1670], %swap3A_1673 {strides = array<i32>} : memref<512x64xf32, #tpu.memory_space<vmem>>, vector<1x16xf32>,
      %add3A_1674 = arith.constant 8 : i32
      %add3A_1675 = arith.addi %mul3A_1254, %add3A_1674 : i32
      %slice3A_1676 = vector.extract_strided_slice %get3A_1257 {offsets = [8], sizes = [1], strides = [1]} : vector<16xi32> to vector<1xi32>
      %squeeze3A_1677 = vector.extract %slice3A_1676[0] : i32 from vector<1xi32>
      %get3A_1678 = arith.constant 8 : i32
      %get3A_1679 = arith.index_cast %get3A_1678 : i32 to index
      %get3A_1680 = arith.constant 0 : index
      %get3A_1681 = tpu.vector_load %arg11[%get3A_1679, %get3A_1680] {strides = array<i32>} : memref<16x42xf32, #tpu.memory_space<vmem>>, vector<1x16xf32>,
      %get3A_1682 = vector.shape_cast %get3A_1681 : vector<1x16xf32> to vector<16xf32>
      %swap3A_1683 = arith.index_cast %add3A_1675 : i32 to index
      %swap3A_1684 = arith.constant 0 : index
      %swap3A_1685 = tpu.vector_load %arg12[%swap3A_1683, %swap3A_1684] {strides = array<i32>} : memref<512x64xf32, #tpu.memory_space<vmem>>, vector<1x16xf32>,
      %swap3A_1686 = vector.shape_cast %swap3A_1685 : vector<1x16xf32> to vector<16xf32>
      %swap3A_1687 = vector.shape_cast %get3A_1682 : vector<16xf32> to vector<1x16xf32>
      tpu.vector_store %arg12[%swap3A_1683, %swap3A_1684], %swap3A_1687 {strides = array<i32>} : memref<512x64xf32, #tpu.memory_space<vmem>>, vector<1x16xf32>,
      %get3A_1688 = arith.constant 8 : i32
      %get3A_1689 = arith.index_cast %get3A_1688 : i32 to index
      %get3A_1690 = arith.constant 16 : index
      %get3A_1691 = tpu.vector_load %arg11[%get3A_1689, %get3A_1690] {strides = array<i32>} : memref<16x42xf32, #tpu.memory_space<vmem>>, vector<1x16xf32>,
      %get3A_1692 = vector.shape_cast %get3A_1691 : vector<1x16xf32> to vector<16xf32>
      %swap3A_1693 = arith.index_cast %add3A_1675 : i32 to index
      %swap3A_1694 = arith.constant 16 : index
      %swap3A_1695 = tpu.vector_load %arg12[%swap3A_1693, %swap3A_1694] {strides = array<i32>} : memref<512x64xf32, #tpu.memory_space<vmem>>, vector<1x16xf32>,
      %swap3A_1696 = vector.shape_cast %swap3A_1695 : vector<1x16xf32> to vector<16xf32>
      %swap3A_1697 = vector.shape_cast %get3A_1692 : vector<16xf32> to vector<1x16xf32>
      tpu.vector_store %arg12[%swap3A_1693, %swap3A_1694], %swap3A_1697 {strides = array<i32>} : memref<512x64xf32, #tpu.memory_space<vmem>>, vector<1x16xf32>,
      %get3A_1698 = arith.constant 8 : i32
      %get3A_1699 = arith.index_cast %get3A_1698 : i32 to index
      %get3A_1700 = arith.constant 26 : index
      %get3A_1701 = tpu.vector_load %arg11[%get3A_1699, %get3A_1700] {strides = array<i32>} : memref<16x42xf32, #tpu.memory_space<vmem>>, vector<1x16xf32>,
      %get3A_1702 = vector.shape_cast %get3A_1701 : vector<1x16xf32> to vector<16xf32>
      %swap3A_1703 = arith.index_cast %add3A_1675 : i32 to index
      %swap3A_1704 = arith.constant 26 : index
      %swap3A_1705 = tpu.vector_load %arg12[%swap3A_1703, %swap3A_1704] {strides = array<i32>} : memref<512x64xf32, #tpu.memory_space<vmem>>, vector<1x16xf32>,
      %swap3A_1706 = vector.shape_cast %swap3A_1705 : vector<1x16xf32> to vector<16xf32>
      %swap3A_1707 = vector.shape_cast %get3A_1702 : vector<16xf32> to vector<1x16xf32>
      tpu.vector_store %arg12[%swap3A_1703, %swap3A_1704], %swap3A_1707 {strides = array<i32>} : memref<512x64xf32, #tpu.memory_space<vmem>>, vector<1x16xf32>,
      %get3A_1708 = arith.index_cast %squeeze3A_1677 : i32 to index
      %get3A_1709 = arith.constant 0 : index
      %get3A_1710 = tpu.vector_load %arg9[%get3A_1708, %get3A_1709] {strides = array<i32>} : memref<128x128xf32, #tpu.memory_space<vmem>>, vector<1x16xf32>,
      %get3A_1711 = vector.shape_cast %get3A_1710 : vector<1x16xf32> to vector<16xf32>
      %swap3A_1712 = arith.index_cast %add3A_1675 : i32 to index
      %swap3A_1713 = arith.constant 42 : index
      %swap3A_1714 = tpu.vector_load %arg12[%swap3A_1712, %swap3A_1713] {strides = array<i32>} : memref<512x64xf32, #tpu.memory_space<vmem>>, vector<1x16xf32>,
      %swap3A_1715 = vector.shape_cast %swap3A_1714 : vector<1x16xf32> to vector<16xf32>
      %swap3A_1716 = vector.shape_cast %get3A_1711 : vector<16xf32> to vector<1x16xf32>
      tpu.vector_store %arg12[%swap3A_1712, %swap3A_1713], %swap3A_1716 {strides = array<i32>} : memref<512x64xf32, #tpu.memory_space<vmem>>, vector<1x16xf32>,
      %get3A_1717 = arith.index_cast %squeeze3A_1677 : i32 to index
      %get3A_1718 = arith.constant 6 : index
      %get3A_1719 = tpu.vector_load %arg9[%get3A_1717, %get3A_1718] {strides = array<i32>} : memref<128x128xf32, #tpu.memory_space<vmem>>, vector<1x16xf32>,
      %get3A_1720 = vector.shape_cast %get3A_1719 : vector<1x16xf32> to vector<16xf32>
      %swap3A_1721 = arith.index_cast %add3A_1675 : i32 to index
      %swap3A_1722 = arith.constant 48 : index
      %swap3A_1723 = tpu.vector_load %arg12[%swap3A_1721, %swap3A_1722] {strides = array<i32>} : memref<512x64xf32, #tpu.memory_space<vmem>>, vector<1x16xf32>,
      %swap3A_1724 = vector.shape_cast %swap3A_1723 : vector<1x16xf32> to vector<16xf32>
      %swap3A_1725 = vector.shape_cast %get3A_1720 : vector<16xf32> to vector<1x16xf32>
      tpu.vector_store %arg12[%swap3A_1721, %swap3A_1722], %swap3A_1725 {strides = array<i32>} : memref<512x64xf32, #tpu.memory_space<vmem>>, vector<1x16xf32>,
      %add3A_1726 = arith.constant 9 : i32
      %add3A_1727 = arith.addi %mul3A_1254, %add3A_1726 : i32
      %slice3A_1728 = vector.extract_strided_slice %get3A_1257 {offsets = [9], sizes = [1], strides = [1]} : vector<16xi32> to vector<1xi32>
      %squeeze3A_1729 = vector.extract %slice3A_1728[0] : i32 from vector<1xi32>
      %get3A_1730 = arith.constant 9 : i32
      %get3A_1731 = arith.index_cast %get3A_1730 : i32 to index
      %get3A_1732 = arith.constant 0 : index
      %get3A_1733 = tpu.vector_load %arg11[%get3A_1731, %get3A_1732] {strides = array<i32>} : memref<16x42xf32, #tpu.memory_space<vmem>>, vector<1x16xf32>,
      %get3A_1734 = vector.shape_cast %get3A_1733 : vector<1x16xf32> to vector<16xf32>
      %swap3A_1735 = arith.index_cast %add3A_1727 : i32 to index
      %swap3A_1736 = arith.constant 0 : index
      %swap3A_1737 = tpu.vector_load %arg12[%swap3A_1735, %swap3A_1736] {strides = array<i32>} : memref<512x64xf32, #tpu.memory_space<vmem>>, vector<1x16xf32>,
      %swap3A_1738 = vector.shape_cast %swap3A_1737 : vector<1x16xf32> to vector<16xf32>
      %swap3A_1739 = vector.shape_cast %get3A_1734 : vector<16xf32> to vector<1x16xf32>
      tpu.vector_store %arg12[%swap3A_1735, %swap3A_1736], %swap3A_1739 {strides = array<i32>} : memref<512x64xf32, #tpu.memory_space<vmem>>, vector<1x16xf32>,
      %get3A_1740 = arith.constant 9 : i32
      %get3A_1741 = arith.index_cast %get3A_1740 : i32 to index
      %get3A_1742 = arith.constant 16 : index
      %get3A_1743 = tpu.vector_load %arg11[%get3A_1741, %get3A_1742] {strides = array<i32>} : memref<16x42xf32, #tpu.memory_space<vmem>>, vector<1x16xf32>,
      %get3A_1744 = vector.shape_cast %get3A_1743 : vector<1x16xf32> to vector<16xf32>
      %swap3A_1745 = arith.index_cast %add3A_1727 : i32 to index
      %swap3A_1746 = arith.constant 16 : index
      %swap3A_1747 = tpu.vector_load %arg12[%swap3A_1745, %swap3A_1746] {strides = array<i32>} : memref<512x64xf32, #tpu.memory_space<vmem>>, vector<1x16xf32>,
      %swap3A_1748 = vector.shape_cast %swap3A_1747 : vector<1x16xf32> to vector<16xf32>
      %swap3A_1749 = vector.shape_cast %get3A_1744 : vector<16xf32> to vector<1x16xf32>
      tpu.vector_store %arg12[%swap3A_1745, %swap3A_1746], %swap3A_1749 {strides = array<i32>} : memref<512x64xf32, #tpu.memory_space<vmem>>, vector<1x16xf32>,
      %get3A_1750 = arith.constant 9 : i32
      %get3A_1751 = arith.index_cast %get3A_1750 : i32 to index
      %get3A_1752 = arith.constant 26 : index
      %get3A_1753 = tpu.vector_load %arg11[%get3A_1751, %get3A_1752] {strides = array<i32>} : memref<16x42xf32, #tpu.memory_space<vmem>>, vector<1x16xf32>,
      %get3A_1754 = vector.shape_cast %get3A_1753 : vector<1x16xf32> to vector<16xf32>
      %swap3A_1755 = arith.index_cast %add3A_1727 : i32 to index
      %swap3A_1756 = arith.constant 26 : index
      %swap3A_1757 = tpu.vector_load %arg12[%swap3A_1755, %swap3A_1756] {strides = array<i32>} : memref<512x64xf32, #tpu.memory_space<vmem>>, vector<1x16xf32>,
      %swap3A_1758 = vector.shape_cast %swap3A_1757 : vector<1x16xf32> to vector<16xf32>
      %swap3A_1759 = vector.shape_cast %get3A_1754 : vector<16xf32> to vector<1x16xf32>
      tpu.vector_store %arg12[%swap3A_1755, %swap3A_1756], %swap3A_1759 {strides = array<i32>} : memref<512x64xf32, #tpu.memory_space<vmem>>, vector<1x16xf32>,
      %get3A_1760 = arith.index_cast %squeeze3A_1729 : i32 to index
      %get3A_1761 = arith.constant 0 : index
      %get3A_1762 = tpu.vector_load %arg9[%get3A_1760, %get3A_1761] {strides = array<i32>} : memref<128x128xf32, #tpu.memory_space<vmem>>, vector<1x16xf32>,
      %get3A_1763 = vector.shape_cast %get3A_1762 : vector<1x16xf32> to vector<16xf32>
      %swap3A_1764 = arith.index_cast %add3A_1727 : i32 to index
      %swap3A_1765 = arith.constant 42 : index
      %swap3A_1766 = tpu.vector_load %arg12[%swap3A_1764, %swap3A_1765] {strides = array<i32>} : memref<512x64xf32, #tpu.memory_space<vmem>>, vector<1x16xf32>,
      %swap3A_1767 = vector.shape_cast %swap3A_1766 : vector<1x16xf32> to vector<16xf32>
      %swap3A_1768 = vector.shape_cast %get3A_1763 : vector<16xf32> to vector<1x16xf32>
      tpu.vector_store %arg12[%swap3A_1764, %swap3A_1765], %swap3A_1768 {strides = array<i32>} : memref<512x64xf32, #tpu.memory_space<vmem>>, vector<1x16xf32>,
      %get3A_1769 = arith.index_cast %squeeze3A_1729 : i32 to index
      %get3A_1770 = arith.constant 6 : index
      %get3A_1771 = tpu.vector_load %arg9[%get3A_1769, %get3A_1770] {strides = array<i32>} : memref<128x128xf32, #tpu.memory_space<vmem>>, vector<1x16xf32>,
      %get3A_1772 = vector.shape_cast %get3A_1771 : vector<1x16xf32> to vector<16xf32>
      %swap3A_1773 = arith.index_cast %add3A_1727 : i32 to index
      %swap3A_1774 = arith.constant 48 : index
      %swap3A_1775 = tpu.vector_load %arg12[%swap3A_1773, %swap3A_1774] {strides = array<i32>} : memref<512x64xf32, #tpu.memory_space<vmem>>, vector<1x16xf32>,
      %swap3A_1776 = vector.shape_cast %swap3A_1775 : vector<1x16xf32> to vector<16xf32>
      %swap3A_1777 = vector.shape_cast %get3A_1772 : vector<16xf32> to vector<1x16xf32>
      tpu.vector_store %arg12[%swap3A_1773, %swap3A_1774], %swap3A_1777 {strides = array<i32>} : memref<512x64xf32, #tpu.memory_space<vmem>>, vector<1x16xf32>,
      %add3A_1778 = arith.constant 10 : i32
      %add3A_1779 = arith.addi %mul3A_1254, %add3A_1778 : i32
      %slice3A_1780 = vector.extract_strided_slice %get3A_1257 {offsets = [10], sizes = [1], strides = [1]} : vector<16xi32> to vector<1xi32>
      %squeeze3A_1781 = vector.extract %slice3A_1780[0] : i32 from vector<1xi32>
      %get3A_1782 = arith.constant 10 : i32
      %get3A_1783 = arith.index_cast %get3A_1782 : i32 to index
      %get3A_1784 = arith.constant 0 : index
      %get3A_1785 = tpu.vector_load %arg11[%get3A_1783, %get3A_1784] {strides = array<i32>} : memref<16x42xf32, #tpu.memory_space<vmem>>, vector<1x16xf32>,
      %get3A_1786 = vector.shape_cast %get3A_1785 : vector<1x16xf32> to vector<16xf32>
      %swap3A_1787 = arith.index_cast %add3A_1779 : i32 to index
      %swap3A_1788 = arith.constant 0 : index
      %swap3A_1789 = tpu.vector_load %arg12[%swap3A_1787, %swap3A_1788] {strides = array<i32>} : memref<512x64xf32, #tpu.memory_space<vmem>>, vector<1x16xf32>,
      %swap3A_1790 = vector.shape_cast %swap3A_1789 : vector<1x16xf32> to vector<16xf32>
      %swap3A_1791 = vector.shape_cast %get3A_1786 : vector<16xf32> to vector<1x16xf32>
      tpu.vector_store %arg12[%swap3A_1787, %swap3A_1788], %swap3A_1791 {strides = array<i32>} : memref<512x64xf32, #tpu.memory_space<vmem>>, vector<1x16xf32>,
      %get3A_1792 = arith.constant 10 : i32
      %get3A_1793 = arith.index_cast %get3A_1792 : i32 to index
      %get3A_1794 = arith.constant 16 : index
      %get3A_1795 = tpu.vector_load %arg11[%get3A_1793, %get3A_1794] {strides = array<i32>} : memref<16x42xf32, #tpu.memory_space<vmem>>, vector<1x16xf32>,
      %get3A_1796 = vector.shape_cast %get3A_1795 : vector<1x16xf32> to vector<16xf32>
      %swap3A_1797 = arith.index_cast %add3A_1779 : i32 to index
      %swap3A_1798 = arith.constant 16 : index
      %swap3A_1799 = tpu.vector_load %arg12[%swap3A_1797, %swap3A_1798] {strides = array<i32>} : memref<512x64xf32, #tpu.memory_space<vmem>>, vector<1x16xf32>,
      %swap3A_1800 = vector.shape_cast %swap3A_1799 : vector<1x16xf32> to vector<16xf32>
      %swap3A_1801 = vector.shape_cast %get3A_1796 : vector<16xf32> to vector<1x16xf32>
      tpu.vector_store %arg12[%swap3A_1797, %swap3A_1798], %swap3A_1801 {strides = array<i32>} : memref<512x64xf32, #tpu.memory_space<vmem>>, vector<1x16xf32>,
      %get3A_1802 = arith.constant 10 : i32
      %get3A_1803 = arith.index_cast %get3A_1802 : i32 to index
      %get3A_1804 = arith.constant 26 : index
      %get3A_1805 = tpu.vector_load %arg11[%get3A_1803, %get3A_1804] {strides = array<i32>} : memref<16x42xf32, #tpu.memory_space<vmem>>, vector<1x16xf32>,
      %get3A_1806 = vector.shape_cast %get3A_1805 : vector<1x16xf32> to vector<16xf32>
      %swap3A_1807 = arith.index_cast %add3A_1779 : i32 to index
      %swap3A_1808 = arith.constant 26 : index
      %swap3A_1809 = tpu.vector_load %arg12[%swap3A_1807, %swap3A_1808] {strides = array<i32>} : memref<512x64xf32, #tpu.memory_space<vmem>>, vector<1x16xf32>,
      %swap3A_1810 = vector.shape_cast %swap3A_1809 : vector<1x16xf32> to vector<16xf32>
      %swap3A_1811 = vector.shape_cast %get3A_1806 : vector<16xf32> to vector<1x16xf32>
      tpu.vector_store %arg12[%swap3A_1807, %swap3A_1808], %swap3A_1811 {strides = array<i32>} : memref<512x64xf32, #tpu.memory_space<vmem>>, vector<1x16xf32>,
      %get3A_1812 = arith.index_cast %squeeze3A_1781 : i32 to index
      %get3A_1813 = arith.constant 0 : index
      %get3A_1814 = tpu.vector_load %arg9[%get3A_1812, %get3A_1813] {strides = array<i32>} : memref<128x128xf32, #tpu.memory_space<vmem>>, vector<1x16xf32>,
      %get3A_1815 = vector.shape_cast %get3A_1814 : vector<1x16xf32> to vector<16xf32>
      %swap3A_1816 = arith.index_cast %add3A_1779 : i32 to index
      %swap3A_1817 = arith.constant 42 : index
      %swap3A_1818 = tpu.vector_load %arg12[%swap3A_1816, %swap3A_1817] {strides = array<i32>} : memref<512x64xf32, #tpu.memory_space<vmem>>, vector<1x16xf32>,
      %swap3A_1819 = vector.shape_cast %swap3A_1818 : vector<1x16xf32> to vector<16xf32>
      %swap3A_1820 = vector.shape_cast %get3A_1815 : vector<16xf32> to vector<1x16xf32>
      tpu.vector_store %arg12[%swap3A_1816, %swap3A_1817], %swap3A_1820 {strides = array<i32>} : memref<512x64xf32, #tpu.memory_space<vmem>>, vector<1x16xf32>,
      %get3A_1821 = arith.index_cast %squeeze3A_1781 : i32 to index
      %get3A_1822 = arith.constant 6 : index
      %get3A_1823 = tpu.vector_load %arg9[%get3A_1821, %get3A_1822] {strides = array<i32>} : memref<128x128xf32, #tpu.memory_space<vmem>>, vector<1x16xf32>,
      %get3A_1824 = vector.shape_cast %get3A_1823 : vector<1x16xf32> to vector<16xf32>
      %swap3A_1825 = arith.index_cast %add3A_1779 : i32 to index
      %swap3A_1826 = arith.constant 48 : index
      %swap3A_1827 = tpu.vector_load %arg12[%swap3A_1825, %swap3A_1826] {strides = array<i32>} : memref<512x64xf32, #tpu.memory_space<vmem>>, vector<1x16xf32>,
      %swap3A_1828 = vector.shape_cast %swap3A_1827 : vector<1x16xf32> to vector<16xf32>
      %swap3A_1829 = vector.shape_cast %get3A_1824 : vector<16xf32> to vector<1x16xf32>
      tpu.vector_store %arg12[%swap3A_1825, %swap3A_1826], %swap3A_1829 {strides = array<i32>} : memref<512x64xf32, #tpu.memory_space<vmem>>, vector<1x16xf32>,
      %add3A_1830 = arith.constant 11 : i32
      %add3A_1831 = arith.addi %mul3A_1254, %add3A_1830 : i32
      %slice3A_1832 = vector.extract_strided_slice %get3A_1257 {offsets = [11], sizes = [1], strides = [1]} : vector<16xi32> to vector<1xi32>
      %squeeze3A_1833 = vector.extract %slice3A_1832[0] : i32 from vector<1xi32>
      %get3A_1834 = arith.constant 11 : i32
      %get3A_1835 = arith.index_cast %get3A_1834 : i32 to index
      %get3A_1836 = arith.constant 0 : index
      %get3A_1837 = tpu.vector_load %arg11[%get3A_1835, %get3A_1836] {strides = array<i32>} : memref<16x42xf32, #tpu.memory_space<vmem>>, vector<1x16xf32>,
      %get3A_1838 = vector.shape_cast %get3A_1837 : vector<1x16xf32> to vector<16xf32>
      %swap3A_1839 = arith.index_cast %add3A_1831 : i32 to index
      %swap3A_1840 = arith.constant 0 : index
      %swap3A_1841 = tpu.vector_load %arg12[%swap3A_1839, %swap3A_1840] {strides = array<i32>} : memref<512x64xf32, #tpu.memory_space<vmem>>, vector<1x16xf32>,
      %swap3A_1842 = vector.shape_cast %swap3A_1841 : vector<1x16xf32> to vector<16xf32>
      %swap3A_1843 = vector.shape_cast %get3A_1838 : vector<16xf32> to vector<1x16xf32>
      tpu.vector_store %arg12[%swap3A_1839, %swap3A_1840], %swap3A_1843 {strides = array<i32>} : memref<512x64xf32, #tpu.memory_space<vmem>>, vector<1x16xf32>,
      %get3A_1844 = arith.constant 11 : i32
      %get3A_1845 = arith.index_cast %get3A_1844 : i32 to index
      %get3A_1846 = arith.constant 16 : index
      %get3A_1847 = tpu.vector_load %arg11[%get3A_1845, %get3A_1846] {strides = array<i32>} : memref<16x42xf32, #tpu.memory_space<vmem>>, vector<1x16xf32>,
      %get3A_1848 = vector.shape_cast %get3A_1847 : vector<1x16xf32> to vector<16xf32>
      %swap3A_1849 = arith.index_cast %add3A_1831 : i32 to index
      %swap3A_1850 = arith.constant 16 : index
      %swap3A_1851 = tpu.vector_load %arg12[%swap3A_1849, %swap3A_1850] {strides = array<i32>} : memref<512x64xf32, #tpu.memory_space<vmem>>, vector<1x16xf32>,
      %swap3A_1852 = vector.shape_cast %swap3A_1851 : vector<1x16xf32> to vector<16xf32>
      %swap3A_1853 = vector.shape_cast %get3A_1848 : vector<16xf32> to vector<1x16xf32>
      tpu.vector_store %arg12[%swap3A_1849, %swap3A_1850], %swap3A_1853 {strides = array<i32>} : memref<512x64xf32, #tpu.memory_space<vmem>>, vector<1x16xf32>,
      %get3A_1854 = arith.constant 11 : i32
      %get3A_1855 = arith.index_cast %get3A_1854 : i32 to index
      %get3A_1856 = arith.constant 26 : index
      %get3A_1857 = tpu.vector_load %arg11[%get3A_1855, %get3A_1856] {strides = array<i32>} : memref<16x42xf32, #tpu.memory_space<vmem>>, vector<1x16xf32>,
      %get3A_1858 = vector.shape_cast %get3A_1857 : vector<1x16xf32> to vector<16xf32>
      %swap3A_1859 = arith.index_cast %add3A_1831 : i32 to index
      %swap3A_1860 = arith.constant 26 : index
      %swap3A_1861 = tpu.vector_load %arg12[%swap3A_1859, %swap3A_1860] {strides = array<i32>} : memref<512x64xf32, #tpu.memory_space<vmem>>, vector<1x16xf32>,
      %swap3A_1862 = vector.shape_cast %swap3A_1861 : vector<1x16xf32> to vector<16xf32>
      %swap3A_1863 = vector.shape_cast %get3A_1858 : vector<16xf32> to vector<1x16xf32>
      tpu.vector_store %arg12[%swap3A_1859, %swap3A_1860], %swap3A_1863 {strides = array<i32>} : memref<512x64xf32, #tpu.memory_space<vmem>>, vector<1x16xf32>,
      %get3A_1864 = arith.index_cast %squeeze3A_1833 : i32 to index
      %get3A_1865 = arith.constant 0 : index
      %get3A_1866 = tpu.vector_load %arg9[%get3A_1864, %get3A_1865] {strides = array<i32>} : memref<128x128xf32, #tpu.memory_space<vmem>>, vector<1x16xf32>,
      %get3A_1867 = vector.shape_cast %get3A_1866 : vector<1x16xf32> to vector<16xf32>
      %swap3A_1868 = arith.index_cast %add3A_1831 : i32 to index
      %swap3A_1869 = arith.constant 42 : index
      %swap3A_1870 = tpu.vector_load %arg12[%swap3A_1868, %swap3A_1869] {strides = array<i32>} : memref<512x64xf32, #tpu.memory_space<vmem>>, vector<1x16xf32>,
      %swap3A_1871 = vector.shape_cast %swap3A_1870 : vector<1x16xf32> to vector<16xf32>
      %swap3A_1872 = vector.shape_cast %get3A_1867 : vector<16xf32> to vector<1x16xf32>
      tpu.vector_store %arg12[%swap3A_1868, %swap3A_1869], %swap3A_1872 {strides = array<i32>} : memref<512x64xf32, #tpu.memory_space<vmem>>, vector<1x16xf32>,
      %get3A_1873 = arith.index_cast %squeeze3A_1833 : i32 to index
      %get3A_1874 = arith.constant 6 : index
      %get3A_1875 = tpu.vector_load %arg9[%get3A_1873, %get3A_1874] {strides = array<i32>} : memref<128x128xf32, #tpu.memory_space<vmem>>, vector<1x16xf32>,
      %get3A_1876 = vector.shape_cast %get3A_1875 : vector<1x16xf32> to vector<16xf32>
      %swap3A_1877 = arith.index_cast %add3A_1831 : i32 to index
      %swap3A_1878 = arith.constant 48 : index
      %swap3A_1879 = tpu.vector_load %arg12[%swap3A_1877, %swap3A_1878] {strides = array<i32>} : memref<512x64xf32, #tpu.memory_space<vmem>>, vector<1x16xf32>,
      %swap3A_1880 = vector.shape_cast %swap3A_1879 : vector<1x16xf32> to vector<16xf32>
      %swap3A_1881 = vector.shape_cast %get3A_1876 : vector<16xf32> to vector<1x16xf32>
      tpu.vector_store %arg12[%swap3A_1877, %swap3A_1878], %swap3A_1881 {strides = array<i32>} : memref<512x64xf32, #tpu.memory_space<vmem>>, vector<1x16xf32>,
      %add3A_1882 = arith.constant 12 : i32
      %add3A_1883 = arith.addi %mul3A_1254, %add3A_1882 : i32
      %slice3A_1884 = vector.extract_strided_slice %get3A_1257 {offsets = [12], sizes = [1], strides = [1]} : vector<16xi32> to vector<1xi32>
      %squeeze3A_1885 = vector.extract %slice3A_1884[0] : i32 from vector<1xi32>
      %get3A_1886 = arith.constant 12 : i32
      %get3A_1887 = arith.index_cast %get3A_1886 : i32 to index
      %get3A_1888 = arith.constant 0 : index
      %get3A_1889 = tpu.vector_load %arg11[%get3A_1887, %get3A_1888] {strides = array<i32>} : memref<16x42xf32, #tpu.memory_space<vmem>>, vector<1x16xf32>,
      %get3A_1890 = vector.shape_cast %get3A_1889 : vector<1x16xf32> to vector<16xf32>
      %swap3A_1891 = arith.index_cast %add3A_1883 : i32 to index
      %swap3A_1892 = arith.constant 0 : index
      %swap3A_1893 = tpu.vector_load %arg12[%swap3A_1891, %swap3A_1892] {strides = array<i32>} : memref<512x64xf32, #tpu.memory_space<vmem>>, vector<1x16xf32>,
      %swap3A_1894 = vector.shape_cast %swap3A_1893 : vector<1x16xf32> to vector<16xf32>
      %swap3A_1895 = vector.shape_cast %get3A_1890 : vector<16xf32> to vector<1x16xf32>
      tpu.vector_store %arg12[%swap3A_1891, %swap3A_1892], %swap3A_1895 {strides = array<i32>} : memref<512x64xf32, #tpu.memory_space<vmem>>, vector<1x16xf32>,
      %get3A_1896 = arith.constant 12 : i32
      %get3A_1897 = arith.index_cast %get3A_1896 : i32 to index
      %get3A_1898 = arith.constant 16 : index
      %get3A_1899 = tpu.vector_load %arg11[%get3A_1897, %get3A_1898] {strides = array<i32>} : memref<16x42xf32, #tpu.memory_space<vmem>>, vector<1x16xf32>,
      %get3A_1900 = vector.shape_cast %get3A_1899 : vector<1x16xf32> to vector<16xf32>
      %swap3A_1901 = arith.index_cast %add3A_1883 : i32 to index
      %swap3A_1902 = arith.constant 16 : index
      %swap3A_1903 = tpu.vector_load %arg12[%swap3A_1901, %swap3A_1902] {strides = array<i32>} : memref<512x64xf32, #tpu.memory_space<vmem>>, vector<1x16xf32>,
      %swap3A_1904 = vector.shape_cast %swap3A_1903 : vector<1x16xf32> to vector<16xf32>
      %swap3A_1905 = vector.shape_cast %get3A_1900 : vector<16xf32> to vector<1x16xf32>
      tpu.vector_store %arg12[%swap3A_1901, %swap3A_1902], %swap3A_1905 {strides = array<i32>} : memref<512x64xf32, #tpu.memory_space<vmem>>, vector<1x16xf32>,
      %get3A_1906 = arith.constant 12 : i32
      %get3A_1907 = arith.index_cast %get3A_1906 : i32 to index
      %get3A_1908 = arith.constant 26 : index
      %get3A_1909 = tpu.vector_load %arg11[%get3A_1907, %get3A_1908] {strides = array<i32>} : memref<16x42xf32, #tpu.memory_space<vmem>>, vector<1x16xf32>,
      %get3A_1910 = vector.shape_cast %get3A_1909 : vector<1x16xf32> to vector<16xf32>
      %swap3A_1911 = arith.index_cast %add3A_1883 : i32 to index
      %swap3A_1912 = arith.constant 26 : index
      %swap3A_1913 = tpu.vector_load %arg12[%swap3A_1911, %swap3A_1912] {strides = array<i32>} : memref<512x64xf32, #tpu.memory_space<vmem>>, vector<1x16xf32>,
      %swap3A_1914 = vector.shape_cast %swap3A_1913 : vector<1x16xf32> to vector<16xf32>
      %swap3A_1915 = vector.shape_cast %get3A_1910 : vector<16xf32> to vector<1x16xf32>
      tpu.vector_store %arg12[%swap3A_1911, %swap3A_1912], %swap3A_1915 {strides = array<i32>} : memref<512x64xf32, #tpu.memory_space<vmem>>, vector<1x16xf32>,
      %get3A_1916 = arith.index_cast %squeeze3A_1885 : i32 to index
      %get3A_1917 = arith.constant 0 : index
      %get3A_1918 = tpu.vector_load %arg9[%get3A_1916, %get3A_1917] {strides = array<i32>} : memref<128x128xf32, #tpu.memory_space<vmem>>, vector<1x16xf32>,
      %get3A_1919 = vector.shape_cast %get3A_1918 : vector<1x16xf32> to vector<16xf32>
      %swap3A_1920 = arith.index_cast %add3A_1883 : i32 to index
      %swap3A_1921 = arith.constant 42 : index
      %swap3A_1922 = tpu.vector_load %arg12[%swap3A_1920, %swap3A_1921] {strides = array<i32>} : memref<512x64xf32, #tpu.memory_space<vmem>>, vector<1x16xf32>,
      %swap3A_1923 = vector.shape_cast %swap3A_1922 : vector<1x16xf32> to vector<16xf32>
      %swap3A_1924 = vector.shape_cast %get3A_1919 : vector<16xf32> to vector<1x16xf32>
      tpu.vector_store %arg12[%swap3A_1920, %swap3A_1921], %swap3A_1924 {strides = array<i32>} : memref<512x64xf32, #tpu.memory_space<vmem>>, vector<1x16xf32>,
      %get3A_1925 = arith.index_cast %squeeze3A_1885 : i32 to index
      %get3A_1926 = arith.constant 6 : index
      %get3A_1927 = tpu.vector_load %arg9[%get3A_1925, %get3A_1926] {strides = array<i32>} : memref<128x128xf32, #tpu.memory_space<vmem>>, vector<1x16xf32>,
      %get3A_1928 = vector.shape_cast %get3A_1927 : vector<1x16xf32> to vector<16xf32>
      %swap3A_1929 = arith.index_cast %add3A_1883 : i32 to index
      %swap3A_1930 = arith.constant 48 : index
      %swap3A_1931 = tpu.vector_load %arg12[%swap3A_1929, %swap3A_1930] {strides = array<i32>} : memref<512x64xf32, #tpu.memory_space<vmem>>, vector<1x16xf32>,
      %swap3A_1932 = vector.shape_cast %swap3A_1931 : vector<1x16xf32> to vector<16xf32>
      %swap3A_1933 = vector.shape_cast %get3A_1928 : vector<16xf32> to vector<1x16xf32>
      tpu.vector_store %arg12[%swap3A_1929, %swap3A_1930], %swap3A_1933 {strides = array<i32>} : memref<512x64xf32, #tpu.memory_space<vmem>>, vector<1x16xf32>,
      %add3A_1934 = arith.constant 13 : i32
      %add3A_1935 = arith.addi %mul3A_1254, %add3A_1934 : i32
      %slice3A_1936 = vector.extract_strided_slice %get3A_1257 {offsets = [13], sizes = [1], strides = [1]} : vector<16xi32> to vector<1xi32>
      %squeeze3A_1937 = vector.extract %slice3A_1936[0] : i32 from vector<1xi32>
      %get3A_1938 = arith.constant 13 : i32
      %get3A_1939 = arith.index_cast %get3A_1938 : i32 to index
      %get3A_1940 = arith.constant 0 : index
      %get3A_1941 = tpu.vector_load %arg11[%get3A_1939, %get3A_1940] {strides = array<i32>} : memref<16x42xf32, #tpu.memory_space<vmem>>, vector<1x16xf32>,
      %get3A_1942 = vector.shape_cast %get3A_1941 : vector<1x16xf32> to vector<16xf32>
      %swap3A_1943 = arith.index_cast %add3A_1935 : i32 to index
      %swap3A_1944 = arith.constant 0 : index
      %swap3A_1945 = tpu.vector_load %arg12[%swap3A_1943, %swap3A_1944] {strides = array<i32>} : memref<512x64xf32, #tpu.memory_space<vmem>>, vector<1x16xf32>,
      %swap3A_1946 = vector.shape_cast %swap3A_1945 : vector<1x16xf32> to vector<16xf32>
      %swap3A_1947 = vector.shape_cast %get3A_1942 : vector<16xf32> to vector<1x16xf32>
      tpu.vector_store %arg12[%swap3A_1943, %swap3A_1944], %swap3A_1947 {strides = array<i32>} : memref<512x64xf32, #tpu.memory_space<vmem>>, vector<1x16xf32>,
      %get3A_1948 = arith.constant 13 : i32
      %get3A_1949 = arith.index_cast %get3A_1948 : i32 to index
      %get3A_1950 = arith.constant 16 : index
      %get3A_1951 = tpu.vector_load %arg11[%get3A_1949, %get3A_1950] {strides = array<i32>} : memref<16x42xf32, #tpu.memory_space<vmem>>, vector<1x16xf32>,
      %get3A_1952 = vector.shape_cast %get3A_1951 : vector<1x16xf32> to vector<16xf32>
      %swap3A_1953 = arith.index_cast %add3A_1935 : i32 to index
      %swap3A_1954 = arith.constant 16 : index
      %swap3A_1955 = tpu.vector_load %arg12[%swap3A_1953, %swap3A_1954] {strides = array<i32>} : memref<512x64xf32, #tpu.memory_space<vmem>>, vector<1x16xf32>,
      %swap3A_1956 = vector.shape_cast %swap3A_1955 : vector<1x16xf32> to vector<16xf32>
      %swap3A_1957 = vector.shape_cast %get3A_1952 : vector<16xf32> to vector<1x16xf32>
      tpu.vector_store %arg12[%swap3A_1953, %swap3A_1954], %swap3A_1957 {strides = array<i32>} : memref<512x64xf32, #tpu.memory_space<vmem>>, vector<1x16xf32>,
      %get3A_1958 = arith.constant 13 : i32
      %get3A_1959 = arith.index_cast %get3A_1958 : i32 to index
      %get3A_1960 = arith.constant 26 : index
      %get3A_1961 = tpu.vector_load %arg11[%get3A_1959, %get3A_1960] {strides = array<i32>} : memref<16x42xf32, #tpu.memory_space<vmem>>, vector<1x16xf32>,
      %get3A_1962 = vector.shape_cast %get3A_1961 : vector<1x16xf32> to vector<16xf32>
      %swap3A_1963 = arith.index_cast %add3A_1935 : i32 to index
      %swap3A_1964 = arith.constant 26 : index
      %swap3A_1965 = tpu.vector_load %arg12[%swap3A_1963, %swap3A_1964] {strides = array<i32>} : memref<512x64xf32, #tpu.memory_space<vmem>>, vector<1x16xf32>,
      %swap3A_1966 = vector.shape_cast %swap3A_1965 : vector<1x16xf32> to vector<16xf32>
      %swap3A_1967 = vector.shape_cast %get3A_1962 : vector<16xf32> to vector<1x16xf32>
      tpu.vector_store %arg12[%swap3A_1963, %swap3A_1964], %swap3A_1967 {strides = array<i32>} : memref<512x64xf32, #tpu.memory_space<vmem>>, vector<1x16xf32>,
      %get3A_1968 = arith.index_cast %squeeze3A_1937 : i32 to index
      %get3A_1969 = arith.constant 0 : index
      %get3A_1970 = tpu.vector_load %arg9[%get3A_1968, %get3A_1969] {strides = array<i32>} : memref<128x128xf32, #tpu.memory_space<vmem>>, vector<1x16xf32>,
      %get3A_1971 = vector.shape_cast %get3A_1970 : vector<1x16xf32> to vector<16xf32>
      %swap3A_1972 = arith.index_cast %add3A_1935 : i32 to index
      %swap3A_1973 = arith.constant 42 : index
      %swap3A_1974 = tpu.vector_load %arg12[%swap3A_1972, %swap3A_1973] {strides = array<i32>} : memref<512x64xf32, #tpu.memory_space<vmem>>, vector<1x16xf32>,
      %swap3A_1975 = vector.shape_cast %swap3A_1974 : vector<1x16xf32> to vector<16xf32>
      %swap3A_1976 = vector.shape_cast %get3A_1971 : vector<16xf32> to vector<1x16xf32>
      tpu.vector_store %arg12[%swap3A_1972, %swap3A_1973], %swap3A_1976 {strides = array<i32>} : memref<512x64xf32, #tpu.memory_space<vmem>>, vector<1x16xf32>,
      %get3A_1977 = arith.index_cast %squeeze3A_1937 : i32 to index
      %get3A_1978 = arith.constant 6 : index
      %get3A_1979 = tpu.vector_load %arg9[%get3A_1977, %get3A_1978] {strides = array<i32>} : memref<128x128xf32, #tpu.memory_space<vmem>>, vector<1x16xf32>,
      %get3A_1980 = vector.shape_cast %get3A_1979 : vector<1x16xf32> to vector<16xf32>
      %swap3A_1981 = arith.index_cast %add3A_1935 : i32 to index
      %swap3A_1982 = arith.constant 48 : index
      %swap3A_1983 = tpu.vector_load %arg12[%swap3A_1981, %swap3A_1982] {strides = array<i32>} : memref<512x64xf32, #tpu.memory_space<vmem>>, vector<1x16xf32>,
      %swap3A_1984 = vector.shape_cast %swap3A_1983 : vector<1x16xf32> to vector<16xf32>
      %swap3A_1985 = vector.shape_cast %get3A_1980 : vector<16xf32> to vector<1x16xf32>
      tpu.vector_store %arg12[%swap3A_1981, %swap3A_1982], %swap3A_1985 {strides = array<i32>} : memref<512x64xf32, #tpu.memory_space<vmem>>, vector<1x16xf32>,
      %add3A_1986 = arith.constant 14 : i32
      %add3A_1987 = arith.addi %mul3A_1254, %add3A_1986 : i32
      %slice3A_1988 = vector.extract_strided_slice %get3A_1257 {offsets = [14], sizes = [1], strides = [1]} : vector<16xi32> to vector<1xi32>
      %squeeze3A_1989 = vector.extract %slice3A_1988[0] : i32 from vector<1xi32>
      %get3A_1990 = arith.constant 14 : i32
      %get3A_1991 = arith.index_cast %get3A_1990 : i32 to index
      %get3A_1992 = arith.constant 0 : index
      %get3A_1993 = tpu.vector_load %arg11[%get3A_1991, %get3A_1992] {strides = array<i32>} : memref<16x42xf32, #tpu.memory_space<vmem>>, vector<1x16xf32>,
      %get3A_1994 = vector.shape_cast %get3A_1993 : vector<1x16xf32> to vector<16xf32>
      %swap3A_1995 = arith.index_cast %add3A_1987 : i32 to index
      %swap3A_1996 = arith.constant 0 : index
      %swap3A_1997 = tpu.vector_load %arg12[%swap3A_1995, %swap3A_1996] {strides = array<i32>} : memref<512x64xf32, #tpu.memory_space<vmem>>, vector<1x16xf32>,
      %swap3A_1998 = vector.shape_cast %swap3A_1997 : vector<1x16xf32> to vector<16xf32>
      %swap3A_1999 = vector.shape_cast %get3A_1994 : vector<16xf32> to vector<1x16xf32>
      tpu.vector_store %arg12[%swap3A_1995, %swap3A_1996], %swap3A_1999 {strides = array<i32>} : memref<512x64xf32, #tpu.memory_space<vmem>>, vector<1x16xf32>,
      %get3A_2000 = arith.constant 14 : i32
      %get3A_2001 = arith.index_cast %get3A_2000 : i32 to index
      %get3A_2002 = arith.constant 16 : index
      %get3A_2003 = tpu.vector_load %arg11[%get3A_2001, %get3A_2002] {strides = array<i32>} : memref<16x42xf32, #tpu.memory_space<vmem>>, vector<1x16xf32>,
      %get3A_2004 = vector.shape_cast %get3A_2003 : vector<1x16xf32> to vector<16xf32>
      %swap3A_2005 = arith.index_cast %add3A_1987 : i32 to index
      %swap3A_2006 = arith.constant 16 : index
      %swap3A_2007 = tpu.vector_load %arg12[%swap3A_2005, %swap3A_2006] {strides = array<i32>} : memref<512x64xf32, #tpu.memory_space<vmem>>, vector<1x16xf32>,
      %swap3A_2008 = vector.shape_cast %swap3A_2007 : vector<1x16xf32> to vector<16xf32>
      %swap3A_2009 = vector.shape_cast %get3A_2004 : vector<16xf32> to vector<1x16xf32>
      tpu.vector_store %arg12[%swap3A_2005, %swap3A_2006], %swap3A_2009 {strides = array<i32>} : memref<512x64xf32, #tpu.memory_space<vmem>>, vector<1x16xf32>,
      %get3A_2010 = arith.constant 14 : i32
      %get3A_2011 = arith.index_cast %get3A_2010 : i32 to index
      %get3A_2012 = arith.constant 26 : index
      %get3A_2013 = tpu.vector_load %arg11[%get3A_2011, %get3A_2012] {strides = array<i32>} : memref<16x42xf32, #tpu.memory_space<vmem>>, vector<1x16xf32>,
      %get3A_2014 = vector.shape_cast %get3A_2013 : vector<1x16xf32> to vector<16xf32>
      %swap3A_2015 = arith.index_cast %add3A_1987 : i32 to index
      %swap3A_2016 = arith.constant 26 : index
      %swap3A_2017 = tpu.vector_load %arg12[%swap3A_2015, %swap3A_2016] {strides = array<i32>} : memref<512x64xf32, #tpu.memory_space<vmem>>, vector<1x16xf32>,
      %swap3A_2018 = vector.shape_cast %swap3A_2017 : vector<1x16xf32> to vector<16xf32>
      %swap3A_2019 = vector.shape_cast %get3A_2014 : vector<16xf32> to vector<1x16xf32>
      tpu.vector_store %arg12[%swap3A_2015, %swap3A_2016], %swap3A_2019 {strides = array<i32>} : memref<512x64xf32, #tpu.memory_space<vmem>>, vector<1x16xf32>,
      %get3A_2020 = arith.index_cast %squeeze3A_1989 : i32 to index
      %get3A_2021 = arith.constant 0 : index
      %get3A_2022 = tpu.vector_load %arg9[%get3A_2020, %get3A_2021] {strides = array<i32>} : memref<128x128xf32, #tpu.memory_space<vmem>>, vector<1x16xf32>,
      %get3A_2023 = vector.shape_cast %get3A_2022 : vector<1x16xf32> to vector<16xf32>
      %swap3A_2024 = arith.index_cast %add3A_1987 : i32 to index
      %swap3A_2025 = arith.constant 42 : index
      %swap3A_2026 = tpu.vector_load %arg12[%swap3A_2024, %swap3A_2025] {strides = array<i32>} : memref<512x64xf32, #tpu.memory_space<vmem>>, vector<1x16xf32>,
      %swap3A_2027 = vector.shape_cast %swap3A_2026 : vector<1x16xf32> to vector<16xf32>
      %swap3A_2028 = vector.shape_cast %get3A_2023 : vector<16xf32> to vector<1x16xf32>
      tpu.vector_store %arg12[%swap3A_2024, %swap3A_2025], %swap3A_2028 {strides = array<i32>} : memref<512x64xf32, #tpu.memory_space<vmem>>, vector<1x16xf32>,
      %get3A_2029 = arith.index_cast %squeeze3A_1989 : i32 to index
      %get3A_2030 = arith.constant 6 : index
      %get3A_2031 = tpu.vector_load %arg9[%get3A_2029, %get3A_2030] {strides = array<i32>} : memref<128x128xf32, #tpu.memory_space<vmem>>, vector<1x16xf32>,
      %get3A_2032 = vector.shape_cast %get3A_2031 : vector<1x16xf32> to vector<16xf32>
      %swap3A_2033 = arith.index_cast %add3A_1987 : i32 to index
      %swap3A_2034 = arith.constant 48 : index
      %swap3A_2035 = tpu.vector_load %arg12[%swap3A_2033, %swap3A_2034] {strides = array<i32>} : memref<512x64xf32, #tpu.memory_space<vmem>>, vector<1x16xf32>,
      %swap3A_2036 = vector.shape_cast %swap3A_2035 : vector<1x16xf32> to vector<16xf32>
      %swap3A_2037 = vector.shape_cast %get3A_2032 : vector<16xf32> to vector<1x16xf32>
      tpu.vector_store %arg12[%swap3A_2033, %swap3A_2034], %swap3A_2037 {strides = array<i32>} : memref<512x64xf32, #tpu.memory_space<vmem>>, vector<1x16xf32>,
      %add3A_2038 = arith.constant 15 : i32
      %add3A_2039 = arith.addi %mul3A_1254, %add3A_2038 : i32
      %slice3A_2040 = vector.extract_strided_slice %get3A_1257 {offsets = [15], sizes = [1], strides = [1]} : vector<16xi32> to vector<1xi32>
      %squeeze3A_2041 = vector.extract %slice3A_2040[0] : i32 from vector<1xi32>
      %get3A_2042 = arith.constant 15 : i32
      %get3A_2043 = arith.index_cast %get3A_2042 : i32 to index
      %get3A_2044 = arith.constant 0 : index
      %get3A_2045 = tpu.vector_load %arg11[%get3A_2043, %get3A_2044] {strides = array<i32>} : memref<16x42xf32, #tpu.memory_space<vmem>>, vector<1x16xf32>,
      %get3A_2046 = vector.shape_cast %get3A_2045 : vector<1x16xf32> to vector<16xf32>
      %swap3A_2047 = arith.index_cast %add3A_2039 : i32 to index
      %swap3A_2048 = arith.constant 0 : index
      %swap3A_2049 = tpu.vector_load %arg12[%swap3A_2047, %swap3A_2048] {strides = array<i32>} : memref<512x64xf32, #tpu.memory_space<vmem>>, vector<1x16xf32>,
      %swap3A_2050 = vector.shape_cast %swap3A_2049 : vector<1x16xf32> to vector<16xf32>
      %swap3A_2051 = vector.shape_cast %get3A_2046 : vector<16xf32> to vector<1x16xf32>
      tpu.vector_store %arg12[%swap3A_2047, %swap3A_2048], %swap3A_2051 {strides = array<i32>} : memref<512x64xf32, #tpu.memory_space<vmem>>, vector<1x16xf32>,
      %get3A_2052 = arith.constant 15 : i32
      %get3A_2053 = arith.index_cast %get3A_2052 : i32 to index
      %get3A_2054 = arith.constant 16 : index
      %get3A_2055 = tpu.vector_load %arg11[%get3A_2053, %get3A_2054] {strides = array<i32>} : memref<16x42xf32, #tpu.memory_space<vmem>>, vector<1x16xf32>,
      %get3A_2056 = vector.shape_cast %get3A_2055 : vector<1x16xf32> to vector<16xf32>
      %swap3A_2057 = arith.index_cast %add3A_2039 : i32 to index
      %swap3A_2058 = arith.constant 16 : index
      %swap3A_2059 = tpu.vector_load %arg12[%swap3A_2057, %swap3A_2058] {strides = array<i32>} : memref<512x64xf32, #tpu.memory_space<vmem>>, vector<1x16xf32>,
      %swap3A_2060 = vector.shape_cast %swap3A_2059 : vector<1x16xf32> to vector<16xf32>
      %swap3A_2061 = vector.shape_cast %get3A_2056 : vector<16xf32> to vector<1x16xf32>
      tpu.vector_store %arg12[%swap3A_2057, %swap3A_2058], %swap3A_2061 {strides = array<i32>} : memref<512x64xf32, #tpu.memory_space<vmem>>, vector<1x16xf32>,
      %get3A_2062 = arith.constant 15 : i32
      %get3A_2063 = arith.index_cast %get3A_2062 : i32 to index
      %get3A_2064 = arith.constant 26 : index
      %get3A_2065 = tpu.vector_load %arg11[%get3A_2063, %get3A_2064] {strides = array<i32>} : memref<16x42xf32, #tpu.memory_space<vmem>>, vector<1x16xf32>,
      %get3A_2066 = vector.shape_cast %get3A_2065 : vector<1x16xf32> to vector<16xf32>
      %swap3A_2067 = arith.index_cast %add3A_2039 : i32 to index
      %swap3A_2068 = arith.constant 26 : index
      %swap3A_2069 = tpu.vector_load %arg12[%swap3A_2067, %swap3A_2068] {strides = array<i32>} : memref<512x64xf32, #tpu.memory_space<vmem>>, vector<1x16xf32>,
      %swap3A_2070 = vector.shape_cast %swap3A_2069 : vector<1x16xf32> to vector<16xf32>
      %swap3A_2071 = vector.shape_cast %get3A_2066 : vector<16xf32> to vector<1x16xf32>
      tpu.vector_store %arg12[%swap3A_2067, %swap3A_2068], %swap3A_2071 {strides = array<i32>} : memref<512x64xf32, #tpu.memory_space<vmem>>, vector<1x16xf32>,
      %get3A_2072 = arith.index_cast %squeeze3A_2041 : i32 to index
      %get3A_2073 = arith.constant 0 : index
      %get3A_2074 = tpu.vector_load %arg9[%get3A_2072, %get3A_2073] {strides = array<i32>} : memref<128x128xf32, #tpu.memory_space<vmem>>, vector<1x16xf32>,
      %get3A_2075 = vector.shape_cast %get3A_2074 : vector<1x16xf32> to vector<16xf32>
      %swap3A_2076 = arith.index_cast %add3A_2039 : i32 to index
      %swap3A_2077 = arith.constant 42 : index
      %swap3A_2078 = tpu.vector_load %arg12[%swap3A_2076, %swap3A_2077] {strides = array<i32>} : memref<512x64xf32, #tpu.memory_space<vmem>>, vector<1x16xf32>,
      %swap3A_2079 = vector.shape_cast %swap3A_2078 : vector<1x16xf32> to vector<16xf32>
      %swap3A_2080 = vector.shape_cast %get3A_2075 : vector<16xf32> to vector<1x16xf32>
      tpu.vector_store %arg12[%swap3A_2076, %swap3A_2077], %swap3A_2080 {strides = array<i32>} : memref<512x64xf32, #tpu.memory_space<vmem>>, vector<1x16xf32>,
      %get3A_2081 = arith.index_cast %squeeze3A_2041 : i32 to index
      %get3A_2082 = arith.constant 6 : index
      %get3A_2083 = tpu.vector_load %arg9[%get3A_2081, %get3A_2082] {strides = array<i32>} : memref<128x128xf32, #tpu.memory_space<vmem>>, vector<1x16xf32>,
      %get3A_2084 = vector.shape_cast %get3A_2083 : vector<1x16xf32> to vector<16xf32>
      %swap3A_2085 = arith.index_cast %add3A_2039 : i32 to index
      %swap3A_2086 = arith.constant 48 : index
      %swap3A_2087 = tpu.vector_load %arg12[%swap3A_2085, %swap3A_2086] {strides = array<i32>} : memref<512x64xf32, #tpu.memory_space<vmem>>, vector<1x16xf32>,
      %swap3A_2088 = vector.shape_cast %swap3A_2087 : vector<1x16xf32> to vector<16xf32>
      %swap3A_2089 = vector.shape_cast %get3A_2084 : vector<16xf32> to vector<1x16xf32>
      tpu.vector_store %arg12[%swap3A_2085, %swap3A_2086], %swap3A_2089 {strides = array<i32>} : memref<512x64xf32, #tpu.memory_space<vmem>>, vector<1x16xf32>,
      %add3A_2090 = arith.constant 2 : i32
      %add3A_2091 = arith.addi %add3A_1246, %add3A_2090 : i32
      %lt3A_2092 = arith.constant 32 : i32
      %lt3A_2093 = arith.cmpi slt, %add3A_2091, %lt3A_2092 : i32
      %convert_element_type3A_2094 = arith.extui %lt3A_2093 : i1 to i32
      %cond3A_2095 = arith.constant 0 : i32
      %cond3A_2096 = arith.cmpi ne, %convert_element_type3A_2094, %cond3A_2095 : i32
      scf.if %cond3A_2096 {
        %add3A_2097 = arith.constant 2 : i32
        %add3A_2098 = arith.addi %add3A_1246, %add3A_2097 : i32
        %mul3A_2099 = arith.constant 16 : i32
        %mul3A_2100 = arith.muli %add3A_2098, %mul3A_2099 : i32
        %get3A_2101 = arith.index_cast %mul3A_2100 : i32 to index
        %get3A_2102 = tpu.vector_load %arg7[%get3A_2101] {strides = array<i32>} : memref<512xi32, #tpu.memory_space<vmem>>, vector<16xi32>,
        %get3A_2103 = vector.shape_cast %get3A_2102 : vector<16xi32> to vector<16xi32>
        %slice3A_2104 = vector.extract_strided_slice %get3A_2103 {offsets = [0], sizes = [1], strides = [1]} : vector<16xi32> to vector<1xi32>
        %squeeze3A_2105 = vector.extract %slice3A_2104[0] : i32 from vector<1xi32>
        %dma_start3A_2106 = arith.constant 0 : i32
        %dma_start3A_2107 = arith.constant 0 : i32
        %dma_start3A_2108 = tpu.memref_slice %arg11[%dma_start3A_2106, %dma_start3A_2107] : memref<16x42xf32, #tpu.memory_space<vmem>> -> memref<1x42xf32, #tpu.memory_space<vmem>>
        %dma_start3A_2109 = arith.constant 0 : i32
        %dma_start3A_2110 = tpu.memref_slice %arg4[%squeeze3A_2105, %dma_start3A_2109] : memref<1000000x42xf32, #tpu.memory_space<hbm>> -> memref<1x42xf32, #tpu.memory_space<hbm>>
        %dma_start3A_2111 = arith.constant 0 : i32
        %dma_start3A_2112 = arith.constant 0 : i32
        %dma_start3A_2113 = tpu.memref_slice %arg11[%dma_start3A_2111, %dma_start3A_2112] : memref<16x42xf32, #tpu.memory_space<vmem>> -> memref<1x42xf32, #tpu.memory_space<vmem>>
        %dma_start3A_2114 = arith.constant 0 : i32
        %dma_start3A_2115 = tpu.memref_slice %arg4[%squeeze3A_2105, %dma_start3A_2114] : memref<1000000x42xf32, #tpu.memory_space<hbm>> -> memref<1x42xf32, #tpu.memory_space<hbm>>
        tpu.enqueue_dma source(%dma_start3A_2115 : memref<1x42xf32, #tpu.memory_space<hbm>>) target(%dma_start3A_2113 : memref<1x42xf32, #tpu.memory_space<vmem>>) target_semaphore(%arg14 : memref<!tpu.dma_semaphore, #tpu.memory_space<semaphore_mem>>)
        %slice3A_2116 = vector.extract_strided_slice %get3A_2103 {offsets = [1], sizes = [1], strides = [1]} : vector<16xi32> to vector<1xi32>
        %squeeze3A_2117 = vector.extract %slice3A_2116[0] : i32 from vector<1xi32>
        %dma_start3A_2118 = arith.constant 1 : i32
        %dma_start3A_2119 = arith.constant 0 : i32
        %dma_start3A_2120 = tpu.memref_slice %arg11[%dma_start3A_2118, %dma_start3A_2119] : memref<16x42xf32, #tpu.memory_space<vmem>> -> memref<1x42xf32, #tpu.memory_space<vmem>>
        %dma_start3A_2121 = arith.constant 0 : i32
        %dma_start3A_2122 = tpu.memref_slice %arg4[%squeeze3A_2117, %dma_start3A_2121] : memref<1000000x42xf32, #tpu.memory_space<hbm>> -> memref<1x42xf32, #tpu.memory_space<hbm>>
        %dma_start3A_2123 = arith.constant 1 : i32
        %dma_start3A_2124 = arith.constant 0 : i32
        %dma_start3A_2125 = tpu.memref_slice %arg11[%dma_start3A_2123, %dma_start3A_2124] : memref<16x42xf32, #tpu.memory_space<vmem>> -> memref<1x42xf32, #tpu.memory_space<vmem>>
        %dma_start3A_2126 = arith.constant 0 : i32
        %dma_start3A_2127 = tpu.memref_slice %arg4[%squeeze3A_2117, %dma_start3A_2126] : memref<1000000x42xf32, #tpu.memory_space<hbm>> -> memref<1x42xf32, #tpu.memory_space<hbm>>
        tpu.enqueue_dma source(%dma_start3A_2127 : memref<1x42xf32, #tpu.memory_space<hbm>>) target(%dma_start3A_2125 : memref<1x42xf32, #tpu.memory_space<vmem>>) target_semaphore(%arg14 : memref<!tpu.dma_semaphore, #tpu.memory_space<semaphore_mem>>)
        %slice3A_2128 = vector.extract_strided_slice %get3A_2103 {offsets = [2], sizes = [1], strides = [1]} : vector<16xi32> to vector<1xi32>
        %squeeze3A_2129 = vector.extract %slice3A_2128[0] : i32 from vector<1xi32>
        %dma_start3A_2130 = arith.constant 2 : i32
        %dma_start3A_2131 = arith.constant 0 : i32
        %dma_start3A_2132 = tpu.memref_slice %arg11[%dma_start3A_2130, %dma_start3A_2131] : memref<16x42xf32, #tpu.memory_space<vmem>> -> memref<1x42xf32, #tpu.memory_space<vmem>>
        %dma_start3A_2133 = arith.constant 0 : i32
        %dma_start3A_2134 = tpu.memref_slice %arg4[%squeeze3A_2129, %dma_start3A_2133] : memref<1000000x42xf32, #tpu.memory_space<hbm>> -> memref<1x42xf32, #tpu.memory_space<hbm>>
        %dma_start3A_2135 = arith.constant 2 : i32
        %dma_start3A_2136 = arith.constant 0 : i32
        %dma_start3A_2137 = tpu.memref_slice %arg11[%dma_start3A_2135, %dma_start3A_2136] : memref<16x42xf32, #tpu.memory_space<vmem>> -> memref<1x42xf32, #tpu.memory_space<vmem>>
        %dma_start3A_2138 = arith.constant 0 : i32
        %dma_start3A_2139 = tpu.memref_slice %arg4[%squeeze3A_2129, %dma_start3A_2138] : memref<1000000x42xf32, #tpu.memory_space<hbm>> -> memref<1x42xf32, #tpu.memory_space<hbm>>
        tpu.enqueue_dma source(%dma_start3A_2139 : memref<1x42xf32, #tpu.memory_space<hbm>>) target(%dma_start3A_2137 : memref<1x42xf32, #tpu.memory_space<vmem>>) target_semaphore(%arg14 : memref<!tpu.dma_semaphore, #tpu.memory_space<semaphore_mem>>)
        %slice3A_2140 = vector.extract_strided_slice %get3A_2103 {offsets = [3], sizes = [1], strides = [1]} : vector<16xi32> to vector<1xi32>
        %squeeze3A_2141 = vector.extract %slice3A_2140[0] : i32 from vector<1xi32>
        %dma_start3A_2142 = arith.constant 3 : i32
        %dma_start3A_2143 = arith.constant 0 : i32
        %dma_start3A_2144 = tpu.memref_slice %arg11[%dma_start3A_2142, %dma_start3A_2143] : memref<16x42xf32, #tpu.memory_space<vmem>> -> memref<1x42xf32, #tpu.memory_space<vmem>>
        %dma_start3A_2145 = arith.constant 0 : i32
        %dma_start3A_2146 = tpu.memref_slice %arg4[%squeeze3A_2141, %dma_start3A_2145] : memref<1000000x42xf32, #tpu.memory_space<hbm>> -> memref<1x42xf32, #tpu.memory_space<hbm>>
        %dma_start3A_2147 = arith.constant 3 : i32
        %dma_start3A_2148 = arith.constant 0 : i32
        %dma_start3A_2149 = tpu.memref_slice %arg11[%dma_start3A_2147, %dma_start3A_2148] : memref<16x42xf32, #tpu.memory_space<vmem>> -> memref<1x42xf32, #tpu.memory_space<vmem>>
        %dma_start3A_2150 = arith.constant 0 : i32
        %dma_start3A_2151 = tpu.memref_slice %arg4[%squeeze3A_2141, %dma_start3A_2150] : memref<1000000x42xf32, #tpu.memory_space<hbm>> -> memref<1x42xf32, #tpu.memory_space<hbm>>
        tpu.enqueue_dma source(%dma_start3A_2151 : memref<1x42xf32, #tpu.memory_space<hbm>>) target(%dma_start3A_2149 : memref<1x42xf32, #tpu.memory_space<vmem>>) target_semaphore(%arg14 : memref<!tpu.dma_semaphore, #tpu.memory_space<semaphore_mem>>)
        %slice3A_2152 = vector.extract_strided_slice %get3A_2103 {offsets = [4], sizes = [1], strides = [1]} : vector<16xi32> to vector<1xi32>
        %squeeze3A_2153 = vector.extract %slice3A_2152[0] : i32 from vector<1xi32>
        %dma_start3A_2154 = arith.constant 4 : i32
        %dma_start3A_2155 = arith.constant 0 : i32
        %dma_start3A_2156 = tpu.memref_slice %arg11[%dma_start3A_2154, %dma_start3A_2155] : memref<16x42xf32, #tpu.memory_space<vmem>> -> memref<1x42xf32, #tpu.memory_space<vmem>>
        %dma_start3A_2157 = arith.constant 0 : i32
        %dma_start3A_2158 = tpu.memref_slice %arg4[%squeeze3A_2153, %dma_start3A_2157] : memref<1000000x42xf32, #tpu.memory_space<hbm>> -> memref<1x42xf32, #tpu.memory_space<hbm>>
        %dma_start3A_2159 = arith.constant 4 : i32
        %dma_start3A_2160 = arith.constant 0 : i32
        %dma_start3A_2161 = tpu.memref_slice %arg11[%dma_start3A_2159, %dma_start3A_2160] : memref<16x42xf32, #tpu.memory_space<vmem>> -> memref<1x42xf32, #tpu.memory_space<vmem>>
        %dma_start3A_2162 = arith.constant 0 : i32
        %dma_start3A_2163 = tpu.memref_slice %arg4[%squeeze3A_2153, %dma_start3A_2162] : memref<1000000x42xf32, #tpu.memory_space<hbm>> -> memref<1x42xf32, #tpu.memory_space<hbm>>
        tpu.enqueue_dma source(%dma_start3A_2163 : memref<1x42xf32, #tpu.memory_space<hbm>>) target(%dma_start3A_2161 : memref<1x42xf32, #tpu.memory_space<vmem>>) target_semaphore(%arg14 : memref<!tpu.dma_semaphore, #tpu.memory_space<semaphore_mem>>)
        %slice3A_2164 = vector.extract_strided_slice %get3A_2103 {offsets = [5], sizes = [1], strides = [1]} : vector<16xi32> to vector<1xi32>
        %squeeze3A_2165 = vector.extract %slice3A_2164[0] : i32 from vector<1xi32>
        %dma_start3A_2166 = arith.constant 5 : i32
        %dma_start3A_2167 = arith.constant 0 : i32
        %dma_start3A_2168 = tpu.memref_slice %arg11[%dma_start3A_2166, %dma_start3A_2167] : memref<16x42xf32, #tpu.memory_space<vmem>> -> memref<1x42xf32, #tpu.memory_space<vmem>>
        %dma_start3A_2169 = arith.constant 0 : i32
        %dma_start3A_2170 = tpu.memref_slice %arg4[%squeeze3A_2165, %dma_start3A_2169] : memref<1000000x42xf32, #tpu.memory_space<hbm>> -> memref<1x42xf32, #tpu.memory_space<hbm>>
        %dma_start3A_2171 = arith.constant 5 : i32
        %dma_start3A_2172 = arith.constant 0 : i32
        %dma_start3A_2173 = tpu.memref_slice %arg11[%dma_start3A_2171, %dma_start3A_2172] : memref<16x42xf32, #tpu.memory_space<vmem>> -> memref<1x42xf32, #tpu.memory_space<vmem>>
        %dma_start3A_2174 = arith.constant 0 : i32
        %dma_start3A_2175 = tpu.memref_slice %arg4[%squeeze3A_2165, %dma_start3A_2174] : memref<1000000x42xf32, #tpu.memory_space<hbm>> -> memref<1x42xf32, #tpu.memory_space<hbm>>
        tpu.enqueue_dma source(%dma_start3A_2175 : memref<1x42xf32, #tpu.memory_space<hbm>>) target(%dma_start3A_2173 : memref<1x42xf32, #tpu.memory_space<vmem>>) target_semaphore(%arg14 : memref<!tpu.dma_semaphore, #tpu.memory_space<semaphore_mem>>)
        %slice3A_2176 = vector.extract_strided_slice %get3A_2103 {offsets = [6], sizes = [1], strides = [1]} : vector<16xi32> to vector<1xi32>
        %squeeze3A_2177 = vector.extract %slice3A_2176[0] : i32 from vector<1xi32>
        %dma_start3A_2178 = arith.constant 6 : i32
        %dma_start3A_2179 = arith.constant 0 : i32
        %dma_start3A_2180 = tpu.memref_slice %arg11[%dma_start3A_2178, %dma_start3A_2179] : memref<16x42xf32, #tpu.memory_space<vmem>> -> memref<1x42xf32, #tpu.memory_space<vmem>>
        %dma_start3A_2181 = arith.constant 0 : i32
        %dma_start3A_2182 = tpu.memref_slice %arg4[%squeeze3A_2177, %dma_start3A_2181] : memref<1000000x42xf32, #tpu.memory_space<hbm>> -> memref<1x42xf32, #tpu.memory_space<hbm>>
        %dma_start3A_2183 = arith.constant 6 : i32
        %dma_start3A_2184 = arith.constant 0 : i32
        %dma_start3A_2185 = tpu.memref_slice %arg11[%dma_start3A_2183, %dma_start3A_2184] : memref<16x42xf32, #tpu.memory_space<vmem>> -> memref<1x42xf32, #tpu.memory_space<vmem>>
        %dma_start3A_2186 = arith.constant 0 : i32
        %dma_start3A_2187 = tpu.memref_slice %arg4[%squeeze3A_2177, %dma_start3A_2186] : memref<1000000x42xf32, #tpu.memory_space<hbm>> -> memref<1x42xf32, #tpu.memory_space<hbm>>
        tpu.enqueue_dma source(%dma_start3A_2187 : memref<1x42xf32, #tpu.memory_space<hbm>>) target(%dma_start3A_2185 : memref<1x42xf32, #tpu.memory_space<vmem>>) target_semaphore(%arg14 : memref<!tpu.dma_semaphore, #tpu.memory_space<semaphore_mem>>)
        %slice3A_2188 = vector.extract_strided_slice %get3A_2103 {offsets = [7], sizes = [1], strides = [1]} : vector<16xi32> to vector<1xi32>
        %squeeze3A_2189 = vector.extract %slice3A_2188[0] : i32 from vector<1xi32>
        %dma_start3A_2190 = arith.constant 7 : i32
        %dma_start3A_2191 = arith.constant 0 : i32
        %dma_start3A_2192 = tpu.memref_slice %arg11[%dma_start3A_2190, %dma_start3A_2191] : memref<16x42xf32, #tpu.memory_space<vmem>> -> memref<1x42xf32, #tpu.memory_space<vmem>>
        %dma_start3A_2193 = arith.constant 0 : i32
        %dma_start3A_2194 = tpu.memref_slice %arg4[%squeeze3A_2189, %dma_start3A_2193] : memref<1000000x42xf32, #tpu.memory_space<hbm>> -> memref<1x42xf32, #tpu.memory_space<hbm>>
        %dma_start3A_2195 = arith.constant 7 : i32
        %dma_start3A_2196 = arith.constant 0 : i32
        %dma_start3A_2197 = tpu.memref_slice %arg11[%dma_start3A_2195, %dma_start3A_2196] : memref<16x42xf32, #tpu.memory_space<vmem>> -> memref<1x42xf32, #tpu.memory_space<vmem>>
        %dma_start3A_2198 = arith.constant 0 : i32
        %dma_start3A_2199 = tpu.memref_slice %arg4[%squeeze3A_2189, %dma_start3A_2198] : memref<1000000x42xf32, #tpu.memory_space<hbm>> -> memref<1x42xf32, #tpu.memory_space<hbm>>
        tpu.enqueue_dma source(%dma_start3A_2199 : memref<1x42xf32, #tpu.memory_space<hbm>>) target(%dma_start3A_2197 : memref<1x42xf32, #tpu.memory_space<vmem>>) target_semaphore(%arg14 : memref<!tpu.dma_semaphore, #tpu.memory_space<semaphore_mem>>)
        %slice3A_2200 = vector.extract_strided_slice %get3A_2103 {offsets = [8], sizes = [1], strides = [1]} : vector<16xi32> to vector<1xi32>
        %squeeze3A_2201 = vector.extract %slice3A_2200[0] : i32 from vector<1xi32>
        %dma_start3A_2202 = arith.constant 8 : i32
        %dma_start3A_2203 = arith.constant 0 : i32
        %dma_start3A_2204 = tpu.memref_slice %arg11[%dma_start3A_2202, %dma_start3A_2203] : memref<16x42xf32, #tpu.memory_space<vmem>> -> memref<1x42xf32, #tpu.memory_space<vmem>>
        %dma_start3A_2205 = arith.constant 0 : i32
        %dma_start3A_2206 = tpu.memref_slice %arg4[%squeeze3A_2201, %dma_start3A_2205] : memref<1000000x42xf32, #tpu.memory_space<hbm>> -> memref<1x42xf32, #tpu.memory_space<hbm>>
        %dma_start3A_2207 = arith.constant 8 : i32
        %dma_start3A_2208 = arith.constant 0 : i32
        %dma_start3A_2209 = tpu.memref_slice %arg11[%dma_start3A_2207, %dma_start3A_2208] : memref<16x42xf32, #tpu.memory_space<vmem>> -> memref<1x42xf32, #tpu.memory_space<vmem>>
        %dma_start3A_2210 = arith.constant 0 : i32
        %dma_start3A_2211 = tpu.memref_slice %arg4[%squeeze3A_2201, %dma_start3A_2210] : memref<1000000x42xf32, #tpu.memory_space<hbm>> -> memref<1x42xf32, #tpu.memory_space<hbm>>
        tpu.enqueue_dma source(%dma_start3A_2211 : memref<1x42xf32, #tpu.memory_space<hbm>>) target(%dma_start3A_2209 : memref<1x42xf32, #tpu.memory_space<vmem>>) target_semaphore(%arg14 : memref<!tpu.dma_semaphore, #tpu.memory_space<semaphore_mem>>)
        %slice3A_2212 = vector.extract_strided_slice %get3A_2103 {offsets = [9], sizes = [1], strides = [1]} : vector<16xi32> to vector<1xi32>
        %squeeze3A_2213 = vector.extract %slice3A_2212[0] : i32 from vector<1xi32>
        %dma_start3A_2214 = arith.constant 9 : i32
        %dma_start3A_2215 = arith.constant 0 : i32
        %dma_start3A_2216 = tpu.memref_slice %arg11[%dma_start3A_2214, %dma_start3A_2215] : memref<16x42xf32, #tpu.memory_space<vmem>> -> memref<1x42xf32, #tpu.memory_space<vmem>>
        %dma_start3A_2217 = arith.constant 0 : i32
        %dma_start3A_2218 = tpu.memref_slice %arg4[%squeeze3A_2213, %dma_start3A_2217] : memref<1000000x42xf32, #tpu.memory_space<hbm>> -> memref<1x42xf32, #tpu.memory_space<hbm>>
        %dma_start3A_2219 = arith.constant 9 : i32
        %dma_start3A_2220 = arith.constant 0 : i32
        %dma_start3A_2221 = tpu.memref_slice %arg11[%dma_start3A_2219, %dma_start3A_2220] : memref<16x42xf32, #tpu.memory_space<vmem>> -> memref<1x42xf32, #tpu.memory_space<vmem>>
        %dma_start3A_2222 = arith.constant 0 : i32
        %dma_start3A_2223 = tpu.memref_slice %arg4[%squeeze3A_2213, %dma_start3A_2222] : memref<1000000x42xf32, #tpu.memory_space<hbm>> -> memref<1x42xf32, #tpu.memory_space<hbm>>
        tpu.enqueue_dma source(%dma_start3A_2223 : memref<1x42xf32, #tpu.memory_space<hbm>>) target(%dma_start3A_2221 : memref<1x42xf32, #tpu.memory_space<vmem>>) target_semaphore(%arg14 : memref<!tpu.dma_semaphore, #tpu.memory_space<semaphore_mem>>)
        %slice3A_2224 = vector.extract_strided_slice %get3A_2103 {offsets = [10], sizes = [1], strides = [1]} : vector<16xi32> to vector<1xi32>
        %squeeze3A_2225 = vector.extract %slice3A_2224[0] : i32 from vector<1xi32>
        %dma_start3A_2226 = arith.constant 10 : i32
        %dma_start3A_2227 = arith.constant 0 : i32
        %dma_start3A_2228 = tpu.memref_slice %arg11[%dma_start3A_2226, %dma_start3A_2227] : memref<16x42xf32, #tpu.memory_space<vmem>> -> memref<1x42xf32, #tpu.memory_space<vmem>>
        %dma_start3A_2229 = arith.constant 0 : i32
        %dma_start3A_2230 = tpu.memref_slice %arg4[%squeeze3A_2225, %dma_start3A_2229] : memref<1000000x42xf32, #tpu.memory_space<hbm>> -> memref<1x42xf32, #tpu.memory_space<hbm>>
        %dma_start3A_2231 = arith.constant 10 : i32
        %dma_start3A_2232 = arith.constant 0 : i32
        %dma_start3A_2233 = tpu.memref_slice %arg11[%dma_start3A_2231, %dma_start3A_2232] : memref<16x42xf32, #tpu.memory_space<vmem>> -> memref<1x42xf32, #tpu.memory_space<vmem>>
        %dma_start3A_2234 = arith.constant 0 : i32
        %dma_start3A_2235 = tpu.memref_slice %arg4[%squeeze3A_2225, %dma_start3A_2234] : memref<1000000x42xf32, #tpu.memory_space<hbm>> -> memref<1x42xf32, #tpu.memory_space<hbm>>
        tpu.enqueue_dma source(%dma_start3A_2235 : memref<1x42xf32, #tpu.memory_space<hbm>>) target(%dma_start3A_2233 : memref<1x42xf32, #tpu.memory_space<vmem>>) target_semaphore(%arg14 : memref<!tpu.dma_semaphore, #tpu.memory_space<semaphore_mem>>)
        %slice3A_2236 = vector.extract_strided_slice %get3A_2103 {offsets = [11], sizes = [1], strides = [1]} : vector<16xi32> to vector<1xi32>
        %squeeze3A_2237 = vector.extract %slice3A_2236[0] : i32 from vector<1xi32>
        %dma_start3A_2238 = arith.constant 11 : i32
        %dma_start3A_2239 = arith.constant 0 : i32
        %dma_start3A_2240 = tpu.memref_slice %arg11[%dma_start3A_2238, %dma_start3A_2239] : memref<16x42xf32, #tpu.memory_space<vmem>> -> memref<1x42xf32, #tpu.memory_space<vmem>>
        %dma_start3A_2241 = arith.constant 0 : i32
        %dma_start3A_2242 = tpu.memref_slice %arg4[%squeeze3A_2237, %dma_start3A_2241] : memref<1000000x42xf32, #tpu.memory_space<hbm>> -> memref<1x42xf32, #tpu.memory_space<hbm>>
        %dma_start3A_2243 = arith.constant 11 : i32
        %dma_start3A_2244 = arith.constant 0 : i32
        %dma_start3A_2245 = tpu.memref_slice %arg11[%dma_start3A_2243, %dma_start3A_2244] : memref<16x42xf32, #tpu.memory_space<vmem>> -> memref<1x42xf32, #tpu.memory_space<vmem>>
        %dma_start3A_2246 = arith.constant 0 : i32
        %dma_start3A_2247 = tpu.memref_slice %arg4[%squeeze3A_2237, %dma_start3A_2246] : memref<1000000x42xf32, #tpu.memory_space<hbm>> -> memref<1x42xf32, #tpu.memory_space<hbm>>
        tpu.enqueue_dma source(%dma_start3A_2247 : memref<1x42xf32, #tpu.memory_space<hbm>>) target(%dma_start3A_2245 : memref<1x42xf32, #tpu.memory_space<vmem>>) target_semaphore(%arg14 : memref<!tpu.dma_semaphore, #tpu.memory_space<semaphore_mem>>)
        %slice3A_2248 = vector.extract_strided_slice %get3A_2103 {offsets = [12], sizes = [1], strides = [1]} : vector<16xi32> to vector<1xi32>
        %squeeze3A_2249 = vector.extract %slice3A_2248[0] : i32 from vector<1xi32>
        %dma_start3A_2250 = arith.constant 12 : i32
        %dma_start3A_2251 = arith.constant 0 : i32
        %dma_start3A_2252 = tpu.memref_slice %arg11[%dma_start3A_2250, %dma_start3A_2251] : memref<16x42xf32, #tpu.memory_space<vmem>> -> memref<1x42xf32, #tpu.memory_space<vmem>>
        %dma_start3A_2253 = arith.constant 0 : i32
        %dma_start3A_2254 = tpu.memref_slice %arg4[%squeeze3A_2249, %dma_start3A_2253] : memref<1000000x42xf32, #tpu.memory_space<hbm>> -> memref<1x42xf32, #tpu.memory_space<hbm>>
        %dma_start3A_2255 = arith.constant 12 : i32
        %dma_start3A_2256 = arith.constant 0 : i32
        %dma_start3A_2257 = tpu.memref_slice %arg11[%dma_start3A_2255, %dma_start3A_2256] : memref<16x42xf32, #tpu.memory_space<vmem>> -> memref<1x42xf32, #tpu.memory_space<vmem>>
        %dma_start3A_2258 = arith.constant 0 : i32
        %dma_start3A_2259 = tpu.memref_slice %arg4[%squeeze3A_2249, %dma_start3A_2258] : memref<1000000x42xf32, #tpu.memory_space<hbm>> -> memref<1x42xf32, #tpu.memory_space<hbm>>
        tpu.enqueue_dma source(%dma_start3A_2259 : memref<1x42xf32, #tpu.memory_space<hbm>>) target(%dma_start3A_2257 : memref<1x42xf32, #tpu.memory_space<vmem>>) target_semaphore(%arg14 : memref<!tpu.dma_semaphore, #tpu.memory_space<semaphore_mem>>)
        %slice3A_2260 = vector.extract_strided_slice %get3A_2103 {offsets = [13], sizes = [1], strides = [1]} : vector<16xi32> to vector<1xi32>
        %squeeze3A_2261 = vector.extract %slice3A_2260[0] : i32 from vector<1xi32>
        %dma_start3A_2262 = arith.constant 13 : i32
        %dma_start3A_2263 = arith.constant 0 : i32
        %dma_start3A_2264 = tpu.memref_slice %arg11[%dma_start3A_2262, %dma_start3A_2263] : memref<16x42xf32, #tpu.memory_space<vmem>> -> memref<1x42xf32, #tpu.memory_space<vmem>>
        %dma_start3A_2265 = arith.constant 0 : i32
        %dma_start3A_2266 = tpu.memref_slice %arg4[%squeeze3A_2261, %dma_start3A_2265] : memref<1000000x42xf32, #tpu.memory_space<hbm>> -> memref<1x42xf32, #tpu.memory_space<hbm>>
        %dma_start3A_2267 = arith.constant 13 : i32
        %dma_start3A_2268 = arith.constant 0 : i32
        %dma_start3A_2269 = tpu.memref_slice %arg11[%dma_start3A_2267, %dma_start3A_2268] : memref<16x42xf32, #tpu.memory_space<vmem>> -> memref<1x42xf32, #tpu.memory_space<vmem>>
        %dma_start3A_2270 = arith.constant 0 : i32
        %dma_start3A_2271 = tpu.memref_slice %arg4[%squeeze3A_2261, %dma_start3A_2270] : memref<1000000x42xf32, #tpu.memory_space<hbm>> -> memref<1x42xf32, #tpu.memory_space<hbm>>
        tpu.enqueue_dma source(%dma_start3A_2271 : memref<1x42xf32, #tpu.memory_space<hbm>>) target(%dma_start3A_2269 : memref<1x42xf32, #tpu.memory_space<vmem>>) target_semaphore(%arg14 : memref<!tpu.dma_semaphore, #tpu.memory_space<semaphore_mem>>)
        %slice3A_2272 = vector.extract_strided_slice %get3A_2103 {offsets = [14], sizes = [1], strides = [1]} : vector<16xi32> to vector<1xi32>
        %squeeze3A_2273 = vector.extract %slice3A_2272[0] : i32 from vector<1xi32>
        %dma_start3A_2274 = arith.constant 14 : i32
        %dma_start3A_2275 = arith.constant 0 : i32
        %dma_start3A_2276 = tpu.memref_slice %arg11[%dma_start3A_2274, %dma_start3A_2275] : memref<16x42xf32, #tpu.memory_space<vmem>> -> memref<1x42xf32, #tpu.memory_space<vmem>>
        %dma_start3A_2277 = arith.constant 0 : i32
        %dma_start3A_2278 = tpu.memref_slice %arg4[%squeeze3A_2273, %dma_start3A_2277] : memref<1000000x42xf32, #tpu.memory_space<hbm>> -> memref<1x42xf32, #tpu.memory_space<hbm>>
        %dma_start3A_2279 = arith.constant 14 : i32
        %dma_start3A_2280 = arith.constant 0 : i32
        %dma_start3A_2281 = tpu.memref_slice %arg11[%dma_start3A_2279, %dma_start3A_2280] : memref<16x42xf32, #tpu.memory_space<vmem>> -> memref<1x42xf32, #tpu.memory_space<vmem>>
        %dma_start3A_2282 = arith.constant 0 : i32
        %dma_start3A_2283 = tpu.memref_slice %arg4[%squeeze3A_2273, %dma_start3A_2282] : memref<1000000x42xf32, #tpu.memory_space<hbm>> -> memref<1x42xf32, #tpu.memory_space<hbm>>
        tpu.enqueue_dma source(%dma_start3A_2283 : memref<1x42xf32, #tpu.memory_space<hbm>>) target(%dma_start3A_2281 : memref<1x42xf32, #tpu.memory_space<vmem>>) target_semaphore(%arg14 : memref<!tpu.dma_semaphore, #tpu.memory_space<semaphore_mem>>)
        %slice3A_2284 = vector.extract_strided_slice %get3A_2103 {offsets = [15], sizes = [1], strides = [1]} : vector<16xi32> to vector<1xi32>
        %squeeze3A_2285 = vector.extract %slice3A_2284[0] : i32 from vector<1xi32>
        %dma_start3A_2286 = arith.constant 15 : i32
        %dma_start3A_2287 = arith.constant 0 : i32
        %dma_start3A_2288 = tpu.memref_slice %arg11[%dma_start3A_2286, %dma_start3A_2287] : memref<16x42xf32, #tpu.memory_space<vmem>> -> memref<1x42xf32, #tpu.memory_space<vmem>>
        %dma_start3A_2289 = arith.constant 0 : i32
        %dma_start3A_2290 = tpu.memref_slice %arg4[%squeeze3A_2285, %dma_start3A_2289] : memref<1000000x42xf32, #tpu.memory_space<hbm>> -> memref<1x42xf32, #tpu.memory_space<hbm>>
        %dma_start3A_2291 = arith.constant 15 : i32
        %dma_start3A_2292 = arith.constant 0 : i32
        %dma_start3A_2293 = tpu.memref_slice %arg11[%dma_start3A_2291, %dma_start3A_2292] : memref<16x42xf32, #tpu.memory_space<vmem>> -> memref<1x42xf32, #tpu.memory_space<vmem>>
        %dma_start3A_2294 = arith.constant 0 : i32
        %dma_start3A_2295 = tpu.memref_slice %arg4[%squeeze3A_2285, %dma_start3A_2294] : memref<1000000x42xf32, #tpu.memory_space<hbm>> -> memref<1x42xf32, #tpu.memory_space<hbm>>
        tpu.enqueue_dma source(%dma_start3A_2295 : memref<1x42xf32, #tpu.memory_space<hbm>>) target(%dma_start3A_2293 : memref<1x42xf32, #tpu.memory_space<vmem>>) target_semaphore(%arg14 : memref<!tpu.dma_semaphore, #tpu.memory_space<semaphore_mem>>)
      } else {
      }
    }
    %scan3A_392 = arith.constant 16 : i32
    "tpu.region"() ({
      %run_scoped3A = tpu.sem_alloc : memref<!tpu.dma_semaphore, #tpu.memory_space<semaphore_mem>>
      %dma_start3A_393 = arith.constant 0 : i32
      %dma_start3A_394 = tpu.memref_slice %arg6[%mul3A_2, %dma_start3A_393] : memref<16384x64xf32, #tpu.memory_space<hbm>> -> memref<512x64xf32, #tpu.memory_space<hbm>>
      %dma_start3A_395 = arith.constant 0 : i32
      %dma_start3A_396 = tpu.memref_slice %arg6[%mul3A_2, %dma_start3A_395] : memref<16384x64xf32, #tpu.memory_space<hbm>> -> memref<512x64xf32, #tpu.memory_space<hbm>>
      tpu.enqueue_dma source(%arg12 : memref<512x64xf32, #tpu.memory_space<vmem>>) target(%dma_start3A_396 : memref<512x64xf32, #tpu.memory_space<hbm>>) target_semaphore(%run_scoped3A : memref<!tpu.dma_semaphore, #tpu.memory_space<semaphore_mem>>)
      %dma_wait3A = arith.constant 0 : i32
      %dma_wait3A_397 = tpu.memref_slice %arg6[%mul3A_2, %dma_wait3A] : memref<16384x64xf32, #tpu.memory_space<hbm>> -> memref<512x64xf32, #tpu.memory_space<hbm>>
      %dma_wait3A_398 = arith.constant 0 : i32
      %dma_wait3A_399 = tpu.memref_slice %arg6[%mul3A_2, %dma_wait3A_398] : memref<16384x64xf32, #tpu.memory_space<hbm>> -> memref<512x64xf32, #tpu.memory_space<hbm>>
      tpu.wait_dma2 semaphore(%run_scoped3A : memref<!tpu.dma_semaphore, #tpu.memory_space<semaphore_mem>>) src(%arg12 : memref<512x64xf32, #tpu.memory_space<vmem>>) dst(%dma_wait3A_399 : memref<512x64xf32, #tpu.memory_space<hbm>>)
      tpu.yield
    }) : () -> ()
    return
  }
}

</mosaic_0001>

<sc_bundles>
// kernel: _sc_embed.3.cloned.1.call-start
scs
__scs_entry_jumppad:
0x0: {  	(pc) =	sbr.rel $0x88, $3  }
0x1: {  	(tag) =	ssettag $0x0;
	lr =	simm.s32 $0x1  }
0x2: {  	[smem:$0x3F9D] =	sst lr;
	_ =	strace $0xD0000000  }
0x3: {  	_ = 	snop  }
0x4: {  	_ = 	snop  }
0x5: {  	_ = 	snop  }
0x6: {  	_ = 	snop  }
0x7: {  	_ = 	snop  }
__scs_overlays_trampoline_lowered:
0x8: {  	[smem:$0x3FAC] =	sst s0  }
0x9: {  	[smem:$0x3FAD] =	sst s1  }
0xa: {  	[smem:$0x3FAE] =	sst s2  }
0xb: {  	[smem:$0x3FAF] =	sst s3  }
0xc: {  	[smem:$0x3FB0] =	sst s4  }
0xd: {  	[smem:$0x3FB1] =	sst s5  }
0xe: {  	[smem:$0x3FB2] =	sst s6  }
0xf: {  	[smem:$0x3FB3] =	sst s7  }
0x10: {  	[smem:$0x3FB4] =	sst s8  }
0x11: {  	[smem:$0x3FB5] =	sst s9;
	s0 =	simm.s32 @!p0 $0x0  }
0x12: {  	s1 =	sld [smem:$0x3F9B];
	s0 =	simm.s32 @p0 $0x1  }
0x13: {  	[smem:$0x3FB6] =	sst s0;
	s0 =	simm.s32 @!p1 $0x0  }
0x14: {  	s2 =	sld [smem:$0x3F9A];
	s0 =	simm.s32 @p1 $0x1  }
0x15: {  	[smem:$0x3FB7] =	sst s0;
	s0 =	simm.s32 @!p2 $0x0  }
0x16: {  	s3 =	sld [smem:$0x3FDB];
	s0 =	simm.s32 @p2 $0x1  }
0x17: {  	s4 =	simm.s32 $0x1BF5;
	[smem:$0x3FB9] =	sst s0  }
0x18: {  	s0 =	sld [smem:$0x3F9C];
	_ =	swait.ge [sflag:s4], $0x0  }
0x19: {  	s7 =	sld [smem:$0x3F9D]  }
0x1a: {  	s8 =	sadd.s32 $0xFFFFE003, lr  }
0x1b: {  	s9 =	sadd.s32 $0xFFFFFEF7, lr;
	s5 =	simm.s32 $0xFFFFFFFF;
	p2 =	slt.u32 s8, $0xFFFFF086  }
0x1c: {  	p1 =	slt.u32 s9, $0xF7A;
	s5 =	simm.s32 @!p2 $0x0  }
0x1d: {  	s5 =	simm.s32 @p1 $0x1;
	p0 =	seq.s32 s7, s2  }
0x1e: {  	s7 =	smul.u32 @!p0 $0xF7A, s2;
	p2 =	seq.s32 @!p0 s5, $0x0  }
0x1f: {  	s9 =	smul.u32 $0xF7A, s1;
	s8 =	simm.s32 @!p0 $0x1BF5;
	p2 =	por !p2, p0  }
0x20: {  	[sflag:s8] =	ssyncset.s32 @!p0 $0xFFFFF086;
	s6 =	sadd.s32 @!p0 s3, s7;
	s7 =	simm.s32 @!p0 $0x108  }
0x21: {  	s3 =	sadd.s32 s3, s9;
	s6 =	sadd.s32 @!p0 $0x88, s6;
	s7 =	simm.s32 @p2 $0x1082  }
0x22: {  	[simem:s7], [sflag:s8] =	dma.local @!p0 [hbm:s6], $0xF7A  }
0x23: {  	s9 =	sor.u32 $0xD0000000, s2;
	s6 =	simm.s32 $0x108;
	_ =	swait.ge @!p0 [sflag:s8], $0x0  }
0x24: {  	s3 =	sadd.s32 $0x88, s3;
	s6 =	simm.s32 @!p1 $0x1082;
	[sflag:s4] =	ssyncset.s32 $0xFFFFF086  }
0x25: {  	[simem:s6], [sflag:s4] =	dma.local [hbm:s3], $0xF7A  }
0x26: {  	[smem:$0x3F9D] =	sst s1;
	(tag) =	ssettag s2;
	_ =	strace s9  }
0x27: {  	s1 =	sld [smem:$0x3FAD]  }
0x28: {  	s2 =	sld [smem:$0x3FAE]  }
0x29: {  	s4 =	sld [smem:$0x3FB0]  }
0x2a: {  	p0 =	seq.s32 s5, $0x0;
	s5 =	sld [smem:$0x3FB1]  }
0x2b: {  	s6 =	sld [smem:$0x3FB2]  }
0x2c: {  	s7 =	sld [smem:$0x3FB3]  }
0x2d: {  	s3 =	simm.s32 $0x108;
	s8 =	sld [smem:$0x3FB4]  }
0x2e: {  	s3 =	simm.s32 @!p0 $0x1082;
	s9 =	sld [smem:$0x3FB5]  }
0x2f: {  	lr =	sadd.s32 s0, s3;
	s0 =	sld [smem:$0x3FAC]  }
0x30: {  	s3 =	sld [smem:$0x3FAF]  }
0x31: {  	[smem:$0x3FB8] =	sst s10  }
0x32: {  	s10 =	sld [smem:$0x3FB6];
	_ =	sdelay $0x3  }
0x33: {  	p0 =	seq.s32 s10, $0x1;
	s10 =	sld [smem:$0x3FB8];
	_ =	sdelay $0x3  }
0x34: {  	[smem:$0x3FB8] =	sst s10  }
0x35: {  	s10 =	sld [smem:$0x3FB7];
	_ =	sdelay $0x3  }
0x36: {  	p1 =	seq.s32 s10, $0x1;
	s10 =	sld [smem:$0x3FB8];
	_ =	sdelay $0x3  }
0x37: {  	[smem:$0x3FB8] =	sst s10  }
0x38: {  	s10 =	sld [smem:$0x3FB9]  }
0x39: {  	_ = 	snop;
	(pc) =	sbr.ind lr, $3  }
0x3a: {  	_ = 	snop  }
0x3b: {  	_ = 	snop  }
0x3c: {  	p2 =	seq.s32 s10, $0x1;
	s10 =	sld [smem:$0x3FB8]  }
0x3d: {  	_ =	shalt  }
0x3e: {  	_ =	shalt  }
0x3f: {  	_ =	shalt  }
0x40: {  	_ =	shalt  }
0x41: {  	_ =	shalt  }
0x42: {  	_ =	shalt  }
0x43: {  	_ =	shalt  }
0x44: {  	_ =	shalt  }
0x45: {  	_ =	shalt  }
0x46: {  	_ =	shalt  }
0x47: {  	_ =	shalt  }
0x48: {  	_ =	shalt  }
0x49: {  	_ =	shalt  }
0x4a: {  	_ =	shalt  }
0x4b: {  	_ =	shalt  }
0x4c: {  	_ =	shalt  }
0x4d: {  	_ =	shalt  }
0x4e: {  	_ =	shalt  }
0x4f: {  	_ =	shalt  }
0x50: {  	_ =	shalt  }
0x51: {  	_ =	shalt  }
0x52: {  	_ =	shalt  }
0x53: {  	_ =	shalt  }
0x54: {  	_ =	shalt  }
0x55: {  	_ =	shalt  }
0x56: {  	_ =	shalt  }
0x57: {  	_ =	shalt  }
0x58: {  	_ =	shalt  }
0x59: {  	_ =	shalt  }
0x5a: {  	_ =	shalt  }
0x5b: {  	_ =	shalt  }
0x5c: {  	_ =	shalt  }
0x5d: {  	_ =	shalt  }
0x5e: {  	_ =	shalt  }
0x5f: {  	_ =	shalt  }
0x60: {  	_ =	shalt  }
0x61: {  	_ =	shalt  }
0x62: {  	_ =	shalt  }
0x63: {  	_ =	shalt  }
0x64: {  	_ =	shalt  }
0x65: {  	_ =	shalt  }
0x66: {  	_ =	shalt  }
0x67: {  	_ =	shalt  }
0x68: {  	_ =	shalt  }
0x69: {  	_ =	shalt  }
0x6a: {  	_ =	shalt  }
0x6b: {  	_ =	shalt  }
0x6c: {  	_ =	shalt  }
0x6d: {  	_ =	shalt  }
0x6e: {  	_ =	shalt  }
0x6f: {  	_ =	shalt  }
0x70: {  	_ =	shalt  }
0x71: {  	_ =	shalt  }
0x72: {  	_ =	shalt  }
0x73: {  	_ =	shalt  }
0x74: {  	_ =	shalt  }
0x75: {  	_ =	shalt  }
0x76: {  	_ =	shalt  }
0x77: {  	_ =	shalt  }
0x78: {  	_ =	shalt  }
0x79: {  	_ =	shalt  }
0x7a: {  	_ =	shalt  }
0x7b: {  	_ =	shalt  }
0x7c: {  	_ =	shalt  }
0x7d: {  	_ =	shalt  }
0x7e: {  	_ =	shalt  }
0x7f: {  	_ =	shalt  }
0x80: {  	_ =	shalt  }
0x81: {  	_ =	shalt  }
0x82: {  	_ =	shalt  }
0x83: {  	_ =	shalt  }
0x84: {  	_ =	shalt  }
0x85: {  	_ =	shalt  }
0x86: {  	_ =	shalt  }
0x87: {  	_ =	shalt  }
.Lfunc_end0:
.L_simem_size_0:
called_computation_lowered:
.L_overlay_start_0:
0x88: {  	s2 =	sld [smem:$0x3FD9]  }
0x89: {  	s3 =	sld [smem:$0x3FFE];
	_ =	sdelay $0x1  }
0x8a: {  	s1 =	srdreg.scid  }
0x8b: {  	s0 =	sand.u32 $0x1, s1  }
0x8c: {  	s17 =	sshll.u32 s0, $0xA;
	s2 =	sadd.s32 s3, s2  }
0x8d: {  	s2 =	sadd.s32 s2, s17  }
0x8e: {  	[smem:$0x3FC4] =	sst s2  }
0x8f: {  	_ = 	snop  }
0x90: {  	s2 =	sld [smem:$0x3FC9]  }
0x91: {  	s18 =	sld [smem:$0x3FC8]  }
0x92: {  	s4 =	sld [smem:$0x3FC6];
	(tm) =	ssettm $0x1  }
0x93: {  	s5 =	sld [smem:$0x3FFB];
	_ =	sdelay $0x3  }
0x94: {  	_ =	strace s5  }
0x95: {  	s5 =	sld [smem:$0x3FFC];
	_ =	sdelay $0x3  }
0x96: {  	_ =	strace s5  }
0x97: {  	s5 =	sld [smem:$0x3FFD];
	_ =	sdelay $0x3  }
0x98: {  	_ =	strace s5  }
0x99: {  	_ =	strace $0x8FFFFFFF  }
0x9a: {  	s19 =	sld [smem:$0x3FDB];
	_ =	sdelay $0x1  }
0x9b: {  	s6 =	simm.s32 $_scs_section_size  }
0x9c: {  	s7 =	simm.s32 $_size__tile_overlayer_lowered;
	s8 =	simm.s32 $_tile_overlayer_lowered  }
0x9d: {  	s22 =	simm.s32 $0x1BFF;
	s21 =	sshll.u32 s8, $0x1;
	s5 =	sadd.s32 s6, s19  }
0x9e: {  	s9 =	simm.s32 $0x0;
	s20 =	sshll.u32 s7, $0x1;
	s7 =	sadd.s32 s21, s5  }
0x9f: {  	[timem:s9], [sflag:s22] =	dma.local [hbm:s7], s20  }
0xa0: {  	_ =	swait.ge [sflag:s22], s20  }
0xa1: {  	s6 =	ssub.s32 $0x0, s20;
	[sflag:s22] =	ssyncset.done $0x0  }
0xa2: {  	[sflag:s22] =	ssyncadd.s32 s6;
	_ =	sdelay $0x1  }
0xa3: {  	s23 =	simm.s32 $0x1B8B  }
0xa4: {  	_ =	swait.ge [sflag:s23], $0x1  }
0xa5: {  	[sflag:s23] =	ssyncset.done $0x0  }
0xa6: {  	s25 =	simm.s32 $0x1B8E;
	s24 =	sld [smem:$0x3FFE];
	[sflag:s23] =	ssyncadd.s32 $0xFFFFFFFF  }
0xa7: {  	s26 =	simm.s32 $execute0_lowered;
	[smem:$0x3FD2] =	sst s25  }
0xa8: {  	s7 =	sshll.u32 s26, $0x1;
	_ =	strace $0x80000046;
	[dreg:$0x1] =	wrdreg $0xFFFFFFFF  }
0xa9: {  	s28 =	simm.s32 $_size_execute0_lowered;
	s5 =	sadd.s32 s5, s7;
	[dreg:$0x0] =	wrdreg $0x0  }
0xaa: {  	s7 =	sshll.u32 s28, $0x1;
	[dreg:$0x2] =	wrdreg s5  }
0xab: {  	[dreg:$0x3] =	wrdreg s7  }
0xac: {  	[dreg:$0x4] =	wrdreg $0xC0  }
0xad: {  	_ =	task [dreg:s9], $0x5FFFF  }
0xae: {  	[dreg:$0x1] =	wrdreg $0xFFFFFFFF  }
0xaf: {  	[dreg:$0x0] =	wrdreg $0x60  }
0xb0: {  	[dreg:$0x2] =	wrdreg s2  }
0xb1: {  	[dreg:$0x3] =	wrdreg s18  }
0xb2: {  	[dreg:$0x4] =	wrdreg s24  }
0xb3: {  	[dreg:$0x5] =	wrdreg s4  }
0xb4: {  	[dreg:$0x6] =	wrdreg $0x9  }
0xb5: {  	_ =	task.clear_ibuf [dreg:s9], $0x7FFFF;
	_ =	strace $0x90000046  }
0xb6: {  	s29 =	simm.s32 $0x9;
	_ =	strace $0x80000048  }
0xb7: {  	_ =	swait.ge [sflag:s29], $0x1  }
0xb8: {  	[sflag:s29] =	ssyncadd.s32 $0xFFFFFFFF  }
0xb9: {  	_ =	strace $0x90000048  }
0xba: {  	_ =	sfence  }
0xbb: {  	s30 =	sld [smem:$0x0];
	_ =	sdelay $0x2  }
0xbc: {  	s31 =	sshll.u32 s1, $0xD;
	s1 =	sshrl.u32 s1, $0x2  }
0xbd: {  	s3 =	sand.u32 $0x4000, s31;
	s1 =	sadd.s32 s1, s30  }
0xbe: {  	s0 =	sor.u32 s3, s0;
	s1 =	sshll.u32 s1, $0x11  }
0xbf: {  	s0 =	sor.u32 s1, s0  }
0xc0: {  	s0 =	sadd.s32 $0x8F2B, s0  }
0xc1: {  	[sflag:s0] =	ssyncadd.remote.s32 $0x1  }
0xc2: {  	_ =	sfence.sel $0xFFFF  }
0xc3: {  	[dreg:$0x0] =	wrdreg $0xFFFFFFFF;
	(pc) =	sbr.abs _section_cstart, $3  }
0xc4: {  	[dreg:$0x1] =	wrdreg $0xFFFFFFFF  }
0xc5: {  	_ =	task.clear_ibuf [dreg:s9], $0x2FFFF;
	_ =	strace $0x9FFFFFFF  }
0xc6: {  	(tm) =	ssettm $0x7FFFFFFF  }
0xc7: {  	_ =	shalt  }
tec
execute0_lowered:
.L_overlay_start_1:
0x0: {  	(tag) =	ssettag $0x1  }
0x1: {  	s0 =	rddreg [dreg:$0x0]  }
0x2: {  	s1 =	rddreg [dreg:$0x1]  }
0x3: {  	s2 =	rddreg [dreg:$0x2]  }
0x4: {  	s3 =	simm.s32 $0x0;
	s4 =	srdreg.scid;
	s6 =	stileid.u32  }
0x5: {  	s18 =	simm.s32 $0x3;
	s22 =	simm.s32 $0x4900;
	s23 =	simm.s32 $0x4980  }
0x6: {  	s28 =	simm.s32 $0x4B80;
	s29 =	simm.s32 $0x4C00;
	s30 =	simm.s32 $0x4C80  }
0x7: {  	s31 =	simm.s32 $0x4D00;
	s10 =	simm.s32 $0x4F00;
	s11 =	simm.s32 $0x4F80  }
0x8: {  	s9 =	simm.s32 $0x5200;
	s12 =	simm.s32 $0x5280;
	s13 =	simm.s32 $0x5300  }
0x9: {  	s14 =	simm.s32 $0x5380;
	s15 =	simm.s32 $0x1;
	s16 =	simm.s32 $0x2  }
0xa: {  	s19 =	simm.s32 $0x0;
	[smem:$0x7FF] =	sst s3;
	s5 =	sand.u32 $0x1, s4  }
0xb: {  	s6 =	sshll.u32 s6, $0xA;
	s4 =	sadd.s32 $0x400, s2;
	s7 =	sshll.u32 s5, $0x9  }
0xc: {  	_ =	strace $0x80000047;
	s5 =	ssub.s32 $0x2, s5;
	s6 =	sor.u32 s7, s6  }
0xd: {  	s8 =	sshrl.u32 s5, $0x1;
	s7 =	sshll.u32 s6, $0x4;
	s6 =	sshrl.u32 s6, $0x3  }
0xe: {  	s5 =	ssub.s32 s5, s8;
	s8 =	simm.s32 $0x5180;
	s2 =	sadd.s32 s7, s2  }
0xf: {  	s0 =	sadd.s32 s0, s6;
	s24 =	sadd.s32 s1, s6;
	s26 =	smax.u32 s5, $0x1  }
.Ltmp0:
0x10: {  	s1 =	simm.s32 $0x4E80;
	[dreg:$0x5] =	wrdreg s0;
	(pc) =	sbr.rel .LBB2_1-.Ltmp0, $4  }
0x11: {  	s5 =	simm.s32 $0x5000;
	s6 =	simm.s32 $0x5080;
	[dreg:$0x6] =	wrdreg s24  }
0x12: {  	s7 =	simm.s32 $0x5100;
	s25 =	sadd.s32 $0xF42800, s2;
	[dreg:$0x8] =	wrdreg s26  }
0x13: {  	s24 =	simm.s32 $0x4A00;
	s26 =	simm.s32 $0x4B00;
	s0 =	simm.s32 $0x4D80  }
0x14: {  	s2 =	simm.s32 $0x4E00;
	[dreg:$0x7] =	wrdreg s25;
	s25 =	simm.s32 $0x4A80  }
.LBB2_6:
0x15: {  	s17 =	rddreg [dreg:$0x7];
	s18 =	simm.s32 $0x5400  }
0x16: {  	[hbm4b:s17+s3] =	stream.linear.scatter [tilespmem:s18], [sflag:$0x3], $0x10000, $0x38;
	[tilespmem:$0x15400] =	vst v63  }
0x17: {  	s18 =	simm.s32 $0x3  }
0x18: {  	_ =	swait.ge [sflag:s18], $0x10000  }
0x19: {  	s19 =	rddreg [dreg:$0x9]  }
0x1a: {  	s21 =	rddreg [dreg:$0x8];
	s19 =	sadd.s32 $0x1, s19  }
0x1b: {  	p0 =	sne.s32 s19, s21  }
.Ltmp1:
0x1c: {  	_ = 	snop;
	(pc) =	sbr.rel @!p0 .LBB2_7-.Ltmp1, $3  }
0x1d: {  	_ =	sdelay $0x1  }
0x1e: {  	[sflag:s18] =	ssyncset.done $0x0  }
0x1f: {  	[sflag:s18] =	ssyncadd.s32 $0xFFFF0000  }
.LBB2_1:
0x20: {  	[dreg:$0x9] =	wrdreg s19  }
0x21: {  	s17 =	rddreg [dreg:$0x5]  }
0x22: {  	[tilespmem:s3], [sflag:$0x3] =	stream.linear.gather [hbm4b:s17+s3], $0x200, $0x38;
	[tilespmem:$0x15400] =	vst v63  }
0x23: {  	_ =	swait.ge [sflag:s18], $0x200  }
0x24: {  	[sflag:s18] =	ssyncset.done $0x0  }
0x25: {  	s21 =	simm.s32 $0x200;
	s20 =	rddreg [dreg:$0x6];
	[sflag:s18] =	ssyncadd.s32 $0xFFFFFE00  }
0x26: {  	[tilespmem:s21], [sflag:$0x3] =	stream.linear.gather [hbm4b:s20+s3], $0x200, $0x38;
	[tilespmem:$0x15400] =	vst v63  }
0x27: {  	_ =	swait.ge [sflag:s18], $0x200  }
0x28: {  	[sflag:s18] =	ssyncset.done $0x0  }
0x29: {  	[sflag:s18] =	ssyncadd.s32 $0xFFFFFE00  }
0x2a: {  	s21 =	simm.s32 $0x400;
	s20 =	rddreg [dreg:$0x3]  }
0x2b: {  	[tilespmem:s21], [sflag:$0x3] =	stream.linear.gather [hbm4b:s20+s3], $0x4000, $0x38;
	[tilespmem:$0x15400] =	vst v63  }
0x2c: {  	_ =	swait.ge [sflag:s18], $0x4000  }
0x2d: {  	[sflag:s18] =	ssyncset.done $0x0  }
0x2e: {  	[sflag:s18] =	ssyncadd.s32 $0xFFFFC000  }
0x2f: {  	v0 =	vld [tilespmem:$0x0];
	_ =	sdelay $0x4  }
0x30: {  	v0 =	vshll.u32 v0, $0x4  }
0x31: {  	(v2sf) =	vpush v0, $0x0;
	_ =	sdelay $0x1  }
0x32: {  	(v2sf) =	vpush v0, $0x1;
	_ =	sdelay $0x1  }
0x33: {  	(v2sf) =	vpush v0, $0x2;
	_ =	sdelay $0x8  }
0x34: {  	(v2sf) =	vpush v0, $0x3;
	_ =	sdelay $0x1  }
0x35: {  	s20 =	spop (v2sf);
	(v2sf) =	vpush v0, $0x4;
	_ =	sdelay $0x1  }
0x36: {  	s18 =	spop (v2sf);
	(v2sf) =	vpush v0, $0x5;
	_ =	sdelay $0x1  }
0x37: {  	s17 =	sand.u32 $0x1FFFFFF0, s20;
	s20 =	spop (v2sf);
	(v2sf) =	vpush v0, $0x6;
	_ =	sdelay $0x2  }
0x38: {  	s21 =	simm.s32 $0x4400;
	s17 =	sadd.s32 s4, s17;
	(v2sf) =	vpush v0, $0x7  }
0x39: {  	[tilespmem:s21], [sflag:$0x1] =	stream.linear.gather [hbm4b:s17+s3], $0x80, $0x38;
	[tilespmem:$0x15400] =	vst v63  }
0x3a: {  	s17 =	sand.u32 $0x1FFFFFF0, s18  }
0x3b: {  	s19 =	simm.s32 $0x4480;
	s17 =	sadd.s32 s4, s17  }
0x3c: {  	[tilespmem:s19], [sflag:$0x1] =	stream.linear.gather [hbm4b:s17+s3], $0x80, $0x38;
	[tilespmem:$0x15400] =	vst v63  }
0x3d: {  	s17 =	sand.u32 $0x1FFFFFF0, s20  }
0x3e: {  	s21 =	simm.s32 $0x4500;
	s18 =	spop (v2sf);
	s17 =	sadd.s32 s4, s17  }
0x3f: {  	[tilespmem:s21], [sflag:$0x1] =	stream.linear.gather [hbm4b:s17+s3], $0x80, $0x38;
	[tilespmem:$0x15400] =	vst v63  }
0x40: {  	s20 =	spop (v2sf);
	(v2sf) =	vpush v0, $0x8  }
0x41: {  	s17 =	sand.u32 $0x1FFFFFF0, s18  }
0x42: {  	s19 =	simm.s32 $0x4580;
	s17 =	sadd.s32 s4, s17;
	s18 =	spop (v2sf);
	(v2sf) =	vpush v0, $0x9  }
0x43: {  	[tilespmem:s19], [sflag:$0x1] =	stream.linear.gather [hbm4b:s17+s3], $0x80, $0x38;
	[tilespmem:$0x15400] =	vst v63  }
0x44: {  	s17 =	sand.u32 $0x1FFFFFF0, s20;
	s20 =	spop (v2sf);
	(v2sf) =	vpush v0, $0xA  }
0x45: {  	s21 =	simm.s32 $0x4600;
	s17 =	sadd.s32 s4, s17  }
0x46: {  	[tilespmem:s21], [sflag:$0x1] =	stream.linear.gather [hbm4b:s17+s3], $0x80, $0x38;
	[tilespmem:$0x15400] =	vst v63  }
0x47: {  	s17 =	sand.u32 $0x1FFFFFF0, s18;
	s18 =	spop (v2sf);
	(v2sf) =	vpush v0, $0xB;
	_ =	sdelay $0x1  }
0x48: {  	s19 =	simm.s32 $0x4680;
	s17 =	sadd.s32 s4, s17  }
0x49: {  	[tilespmem:s19], [sflag:$0x1] =	stream.linear.gather [hbm4b:s17+s3], $0x80, $0x38;
	[tilespmem:$0x15400] =	vst v63  }
0x4a: {  	s17 =	sand.u32 $0x1FFFFFF0, s20  }
0x4b: {  	s21 =	simm.s32 $0x4700;
	s17 =	sadd.s32 s4, s17  }
0x4c: {  	[tilespmem:s21], [sflag:$0x1] =	stream.linear.gather [hbm4b:s17+s3], $0x80, $0x38;
	[tilespmem:$0x15400] =	vst v63  }
0x4d: {  	s17 =	sand.u32 $0x1FFFFFF0, s18  }
0x4e: {  	s19 =	simm.s32 $0x4780;
	s17 =	sadd.s32 s4, s17;
	s20 =	spop (v2sf);
	(v2sf) =	vpush v0, $0xC  }
0x4f: {  	[tilespmem:s19], [sflag:$0x1] =	stream.linear.gather [hbm4b:s17+s3], $0x80, $0x38;
	[tilespmem:$0x15400] =	vst v63  }
0x50: {  	s18 =	spop (v2sf);
	(v2sf) =	vpush v0, $0xD  }
0x51: {  	s17 =	sand.u32 $0x1FFFFFF0, s20  }
0x52: {  	s21 =	simm.s32 $0x4800;
	s17 =	sadd.s32 s4, s17;
	s20 =	spop (v2sf)  }
0x53: {  	(v2sf) =	vpush v0, $0xE;
	[tilespmem:s21], [sflag:$0x1] =	stream.linear.gather [hbm4b:s17+s3], $0x80, $0x38;
	[tilespmem:$0x15400] =	vst v63  }
0x54: {  	s17 =	sand.u32 $0x1FFFFFF0, s18  }
0x55: {  	s19 =	simm.s32 $0x4880;
	s21 =	spop (v2sf);
	s17 =	sadd.s32 s4, s17  }
0x56: {  	(v2sf) =	vpush v0, $0xF;
	[tilespmem:s19], [sflag:$0x1] =	stream.linear.gather [hbm4b:s17+s3], $0x80, $0x38;
	[tilespmem:$0x15400] =	vst v63  }
0x57: {  	s17 =	sand.u32 $0x1FFFFFF0, s20  }
0x58: {  	s17 =	sadd.s32 s4, s17  }
0x59: {  	[tilespmem:s22], [sflag:$0x1] =	stream.linear.gather [hbm4b:s17+s3], $0x80, $0x38;
	[tilespmem:$0x15400] =	vst v63  }
0x5a: {  	s17 =	sand.u32 $0x1FFFFFF0, s21  }
0x5b: {  	s17 =	sadd.s32 s4, s17  }
0x5c: {  	[tilespmem:s23], [sflag:$0x1] =	stream.linear.gather [hbm4b:s17+s3], $0x80, $0x38;
	[tilespmem:$0x15400] =	vst v63  }
0x5d: {  	s18 =	spop (v2sf)  }
0x5e: {  	s17 =	sand.u32 $0x1FFFFFF0, s18  }
0x5f: {  	s19 =	spop (v2sf);
	s17 =	sadd.s32 s4, s17  }
0x60: {  	[tilespmem:s24], [sflag:$0x1] =	stream.linear.gather [hbm4b:s17+s3], $0x80, $0x38;
	[tilespmem:$0x15400] =	vst v63  }
0x61: {  	s17 =	sand.u32 $0x1FFFFFF0, s19  }
0x62: {  	s20 =	spop (v2sf);
	s17 =	sadd.s32 s4, s17  }
0x63: {  	[tilespmem:s25], [sflag:$0x1] =	stream.linear.gather [hbm4b:s17+s3], $0x80, $0x38;
	[tilespmem:$0x15400] =	vst v63  }
0x64: {  	s17 =	sand.u32 $0x1FFFFFF0, s20  }
0x65: {  	s21 =	spop (v2sf);
	s17 =	sadd.s32 s4, s17  }
0x66: {  	[tilespmem:s26], [sflag:$0x1] =	stream.linear.gather [hbm4b:s17+s3], $0x80, $0x38;
	[tilespmem:$0x15400] =	vst v63  }
0x67: {  	s17 =	sand.u32 $0x1FFFFFF0, s21  }
0x68: {  	s17 =	sadd.s32 s4, s17  }
0x69: {  	[tilespmem:s28], [sflag:$0x1] =	stream.linear.gather [hbm4b:s17+s3], $0x80, $0x38;
	[tilespmem:$0x15400] =	vst v63  }
0x6a: {  	v63 =	vld [tilespmem:$0x10];
	_ =	sdelay $0x4  }
0x6b: {  	v0 =	vshll.u32 v63, $0x4  }
0x6c: {  	(v2sf) =	vpush v0, $0x0;
	_ =	sdelay $0x2  }
0x6d: {  	(v2sf) =	vpush v0, $0x1  }
0x6e: {  	(v2sf) =	vpush v0, $0x2;
	_ =	sdelay $0x2  }
0x6f: {  	(v2sf) =	vpush v0, $0x3;
	_ =	sdelay $0x1  }
0x70: {  	(v2sf) =	vpush v0, $0x4;
	_ =	sdelay $0x5  }
0x71: {  	s18 =	spop (v2sf);
	(v2sf) =	vpush v0, $0x5;
	_ =	sdelay $0x2  }
0x72: {  	s17 =	sand.u32 $0x1FFFFFF0, s18;
	s19 =	spop (v2sf)  }
0x73: {  	s17 =	sadd.s32 s4, s17;
	s20 =	spop (v2sf)  }
0x74: {  	(v2sf) =	vpush v0, $0x6;
	[tilespmem:s29], [sflag:$0x2] =	stream.linear.gather [hbm4b:s17+s3], $0x80, $0x38;
	[tilespmem:$0x15400] =	vst v63  }
0x75: {  	s17 =	sand.u32 $0x1FFFFFF0, s19  }
0x76: {  	s21 =	spop (v2sf);
	(v2sf) =	vpush v0, $0x7;
	s17 =	sadd.s32 s4, s17  }
0x77: {  	[tilespmem:s30], [sflag:$0x2] =	stream.linear.gather [hbm4b:s17+s3], $0x80, $0x38;
	[tilespmem:$0x15400] =	vst v63  }
0x78: {  	s18 =	spop (v2sf);
	(v2sf) =	vpush v0, $0x8;
	s17 =	sand.u32 $0x1FFFFFF0, s20  }
0x79: {  	s17 =	sadd.s32 s4, s17  }
0x7a: {  	[tilespmem:s31], [sflag:$0x2] =	stream.linear.gather [hbm4b:s17+s3], $0x80, $0x38;
	[tilespmem:$0x15400] =	vst v63  }
0x7b: {  	s17 =	sand.u32 $0x1FFFFFF0, s21  }
0x7c: {  	s17 =	sadd.s32 s4, s17  }
0x7d: {  	[tilespmem:s0], [sflag:$0x2] =	stream.linear.gather [hbm4b:s17+s3], $0x80, $0x38;
	[tilespmem:$0x15400] =	vst v63  }
0x7e: {  	s19 =	spop (v2sf);
	(v2sf) =	vpush v0, $0x9  }
0x7f: {  	s17 =	sand.u32 $0x1FFFFFF0, s18  }
0x80: {  	s17 =	sadd.s32 s4, s17;
	(v2sf) =	vpush v0, $0xA  }
0x81: {  	[tilespmem:s2], [sflag:$0x2] =	stream.linear.gather [hbm4b:s17+s3], $0x80, $0x38;
	[tilespmem:$0x15400] =	vst v63  }
0x82: {  	s17 =	sand.u32 $0x1FFFFFF0, s19  }
0x83: {  	s17 =	sadd.s32 s4, s17;
	s20 =	spop (v2sf)  }
0x84: {  	(v2sf) =	vpush v0, $0xB;
	[tilespmem:s1], [sflag:$0x2] =	stream.linear.gather [hbm4b:s17+s3], $0x80, $0x38;
	[tilespmem:$0x15400] =	vst v63  }
0x85: {  	s21 =	spop (v2sf);
	(v2sf) =	vpush v0, $0xC  }
0x86: {  	s17 =	sand.u32 $0x1FFFFFF0, s20  }
0x87: {  	s17 =	sadd.s32 s4, s17;
	s18 =	spop (v2sf);
	(v2sf) =	vpush v0, $0xD  }
0x88: {  	[tilespmem:s10], [sflag:$0x2] =	stream.linear.gather [hbm4b:s17+s3], $0x80, $0x38;
	[tilespmem:$0x15400] =	vst v63  }
0x89: {  	s17 =	sand.u32 $0x1FFFFFF0, s21  }
0x8a: {  	s17 =	sadd.s32 s4, s17  }
0x8b: {  	[tilespmem:s11], [sflag:$0x2] =	stream.linear.gather [hbm4b:s17+s3], $0x80, $0x38;
	[tilespmem:$0x15400] =	vst v63  }
0x8c: {  	s17 =	sand.u32 $0x1FFFFFF0, s18  }
0x8d: {  	s17 =	sadd.s32 s4, s17;
	s19 =	spop (v2sf);
	(v2sf) =	vpush v0, $0xE  }
0x8e: {  	[tilespmem:s5], [sflag:$0x2] =	stream.linear.gather [hbm4b:s17+s3], $0x80, $0x38;
	[tilespmem:$0x15400] =	vst v63  }
0x8f: {  	s20 =	spop (v2sf);
	(v2sf) =	vpush v0, $0xF  }
0x90: {  	s17 =	sand.u32 $0x1FFFFFF0, s19  }
0x91: {  	s17 =	sadd.s32 s4, s17  }
0x92: {  	[tilespmem:s6], [sflag:$0x2] =	stream.linear.gather [hbm4b:s17+s3], $0x80, $0x38;
	[tilespmem:$0x15400] =	vst v63  }
0x93: {  	s21 =	spop (v2sf);
	s17 =	sand.u32 $0x1FFFFFF0, s20  }
0x94: {  	s18 =	sand.u32 $0x1FFFFFF0, s21;
	s19 =	spop (v2sf);
	s17 =	sadd.s32 s4, s17  }
0x95: {  	[tilespmem:s7], [sflag:$0x2] =	stream.linear.gather [hbm4b:s17+s3], $0x80, $0x38;
	[tilespmem:$0x15400] =	vst v63  }
0x96: {  	s20 =	sand.u32 $0x1FFFFFF0, s19;
	s21 =	spop (v2sf);
	s17 =	sadd.s32 s4, s18  }
0x97: {  	[tilespmem:s8], [sflag:$0x2] =	stream.linear.gather [hbm4b:s17+s3], $0x80, $0x38;
	[tilespmem:$0x15400] =	vst v63  }
0x98: {  	s18 =	sand.u32 $0x1FFFFFF0, s21;
	s17 =	sadd.s32 s4, s20  }
0x99: {  	[tilespmem:s9], [sflag:$0x2] =	stream.linear.gather [hbm4b:s17+s3], $0x80, $0x38;
	[tilespmem:$0x15400] =	vst v63  }
0x9a: {  	s17 =	sadd.s32 s4, s18  }
0x9b: {  	[tilespmem:s12], [sflag:$0x2] =	stream.linear.gather [hbm4b:s17+s3], $0x80, $0x38;
	[tilespmem:$0x15400] =	vst v63  }
0x9c: {  	s19 =	spop (v2sf)  }
0x9d: {  	s20 =	sand.u32 $0x1FFFFFF0, s19  }
0x9e: {  	s21 =	spop (v2sf);
	s17 =	sadd.s32 s4, s20  }
0x9f: {  	[tilespmem:s13], [sflag:$0x2] =	stream.linear.gather [hbm4b:s17+s3], $0x80, $0x38;
	[tilespmem:$0x15400] =	vst v63  }
0xa0: {  	s17 =	sand.u32 $0x1FFFFFF0, s21  }
0xa1: {  	s17 =	sadd.s32 s4, s17  }
0xa2: {  	[tilespmem:s14], [sflag:$0x2] =	stream.linear.gather [hbm4b:s17+s3], $0x80, $0x38;
	[tilespmem:$0x15400] =	vst v63  }
0xa3: {  	s18 =	simm.s32 $0x0;
	s17 =	simm.s32 $0x5C00  }
.LBB2_2:
0xa4: {  	_ =	swait.ge [sflag:s15], $0x800  }
0xa5: {  	[sflag:s15] =	ssyncset.done $0x0  }
0xa6: {  	s19 =	sshra.s32 s18, $0x2;
	[sflag:s15] =	ssyncadd.s32 $0xFFFFF800  }
0xa7: {  	v0 =	vld [tilespmem:s19+$0x200];
	_ =	sdelay $0x4  }
0xa8: {  	v1 =	vld [tilespmem:$0x4400];
	v0 =	vshll.u32 v0, $0x9  }
0xa9: {  	v0 =	vshra.s32 v0, $0x2  }
0xaa: {  	(v2sf) =	vpush v0, $0x0;
	_ =	sdelay $0x2  }
0xab: {  	[tilespmem:s17+$0xFFFFF800] =	vst v1  }
0xac: {  	v1 =	vld [tilespmem:$0x4410];
	_ =	sdelay $0x4  }
0xad: {  	[tilespmem:s17+$0xFFFFF810] =	vst v1  }
0xae: {  	v1 =	vld [tilespmem:$0x441A];
	_ =	sdelay $0x4  }
0xaf: {  	[tilespmem:s17+$0xFFFFF81A] =	vst v1;
	s20 =	spop (v2sf)  }
0xb0: {  	v1 =	vld [tilespmem:s20+$0x400];
	_ =	sdelay $0x4  }
0xb1: {  	[tilespmem:s17+$0xFFFFF82A] =	vst v1  }
0xb2: {  	v1 =	vld [tilespmem:s20+$0x406];
	_ =	sdelay $0x4  }
0xb3: {  	[tilespmem:s17+$0xFFFFF830] =	vst v1  }
0xb4: {  	v1 =	vld [tilespmem:$0x4480];
	_ =	sdelay $0x1  }
0xb5: {  	(v2sf) =	vpush v0, $0x1;
	_ =	sdelay $0x2  }
0xb6: {  	[tilespmem:s17+$0xFFFFF880] =	vst v1  }
0xb7: {  	v1 =	vld [tilespmem:$0x4490];
	_ =	sdelay $0x4  }
0xb8: {  	[tilespmem:s17+$0xFFFFF890] =	vst v1  }
0xb9: {  	v1 =	vld [tilespmem:$0x449A];
	_ =	sdelay $0x4  }
0xba: {  	s21 =	spop (v2sf);
	[tilespmem:s17+$0xFFFFF89A] =	vst v1  }
0xbb: {  	v1 =	vld [tilespmem:s21+$0x400];
	_ =	sdelay $0x4  }
0xbc: {  	[tilespmem:s17+$0xFFFFF8AA] =	vst v1  }
0xbd: {  	v1 =	vld [tilespmem:s21+$0x406];
	_ =	sdelay $0x4  }
0xbe: {  	[tilespmem:s17+$0xFFFFF8B0] =	vst v1  }
0xbf: {  	v1 =	vld [tilespmem:$0x4500];
	_ =	sdelay $0x1  }
0xc0: {  	(v2sf) =	vpush v0, $0x2;
	_ =	sdelay $0x2  }
0xc1: {  	[tilespmem:s17+$0xFFFFF900] =	vst v1  }
0xc2: {  	v1 =	vld [tilespmem:$0x4510];
	_ =	sdelay $0x4  }
0xc3: {  	[tilespmem:s17+$0xFFFFF910] =	vst v1  }
0xc4: {  	v1 =	vld [tilespmem:$0x451A];
	_ =	sdelay $0x4  }
0xc5: {  	s21 =	spop (v2sf);
	[tilespmem:s17+$0xFFFFF91A] =	vst v1  }
0xc6: {  	v1 =	vld [tilespmem:s21+$0x400];
	_ =	sdelay $0x4  }
0xc7: {  	[tilespmem:s17+$0xFFFFF92A] =	vst v1  }
0xc8: {  	v1 =	vld [tilespmem:s21+$0x406];
	_ =	sdelay $0x4  }
0xc9: {  	[tilespmem:s17+$0xFFFFF930] =	vst v1  }
0xca: {  	v1 =	vld [tilespmem:$0x4580];
	_ =	sdelay $0x1  }
0xcb: {  	(v2sf) =	vpush v0, $0x3;
	_ =	sdelay $0x2  }
0xcc: {  	[tilespmem:s17+$0xFFFFF980] =	vst v1  }
0xcd: {  	v1 =	vld [tilespmem:$0x4590];
	_ =	sdelay $0x4  }
0xce: {  	[tilespmem:s17+$0xFFFFF990] =	vst v1  }
0xcf: {  	v1 =	vld [tilespmem:$0x459A];
	_ =	sdelay $0x4  }
0xd0: {  	s21 =	spop (v2sf);
	[tilespmem:s17+$0xFFFFF99A] =	vst v1  }
0xd1: {  	v1 =	vld [tilespmem:s21+$0x400];
	_ =	sdelay $0x4  }
0xd2: {  	[tilespmem:s17+$0xFFFFF9AA] =	vst v1  }
0xd3: {  	v1 =	vld [tilespmem:s21+$0x406];
	_ =	sdelay $0x4  }
0xd4: {  	[tilespmem:s17+$0xFFFFF9B0] =	vst v1  }
0xd5: {  	v1 =	vld [tilespmem:$0x4600];
	_ =	sdelay $0x1  }
0xd6: {  	(v2sf) =	vpush v0, $0x4;
	_ =	sdelay $0x2  }
0xd7: {  	[tilespmem:s17+$0xFFFFFA00] =	vst v1  }
0xd8: {  	v1 =	vld [tilespmem:$0x4610];
	_ =	sdelay $0x4  }
0xd9: {  	[tilespmem:s17+$0xFFFFFA10] =	vst v1  }
0xda: {  	v1 =	vld [tilespmem:$0x461A];
	_ =	sdelay $0x4  }
0xdb: {  	s21 =	spop (v2sf);
	[tilespmem:s17+$0xFFFFFA1A] =	vst v1  }
0xdc: {  	v1 =	vld [tilespmem:s21+$0x400];
	_ =	sdelay $0x4  }
0xdd: {  	[tilespmem:s17+$0xFFFFFA2A] =	vst v1  }
0xde: {  	v1 =	vld [tilespmem:s21+$0x406];
	_ =	sdelay $0x4  }
0xdf: {  	[tilespmem:s17+$0xFFFFFA30] =	vst v1  }
0xe0: {  	v1 =	vld [tilespmem:$0x4680];
	_ =	sdelay $0x1  }
0xe1: {  	(v2sf) =	vpush v0, $0x5;
	_ =	sdelay $0x2  }
0xe2: {  	[tilespmem:s17+$0xFFFFFA80] =	vst v1  }
0xe3: {  	v1 =	vld [tilespmem:$0x4690];
	_ =	sdelay $0x4  }
0xe4: {  	[tilespmem:s17+$0xFFFFFA90] =	vst v1  }
0xe5: {  	v1 =	vld [tilespmem:$0x469A];
	_ =	sdelay $0x4  }
0xe6: {  	s21 =	spop (v2sf);
	[tilespmem:s17+$0xFFFFFA9A] =	vst v1  }
0xe7: {  	v1 =	vld [tilespmem:s21+$0x400];
	_ =	sdelay $0x4  }
0xe8: {  	[tilespmem:s17+$0xFFFFFAAA] =	vst v1  }
0xe9: {  	v1 =	vld [tilespmem:s21+$0x406];
	_ =	sdelay $0x4  }
0xea: {  	[tilespmem:s17+$0xFFFFFAB0] =	vst v1  }
0xeb: {  	v1 =	vld [tilespmem:$0x4700];
	_ =	sdelay $0x1  }
0xec: {  	(v2sf) =	vpush v0, $0x6;
	_ =	sdelay $0x2  }
0xed: {  	[tilespmem:s17+$0xFFFFFB00] =	vst v1  }
0xee: {  	v1 =	vld [tilespmem:$0x4710];
	_ =	sdelay $0x4  }
0xef: {  	[tilespmem:s17+$0xFFFFFB10] =	vst v1  }
0xf0: {  	v1 =	vld [tilespmem:$0x471A];
	_ =	sdelay $0x4  }
0xf1: {  	s21 =	spop (v2sf);
	[tilespmem:s17+$0xFFFFFB1A] =	vst v1  }
0xf2: {  	v1 =	vld [tilespmem:s21+$0x400];
	_ =	sdelay $0x4  }
0xf3: {  	[tilespmem:s17+$0xFFFFFB2A] =	vst v1  }
0xf4: {  	v1 =	vld [tilespmem:s21+$0x406];
	_ =	sdelay $0x4  }
0xf5: {  	[tilespmem:s17+$0xFFFFFB30] =	vst v1  }
0xf6: {  	v1 =	vld [tilespmem:$0x4780];
	_ =	sdelay $0x1  }
0xf7: {  	(v2sf) =	vpush v0, $0x7;
	_ =	sdelay $0x2  }
0xf8: {  	[tilespmem:s17+$0xFFFFFB80] =	vst v1  }
0xf9: {  	v1 =	vld [tilespmem:$0x4790];
	_ =	sdelay $0x4  }
0xfa: {  	[tilespmem:s17+$0xFFFFFB90] =	vst v1  }
0xfb: {  	v1 =	vld [tilespmem:$0x479A];
	_ =	sdelay $0x4  }
0xfc: {  	s21 =	spop (v2sf);
	[tilespmem:s17+$0xFFFFFB9A] =	vst v1  }
0xfd: {  	v1 =	vld [tilespmem:s21+$0x400];
	_ =	sdelay $0x4  }
0xfe: {  	[tilespmem:s17+$0xFFFFFBAA] =	vst v1  }
0xff: {  	v1 =	vld [tilespmem:s21+$0x406];
	_ =	sdelay $0x4  }
0x100: {  	[tilespmem:s17+$0xFFFFFBB0] =	vst v1  }
0x101: {  	v1 =	vld [tilespmem:$0x4800];
	_ =	sdelay $0x1  }
0x102: {  	(v2sf) =	vpush v0, $0x8;
	_ =	sdelay $0x2  }
0x103: {  	[tilespmem:s17+$0xFFFFFC00] =	vst v1  }
0x104: {  	v1 =	vld [tilespmem:$0x4810];
	_ =	sdelay $0x4  }
0x105: {  	[tilespmem:s17+$0xFFFFFC10] =	vst v1  }
0x106: {  	v1 =	vld [tilespmem:$0x481A];
	_ =	sdelay $0x4  }
0x107: {  	s21 =	spop (v2sf);
	[tilespmem:s17+$0xFFFFFC1A] =	vst v1  }
0x108: {  	v1 =	vld [tilespmem:s21+$0x400];
	_ =	sdelay $0x4  }
0x109: {  	[tilespmem:s17+$0xFFFFFC2A] =	vst v1  }
0x10a: {  	v1 =	vld [tilespmem:s21+$0x406];
	_ =	sdelay $0x4  }
0x10b: {  	[tilespmem:s17+$0xFFFFFC30] =	vst v1  }
0x10c: {  	v1 =	vld [tilespmem:$0x4880];
	_ =	sdelay $0x1  }
0x10d: {  	(v2sf) =	vpush v0, $0x9;
	_ =	sdelay $0x2  }
0x10e: {  	[tilespmem:s17+$0xFFFFFC80] =	vst v1  }
0x10f: {  	v1 =	vld [tilespmem:$0x4890];
	_ =	sdelay $0x4  }
0x110: {  	[tilespmem:s17+$0xFFFFFC90] =	vst v1  }
0x111: {  	v1 =	vld [tilespmem:$0x489A];
	_ =	sdelay $0x4  }
0x112: {  	s21 =	spop (v2sf);
	[tilespmem:s17+$0xFFFFFC9A] =	vst v1  }
0x113: {  	v1 =	vld [tilespmem:s21+$0x400];
	_ =	sdelay $0x4  }
0x114: {  	[tilespmem:s17+$0xFFFFFCAA] =	vst v1  }
0x115: {  	v1 =	vld [tilespmem:s21+$0x406];
	_ =	sdelay $0x4  }
0x116: {  	[tilespmem:s17+$0xFFFFFCB0] =	vst v1  }
0x117: {  	v1 =	vld [tilespmem:$0x4900];
	_ =	sdelay $0x1  }
0x118: {  	(v2sf) =	vpush v0, $0xA;
	_ =	sdelay $0x2  }
0x119: {  	[tilespmem:s17+$0xFFFFFD00] =	vst v1  }
0x11a: {  	v1 =	vld [tilespmem:$0x4910];
	_ =	sdelay $0x4  }
0x11b: {  	[tilespmem:s17+$0xFFFFFD10] =	vst v1  }
0x11c: {  	v1 =	vld [tilespmem:$0x491A];
	_ =	sdelay $0x4  }
0x11d: {  	s21 =	spop (v2sf);
	[tilespmem:s17+$0xFFFFFD1A] =	vst v1  }
0x11e: {  	v1 =	vld [tilespmem:s21+$0x400];
	_ =	sdelay $0x4  }
0x11f: {  	[tilespmem:s17+$0xFFFFFD2A] =	vst v1  }
0x120: {  	v1 =	vld [tilespmem:s21+$0x406];
	_ =	sdelay $0x4  }
0x121: {  	[tilespmem:s17+$0xFFFFFD30] =	vst v1  }
0x122: {  	v1 =	vld [tilespmem:$0x4980];
	_ =	sdelay $0x1  }
0x123: {  	(v2sf) =	vpush v0, $0xB;
	_ =	sdelay $0x2  }
0x124: {  	[tilespmem:s17+$0xFFFFFD80] =	vst v1  }
0x125: {  	v1 =	vld [tilespmem:$0x4990];
	_ =	sdelay $0x4  }
0x126: {  	[tilespmem:s17+$0xFFFFFD90] =	vst v1  }
0x127: {  	v1 =	vld [tilespmem:$0x499A];
	_ =	sdelay $0x4  }
0x128: {  	s21 =	spop (v2sf);
	[tilespmem:s17+$0xFFFFFD9A] =	vst v1  }
0x129: {  	v1 =	vld [tilespmem:s21+$0x400];
	_ =	sdelay $0x4  }
0x12a: {  	[tilespmem:s17+$0xFFFFFDAA] =	vst v1  }
0x12b: {  	v1 =	vld [tilespmem:s21+$0x406];
	_ =	sdelay $0x4  }
0x12c: {  	[tilespmem:s17+$0xFFFFFDB0] =	vst v1  }
0x12d: {  	v1 =	vld [tilespmem:$0x4A00];
	_ =	sdelay $0x1  }
0x12e: {  	(v2sf) =	vpush v0, $0xC;
	_ =	sdelay $0x2  }
0x12f: {  	[tilespmem:s17+$0xFFFFFE00] =	vst v1  }
0x130: {  	v1 =	vld [tilespmem:$0x4A10];
	_ =	sdelay $0x4  }
0x131: {  	[tilespmem:s17+$0xFFFFFE10] =	vst v1  }
0x132: {  	v1 =	vld [tilespmem:$0x4A1A];
	_ =	sdelay $0x4  }
0x133: {  	s21 =	spop (v2sf);
	[tilespmem:s17+$0xFFFFFE1A] =	vst v1  }
0x134: {  	v1 =	vld [tilespmem:s21+$0x400];
	_ =	sdelay $0x4  }
0x135: {  	[tilespmem:s17+$0xFFFFFE2A] =	vst v1  }
0x136: {  	v1 =	vld [tilespmem:s21+$0x406];
	_ =	sdelay $0x4  }
0x137: {  	[tilespmem:s17+$0xFFFFFE30] =	vst v1  }
0x138: {  	v1 =	vld [tilespmem:$0x4A80];
	_ =	sdelay $0x1  }
0x139: {  	(v2sf) =	vpush v0, $0xD;
	_ =	sdelay $0x2  }
0x13a: {  	[tilespmem:s17+$0xFFFFFE80] =	vst v1  }
0x13b: {  	v1 =	vld [tilespmem:$0x4A90];
	_ =	sdelay $0x4  }
0x13c: {  	[tilespmem:s17+$0xFFFFFE90] =	vst v1  }
0x13d: {  	v1 =	vld [tilespmem:$0x4A9A];
	_ =	sdelay $0x4  }
0x13e: {  	s21 =	spop (v2sf);
	[tilespmem:s17+$0xFFFFFE9A] =	vst v1  }
0x13f: {  	v1 =	vld [tilespmem:s21+$0x400];
	_ =	sdelay $0x4  }
0x140: {  	[tilespmem:s17+$0xFFFFFEAA] =	vst v1  }
0x141: {  	v1 =	vld [tilespmem:s21+$0x406];
	_ =	sdelay $0x4  }
0x142: {  	[tilespmem:s17+$0xFFFFFEB0] =	vst v1  }
0x143: {  	v1 =	vld [tilespmem:$0x4B00];
	_ =	sdelay $0x1  }
0x144: {  	(v2sf) =	vpush v0, $0xE;
	_ =	sdelay $0x2  }
0x145: {  	[tilespmem:s17+$0xFFFFFF00] =	vst v1  }
0x146: {  	v1 =	vld [tilespmem:$0x4B10];
	_ =	sdelay $0x4  }
0x147: {  	[tilespmem:s17+$0xFFFFFF10] =	vst v1  }
0x148: {  	v1 =	vld [tilespmem:$0x4B1A];
	_ =	sdelay $0x4  }
0x149: {  	s21 =	spop (v2sf);
	[tilespmem:s17+$0xFFFFFF1A] =	vst v1  }
0x14a: {  	v1 =	vld [tilespmem:s21+$0x400];
	_ =	sdelay $0x4  }
0x14b: {  	[tilespmem:s17+$0xFFFFFF2A] =	vst v1  }
0x14c: {  	v1 =	vld [tilespmem:s21+$0x406];
	_ =	sdelay $0x4  }
0x14d: {  	[tilespmem:s17+$0xFFFFFF30] =	vst v1  }
0x14e: {  	v1 =	vld [tilespmem:$0x4B80];
	_ =	sdelay $0x1  }
0x14f: {  	(v2sf) =	vpush v0, $0xF;
	_ =	sdelay $0x2  }
0x150: {  	[tilespmem:s17+$0xFFFFFF80] =	vst v1  }
0x151: {  	v63 =	vld [tilespmem:$0x4B90];
	_ =	sdelay $0x4  }
0x152: {  	[tilespmem:s17+$0xFFFFFF90] =	vst v63  }
0x153: {  	v0 =	vld [tilespmem:$0x4B9A];
	_ =	sdelay $0x4  }
0x154: {  	s21 =	spop (v2sf);
	[tilespmem:s17+$0xFFFFFF9A] =	vst v0  }
0x155: {  	v0 =	vld [tilespmem:s21+$0x400];
	_ =	sdelay $0x4  }
0x156: {  	[tilespmem:s17+$0xFFFFFFAA] =	vst v0  }
0x157: {  	p0 =	seq.s32 s18, $0x780;
	v0 =	vld [tilespmem:s21+$0x406]  }
.Ltmp2:
0x158: {  	_ = 	snop;
	(pc) =	sbr.rel @p0 .LBB2_4-.Ltmp2, $2  }
0x159: {  	_ =	sdelay $0x2  }
0x15a: {  	[tilespmem:s17+$0xFFFFFFB0] =	vst v0  }
0x15b: {  	v0 =	vld [tilespmem:s19+$0x20];
	_ =	sdelay $0x4  }
0x15c: {  	v0 =	vshll.u32 v0, $0x4  }
0x15d: {  	(v2sf) =	vpush v0, $0x0;
	_ =	sdelay $0x3  }
0x15e: {  	(v2sf) =	vpush v0, $0x1;
	_ =	sdelay $0x3  }
0x15f: {  	(v2sf) =	vpush v0, $0x2;
	_ =	sdelay $0x3  }
0x160: {  	(v2sf) =	vpush v0, $0x3;
	_ =	sdelay $0x2  }
0x161: {  	s20 =	spop (v2sf)  }
0x162: {  	(v2sf) =	vpush v0, $0x4;
	s20 =	sand.u32 $0x1FFFFFF0, s20  }
0x163: {  	s21 =	simm.s32 $0x4400;
	s20 =	sadd.s32 s4, s20  }
0x164: {  	[tilespmem:s21], [sflag:$0x1] =	stream.linear.gather [hbm4b:s20+s3], $0x80, $0x38;
	[tilespmem:$0x15400] =	vst v63  }
0x165: {  	s21 =	spop (v2sf)  }
0x166: {  	(v2sf) =	vpush v0, $0x5;
	s20 =	sand.u32 $0x1FFFFFF0, s21  }
0x167: {  	s21 =	simm.s32 $0x4480;
	s20 =	sadd.s32 s4, s20  }
0x168: {  	[tilespmem:s21], [sflag:$0x1] =	stream.linear.gather [hbm4b:s20+s3], $0x80, $0x38;
	[tilespmem:$0x15400] =	vst v63  }
0x169: {  	s21 =	spop (v2sf)  }
0x16a: {  	(v2sf) =	vpush v0, $0x6;
	s20 =	sand.u32 $0x1FFFFFF0, s21  }
0x16b: {  	s21 =	simm.s32 $0x4500;
	s20 =	sadd.s32 s4, s20  }
0x16c: {  	[tilespmem:s21], [sflag:$0x1] =	stream.linear.gather [hbm4b:s20+s3], $0x80, $0x38;
	[tilespmem:$0x15400] =	vst v63  }
0x16d: {  	s21 =	spop (v2sf)  }
0x16e: {  	(v2sf) =	vpush v0, $0x7;
	s20 =	sand.u32 $0x1FFFFFF0, s21  }
0x16f: {  	s21 =	simm.s32 $0x4580;
	s20 =	sadd.s32 s4, s20  }
0x170: {  	[tilespmem:s21], [sflag:$0x1] =	stream.linear.gather [hbm4b:s20+s3], $0x80, $0x38;
	[tilespmem:$0x15400] =	vst v63  }
0x171: {  	s21 =	spop (v2sf)  }
0x172: {  	(v2sf) =	vpush v0, $0x8;
	s20 =	sand.u32 $0x1FFFFFF0, s21  }
0x173: {  	s21 =	simm.s32 $0x4600;
	s20 =	sadd.s32 s4, s20  }
0x174: {  	[tilespmem:s21], [sflag:$0x1] =	stream.linear.gather [hbm4b:s20+s3], $0x80, $0x38;
	[tilespmem:$0x15400] =	vst v63  }
0x175: {  	s21 =	spop (v2sf)  }
0x176: {  	(v2sf) =	vpush v0, $0x9;
	s20 =	sand.u32 $0x1FFFFFF0, s21  }
0x177: {  	s21 =	simm.s32 $0x4680;
	s20 =	sadd.s32 s4, s20  }
0x178: {  	[tilespmem:s21], [sflag:$0x1] =	stream.linear.gather [hbm4b:s20+s3], $0x80, $0x38;
	[tilespmem:$0x15400] =	vst v63  }
0x179: {  	s21 =	spop (v2sf)  }
0x17a: {  	(v2sf) =	vpush v0, $0xA;
	s20 =	sand.u32 $0x1FFFFFF0, s21  }
0x17b: {  	s21 =	simm.s32 $0x4700;
	s20 =	sadd.s32 s4, s20  }
0x17c: {  	[tilespmem:s21], [sflag:$0x1] =	stream.linear.gather [hbm4b:s20+s3], $0x80, $0x38;
	[tilespmem:$0x15400] =	vst v63  }
0x17d: {  	s21 =	spop (v2sf)  }
0x17e: {  	(v2sf) =	vpush v0, $0xB;
	s20 =	sand.u32 $0x1FFFFFF0, s21  }
0x17f: {  	s21 =	simm.s32 $0x4780;
	s20 =	sadd.s32 s4, s20  }
0x180: {  	[tilespmem:s21], [sflag:$0x1] =	stream.linear.gather [hbm4b:s20+s3], $0x80, $0x38;
	[tilespmem:$0x15400] =	vst v63  }
0x181: {  	s21 =	spop (v2sf)  }
0x182: {  	(v2sf) =	vpush v0, $0xC;
	s20 =	sand.u32 $0x1FFFFFF0, s21  }
0x183: {  	s21 =	simm.s32 $0x4800;
	s20 =	sadd.s32 s4, s20  }
0x184: {  	[tilespmem:s21], [sflag:$0x1] =	stream.linear.gather [hbm4b:s20+s3], $0x80, $0x38;
	[tilespmem:$0x15400] =	vst v63  }
0x185: {  	s21 =	spop (v2sf)  }
0x186: {  	(v2sf) =	vpush v0, $0xD;
	s20 =	sand.u32 $0x1FFFFFF0, s21  }
0x187: {  	s21 =	simm.s32 $0x4880;
	s20 =	sadd.s32 s4, s20  }
0x188: {  	[tilespmem:s21], [sflag:$0x1] =	stream.linear.gather [hbm4b:s20+s3], $0x80, $0x38;
	[tilespmem:$0x15400] =	vst v63  }
0x189: {  	s21 =	spop (v2sf)  }
0x18a: {  	(v2sf) =	vpush v0, $0xE;
	s20 =	sand.u32 $0x1FFFFFF0, s21  }
0x18b: {  	s20 =	sadd.s32 s4, s20  }
0x18c: {  	[tilespmem:s22], [sflag:$0x1] =	stream.linear.gather [hbm4b:s20+s3], $0x80, $0x38;
	[tilespmem:$0x15400] =	vst v63  }
0x18d: {  	s21 =	spop (v2sf)  }
0x18e: {  	(v2sf) =	vpush v0, $0xF;
	s20 =	sand.u32 $0x1FFFFFF0, s21  }
0x18f: {  	s20 =	sadd.s32 s4, s20  }
0x190: {  	[tilespmem:s23], [sflag:$0x1] =	stream.linear.gather [hbm4b:s20+s3], $0x80, $0x38;
	[tilespmem:$0x15400] =	vst v63  }
0x191: {  	s21 =	spop (v2sf)  }
0x192: {  	s20 =	sand.u32 $0x1FFFFFF0, s21  }
0x193: {  	s20 =	sadd.s32 s4, s20  }
0x194: {  	[tilespmem:s24], [sflag:$0x1] =	stream.linear.gather [hbm4b:s20+s3], $0x80, $0x38;
	[tilespmem:$0x15400] =	vst v63  }
0x195: {  	s21 =	spop (v2sf)  }
0x196: {  	s20 =	sand.u32 $0x1FFFFFF0, s21  }
0x197: {  	s20 =	sadd.s32 s4, s20  }
0x198: {  	[tilespmem:s25], [sflag:$0x1] =	stream.linear.gather [hbm4b:s20+s3], $0x80, $0x38;
	[tilespmem:$0x15400] =	vst v63  }
0x199: {  	s21 =	spop (v2sf)  }
0x19a: {  	s20 =	sand.u32 $0x1FFFFFF0, s21  }
0x19b: {  	s20 =	sadd.s32 s4, s20  }
0x19c: {  	[tilespmem:s26], [sflag:$0x1] =	stream.linear.gather [hbm4b:s20+s3], $0x80, $0x38;
	[tilespmem:$0x15400] =	vst v63  }
0x19d: {  	s21 =	spop (v2sf)  }
0x19e: {  	s20 =	sand.u32 $0x1FFFFFF0, s21  }
0x19f: {  	s20 =	sadd.s32 s4, s20  }
0x1a0: {  	[tilespmem:s28], [sflag:$0x1] =	stream.linear.gather [hbm4b:s20+s3], $0x80, $0x38;
	[tilespmem:$0x15400] =	vst v63  }
.LBB2_4:
0x1a1: {  	_ =	swait.ge [sflag:s16], $0x800  }
0x1a2: {  	[sflag:s16] =	ssyncset.done $0x0  }
0x1a3: {  	[sflag:s16] =	ssyncadd.s32 $0xFFFFF800  }
0x1a4: {  	v0 =	vld [tilespmem:s19+$0x210];
	_ =	sdelay $0x4  }
0x1a5: {  	v1 =	vld [tilespmem:$0x4C00];
	v0 =	vshll.u32 v0, $0x9  }
0x1a6: {  	v0 =	vshra.s32 v0, $0x2  }
0x1a7: {  	(v2sf) =	vpush v0, $0x0;
	_ =	sdelay $0x2  }
0x1a8: {  	[tilespmem:s17+$0x0] =	vst v1  }
0x1a9: {  	v1 =	vld [tilespmem:$0x4C10];
	_ =	sdelay $0x4  }
0x1aa: {  	[tilespmem:s17+$0x10] =	vst v1  }
0x1ab: {  	v1 =	vld [tilespmem:$0x4C1A];
	_ =	sdelay $0x4  }
0x1ac: {  	[tilespmem:s17+$0x1A] =	vst v1;
	s20 =	spop (v2sf)  }
0x1ad: {  	v1 =	vld [tilespmem:s20+$0x400];
	_ =	sdelay $0x4  }
0x1ae: {  	[tilespmem:s17+$0x2A] =	vst v1  }
0x1af: {  	v1 =	vld [tilespmem:s20+$0x406];
	_ =	sdelay $0x4  }
0x1b0: {  	[tilespmem:s17+$0x30] =	vst v1  }
0x1b1: {  	v1 =	vld [tilespmem:$0x4C80];
	_ =	sdelay $0x1  }
0x1b2: {  	(v2sf) =	vpush v0, $0x1;
	_ =	sdelay $0x2  }
0x1b3: {  	[tilespmem:s17+$0x80] =	vst v1  }
0x1b4: {  	v1 =	vld [tilespmem:$0x4C90];
	_ =	sdelay $0x4  }
0x1b5: {  	[tilespmem:s17+$0x90] =	vst v1  }
0x1b6: {  	v1 =	vld [tilespmem:$0x4C9A];
	_ =	sdelay $0x4  }
0x1b7: {  	s21 =	spop (v2sf);
	[tilespmem:s17+$0x9A] =	vst v1  }
0x1b8: {  	v1 =	vld [tilespmem:s21+$0x400];
	_ =	sdelay $0x4  }
0x1b9: {  	[tilespmem:s17+$0xAA] =	vst v1  }
0x1ba: {  	v1 =	vld [tilespmem:s21+$0x406];
	_ =	sdelay $0x4  }
0x1bb: {  	[tilespmem:s17+$0xB0] =	vst v1  }
0x1bc: {  	v1 =	vld [tilespmem:$0x4D00];
	_ =	sdelay $0x1  }
0x1bd: {  	(v2sf) =	vpush v0, $0x2;
	_ =	sdelay $0x2  }
0x1be: {  	[tilespmem:s17+$0x100] =	vst v1  }
0x1bf: {  	v1 =	vld [tilespmem:$0x4D10];
	_ =	sdelay $0x4  }
0x1c0: {  	[tilespmem:s17+$0x110] =	vst v1  }
0x1c1: {  	v1 =	vld [tilespmem:$0x4D1A];
	_ =	sdelay $0x4  }
0x1c2: {  	s21 =	spop (v2sf);
	[tilespmem:s17+$0x11A] =	vst v1  }
0x1c3: {  	v1 =	vld [tilespmem:s21+$0x400];
	_ =	sdelay $0x4  }
0x1c4: {  	[tilespmem:s17+$0x12A] =	vst v1  }
0x1c5: {  	v1 =	vld [tilespmem:s21+$0x406];
	_ =	sdelay $0x4  }
0x1c6: {  	[tilespmem:s17+$0x130] =	vst v1  }
0x1c7: {  	v1 =	vld [tilespmem:$0x4D80];
	_ =	sdelay $0x1  }
0x1c8: {  	(v2sf) =	vpush v0, $0x3;
	_ =	sdelay $0x2  }
0x1c9: {  	[tilespmem:s17+$0x180] =	vst v1  }
0x1ca: {  	v1 =	vld [tilespmem:$0x4D90];
	_ =	sdelay $0x4  }
0x1cb: {  	[tilespmem:s17+$0x190] =	vst v1  }
0x1cc: {  	v1 =	vld [tilespmem:$0x4D9A];
	_ =	sdelay $0x4  }
0x1cd: {  	s21 =	spop (v2sf);
	[tilespmem:s17+$0x19A] =	vst v1  }
0x1ce: {  	v1 =	vld [tilespmem:s21+$0x400];
	_ =	sdelay $0x4  }
0x1cf: {  	[tilespmem:s17+$0x1AA] =	vst v1  }
0x1d0: {  	v1 =	vld [tilespmem:s21+$0x406];
	_ =	sdelay $0x4  }
0x1d1: {  	[tilespmem:s17+$0x1B0] =	vst v1  }
0x1d2: {  	v1 =	vld [tilespmem:$0x4E00];
	_ =	sdelay $0x1  }
0x1d3: {  	(v2sf) =	vpush v0, $0x4;
	_ =	sdelay $0x2  }
0x1d4: {  	[tilespmem:s17+$0x200] =	vst v1  }
0x1d5: {  	v1 =	vld [tilespmem:$0x4E10];
	_ =	sdelay $0x4  }
0x1d6: {  	[tilespmem:s17+$0x210] =	vst v1  }
0x1d7: {  	v1 =	vld [tilespmem:$0x4E1A];
	_ =	sdelay $0x4  }
0x1d8: {  	s21 =	spop (v2sf);
	[tilespmem:s17+$0x21A] =	vst v1  }
0x1d9: {  	v1 =	vld [tilespmem:s21+$0x400];
	_ =	sdelay $0x4  }
0x1da: {  	[tilespmem:s17+$0x22A] =	vst v1  }
0x1db: {  	v1 =	vld [tilespmem:s21+$0x406];
	_ =	sdelay $0x4  }
0x1dc: {  	[tilespmem:s17+$0x230] =	vst v1  }
0x1dd: {  	v1 =	vld [tilespmem:$0x4E80];
	_ =	sdelay $0x1  }
0x1de: {  	(v2sf) =	vpush v0, $0x5;
	_ =	sdelay $0x2  }
0x1df: {  	[tilespmem:s17+$0x280] =	vst v1  }
0x1e0: {  	v1 =	vld [tilespmem:$0x4E90];
	_ =	sdelay $0x4  }
0x1e1: {  	[tilespmem:s17+$0x290] =	vst v1  }
0x1e2: {  	v1 =	vld [tilespmem:$0x4E9A];
	_ =	sdelay $0x4  }
0x1e3: {  	s21 =	spop (v2sf);
	[tilespmem:s17+$0x29A] =	vst v1  }
0x1e4: {  	v1 =	vld [tilespmem:s21+$0x400];
	_ =	sdelay $0x4  }
0x1e5: {  	[tilespmem:s17+$0x2AA] =	vst v1  }
0x1e6: {  	v1 =	vld [tilespmem:s21+$0x406];
	_ =	sdelay $0x4  }
0x1e7: {  	[tilespmem:s17+$0x2B0] =	vst v1  }
0x1e8: {  	v1 =	vld [tilespmem:$0x4F00];
	_ =	sdelay $0x1  }
0x1e9: {  	(v2sf) =	vpush v0, $0x6;
	_ =	sdelay $0x2  }
0x1ea: {  	[tilespmem:s17+$0x300] =	vst v1  }
0x1eb: {  	v1 =	vld [tilespmem:$0x4F10];
	_ =	sdelay $0x4  }
0x1ec: {  	[tilespmem:s17+$0x310] =	vst v1  }
0x1ed: {  	v1 =	vld [tilespmem:$0x4F1A];
	_ =	sdelay $0x4  }
0x1ee: {  	s21 =	spop (v2sf);
	[tilespmem:s17+$0x31A] =	vst v1  }
0x1ef: {  	v1 =	vld [tilespmem:s21+$0x400];
	_ =	sdelay $0x4  }
0x1f0: {  	[tilespmem:s17+$0x32A] =	vst v1  }
0x1f1: {  	v1 =	vld [tilespmem:s21+$0x406];
	_ =	sdelay $0x4  }
0x1f2: {  	[tilespmem:s17+$0x330] =	vst v1  }
0x1f3: {  	v1 =	vld [tilespmem:$0x4F80];
	_ =	sdelay $0x1  }
0x1f4: {  	(v2sf) =	vpush v0, $0x7;
	_ =	sdelay $0x2  }
0x1f5: {  	[tilespmem:s17+$0x380] =	vst v1  }
0x1f6: {  	v1 =	vld [tilespmem:$0x4F90];
	_ =	sdelay $0x4  }
0x1f7: {  	[tilespmem:s17+$0x390] =	vst v1  }
0x1f8: {  	v1 =	vld [tilespmem:$0x4F9A];
	_ =	sdelay $0x4  }
0x1f9: {  	s21 =	spop (v2sf);
	[tilespmem:s17+$0x39A] =	vst v1  }
0x1fa: {  	v1 =	vld [tilespmem:s21+$0x400];
	_ =	sdelay $0x4  }
0x1fb: {  	[tilespmem:s17+$0x3AA] =	vst v1  }
0x1fc: {  	v1 =	vld [tilespmem:s21+$0x406];
	_ =	sdelay $0x4  }
0x1fd: {  	[tilespmem:s17+$0x3B0] =	vst v1  }
0x1fe: {  	v1 =	vld [tilespmem:$0x5000];
	_ =	sdelay $0x1  }
0x1ff: {  	(v2sf) =	vpush v0, $0x8;
	_ =	sdelay $0x2  }
0x200: {  	[tilespmem:s17+$0x400] =	vst v1  }
0x201: {  	v1 =	vld [tilespmem:$0x5010];
	_ =	sdelay $0x4  }
0x202: {  	[tilespmem:s17+$0x410] =	vst v1  }
0x203: {  	v1 =	vld [tilespmem:$0x501A];
	_ =	sdelay $0x4  }
0x204: {  	s21 =	spop (v2sf);
	[tilespmem:s17+$0x41A] =	vst v1  }
0x205: {  	v1 =	vld [tilespmem:s21+$0x400];
	_ =	sdelay $0x4  }
0x206: {  	[tilespmem:s17+$0x42A] =	vst v1  }
0x207: {  	v1 =	vld [tilespmem:s21+$0x406];
	_ =	sdelay $0x4  }
0x208: {  	[tilespmem:s17+$0x430] =	vst v1  }
0x209: {  	v1 =	vld [tilespmem:$0x5080];
	_ =	sdelay $0x1  }
0x20a: {  	(v2sf) =	vpush v0, $0x9;
	_ =	sdelay $0x2  }
0x20b: {  	[tilespmem:s17+$0x480] =	vst v1  }
0x20c: {  	v1 =	vld [tilespmem:$0x5090];
	_ =	sdelay $0x4  }
0x20d: {  	[tilespmem:s17+$0x490] =	vst v1  }
0x20e: {  	v1 =	vld [tilespmem:$0x509A];
	_ =	sdelay $0x4  }
0x20f: {  	s21 =	spop (v2sf);
	[tilespmem:s17+$0x49A] =	vst v1  }
0x210: {  	v1 =	vld [tilespmem:s21+$0x400];
	_ =	sdelay $0x4  }
0x211: {  	[tilespmem:s17+$0x4AA] =	vst v1  }
0x212: {  	v1 =	vld [tilespmem:s21+$0x406];
	_ =	sdelay $0x4  }
0x213: {  	[tilespmem:s17+$0x4B0] =	vst v1  }
0x214: {  	v1 =	vld [tilespmem:$0x5100];
	_ =	sdelay $0x1  }
0x215: {  	(v2sf) =	vpush v0, $0xA;
	_ =	sdelay $0x2  }
0x216: {  	[tilespmem:s17+$0x500] =	vst v1  }
0x217: {  	v1 =	vld [tilespmem:$0x5110];
	_ =	sdelay $0x4  }
0x218: {  	[tilespmem:s17+$0x510] =	vst v1  }
0x219: {  	v1 =	vld [tilespmem:$0x511A];
	_ =	sdelay $0x4  }
0x21a: {  	s21 =	spop (v2sf);
	[tilespmem:s17+$0x51A] =	vst v1  }
0x21b: {  	v1 =	vld [tilespmem:s21+$0x400];
	_ =	sdelay $0x4  }
0x21c: {  	[tilespmem:s17+$0x52A] =	vst v1  }
0x21d: {  	v1 =	vld [tilespmem:s21+$0x406];
	_ =	sdelay $0x4  }
0x21e: {  	[tilespmem:s17+$0x530] =	vst v1  }
0x21f: {  	v1 =	vld [tilespmem:$0x5180];
	_ =	sdelay $0x1  }
0x220: {  	(v2sf) =	vpush v0, $0xB;
	_ =	sdelay $0x2  }
0x221: {  	[tilespmem:s17+$0x580] =	vst v1  }
0x222: {  	v1 =	vld [tilespmem:$0x5190];
	_ =	sdelay $0x4  }
0x223: {  	[tilespmem:s17+$0x590] =	vst v1  }
0x224: {  	v1 =	vld [tilespmem:$0x519A];
	_ =	sdelay $0x4  }
0x225: {  	s21 =	spop (v2sf);
	[tilespmem:s17+$0x59A] =	vst v1  }
0x226: {  	v1 =	vld [tilespmem:s21+$0x400];
	_ =	sdelay $0x4  }
0x227: {  	[tilespmem:s17+$0x5AA] =	vst v1  }
0x228: {  	v1 =	vld [tilespmem:s21+$0x406];
	_ =	sdelay $0x4  }
0x229: {  	[tilespmem:s17+$0x5B0] =	vst v1  }
0x22a: {  	v1 =	vld [tilespmem:$0x5200];
	_ =	sdelay $0x1  }
0x22b: {  	(v2sf) =	vpush v0, $0xC;
	_ =	sdelay $0x2  }
0x22c: {  	[tilespmem:s17+$0x600] =	vst v1  }
0x22d: {  	v1 =	vld [tilespmem:$0x5210];
	_ =	sdelay $0x4  }
0x22e: {  	[tilespmem:s17+$0x610] =	vst v1  }
0x22f: {  	v1 =	vld [tilespmem:$0x521A];
	_ =	sdelay $0x4  }
0x230: {  	s21 =	spop (v2sf);
	[tilespmem:s17+$0x61A] =	vst v1  }
0x231: {  	v1 =	vld [tilespmem:s21+$0x400];
	_ =	sdelay $0x4  }
0x232: {  	[tilespmem:s17+$0x62A] =	vst v1  }
0x233: {  	v1 =	vld [tilespmem:s21+$0x406];
	_ =	sdelay $0x4  }
0x234: {  	[tilespmem:s17+$0x630] =	vst v1  }
0x235: {  	v1 =	vld [tilespmem:$0x5280];
	_ =	sdelay $0x1  }
0x236: {  	(v2sf) =	vpush v0, $0xD;
	_ =	sdelay $0x2  }
0x237: {  	[tilespmem:s17+$0x680] =	vst v1  }
0x238: {  	v1 =	vld [tilespmem:$0x5290];
	_ =	sdelay $0x4  }
0x239: {  	[tilespmem:s17+$0x690] =	vst v1  }
0x23a: {  	v1 =	vld [tilespmem:$0x529A];
	_ =	sdelay $0x4  }
0x23b: {  	s21 =	spop (v2sf);
	[tilespmem:s17+$0x69A] =	vst v1  }
0x23c: {  	v1 =	vld [tilespmem:s21+$0x400];
	_ =	sdelay $0x4  }
0x23d: {  	[tilespmem:s17+$0x6AA] =	vst v1  }
0x23e: {  	v1 =	vld [tilespmem:s21+$0x406];
	_ =	sdelay $0x4  }
0x23f: {  	[tilespmem:s17+$0x6B0] =	vst v1  }
0x240: {  	v1 =	vld [tilespmem:$0x5300];
	_ =	sdelay $0x1  }
0x241: {  	(v2sf) =	vpush v0, $0xE;
	_ =	sdelay $0x2  }
0x242: {  	[tilespmem:s17+$0x700] =	vst v1  }
0x243: {  	v1 =	vld [tilespmem:$0x5310];
	_ =	sdelay $0x4  }
0x244: {  	[tilespmem:s17+$0x710] =	vst v1  }
0x245: {  	v1 =	vld [tilespmem:$0x531A];
	_ =	sdelay $0x4  }
0x246: {  	s21 =	spop (v2sf);
	[tilespmem:s17+$0x71A] =	vst v1  }
0x247: {  	v1 =	vld [tilespmem:s21+$0x400];
	_ =	sdelay $0x4  }
0x248: {  	[tilespmem:s17+$0x72A] =	vst v1  }
0x249: {  	v1 =	vld [tilespmem:s21+$0x406];
	_ =	sdelay $0x4  }
0x24a: {  	[tilespmem:s17+$0x730] =	vst v1  }
0x24b: {  	v1 =	vld [tilespmem:$0x5380];
	_ =	sdelay $0x1  }
0x24c: {  	(v2sf) =	vpush v0, $0xF;
	_ =	sdelay $0x2  }
0x24d: {  	[tilespmem:s17+$0x780] =	vst v1  }
0x24e: {  	v63 =	vld [tilespmem:$0x5390];
	_ =	sdelay $0x4  }
0x24f: {  	[tilespmem:s17+$0x790] =	vst v63  }
0x250: {  	v0 =	vld [tilespmem:$0x539A];
	_ =	sdelay $0x4  }
0x251: {  	s21 =	spop (v2sf);
	[tilespmem:s17+$0x79A] =	vst v0  }
0x252: {  	v0 =	vld [tilespmem:s21+$0x400];
	_ =	sdelay $0x4  }
0x253: {  	[tilespmem:s17+$0x7AA] =	vst v0  }
0x254: {  	v0 =	vld [tilespmem:s21+$0x406]  }
.Ltmp3:
0x255: {  	_ = 	snop;
	(pc) =	sbr.rel @p0 .LBB2_6-.Ltmp3, $2  }
0x256: {  	_ =	sdelay $0x2  }
0x257: {  	[tilespmem:s17+$0x7B0] =	vst v0  }
0x258: {  	v0 =	vld [tilespmem:s19+$0x30];
	_ =	sdelay $0x4  }
0x259: {  	v0 =	vshll.u32 v0, $0x4  }
0x25a: {  	(v2sf) =	vpush v0, $0x0;
	_ =	sdelay $0x1  }
0x25b: {  	(v2sf) =	vpush v0, $0x1;
	_ =	sdelay $0x1  }
0x25c: {  	(v2sf) =	vpush v0, $0x2;
	_ =	sdelay $0x2  }
0x25d: {  	(v2sf) =	vpush v0, $0x3;
	_ =	sdelay $0x7  }
0x25e: {  	s20 =	spop (v2sf);
	(v2sf) =	vpush v0, $0x4;
	_ =	sdelay $0x1  }
0x25f: {  	s21 =	spop (v2sf);
	(v2sf) =	vpush v0, $0x5;
	_ =	sdelay $0x1  }
0x260: {  	s19 =	sand.u32 $0x1FFFFFF0, s20;
	s20 =	spop (v2sf);
	(v2sf) =	vpush v0, $0x6  }
0x261: {  	s19 =	sadd.s32 s4, s19  }
0x262: {  	[tilespmem:s29], [sflag:$0x2] =	stream.linear.gather [hbm4b:s19+s3], $0x80, $0x38;
	[tilespmem:$0x15400] =	vst v63  }
0x263: {  	s19 =	sand.u32 $0x1FFFFFF0, s21;
	s21 =	spop (v2sf);
	(v2sf) =	vpush v0, $0x7;
	_ =	sdelay $0x2  }
0x264: {  	s19 =	sadd.s32 s4, s19  }
0x265: {  	[tilespmem:s30], [sflag:$0x2] =	stream.linear.gather [hbm4b:s19+s3], $0x80, $0x38;
	[tilespmem:$0x15400] =	vst v63  }
0x266: {  	s19 =	sand.u32 $0x1FFFFFF0, s20  }
0x267: {  	s19 =	sadd.s32 s4, s19  }
0x268: {  	[tilespmem:s31], [sflag:$0x2] =	stream.linear.gather [hbm4b:s19+s3], $0x80, $0x38;
	[tilespmem:$0x15400] =	vst v63  }
0x269: {  	s20 =	spop (v2sf);
	(v2sf) =	vpush v0, $0x8  }
0x26a: {  	s19 =	sand.u32 $0x1FFFFFF0, s21  }
0x26b: {  	s19 =	sadd.s32 s4, s19;
	s21 =	spop (v2sf);
	(v2sf) =	vpush v0, $0x9  }
0x26c: {  	[tilespmem:s0], [sflag:$0x2] =	stream.linear.gather [hbm4b:s19+s3], $0x80, $0x38;
	[tilespmem:$0x15400] =	vst v63  }
0x26d: {  	s19 =	sand.u32 $0x1FFFFFF0, s20;
	s20 =	spop (v2sf);
	(v2sf) =	vpush v0, $0xA  }
0x26e: {  	s19 =	sadd.s32 s4, s19  }
0x26f: {  	[tilespmem:s2], [sflag:$0x2] =	stream.linear.gather [hbm4b:s19+s3], $0x80, $0x38;
	[tilespmem:$0x15400] =	vst v63  }
0x270: {  	s19 =	sand.u32 $0x1FFFFFF0, s21;
	s21 =	spop (v2sf);
	(v2sf) =	vpush v0, $0xB;
	_ =	sdelay $0x1  }
0x271: {  	s19 =	sadd.s32 s4, s19  }
0x272: {  	[tilespmem:s1], [sflag:$0x2] =	stream.linear.gather [hbm4b:s19+s3], $0x80, $0x38;
	[tilespmem:$0x15400] =	vst v63  }
0x273: {  	s19 =	sand.u32 $0x1FFFFFF0, s20  }
0x274: {  	s19 =	sadd.s32 s4, s19  }
0x275: {  	[tilespmem:s10], [sflag:$0x2] =	stream.linear.gather [hbm4b:s19+s3], $0x80, $0x38;
	[tilespmem:$0x15400] =	vst v63  }
0x276: {  	s19 =	sand.u32 $0x1FFFFFF0, s21  }
0x277: {  	s19 =	sadd.s32 s4, s19;
	s20 =	spop (v2sf);
	(v2sf) =	vpush v0, $0xC  }
0x278: {  	[tilespmem:s11], [sflag:$0x2] =	stream.linear.gather [hbm4b:s19+s3], $0x80, $0x38;
	[tilespmem:$0x15400] =	vst v63  }
0x279: {  	s21 =	spop (v2sf);
	(v2sf) =	vpush v0, $0xD  }
0x27a: {  	s19 =	sand.u32 $0x1FFFFFF0, s20  }
0x27b: {  	s19 =	sadd.s32 s4, s19;
	s20 =	spop (v2sf)  }
0x27c: {  	(v2sf) =	vpush v0, $0xE;
	[tilespmem:s5], [sflag:$0x2] =	stream.linear.gather [hbm4b:s19+s3], $0x80, $0x38;
	[tilespmem:$0x15400] =	vst v63  }
0x27d: {  	s19 =	sand.u32 $0x1FFFFFF0, s21  }
0x27e: {  	s21 =	spop (v2sf);
	s19 =	sadd.s32 s4, s19  }
0x27f: {  	(v2sf) =	vpush v0, $0xF;
	[tilespmem:s6], [sflag:$0x2] =	stream.linear.gather [hbm4b:s19+s3], $0x80, $0x38;
	[tilespmem:$0x15400] =	vst v63  }
0x280: {  	s19 =	sand.u32 $0x1FFFFFF0, s20  }
0x281: {  	s19 =	sadd.s32 s4, s19  }
0x282: {  	[tilespmem:s7], [sflag:$0x2] =	stream.linear.gather [hbm4b:s19+s3], $0x80, $0x38;
	[tilespmem:$0x15400] =	vst v63  }
0x283: {  	s19 =	sand.u32 $0x1FFFFFF0, s21  }
0x284: {  	s19 =	sadd.s32 s4, s19  }
0x285: {  	[tilespmem:s8], [sflag:$0x2] =	stream.linear.gather [hbm4b:s19+s3], $0x80, $0x38;
	[tilespmem:$0x15400] =	vst v63  }
0x286: {  	s20 =	spop (v2sf)  }
0x287: {  	s19 =	sand.u32 $0x1FFFFFF0, s20  }
0x288: {  	s21 =	spop (v2sf);
	s19 =	sadd.s32 s4, s19  }
0x289: {  	[tilespmem:s9], [sflag:$0x2] =	stream.linear.gather [hbm4b:s19+s3], $0x80, $0x38;
	[tilespmem:$0x15400] =	vst v63  }
0x28a: {  	s19 =	sand.u32 $0x1FFFFFF0, s21  }
0x28b: {  	s20 =	spop (v2sf);
	s19 =	sadd.s32 s4, s19  }
0x28c: {  	[tilespmem:s12], [sflag:$0x2] =	stream.linear.gather [hbm4b:s19+s3], $0x80, $0x38;
	[tilespmem:$0x15400] =	vst v63  }
0x28d: {  	s19 =	sand.u32 $0x1FFFFFF0, s20  }
.Ltmp4:
0x28e: {  	s21 =	spop (v2sf);
	s19 =	sadd.s32 s4, s19;
	(pc) =	sbr.rel .LBB2_2-.Ltmp4, $4  }
0x28f: {  	[tilespmem:s13], [sflag:$0x2] =	stream.linear.gather [hbm4b:s19+s3], $0x80, $0x38;
	[tilespmem:$0x15400] =	vst v63  }
0x290: {  	s19 =	sand.u32 $0x1FFFFFF0, s21  }
0x291: {  	s17 =	sadd.s32 $0x1000, s17;
	s18 =	sadd.s32 $0x80, s18;
	s19 =	sadd.s32 s4, s19  }
0x292: {  	[tilespmem:s14], [sflag:$0x2] =	stream.linear.gather [hbm4b:s19+s3], $0x80, $0x38;
	[tilespmem:$0x15400] =	vst v63  }
.LBB2_7:
0x293: {  	_ =	sfence.sel $0x180000  }
0x294: {  	[bflag:$0x0] =	sbarrier.arrive $0xFFFF  }
0x295: {  	_ =	strace $0x90000047  }
0x296: {  	s0 =	stileid.u32;
	[bflag:$0x2] =	sbarrier.arrive $0xFFFF  }
0x297: {  	p0 =	sne.s32 s0, $0x0;
	s0 =	rddreg [dreg:$0x4]  }
0x298: {  	s0 =	sadd.s32 @!p0 $0x100000, s0  }
0x299: {  	[sflag:s0] =	ssyncadd.tile.s32 @!p0 $0x1;
	_ =	shalt  }
.Lfunc_end2:
_tile_overlayer_lowered:
.L_overlay_start_2:
0x29a: {  	(tag) =	ssettag $0x2  }
0x29b: {  	s0 =	rddreg [dreg:$0x0];
	s2 =	stileid.u32  }
0x29c: {  	s1 =	rddreg [dreg:$0x1];
	p0 =	sne.s32 s2, $0x0  }
0x29d: {  	s3 =	rddreg [dreg:$0x2];
	[bflag:$0x3] =	sbarrier.arrive $0xFFFF;
	s2 =	simm.s32 @!p0 $0x1C03  }
0x29e: {  	[timem:s3], [sflag:s2] =	dma.local @!p0 [hbm:s0], s1  }
0x29f: {  	s0 =	simm.s32 @!p0 $0x3  }
0x2a0: {  	_ =	swait.ge @!p0 [sflag:s0], s1  }
0x2a1: {  	s1 =	ssub.s32 @!p0 $0x0, s1;
	[sflag:s0] =	ssyncset.done @!p0 $0x0  }
0x2a2: {  	[sflag:s0] =	ssyncadd.s32 @!p0 s1  }
0x2a3: {  	[bflag:$0x3] =	sbarrier.arrive $0xFFFF  }
0x2a4: {  	_ =	shalt  }

</sc_bundles>
